<compile_context>
chip_gen: v7x
topology: tpu7x:2x2x1
jax: 0.10.2.dev20260603
libtpu: 0.0.44.dev20260713+nightly
codegen_flags: <defaults>
</compile_context>

<pallas_src>
import jax
import jax.numpy as jnp
import numpy as np
from jax import lax
from jax.experimental import pallas as pl
from jax.experimental.pallas import tpu as pltpu
from jax.experimental.pallas import tpu_sc as plsc

N_NODES = 10000
N_EDGES = 320000
C = 128
HEADS = 8
FF = 512

_BN = 1000
_BE = 2000
_SCB = 128
_NCHUNK = N_EDGES // _SCB


def _f32(x):
    return jax.ShapeDtypeStruct(x, jnp.float32)


def _dot_hi(a, b):
    hi = a.astype(jnp.bfloat16).astype(jnp.float32)
    r1 = a - hi
    mid = r1.astype(jnp.bfloat16).astype(jnp.float32)
    lo = r1 - mid

    def d(u):
        return jnp.dot(u, b, preferred_element_type=jnp.float32)

    return d(hi) + d(mid) + d(lo)



def _mm_bias(x, w, b, bm):
    M, K = x.shape
    Kn = w.shape[1]

    def body(x_ref, w_ref, b_ref, o_ref):
        o_ref[...] = jnp.dot(x_ref[...], w_ref[...],
                             preferred_element_type=jnp.float32) + b_ref[...]

    return pl.pallas_call(
        body,
        grid=(M // bm,),
        in_specs=[pl.BlockSpec((bm, K), lambda i: (i, 0)),
                  pl.BlockSpec((K, Kn), lambda i: (0, 0)),
                  pl.BlockSpec((1, Kn), lambda i: (0, 0))],
        out_specs=pl.BlockSpec((bm, Kn), lambda i: (i, 0)),
        out_shape=_f32((M, Kn)))(x, w, b)


def _proj(h, wcat, bcat):

    def body(x_ref, w_ref, b_ref, q_ref, kv_ref, s_ref):
        y = jnp.dot(x_ref[...], w_ref[...],
                    preferred_element_type=jnp.float32) + b_ref[...]
        q_ref[...] = y[:, 0:128]
        kv_ref[...] = y[:, 128:384]
        s_ref[...] = y[:, 384:512]

    return pl.pallas_call(
        body,
        grid=(N_NODES // _BN,),
        in_specs=[pl.BlockSpec((_BN, C), lambda i: (i, 0)),
                  pl.BlockSpec((C, 4 * C), lambda i: (0, 0)),
                  pl.BlockSpec((1, 4 * C), lambda i: (0, 0))],
        out_specs=[pl.BlockSpec((_BN, C), lambda i: (i, 0)),
                   pl.BlockSpec((_BN, 2 * C), lambda i: (i, 0)),
                   pl.BlockSpec((_BN, C), lambda i: (i, 0))],
        out_shape=[_f32((N_NODES, C)), _f32((N_NODES, 2 * C)),
                   _f32((N_NODES, C))])(h, wcat, bcat)


def _edge_math(qe, kve, e_all, layer, sw, p):

    def body(q_ref, kv_ref, e_ref, sw_ref, p_ref, on_ref, od_ref):
        q = q_ref[...]
        kv = kv_ref[...]
        e = e_ref[...]
        prod = q * (kv[:, 0:128] + e)
        ex = jnp.exp(_dot_hi(prod, sw_ref[...]))
        on_ref[...] = (kv[:, 128:256] + e) * ex
        od_ref[...] = _dot_hi(ex, p_ref[...])

    return pl.pallas_call(
        body,
        grid=(N_EDGES // _BE,),
        in_specs=[pl.BlockSpec((_BE, C), lambda i: (i, 0)),
                  pl.BlockSpec((_BE, 2 * C), lambda i: (i, 0)),
                  pl.BlockSpec((_BE, C), lambda i, _l=layer: (i, _l)),
                  pl.BlockSpec((C, C), lambda i: (0, 0)),
                  pl.BlockSpec((C, C), lambda i: (0, 0))],
        out_specs=[pl.BlockSpec((_BE, C), lambda i: (i, 0)),
                   pl.BlockSpec((_BE, C), lambda i: (i, 0))],
        out_shape=[_f32((N_EDGES, C)), _f32((N_EDGES, C))])(
            qe, kve, e_all, sw, p)


def _combine(pn0, pn1, pd0, pd1, skipn, r2):

    def body(a0_ref, a1_ref, b0_ref, b1_ref, s_ref, r_ref, o_ref):
        num = a0_ref[...] + a1_ref[...]
        denw = _dot_hi(b0_ref[...] + b1_ref[...], r_ref[...]) + 1e-16
        o_ref[...] = num / denw + s_ref[...]

    return pl.pallas_call(
        body,
        grid=(N_NODES // _BN,),
        in_specs=[pl.BlockSpec((_BN, C), lambda i: (i, 0)),
                  pl.BlockSpec((_BN, C), lambda i: (i, 0)),
                  pl.BlockSpec((_BN, C), lambda i: (i, 0)),
                  pl.BlockSpec((_BN, C), lambda i: (i, 0)),
                  pl.BlockSpec((_BN, C), lambda i: (i, 0)),
                  pl.BlockSpec((C, C), lambda i: (0, 0))],
        out_specs=pl.BlockSpec((_BN, C), lambda i: (i, 0)),
        out_shape=_f32((N_NODES, C)),
    )(pn0, pn1, pd0, pd1, skipn, r2)


def _gelu_stats(h):
    width = h.shape[1]

    def body(g_ref, o_ref, st_ref):
        hh = g_ref[...]
        gg = 0.5 * hh * (1.0 + lax.erf(hh * 0.7071067811865476))
        o_ref[...] = gg
        s1 = jnp.sum(gg, axis=0, keepdims=True)
        s2 = jnp.sum(gg * gg, axis=0, keepdims=True)
        blk = jnp.concatenate(
            [s1, s2, jnp.zeros((6, width), jnp.float32)], axis=0)

        @pl.when(pl.program_id(0) == 0)
        def _():
            st_ref[...] = jnp.zeros_like(st_ref)

        st_ref[...] += blk

    return pl.pallas_call(
        body,
        grid=(N_NODES // _BN,),
        in_specs=[pl.BlockSpec((_BN, width), lambda i: (i, 0))],
        out_specs=[pl.BlockSpec((_BN, width), lambda i: (i, 0)),
                   pl.BlockSpec((8, width), lambda i: (0, 0))],
        out_shape=[_f32((N_NODES, width)), _f32((8, width))])(h)




def _norm(g, stats, w, b, ms):
    width = g.shape[1]
    inv_n = 1.0 / N_NODES

    def body(g_ref, st_ref, w_ref, b_ref, m_ref, o_ref):
        mean = st_ref[0:1, :] * inv_n
        s2 = st_ref[1:2, :] * inv_n
        msr = m_ref[...]
        mm = msr * mean
        var = s2 - 2.0 * mm * mean + mm * mm
        out = g_ref[...] - mm
        o_ref[...] = w_ref[...] * out / jnp.sqrt(var + 1e-5) + b_ref[...]

    return pl.pallas_call(
        body,
        grid=(N_NODES // _BN,),
        in_specs=[pl.BlockSpec((_BN, width), lambda i: (i, 0)),
                  pl.BlockSpec((8, width), lambda i: (0, 0)),
                  pl.BlockSpec((1, width), lambda i: (0, 0)),
                  pl.BlockSpec((1, width), lambda i: (0, 0)),
                  pl.BlockSpec((1, width), lambda i: (0, 0))],
        out_specs=pl.BlockSpec((_BN, width), lambda i: (i, 0)),
        out_shape=_f32((N_NODES, width)))(g, stats, w, b, ms)


def _mm_final(tn, w2, b2):

    def body(x_ref, w_ref, b_ref, o_ref, gf_ref, acc_ref):
        y = jnp.dot(x_ref[...], w_ref[...],
                    preferred_element_type=jnp.float32) + b_ref[...]
        o_ref[...] = y

        @pl.when(pl.program_id(0) == 0)
        def _():
            acc_ref[...] = jnp.zeros_like(acc_ref)

        acc_ref[...] += jnp.sum(y, axis=0, keepdims=True)
        gf_ref[...] = acc_ref[...] * (1.0 / N_NODES)

    return pl.pallas_call(
        body,
        grid=(N_NODES // _BN,),
        in_specs=[pl.BlockSpec((_BN, FF), lambda i: (i, 0)),
                  pl.BlockSpec((FF, C), lambda i: (0, 0)),
                  pl.BlockSpec((1, C), lambda i: (0, 0))],
        out_specs=[pl.BlockSpec((_BN, C), lambda i: (i, 0)),
                   pl.BlockSpec((1, C), lambda i: (0, 0))],
        out_shape=[_f32((N_NODES, C)), _f32((1, C))],
        scratch_shapes=[pltpu.VMEM((1, C), jnp.float32)])(tn, w2, b2)



def _sc_mesh():
    return plsc.VectorSubcoreMesh(core_axis_name="c", subcore_axis_name="s",
                                  num_cores=2, num_subcores=16)


def _sc_gather(qn, kvn, src, dst):

    def body(qn_hbm, kvn_hbm, src_hbm, dst_hbm, qe_hbm, kve_hbm,
             srcv, dstv, qbuf, kvbuf, sem1, sem2):
        wid = lax.axis_index("s") * 2 + lax.axis_index("c")
        nt = (_NCHUNK + 31 - wid) // 32

        def step(j, carry):
            off = (wid + j * 32) * _SCB
            pltpu.sync_copy(dst_hbm.at[pl.ds(off, _SCB)], dstv)
            pltpu.sync_copy(src_hbm.at[pl.ds(off, _SCB)], srcv)
            c1 = pltpu.async_copy(qn_hbm.at[dstv], qbuf, sem1)
            c2 = pltpu.async_copy(kvn_hbm.at[srcv], kvbuf, sem2)
            c1.wait()
            c2.wait()
            pltpu.sync_copy(qbuf, qe_hbm.at[pl.ds(off, _SCB)])
            pltpu.sync_copy(kvbuf, kve_hbm.at[pl.ds(off, _SCB)])
            return carry

        lax.fori_loop(0, nt, step, 0)

    f = pl.kernel(
        body,
        out_type=[_f32((N_EDGES, C)), _f32((N_EDGES, 2 * C))],
        mesh=_sc_mesh(),
        scratch_types=[pltpu.VMEM((_SCB,), jnp.int32),
                       pltpu.VMEM((_SCB,), jnp.int32),
                       pltpu.VMEM((_SCB, C), jnp.float32),
                       pltpu.VMEM((_SCB, 2 * C), jnp.float32),
                       pltpu.SemaphoreType.DMA,
                       pltpu.SemaphoreType.DMA])
    return f(qn, kvn, src, dst)


_ACC = 10240


def _sc_scatter_one(warr, dst, zrows):

    def body(w_hbm, dst_hbm, z_hbm, out_hbm, buf, idxv, shared):
        cid = lax.axis_index("c")
        sid = lax.axis_index("s")
        wid = sid * 2 + cid
        pltpu.sync_copy(z_hbm, shared.at[pl.ds(sid * 640, 640)])
        plsc.subcore_barrier()
        nt = (_NCHUNK + 31 - wid) // 32

        def step(j, carry):
            off = (wid + j * 32) * _SCB
            pltpu.sync_copy(dst_hbm.at[pl.ds(off, _SCB)], idxv)
            pltpu.sync_copy(w_hbm.at[pl.ds(off, _SCB)], buf)
            pltpu.sync_copy(buf, shared.at[idxv], add=True)
            return carry

        lax.fori_loop(0, nt, step, 0)
        plsc.subcore_barrier()
        pltpu.sync_copy(shared.at[pl.ds(sid * 640, 640)],
                        out_hbm.at[pl.ds(cid * _ACC + sid * 640, 640)])

    f = pl.kernel(
        body,
        out_type=_f32((2 * _ACC, C)),
        mesh=_sc_mesh(),
        scratch_types=[pltpu.VMEM((_SCB, C), jnp.float32),
                       pltpu.VMEM((_SCB,), jnp.int32),
                       pltpu.VMEM_SHARED((_ACC, C), jnp.float32)])
    return f(warr, dst, zrows)



def kernel(x, edge_index, edge_attr, batch, Wq, bq, Wk, bk, Wv, bv, We,
           Wskip, bskip, gn_w, gn_b, gn_ms, ff_W1, ff_b1, gn2_w, gn2_b,
           gn2_ms, ff_W2, ff_b2):
    f32 = jnp.float32
    src = edge_index[0]
    dst = edge_index[1]
    scale = 1.0 / np.sqrt(C // HEADS)

    sw = jnp.asarray(np.kron(np.eye(HEADS), np.ones((16, 16))), f32)
    pmat_np = np.zeros((C, C), np.float32)
    for hh in range(HEADS):
        pmat_np[16 * hh, hh] = 1.0
    pmat = jnp.asarray(pmat_np)
    r2_np = np.zeros((C, C), np.float32)
    for hh in range(HEADS):
        r2_np[hh, 16 * hh:16 * (hh + 1)] = 1.0
    r2 = jnp.asarray(r2_np)
    zrows = jnp.zeros((640, C), f32)

    we_cat = jnp.concatenate([We[0], We[1], We[2]], axis=1)
    e_all = _mm_bias(edge_attr, we_cat, jnp.zeros((1, 3 * C), f32), _BE)

    h = x
    gf = None
    for l in range(3):
        wcat = jnp.concatenate(
            [Wq[l] * scale, Wk[l], Wv[l], Wskip[l]], axis=1)
        bcat = jnp.concatenate(
            [bq[l] * scale, bk[l], bv[l], bskip[l]])[None, :]
        qn, kvn, skipn = _proj(h, wcat, bcat)
        qe, kve = _sc_gather(qn, kvn, src, dst)
        wnum, wden = _edge_math(qe, kve, e_all, l, sw, pmat)
        pn = _sc_scatter_one(wnum, dst, zrows)
        pd = _sc_scatter_one(wden, dst, zrows)
        pn0, pn1 = pn[:N_NODES], pn[_ACC:_ACC + N_NODES]
        pd0, pd1 = pd[:N_NODES], pd[_ACC:_ACC + N_NODES]
        hpre = _combine(pn0, pn1, pd0, pd1, skipn, r2)
        if l < 2:
            g, stats = _gelu_stats(hpre)
            h = _norm(g, stats, gn_w[l][None], gn_b[l][None], gn_ms[l][None])
        else:
            t = _mm_bias(hpre, ff_W1, ff_b1[None], _BN)
            g2, stats2 = _gelu_stats(t)
            tn = _norm(g2, stats2, gn2_w[None], gn2_b[None], gn2_ms[None])
            h, gf = _mm_final(tn, ff_W2, ff_b2[None])

    return h.reshape(1, N_NODES, C), gf

# --- scband reference (transcript-rebuilt; emitter-appended) ---
"""Pipeline reference for scband-gnnencoder-71932112274084 (READ-ONLY COPY).

The authoritative reference and input builder live on the scoring server;
editing this copy changes nothing except your own understanding.
"""

import jax, jax.numpy as jnp
import numpy as np

N_NODES = 10000
N_EDGES = 320000
EMBED_DIM = 128
HEADS = 8
NUM_LAYERS = 3
FF_HIDDEN = 512


def setup_inputs(seed: int = 0):
    key = jax.random.key(seed)
    ks = jax.random.split(key, 16)
    C = EMBED_DIM
    L = NUM_LAYERS
    s = 1.0 / np.sqrt(C)
    inp = {}
    inp["x"] = jax.random.normal(ks[0], (N_NODES, C), jnp.float32)
    inp["edge_index"] = jax.random.randint(ks[1], (2, N_EDGES), 0, N_NODES, dtype=jnp.int32)
    inp["edge_attr"] = jax.random.normal(ks[2], (N_EDGES, C), jnp.float32)
    inp["batch"] = jnp.zeros((N_NODES,), jnp.int32)
    inp["Wq"] = jax.random.normal(ks[3], (L, C, C), jnp.float32) * s
    inp["bq"] = jnp.zeros((L, C), jnp.float32)
    inp["Wk"] = jax.random.normal(ks[4], (L, C, C), jnp.float32) * s
    inp["bk"] = jnp.zeros((L, C), jnp.float32)
    inp["Wv"] = jax.random.normal(ks[5], (L, C, C), jnp.float32) * s
    inp["bv"] = jnp.zeros((L, C), jnp.float32)
    inp["We"] = jax.random.normal(ks[6], (L, C, C), jnp.float32) * s
    inp["Wskip"] = jax.random.normal(ks[7], (L, C, C), jnp.float32) * s
    inp["bskip"] = jnp.zeros((L, C), jnp.float32)
    inp["gn_w"] = jnp.ones((L - 1, C), jnp.float32)
    inp["gn_b"] = jnp.zeros((L - 1, C), jnp.float32)
    inp["gn_ms"] = jnp.ones((L - 1, C), jnp.float32)
    inp["ff_W1"] = jax.random.normal(ks[8], (C, FF_HIDDEN), jnp.float32) * s
    inp["ff_b1"] = jnp.zeros((FF_HIDDEN,), jnp.float32)
    inp["gn2_w"] = jnp.ones((FF_HIDDEN,), jnp.float32)
    inp["gn2_b"] = jnp.zeros((FF_HIDDEN,), jnp.float32)
    inp["gn2_ms"] = jnp.ones((FF_HIDDEN,), jnp.float32)
    inp["ff_W2"] = jax.random.normal(ks[9], (FF_HIDDEN, C), jnp.float32) * (1.0 / np.sqrt(FF_HIDDEN))
    inp["ff_b2"] = jnp.zeros((C,), jnp.float32)
    return inp


def _segment_softmax(alpha, dst, n):
    amax = jax.lax.stop_gradient(jax.ops.segment_max(alpha, dst, num_segments=n))
    amax = jnp.where(jnp.isfinite(amax), amax, 0.0)
    ex = jnp.exp(alpha - amax[dst])
    den = jax.ops.segment_sum(ex, dst, num_segments=n)
    return ex / (den[dst] + 1e-16)


def _transformer_conv(x, src, dst, e, Wq, bq, Wk, bk, Wv, bv, Wskip, bskip):
    n, c = x.shape
    oc = c // HEADS
    q = (x @ Wq + bq)[dst].reshape(-1, HEADS, oc)
    k = ((x @ Wk + bk)[src] + e).reshape(-1, HEADS, oc)
    v = ((x @ Wv + bv)[src] + e).reshape(-1, HEADS, oc)
    alpha = (q * k).sum(-1) / np.sqrt(oc)
    alpha = _segment_softmax(alpha, dst, n)
    agg = jax.ops.segment_sum((v * alpha[:, :, None]).reshape(-1, c), dst, num_segments=n)
    return agg + x @ Wskip + bskip


def _graph_norm(x, batch, nb, w, b, ms):
    cnt = jax.ops.segment_sum(jnp.ones((x.shape[0],), x.dtype), batch, num_segments=nb)
    mean = jax.ops.segment_sum(x, batch, num_segments=nb) / cnt[:, None]
    out = x - mean[batch] * ms
    var = jax.ops.segment_sum(out * out, batch, num_segments=nb) / cnt[:, None]
    return w * out / jnp.sqrt(var[batch] + 1e-5) + b


def _encoder(x, edge_attr, batch, src, dst, nb, Wq, bq, Wk, bk, Wv, bv, We, Wskip, bskip, gn_w, gn_b, gn_ms, ff_W1, ff_b1, gn2_w, gn2_b, gn2_ms, ff_W2, ff_b2):
    h = x
    for l in range(NUM_LAYERS):
        e = edge_attr @ We[l]
        h = _transformer_conv(h, src, dst, e, Wq[l], bq[l], Wk[l], bk[l], Wv[l], bv[l], Wskip[l], bskip[l])
        if l < NUM_LAYERS - 1:
            h = jax.nn.gelu(h, approximate=False)
            h = _graph_norm(h, batch, nb, gn_w[l], gn_b[l], gn_ms[l])
        else:
            t = h @ ff_W1 + ff_b1
            t = jax.nn.gelu(t, approximate=False)
            t = _graph_norm(t, batch, nb, gn2_w, gn2_b, gn2_ms)
            h = t @ ff_W2 + ff_b2
    cnt = jax.ops.segment_sum(jnp.ones((h.shape[0],), h.dtype), batch, num_segments=nb)
    graph_feat = jax.ops.segment_sum(h, batch, num_segments=nb) / cnt[:, None]
    node_embeddings = h.reshape(nb, h.shape[0] // nb, h.shape[1])
    return (node_embeddings, graph_feat)


def reference(x, edge_index, edge_attr, batch, Wq, bq, Wk, bk, Wv, bv, We, Wskip, bskip, gn_w, gn_b, gn_ms, ff_W1, ff_b1, gn2_w, gn2_b, gn2_ms, ff_W2, ff_b2):
    src = edge_index[0]
    dst = edge_index[1]
    nb = 1
    return _encoder(x, edge_attr, batch, src, dst, nb, Wq, bq, Wk, bk, Wv, bv, We, Wskip, bskip, gn_w, gn_b, gn_ms, ff_W1, ff_b1, gn2_w, gn2_b, gn2_ms, ff_W2, ff_b2)

if __name__ == "__main__":
    import jax
    _d = setup_inputs()
    print(jax.jit(kernel)(*tuple(_d.values())))

</pallas_src>

<mosaic_0001>
#map = affine_map<(d0, d1) -> (0, 0)>
#map1 = affine_map<(d0, d1) -> (0)>
module attributes {stable_mosaic.version = 14 : i64} {
  func.func @body(%arg0: i32, %arg1: i32, %arg2: memref<10000x128xf32, #tpu.memory_space<hbm>>, %arg3: memref<10000x256xf32, #tpu.memory_space<hbm>>, %arg4: memref<320000xi32, #tpu.memory_space<hbm>>, %arg5: memref<320000xi32, #tpu.memory_space<hbm>>, %arg6: memref<320000x128xf32, #tpu.memory_space<hbm>>, %arg7: memref<320000x256xf32, #tpu.memory_space<hbm>>, %arg8: memref<128xi32, #tpu.memory_space<vmem>>, %arg9: memref<128xi32, #tpu.memory_space<vmem>>, %arg10: memref<128x128xf32, #tpu.memory_space<vmem>>, %arg11: memref<128x256xf32, #tpu.memory_space<vmem>>, %arg12: memref<!tpu.dma_semaphore, #tpu.memory_space<semaphore_mem>>, %arg13: memref<!tpu.dma_semaphore, #tpu.memory_space<semaphore_mem>>) attributes {dimension_semantics = [#tpu.dimension_semantics<core_parallel>, #tpu.dimension_semantics<subcore_parallel>], iteration_bounds = array<i64: 2, 16>, scalar_prefetch = 0 : i64, scratch_operands = 6 : i64, tpu.core_type = #tpu.core_type<sc_vector_subcore>, window_params = [{transform_indices = #map}, {transform_indices = #map}, {transform_indices = #map1}, {transform_indices = #map1}, {transform_indices = #map}, {transform_indices = #map}]} {
    %mul3A = arith.constant 2 : i32
    %mul3A_0 = arith.muli %arg1, %mul3A : i32
    %add3A = arith.addi %mul3A_0, %arg0 : i32
    %sub3A = arith.constant 2531 : i32
    %sub3A_1 = arith.subi %sub3A, %add3A : i32
    %jit3A = arith.constant 32 : i32
    %div3A = arith.divsi %sub3A_1, %jit3A : i32
    %sign3A = arith.constant 0 : i32
    %sign3A_2 = arith.cmpi sgt, %sub3A_1, %sign3A : i32
    %sign3A_3 = arith.extui %sign3A_2 : i1 to i32
    %sign3A_4 = arith.constant 0 : i32
    %sign3A_5 = arith.cmpi slt, %sub3A_1, %sign3A_4 : i32
    %sign3A_6 = arith.extui %sign3A_5 : i1 to i32
    %sign3A_7 = arith.subi %sign3A_3, %sign3A_6 : i32
    %sign3A_8 = arith.constant 0 : i32
    %sign3A_9 = arith.cmpi sgt, %jit3A, %sign3A_8 : i32
    %sign3A_10 = arith.extui %sign3A_9 : i1 to i32
    %sign3A_11 = arith.constant 0 : i32
    %sign3A_12 = arith.cmpi slt, %jit3A, %sign3A_11 : i32
    %sign3A_13 = arith.extui %sign3A_12 : i1 to i32
    %sign3A_14 = arith.subi %sign3A_10, %sign3A_13 : i32
    %ne3A = arith.cmpi ne, %sign3A_7, %sign3A_14 : i32
    %rem3A = arith.remsi %sub3A_1, %jit3A : i32
    %ne3A_15 = arith.constant 0 : i32
    %ne3A_16 = arith.cmpi ne, %rem3A, %ne3A_15 : i32
    %and3A = arith.andi %ne3A, %ne3A_16 : i1
    %sub3A_17 = arith.constant 1 : i32
    %sub3A_18 = arith.subi %div3A, %sub3A_17 : i32
    %select_n3A = arith.select %and3A, %sub3A_18, %div3A : i32
    %while3A = arith.constant 0 : i32
    %while3A_19 = arith.constant 0 : i32
    %while3A_20 = arith.subi %select_n3A, %while3A_19 : i32
    %while3A_21 = arith.addi %while3A_19, %while3A_20 : i32
    %while3A_22 = arith.constant 1 : i32
    %while3A_23 = arith.divsi %while3A_20, %while3A_22 : i32
    %while3A_24 = arith.muli %while3A_23, %while3A_22 : i32
    %while3A_25 = arith.addi %while3A_19, %while3A_24 : i32
    %while3A_26 = arith.constant 1 : i32
    scf.for %while3A_28 = %while3A_19 to %while3A_25 step %while3A_26  : i32 {
      %mul3A_29 = arith.constant 32 : i32
      %mul3A_30 = arith.muli %while3A_28, %mul3A_29 : i32
      %add3A_31 = arith.addi %add3A, %mul3A_30 : i32
      %mul3A_32 = arith.constant 128 : i32
      %mul3A_33 = arith.muli %add3A_31, %mul3A_32 : i32
      "tpu.region"() ({
        %run_scoped3A = tpu.sem_alloc : memref<!tpu.dma_semaphore, #tpu.memory_space<semaphore_mem>>
        %dma_start3A_44 = tpu.memref_slice %arg5[%mul3A_33] : memref<320000xi32, #tpu.memory_space<hbm>> -> memref<128xi32, #tpu.memory_space<hbm>>
        %dma_start3A_45 = tpu.memref_slice %arg5[%mul3A_33] : memref<320000xi32, #tpu.memory_space<hbm>> -> memref<128xi32, #tpu.memory_space<hbm>>
        tpu.enqueue_dma source(%dma_start3A_45 : memref<128xi32, #tpu.memory_space<hbm>>) target(%arg9 : memref<128xi32, #tpu.memory_space<vmem>>) target_semaphore(%run_scoped3A : memref<!tpu.dma_semaphore, #tpu.memory_space<semaphore_mem>>)
        %dma_wait3A_46 = tpu.memref_slice %arg5[%mul3A_33] : memref<320000xi32, #tpu.memory_space<hbm>> -> memref<128xi32, #tpu.memory_space<hbm>>
        %dma_wait3A_47 = tpu.memref_slice %arg5[%mul3A_33] : memref<320000xi32, #tpu.memory_space<hbm>> -> memref<128xi32, #tpu.memory_space<hbm>>
        tpu.wait_dma2 semaphore(%run_scoped3A : memref<!tpu.dma_semaphore, #tpu.memory_space<semaphore_mem>>) src(%dma_wait3A_47 : memref<128xi32, #tpu.memory_space<hbm>>) dst(%arg9 : memref<128xi32, #tpu.memory_space<vmem>>)
        tpu.yield
      }) : () -> ()
      "tpu.region"() ({
        %run_scoped3A = tpu.sem_alloc : memref<!tpu.dma_semaphore, #tpu.memory_space<semaphore_mem>>
        %dma_start3A_44 = tpu.memref_slice %arg4[%mul3A_33] : memref<320000xi32, #tpu.memory_space<hbm>> -> memref<128xi32, #tpu.memory_space<hbm>>
        %dma_start3A_45 = tpu.memref_slice %arg4[%mul3A_33] : memref<320000xi32, #tpu.memory_space<hbm>> -> memref<128xi32, #tpu.memory_space<hbm>>
        tpu.enqueue_dma source(%dma_start3A_45 : memref<128xi32, #tpu.memory_space<hbm>>) target(%arg8 : memref<128xi32, #tpu.memory_space<vmem>>) target_semaphore(%run_scoped3A : memref<!tpu.dma_semaphore, #tpu.memory_space<semaphore_mem>>)
        %dma_wait3A_46 = tpu.memref_slice %arg4[%mul3A_33] : memref<320000xi32, #tpu.memory_space<hbm>> -> memref<128xi32, #tpu.memory_space<hbm>>
        %dma_wait3A_47 = tpu.memref_slice %arg4[%mul3A_33] : memref<320000xi32, #tpu.memory_space<hbm>> -> memref<128xi32, #tpu.memory_space<hbm>>
        tpu.wait_dma2 semaphore(%run_scoped3A : memref<!tpu.dma_semaphore, #tpu.memory_space<semaphore_mem>>) src(%dma_wait3A_47 : memref<128xi32, #tpu.memory_space<hbm>>) dst(%arg8 : memref<128xi32, #tpu.memory_space<vmem>>)
        tpu.yield
      }) : () -> ()
      %dma_start3A = arith.constant 0 : i32
      %dma_start3A_34 = arith.constant 0 : i32
      %dma_start3A_35 = tpu.memref_slice %arg2[%dma_start3A, %dma_start3A_34] : memref<10000x128xf32, #tpu.memory_space<hbm>> -> memref<10000x128xf32, #tpu.memory_space<hbm>>
      tpu.enqueue_indirect_dma source(%dma_start3A_35 : memref<10000x128xf32, #tpu.memory_space<hbm>>) target(%arg10 : memref<128x128xf32, #tpu.memory_space<vmem>>) offsets(%arg9 : memref<128xi32, #tpu.memory_space<vmem>>) semaphore(%arg12 : memref<!tpu.dma_semaphore, #tpu.memory_space<semaphore_mem>>)
      %dma_start3A_36 = arith.constant 0 : i32
      %dma_start3A_37 = arith.constant 0 : i32
      %dma_start3A_38 = tpu.memref_slice %arg3[%dma_start3A_36, %dma_start3A_37] : memref<10000x256xf32, #tpu.memory_space<hbm>> -> memref<10000x256xf32, #tpu.memory_space<hbm>>
      tpu.enqueue_indirect_dma source(%dma_start3A_38 : memref<10000x256xf32, #tpu.memory_space<hbm>>) target(%arg11 : memref<128x256xf32, #tpu.memory_space<vmem>>) offsets(%arg8 : memref<128xi32, #tpu.memory_space<vmem>>) semaphore(%arg13 : memref<!tpu.dma_semaphore, #tpu.memory_space<semaphore_mem>>)
      %dma_wait3A = arith.constant 0 : i32
      %dma_wait3A_39 = arith.constant 0 : i32
      %dma_wait3A_40 = tpu.memref_slice %arg2[%dma_wait3A, %dma_wait3A_39] : memref<10000x128xf32, #tpu.memory_space<hbm>> -> memref<10000x128xf32, #tpu.memory_space<hbm>>
      tpu.wait_indirect_dma semaphore(%arg12 : memref<!tpu.dma_semaphore, #tpu.memory_space<semaphore_mem>>) src(%dma_wait3A_40 : memref<10000x128xf32, #tpu.memory_space<hbm>>) dst(%arg10 : memref<128x128xf32, #tpu.memory_space<vmem>>)
      %dma_wait3A_41 = arith.constant 0 : i32
      %dma_wait3A_42 = arith.constant 0 : i32
      %dma_wait3A_43 = tpu.memref_slice %arg3[%dma_wait3A_41, %dma_wait3A_42] : memref<10000x256xf32, #tpu.memory_space<hbm>> -> memref<10000x256xf32, #tpu.memory_space<hbm>>
      tpu.wait_indirect_dma semaphore(%arg13 : memref<!tpu.dma_semaphore, #tpu.memory_space<semaphore_mem>>) src(%dma_wait3A_43 : memref<10000x256xf32, #tpu.memory_space<hbm>>) dst(%arg11 : memref<128x256xf32, #tpu.memory_space<vmem>>)
      "tpu.region"() ({
        %run_scoped3A = tpu.sem_alloc : memref<!tpu.dma_semaphore, #tpu.memory_space<semaphore_mem>>
        %dma_start3A_44 = arith.constant 0 : i32
        %dma_start3A_45 = tpu.memref_slice %arg6[%mul3A_33, %dma_start3A_44] : memref<320000x128xf32, #tpu.memory_space<hbm>> -> memref<128x128xf32, #tpu.memory_space<hbm>>
        %dma_start3A_46 = arith.constant 0 : i32
        %dma_start3A_47 = tpu.memref_slice %arg6[%mul3A_33, %dma_start3A_46] : memref<320000x128xf32, #tpu.memory_space<hbm>> -> memref<128x128xf32, #tpu.memory_space<hbm>>
        tpu.enqueue_dma source(%arg10 : memref<128x128xf32, #tpu.memory_space<vmem>>) target(%dma_start3A_47 : memref<128x128xf32, #tpu.memory_space<hbm>>) target_semaphore(%run_scoped3A : memref<!tpu.dma_semaphore, #tpu.memory_space<semaphore_mem>>)
        %dma_wait3A_48 = arith.constant 0 : i32
        %dma_wait3A_49 = tpu.memref_slice %arg6[%mul3A_33, %dma_wait3A_48] : memref<320000x128xf32, #tpu.memory_space<hbm>> -> memref<128x128xf32, #tpu.memory_space<hbm>>
        %dma_wait3A_50 = arith.constant 0 : i32
        %dma_wait3A_51 = tpu.memref_slice %arg6[%mul3A_33, %dma_wait3A_50] : memref<320000x128xf32, #tpu.memory_space<hbm>> -> memref<128x128xf32, #tpu.memory_space<hbm>>
        tpu.wait_dma2 semaphore(%run_scoped3A : memref<!tpu.dma_semaphore, #tpu.memory_space<semaphore_mem>>) src(%arg10 : memref<128x128xf32, #tpu.memory_space<vmem>>) dst(%dma_wait3A_51 : memref<128x128xf32, #tpu.memory_space<hbm>>)
        tpu.yield
      }) : () -> ()
      "tpu.region"() ({
        %run_scoped3A = tpu.sem_alloc : memref<!tpu.dma_semaphore, #tpu.memory_space<semaphore_mem>>
        %dma_start3A_44 = arith.constant 0 : i32
        %dma_start3A_45 = tpu.memref_slice %arg7[%mul3A_33, %dma_start3A_44] : memref<320000x256xf32, #tpu.memory_space<hbm>> -> memref<128x256xf32, #tpu.memory_space<hbm>>
        %dma_start3A_46 = arith.constant 0 : i32
        %dma_start3A_47 = tpu.memref_slice %arg7[%mul3A_33, %dma_start3A_46] : memref<320000x256xf32, #tpu.memory_space<hbm>> -> memref<128x256xf32, #tpu.memory_space<hbm>>
        tpu.enqueue_dma source(%arg11 : memref<128x256xf32, #tpu.memory_space<vmem>>) target(%dma_start3A_47 : memref<128x256xf32, #tpu.memory_space<hbm>>) target_semaphore(%run_scoped3A : memref<!tpu.dma_semaphore, #tpu.memory_space<semaphore_mem>>)
        %dma_wait3A_48 = arith.constant 0 : i32
        %dma_wait3A_49 = tpu.memref_slice %arg7[%mul3A_33, %dma_wait3A_48] : memref<320000x256xf32, #tpu.memory_space<hbm>> -> memref<128x256xf32, #tpu.memory_space<hbm>>
        %dma_wait3A_50 = arith.constant 0 : i32
        %dma_wait3A_51 = tpu.memref_slice %arg7[%mul3A_33, %dma_wait3A_50] : memref<320000x256xf32, #tpu.memory_space<hbm>> -> memref<128x256xf32, #tpu.memory_space<hbm>>
        tpu.wait_dma2 semaphore(%run_scoped3A : memref<!tpu.dma_semaphore, #tpu.memory_space<semaphore_mem>>) src(%arg11 : memref<128x256xf32, #tpu.memory_space<vmem>>) dst(%dma_wait3A_51 : memref<128x256xf32, #tpu.memory_space<hbm>>)
        tpu.yield
      }) : () -> ()
    }
    %while3A_27 = arith.constant 1 : i32
    scf.for %while3A_28 = %while3A_25 to %while3A_21 step %while3A_27  : i32 {
      %mul3A_29 = arith.constant 32 : i32
      %mul3A_30 = arith.muli %while3A_28, %mul3A_29 : i32
      %add3A_31 = arith.addi %add3A, %mul3A_30 : i32
      %mul3A_32 = arith.constant 128 : i32
      %mul3A_33 = arith.muli %add3A_31, %mul3A_32 : i32
      "tpu.region"() ({
        %run_scoped3A = tpu.sem_alloc : memref<!tpu.dma_semaphore, #tpu.memory_space<semaphore_mem>>
        %dma_start3A_44 = tpu.memref_slice %arg5[%mul3A_33] : memref<320000xi32, #tpu.memory_space<hbm>> -> memref<128xi32, #tpu.memory_space<hbm>>
        %dma_start3A_45 = tpu.memref_slice %arg5[%mul3A_33] : memref<320000xi32, #tpu.memory_space<hbm>> -> memref<128xi32, #tpu.memory_space<hbm>>
        tpu.enqueue_dma source(%dma_start3A_45 : memref<128xi32, #tpu.memory_space<hbm>>) target(%arg9 : memref<128xi32, #tpu.memory_space<vmem>>) target_semaphore(%run_scoped3A : memref<!tpu.dma_semaphore, #tpu.memory_space<semaphore_mem>>)
        %dma_wait3A_46 = tpu.memref_slice %arg5[%mul3A_33] : memref<320000xi32, #tpu.memory_space<hbm>> -> memref<128xi32, #tpu.memory_space<hbm>>
        %dma_wait3A_47 = tpu.memref_slice %arg5[%mul3A_33] : memref<320000xi32, #tpu.memory_space<hbm>> -> memref<128xi32, #tpu.memory_space<hbm>>
        tpu.wait_dma2 semaphore(%run_scoped3A : memref<!tpu.dma_semaphore, #tpu.memory_space<semaphore_mem>>) src(%dma_wait3A_47 : memref<128xi32, #tpu.memory_space<hbm>>) dst(%arg9 : memref<128xi32, #tpu.memory_space<vmem>>)
        tpu.yield
      }) : () -> ()
      "tpu.region"() ({
        %run_scoped3A = tpu.sem_alloc : memref<!tpu.dma_semaphore, #tpu.memory_space<semaphore_mem>>
        %dma_start3A_44 = tpu.memref_slice %arg4[%mul3A_33] : memref<320000xi32, #tpu.memory_space<hbm>> -> memref<128xi32, #tpu.memory_space<hbm>>
        %dma_start3A_45 = tpu.memref_slice %arg4[%mul3A_33] : memref<320000xi32, #tpu.memory_space<hbm>> -> memref<128xi32, #tpu.memory_space<hbm>>
        tpu.enqueue_dma source(%dma_start3A_45 : memref<128xi32, #tpu.memory_space<hbm>>) target(%arg8 : memref<128xi32, #tpu.memory_space<vmem>>) target_semaphore(%run_scoped3A : memref<!tpu.dma_semaphore, #tpu.memory_space<semaphore_mem>>)
        %dma_wait3A_46 = tpu.memref_slice %arg4[%mul3A_33] : memref<320000xi32, #tpu.memory_space<hbm>> -> memref<128xi32, #tpu.memory_space<hbm>>
        %dma_wait3A_47 = tpu.memref_slice %arg4[%mul3A_33] : memref<320000xi32, #tpu.memory_space<hbm>> -> memref<128xi32, #tpu.memory_space<hbm>>
        tpu.wait_dma2 semaphore(%run_scoped3A : memref<!tpu.dma_semaphore, #tpu.memory_space<semaphore_mem>>) src(%dma_wait3A_47 : memref<128xi32, #tpu.memory_space<hbm>>) dst(%arg8 : memref<128xi32, #tpu.memory_space<vmem>>)
        tpu.yield
      }) : () -> ()
      %dma_start3A = arith.constant 0 : i32
      %dma_start3A_34 = arith.constant 0 : i32
      %dma_start3A_35 = tpu.memref_slice %arg2[%dma_start3A, %dma_start3A_34] : memref<10000x128xf32, #tpu.memory_space<hbm>> -> memref<10000x128xf32, #tpu.memory_space<hbm>>
      tpu.enqueue_indirect_dma source(%dma_start3A_35 : memref<10000x128xf32, #tpu.memory_space<hbm>>) target(%arg10 : memref<128x128xf32, #tpu.memory_space<vmem>>) offsets(%arg9 : memref<128xi32, #tpu.memory_space<vmem>>) semaphore(%arg12 : memref<!tpu.dma_semaphore, #tpu.memory_space<semaphore_mem>>)
      %dma_start3A_36 = arith.constant 0 : i32
      %dma_start3A_37 = arith.constant 0 : i32
      %dma_start3A_38 = tpu.memref_slice %arg3[%dma_start3A_36, %dma_start3A_37] : memref<10000x256xf32, #tpu.memory_space<hbm>> -> memref<10000x256xf32, #tpu.memory_space<hbm>>
      tpu.enqueue_indirect_dma source(%dma_start3A_38 : memref<10000x256xf32, #tpu.memory_space<hbm>>) target(%arg11 : memref<128x256xf32, #tpu.memory_space<vmem>>) offsets(%arg8 : memref<128xi32, #tpu.memory_space<vmem>>) semaphore(%arg13 : memref<!tpu.dma_semaphore, #tpu.memory_space<semaphore_mem>>)
      %dma_wait3A = arith.constant 0 : i32
      %dma_wait3A_39 = arith.constant 0 : i32
      %dma_wait3A_40 = tpu.memref_slice %arg2[%dma_wait3A, %dma_wait3A_39] : memref<10000x128xf32, #tpu.memory_space<hbm>> -> memref<10000x128xf32, #tpu.memory_space<hbm>>
      tpu.wait_indirect_dma semaphore(%arg12 : memref<!tpu.dma_semaphore, #tpu.memory_space<semaphore_mem>>) src(%dma_wait3A_40 : memref<10000x128xf32, #tpu.memory_space<hbm>>) dst(%arg10 : memref<128x128xf32, #tpu.memory_space<vmem>>)
      %dma_wait3A_41 = arith.constant 0 : i32
      %dma_wait3A_42 = arith.constant 0 : i32
      %dma_wait3A_43 = tpu.memref_slice %arg3[%dma_wait3A_41, %dma_wait3A_42] : memref<10000x256xf32, #tpu.memory_space<hbm>> -> memref<10000x256xf32, #tpu.memory_space<hbm>>
      tpu.wait_indirect_dma semaphore(%arg13 : memref<!tpu.dma_semaphore, #tpu.memory_space<semaphore_mem>>) src(%dma_wait3A_43 : memref<10000x256xf32, #tpu.memory_space<hbm>>) dst(%arg11 : memref<128x256xf32, #tpu.memory_space<vmem>>)
      "tpu.region"() ({
        %run_scoped3A = tpu.sem_alloc : memref<!tpu.dma_semaphore, #tpu.memory_space<semaphore_mem>>
        %dma_start3A_44 = arith.constant 0 : i32
        %dma_start3A_45 = tpu.memref_slice %arg6[%mul3A_33, %dma_start3A_44] : memref<320000x128xf32, #tpu.memory_space<hbm>> -> memref<128x128xf32, #tpu.memory_space<hbm>>
        %dma_start3A_46 = arith.constant 0 : i32
        %dma_start3A_47 = tpu.memref_slice %arg6[%mul3A_33, %dma_start3A_46] : memref<320000x128xf32, #tpu.memory_space<hbm>> -> memref<128x128xf32, #tpu.memory_space<hbm>>
        tpu.enqueue_dma source(%arg10 : memref<128x128xf32, #tpu.memory_space<vmem>>) target(%dma_start3A_47 : memref<128x128xf32, #tpu.memory_space<hbm>>) target_semaphore(%run_scoped3A : memref<!tpu.dma_semaphore, #tpu.memory_space<semaphore_mem>>)
        %dma_wait3A_48 = arith.constant 0 : i32
        %dma_wait3A_49 = tpu.memref_slice %arg6[%mul3A_33, %dma_wait3A_48] : memref<320000x128xf32, #tpu.memory_space<hbm>> -> memref<128x128xf32, #tpu.memory_space<hbm>>
        %dma_wait3A_50 = arith.constant 0 : i32
        %dma_wait3A_51 = tpu.memref_slice %arg6[%mul3A_33, %dma_wait3A_50] : memref<320000x128xf32, #tpu.memory_space<hbm>> -> memref<128x128xf32, #tpu.memory_space<hbm>>
        tpu.wait_dma2 semaphore(%run_scoped3A : memref<!tpu.dma_semaphore, #tpu.memory_space<semaphore_mem>>) src(%arg10 : memref<128x128xf32, #tpu.memory_space<vmem>>) dst(%dma_wait3A_51 : memref<128x128xf32, #tpu.memory_space<hbm>>)
        tpu.yield
      }) : () -> ()
      "tpu.region"() ({
        %run_scoped3A = tpu.sem_alloc : memref<!tpu.dma_semaphore, #tpu.memory_space<semaphore_mem>>
        %dma_start3A_44 = arith.constant 0 : i32
        %dma_start3A_45 = tpu.memref_slice %arg7[%mul3A_33, %dma_start3A_44] : memref<320000x256xf32, #tpu.memory_space<hbm>> -> memref<128x256xf32, #tpu.memory_space<hbm>>
        %dma_start3A_46 = arith.constant 0 : i32
        %dma_start3A_47 = tpu.memref_slice %arg7[%mul3A_33, %dma_start3A_46] : memref<320000x256xf32, #tpu.memory_space<hbm>> -> memref<128x256xf32, #tpu.memory_space<hbm>>
        tpu.enqueue_dma source(%arg11 : memref<128x256xf32, #tpu.memory_space<vmem>>) target(%dma_start3A_47 : memref<128x256xf32, #tpu.memory_space<hbm>>) target_semaphore(%run_scoped3A : memref<!tpu.dma_semaphore, #tpu.memory_space<semaphore_mem>>)
        %dma_wait3A_48 = arith.constant 0 : i32
        %dma_wait3A_49 = tpu.memref_slice %arg7[%mul3A_33, %dma_wait3A_48] : memref<320000x256xf32, #tpu.memory_space<hbm>> -> memref<128x256xf32, #tpu.memory_space<hbm>>
        %dma_wait3A_50 = arith.constant 0 : i32
        %dma_wait3A_51 = tpu.memref_slice %arg7[%mul3A_33, %dma_wait3A_50] : memref<320000x256xf32, #tpu.memory_space<hbm>> -> memref<128x256xf32, #tpu.memory_space<hbm>>
        tpu.wait_dma2 semaphore(%run_scoped3A : memref<!tpu.dma_semaphore, #tpu.memory_space<semaphore_mem>>) src(%arg11 : memref<128x256xf32, #tpu.memory_space<vmem>>) dst(%dma_wait3A_51 : memref<128x256xf32, #tpu.memory_space<hbm>>)
        tpu.yield
      }) : () -> ()
    }
    return
  }
}

#map = affine_map<(d0, d1) -> (0, 0)>
#map1 = affine_map<(d0, d1) -> (0)>
module attributes {stable_mosaic.version = 14 : i64} {
  func.func @body(%arg0: i32, %arg1: i32, %arg2: memref<320000x128xf32, #tpu.memory_space<hbm>>, %arg3: memref<320000xi32, #tpu.memory_space<hbm>>, %arg4: memref<640x128xf32, #tpu.memory_space<hbm>>, %arg5: memref<20480x128xf32, #tpu.memory_space<hbm>>, %arg6: memref<128x128xf32, #tpu.memory_space<vmem>>, %arg7: memref<128xi32, #tpu.memory_space<vmem>>, %arg8: memref<10240x128xf32, #tpu.memory_space<vmem_shared>>) attributes {dimension_semantics = [#tpu.dimension_semantics<core_parallel>, #tpu.dimension_semantics<subcore_parallel>], iteration_bounds = array<i64: 2, 16>, scalar_prefetch = 0 : i64, scratch_operands = 3 : i64, tpu.core_type = #tpu.core_type<sc_vector_subcore>, window_params = [{transform_indices = #map}, {transform_indices = #map1}, {transform_indices = #map}, {transform_indices = #map}]} {
    %mul3A = arith.constant 2 : i32
    %mul3A_0 = arith.muli %arg1, %mul3A : i32
    %add3A = arith.addi %mul3A_0, %arg0 : i32
    %mul3A_1 = arith.constant 640 : i32
    %mul3A_2 = arith.muli %arg1, %mul3A_1 : i32
    "tpu.region"() ({
      %run_scoped3A = tpu.sem_alloc : memref<!tpu.dma_semaphore, #tpu.memory_space<semaphore_mem>>
      %dma_start3A = arith.constant 0 : i32
      %dma_start3A_38 = tpu.memref_slice %arg8[%mul3A_2, %dma_start3A] : memref<10240x128xf32, #tpu.memory_space<vmem_shared>> -> memref<640x128xf32, #tpu.memory_space<vmem_shared>>
      tpu.enqueue_dma source(%arg4 : memref<640x128xf32, #tpu.memory_space<hbm>>) target(%dma_start3A_38 : memref<640x128xf32, #tpu.memory_space<vmem_shared>>) target_semaphore(%run_scoped3A : memref<!tpu.dma_semaphore, #tpu.memory_space<semaphore_mem>>)
      %dma_wait3A = arith.constant 0 : i32
      %dma_wait3A_39 = tpu.memref_slice %arg8[%mul3A_2, %dma_wait3A] : memref<10240x128xf32, #tpu.memory_space<vmem_shared>> -> memref<640x128xf32, #tpu.memory_space<vmem_shared>>
      tpu.wait_dma2 semaphore(%run_scoped3A : memref<!tpu.dma_semaphore, #tpu.memory_space<semaphore_mem>>) src(%arg4 : memref<640x128xf32, #tpu.memory_space<hbm>>) dst(%dma_wait3A_39 : memref<640x128xf32, #tpu.memory_space<vmem_shared>>)
      tpu.yield
    }) : () -> ()
    %barrier3A = arith.constant 0 : index
    tpu.barrier barrier_id(%barrier3A)
    %sub3A = arith.constant 2531 : i32
    %sub3A_3 = arith.subi %sub3A, %add3A : i32
    %jit3A = arith.constant 32 : i32
    %div3A = arith.divsi %sub3A_3, %jit3A : i32
    %sign3A = arith.constant 0 : i32
    %sign3A_4 = arith.cmpi sgt, %sub3A_3, %sign3A : i32
    %sign3A_5 = arith.extui %sign3A_4 : i1 to i32
    %sign3A_6 = arith.constant 0 : i32
    %sign3A_7 = arith.cmpi slt, %sub3A_3, %sign3A_6 : i32
    %sign3A_8 = arith.extui %sign3A_7 : i1 to i32
    %sign3A_9 = arith.subi %sign3A_5, %sign3A_8 : i32
    %sign3A_10 = arith.constant 0 : i32
    %sign3A_11 = arith.cmpi sgt, %jit3A, %sign3A_10 : i32
    %sign3A_12 = arith.extui %sign3A_11 : i1 to i32
    %sign3A_13 = arith.constant 0 : i32
    %sign3A_14 = arith.cmpi slt, %jit3A, %sign3A_13 : i32
    %sign3A_15 = arith.extui %sign3A_14 : i1 to i32
    %sign3A_16 = arith.subi %sign3A_12, %sign3A_15 : i32
    %ne3A = arith.cmpi ne, %sign3A_9, %sign3A_16 : i32
    %rem3A = arith.remsi %sub3A_3, %jit3A : i32
    %ne3A_17 = arith.constant 0 : i32
    %ne3A_18 = arith.cmpi ne, %rem3A, %ne3A_17 : i32
    %and3A = arith.andi %ne3A, %ne3A_18 : i1
    %sub3A_19 = arith.constant 1 : i32
    %sub3A_20 = arith.subi %div3A, %sub3A_19 : i32
    %select_n3A = arith.select %and3A, %sub3A_20, %div3A : i32
    %while3A = arith.constant 0 : i32
    %while3A_21 = arith.constant 0 : i32
    %while3A_22 = arith.subi %select_n3A, %while3A_21 : i32
    %while3A_23 = arith.addi %while3A_21, %while3A_22 : i32
    %while3A_24 = arith.constant 1 : i32
    %while3A_25 = arith.divsi %while3A_22, %while3A_24 : i32
    %while3A_26 = arith.muli %while3A_25, %while3A_24 : i32
    %while3A_27 = arith.addi %while3A_21, %while3A_26 : i32
    %while3A_28 = arith.constant 1 : i32
    scf.for %while3A_38 = %while3A_21 to %while3A_27 step %while3A_28  : i32 {
      %mul3A_39 = arith.constant 32 : i32
      %mul3A_40 = arith.muli %while3A_38, %mul3A_39 : i32
      %add3A_41 = arith.addi %add3A, %mul3A_40 : i32
      %mul3A_42 = arith.constant 128 : i32
      %mul3A_43 = arith.muli %add3A_41, %mul3A_42 : i32
      "tpu.region"() ({
        %run_scoped3A = tpu.sem_alloc : memref<!tpu.dma_semaphore, #tpu.memory_space<semaphore_mem>>
        %dma_start3A = tpu.memref_slice %arg3[%mul3A_43] : memref<320000xi32, #tpu.memory_space<hbm>> -> memref<128xi32, #tpu.memory_space<hbm>>
        %dma_start3A_44 = tpu.memref_slice %arg3[%mul3A_43] : memref<320000xi32, #tpu.memory_space<hbm>> -> memref<128xi32, #tpu.memory_space<hbm>>
        tpu.enqueue_dma source(%dma_start3A_44 : memref<128xi32, #tpu.memory_space<hbm>>) target(%arg7 : memref<128xi32, #tpu.memory_space<vmem>>) target_semaphore(%run_scoped3A : memref<!tpu.dma_semaphore, #tpu.memory_space<semaphore_mem>>)
        %dma_wait3A = tpu.memref_slice %arg3[%mul3A_43] : memref<320000xi32, #tpu.memory_space<hbm>> -> memref<128xi32, #tpu.memory_space<hbm>>
        %dma_wait3A_45 = tpu.memref_slice %arg3[%mul3A_43] : memref<320000xi32, #tpu.memory_space<hbm>> -> memref<128xi32, #tpu.memory_space<hbm>>
        tpu.wait_dma2 semaphore(%run_scoped3A : memref<!tpu.dma_semaphore, #tpu.memory_space<semaphore_mem>>) src(%dma_wait3A_45 : memref<128xi32, #tpu.memory_space<hbm>>) dst(%arg7 : memref<128xi32, #tpu.memory_space<vmem>>)
        tpu.yield
      }) : () -> ()
      "tpu.region"() ({
        %run_scoped3A = tpu.sem_alloc : memref<!tpu.dma_semaphore, #tpu.memory_space<semaphore_mem>>
        %dma_start3A = arith.constant 0 : i32
        %dma_start3A_44 = tpu.memref_slice %arg2[%mul3A_43, %dma_start3A] : memref<320000x128xf32, #tpu.memory_space<hbm>> -> memref<128x128xf32, #tpu.memory_space<hbm>>
        %dma_start3A_45 = arith.constant 0 : i32
        %dma_start3A_46 = tpu.memref_slice %arg2[%mul3A_43, %dma_start3A_45] : memref<320000x128xf32, #tpu.memory_space<hbm>> -> memref<128x128xf32, #tpu.memory_space<hbm>>
        tpu.enqueue_dma source(%dma_start3A_46 : memref<128x128xf32, #tpu.memory_space<hbm>>) target(%arg6 : memref<128x128xf32, #tpu.memory_space<vmem>>) target_semaphore(%run_scoped3A : memref<!tpu.dma_semaphore, #tpu.memory_space<semaphore_mem>>)
        %dma_wait3A = arith.constant 0 : i32
        %dma_wait3A_47 = tpu.memref_slice %arg2[%mul3A_43, %dma_wait3A] : memref<320000x128xf32, #tpu.memory_space<hbm>> -> memref<128x128xf32, #tpu.memory_space<hbm>>
        %dma_wait3A_48 = arith.constant 0 : i32
        %dma_wait3A_49 = tpu.memref_slice %arg2[%mul3A_43, %dma_wait3A_48] : memref<320000x128xf32, #tpu.memory_space<hbm>> -> memref<128x128xf32, #tpu.memory_space<hbm>>
        tpu.wait_dma2 semaphore(%run_scoped3A : memref<!tpu.dma_semaphore, #tpu.memory_space<semaphore_mem>>) src(%dma_wait3A_49 : memref<128x128xf32, #tpu.memory_space<hbm>>) dst(%arg6 : memref<128x128xf32, #tpu.memory_space<vmem>>)
        tpu.yield
      }) : () -> ()
      "tpu.region"() ({
        %run_scoped3A = tpu.sem_alloc : memref<!tpu.dma_semaphore, #tpu.memory_space<semaphore_mem>>
        %dma_start3A = arith.constant 0 : i32
        %dma_start3A_44 = arith.constant 0 : i32
        %dma_start3A_45 = tpu.memref_slice %arg8[%dma_start3A, %dma_start3A_44] : memref<10240x128xf32, #tpu.memory_space<vmem_shared>> -> memref<10240x128xf32, #tpu.memory_space<vmem_shared>>
        tpu.enqueue_indirect_dma source(%arg6 : memref<128x128xf32, #tpu.memory_space<vmem>>) target(%dma_start3A_45 : memref<10240x128xf32, #tpu.memory_space<vmem_shared>>) offsets(%arg7 : memref<128xi32, #tpu.memory_space<vmem>>) semaphore(%run_scoped3A : memref<!tpu.dma_semaphore, #tpu.memory_space<semaphore_mem>>) {add = true}
        %dma_wait3A = arith.constant 0 : i32
        %dma_wait3A_46 = arith.constant 0 : i32
        %dma_wait3A_47 = tpu.memref_slice %arg8[%dma_wait3A, %dma_wait3A_46] : memref<10240x128xf32, #tpu.memory_space<vmem_shared>> -> memref<10240x128xf32, #tpu.memory_space<vmem_shared>>
        tpu.wait_indirect_dma semaphore(%run_scoped3A : memref<!tpu.dma_semaphore, #tpu.memory_space<semaphore_mem>>) src(%arg6 : memref<128x128xf32, #tpu.memory_space<vmem>>) dst(%dma_wait3A_47 : memref<10240x128xf32, #tpu.memory_space<vmem_shared>>)
        tpu.yield
      }) : () -> ()
    }
    %while3A_29 = arith.constant 1 : i32
    scf.for %while3A_38 = %while3A_27 to %while3A_23 step %while3A_29  : i32 {
      %mul3A_39 = arith.constant 32 : i32
      %mul3A_40 = arith.muli %while3A_38, %mul3A_39 : i32
      %add3A_41 = arith.addi %add3A, %mul3A_40 : i32
      %mul3A_42 = arith.constant 128 : i32
      %mul3A_43 = arith.muli %add3A_41, %mul3A_42 : i32
      "tpu.region"() ({
        %run_scoped3A = tpu.sem_alloc : memref<!tpu.dma_semaphore, #tpu.memory_space<semaphore_mem>>
        %dma_start3A = tpu.memref_slice %arg3[%mul3A_43] : memref<320000xi32, #tpu.memory_space<hbm>> -> memref<128xi32, #tpu.memory_space<hbm>>
        %dma_start3A_44 = tpu.memref_slice %arg3[%mul3A_43] : memref<320000xi32, #tpu.memory_space<hbm>> -> memref<128xi32, #tpu.memory_space<hbm>>
        tpu.enqueue_dma source(%dma_start3A_44 : memref<128xi32, #tpu.memory_space<hbm>>) target(%arg7 : memref<128xi32, #tpu.memory_space<vmem>>) target_semaphore(%run_scoped3A : memref<!tpu.dma_semaphore, #tpu.memory_space<semaphore_mem>>)
        %dma_wait3A = tpu.memref_slice %arg3[%mul3A_43] : memref<320000xi32, #tpu.memory_space<hbm>> -> memref<128xi32, #tpu.memory_space<hbm>>
        %dma_wait3A_45 = tpu.memref_slice %arg3[%mul3A_43] : memref<320000xi32, #tpu.memory_space<hbm>> -> memref<128xi32, #tpu.memory_space<hbm>>
        tpu.wait_dma2 semaphore(%run_scoped3A : memref<!tpu.dma_semaphore, #tpu.memory_space<semaphore_mem>>) src(%dma_wait3A_45 : memref<128xi32, #tpu.memory_space<hbm>>) dst(%arg7 : memref<128xi32, #tpu.memory_space<vmem>>)
        tpu.yield
      }) : () -> ()
      "tpu.region"() ({
        %run_scoped3A = tpu.sem_alloc : memref<!tpu.dma_semaphore, #tpu.memory_space<semaphore_mem>>
        %dma_start3A = arith.constant 0 : i32
        %dma_start3A_44 = tpu.memref_slice %arg2[%mul3A_43, %dma_start3A] : memref<320000x128xf32, #tpu.memory_space<hbm>> -> memref<128x128xf32, #tpu.memory_space<hbm>>
        %dma_start3A_45 = arith.constant 0 : i32
        %dma_start3A_46 = tpu.memref_slice %arg2[%mul3A_43, %dma_start3A_45] : memref<320000x128xf32, #tpu.memory_space<hbm>> -> memref<128x128xf32, #tpu.memory_space<hbm>>
        tpu.enqueue_dma source(%dma_start3A_46 : memref<128x128xf32, #tpu.memory_space<hbm>>) target(%arg6 : memref<128x128xf32, #tpu.memory_space<vmem>>) target_semaphore(%run_scoped3A : memref<!tpu.dma_semaphore, #tpu.memory_space<semaphore_mem>>)
        %dma_wait3A = arith.constant 0 : i32
        %dma_wait3A_47 = tpu.memref_slice %arg2[%mul3A_43, %dma_wait3A] : memref<320000x128xf32, #tpu.memory_space<hbm>> -> memref<128x128xf32, #tpu.memory_space<hbm>>
        %dma_wait3A_48 = arith.constant 0 : i32
        %dma_wait3A_49 = tpu.memref_slice %arg2[%mul3A_43, %dma_wait3A_48] : memref<320000x128xf32, #tpu.memory_space<hbm>> -> memref<128x128xf32, #tpu.memory_space<hbm>>
        tpu.wait_dma2 semaphore(%run_scoped3A : memref<!tpu.dma_semaphore, #tpu.memory_space<semaphore_mem>>) src(%dma_wait3A_49 : memref<128x128xf32, #tpu.memory_space<hbm>>) dst(%arg6 : memref<128x128xf32, #tpu.memory_space<vmem>>)
        tpu.yield
      }) : () -> ()
      "tpu.region"() ({
        %run_scoped3A = tpu.sem_alloc : memref<!tpu.dma_semaphore, #tpu.memory_space<semaphore_mem>>
        %dma_start3A = arith.constant 0 : i32
        %dma_start3A_44 = arith.constant 0 : i32
        %dma_start3A_45 = tpu.memref_slice %arg8[%dma_start3A, %dma_start3A_44] : memref<10240x128xf32, #tpu.memory_space<vmem_shared>> -> memref<10240x128xf32, #tpu.memory_space<vmem_shared>>
        tpu.enqueue_indirect_dma source(%arg6 : memref<128x128xf32, #tpu.memory_space<vmem>>) target(%dma_start3A_45 : memref<10240x128xf32, #tpu.memory_space<vmem_shared>>) offsets(%arg7 : memref<128xi32, #tpu.memory_space<vmem>>) semaphore(%run_scoped3A : memref<!tpu.dma_semaphore, #tpu.memory_space<semaphore_mem>>) {add = true}
        %dma_wait3A = arith.constant 0 : i32
        %dma_wait3A_46 = arith.constant 0 : i32
        %dma_wait3A_47 = tpu.memref_slice %arg8[%dma_wait3A, %dma_wait3A_46] : memref<10240x128xf32, #tpu.memory_space<vmem_shared>> -> memref<10240x128xf32, #tpu.memory_space<vmem_shared>>
        tpu.wait_indirect_dma semaphore(%run_scoped3A : memref<!tpu.dma_semaphore, #tpu.memory_space<semaphore_mem>>) src(%arg6 : memref<128x128xf32, #tpu.memory_space<vmem>>) dst(%dma_wait3A_47 : memref<10240x128xf32, #tpu.memory_space<vmem_shared>>)
        tpu.yield
      }) : () -> ()
    }
    %barrier3A_30 = arith.constant 0 : index
    tpu.barrier barrier_id(%barrier3A_30)
    %mul3A_31 = arith.constant 640 : i32
    %mul3A_32 = arith.muli %arg1, %mul3A_31 : i32
    %mul3A_33 = arith.constant 10240 : i32
    %mul3A_34 = arith.muli %arg0, %mul3A_33 : i32
    %mul3A_35 = arith.constant 640 : i32
    %mul3A_36 = arith.muli %arg1, %mul3A_35 : i32
    %add3A_37 = arith.addi %mul3A_34, %mul3A_36 : i32
    "tpu.region"() ({
      %run_scoped3A = tpu.sem_alloc : memref<!tpu.dma_semaphore, #tpu.memory_space<semaphore_mem>>
      %dma_start3A = arith.constant 0 : i32
      %dma_start3A_38 = tpu.memref_slice %arg5[%add3A_37, %dma_start3A] : memref<20480x128xf32, #tpu.memory_space<hbm>> -> memref<640x128xf32, #tpu.memory_space<hbm>>
      %dma_start3A_39 = arith.constant 0 : i32
      %dma_start3A_40 = tpu.memref_slice %arg8[%mul3A_32, %dma_start3A_39] : memref<10240x128xf32, #tpu.memory_space<vmem_shared>> -> memref<640x128xf32, #tpu.memory_space<vmem_shared>>
      tpu.enqueue_dma source(%dma_start3A_40 : memref<640x128xf32, #tpu.memory_space<vmem_shared>>) target(%dma_start3A_38 : memref<640x128xf32, #tpu.memory_space<hbm>>) target_semaphore(%run_scoped3A : memref<!tpu.dma_semaphore, #tpu.memory_space<semaphore_mem>>)
      %dma_wait3A = arith.constant 0 : i32
      %dma_wait3A_41 = tpu.memref_slice %arg5[%add3A_37, %dma_wait3A] : memref<20480x128xf32, #tpu.memory_space<hbm>> -> memref<640x128xf32, #tpu.memory_space<hbm>>
      %dma_wait3A_42 = arith.constant 0 : i32
      %dma_wait3A_43 = tpu.memref_slice %arg8[%mul3A_32, %dma_wait3A_42] : memref<10240x128xf32, #tpu.memory_space<vmem_shared>> -> memref<640x128xf32, #tpu.memory_space<vmem_shared>>
      tpu.wait_dma2 semaphore(%run_scoped3A : memref<!tpu.dma_semaphore, #tpu.memory_space<semaphore_mem>>) src(%dma_wait3A_43 : memref<640x128xf32, #tpu.memory_space<vmem_shared>>) dst(%dma_wait3A_41 : memref<640x128xf32, #tpu.memory_space<hbm>>)
      tpu.yield
    }) : () -> ()
    return
  }
}

#map = affine_map<(d0, d1) -> (0, 0)>
#map1 = affine_map<(d0, d1) -> (0)>
module attributes {stable_mosaic.version = 14 : i64} {
  func.func @body(%arg0: i32, %arg1: i32, %arg2: memref<320000x128xf32, #tpu.memory_space<hbm>>, %arg3: memref<320000xi32, #tpu.memory_space<hbm>>, %arg4: memref<640x128xf32, #tpu.memory_space<hbm>>, %arg5: memref<20480x128xf32, #tpu.memory_space<hbm>>, %arg6: memref<128x128xf32, #tpu.memory_space<vmem>>, %arg7: memref<128xi32, #tpu.memory_space<vmem>>, %arg8: memref<10240x128xf32, #tpu.memory_space<vmem_shared>>) attributes {dimension_semantics = [#tpu.dimension_semantics<core_parallel>, #tpu.dimension_semantics<subcore_parallel>], iteration_bounds = array<i64: 2, 16>, scalar_prefetch = 0 : i64, scratch_operands = 3 : i64, tpu.core_type = #tpu.core_type<sc_vector_subcore>, window_params = [{transform_indices = #map}, {transform_indices = #map1}, {transform_indices = #map}, {transform_indices = #map}]} {
    %mul3A = arith.constant 2 : i32
    %mul3A_0 = arith.muli %arg1, %mul3A : i32
    %add3A = arith.addi %mul3A_0, %arg0 : i32
    %mul3A_1 = arith.constant 640 : i32
    %mul3A_2 = arith.muli %arg1, %mul3A_1 : i32
    "tpu.region"() ({
      %run_scoped3A = tpu.sem_alloc : memref<!tpu.dma_semaphore, #tpu.memory_space<semaphore_mem>>
      %dma_start3A = arith.constant 0 : i32
      %dma_start3A_38 = tpu.memref_slice %arg8[%mul3A_2, %dma_start3A] : memref<10240x128xf32, #tpu.memory_space<vmem_shared>> -> memref<640x128xf32, #tpu.memory_space<vmem_shared>>
      tpu.enqueue_dma source(%arg4 : memref<640x128xf32, #tpu.memory_space<hbm>>) target(%dma_start3A_38 : memref<640x128xf32, #tpu.memory_space<vmem_shared>>) target_semaphore(%run_scoped3A : memref<!tpu.dma_semaphore, #tpu.memory_space<semaphore_mem>>)
      %dma_wait3A = arith.constant 0 : i32
      %dma_wait3A_39 = tpu.memref_slice %arg8[%mul3A_2, %dma_wait3A] : memref<10240x128xf32, #tpu.memory_space<vmem_shared>> -> memref<640x128xf32, #tpu.memory_space<vmem_shared>>
      tpu.wait_dma2 semaphore(%run_scoped3A : memref<!tpu.dma_semaphore, #tpu.memory_space<semaphore_mem>>) src(%arg4 : memref<640x128xf32, #tpu.memory_space<hbm>>) dst(%dma_wait3A_39 : memref<640x128xf32, #tpu.memory_space<vmem_shared>>)
      tpu.yield
    }) : () -> ()
    %barrier3A = arith.constant 0 : index
    tpu.barrier barrier_id(%barrier3A)
    %sub3A = arith.constant 2531 : i32
    %sub3A_3 = arith.subi %sub3A, %add3A : i32
    %jit3A = arith.constant 32 : i32
    %div3A = arith.divsi %sub3A_3, %jit3A : i32
    %sign3A = arith.constant 0 : i32
    %sign3A_4 = arith.cmpi sgt, %sub3A_3, %sign3A : i32
    %sign3A_5 = arith.extui %sign3A_4 : i1 to i32
    %sign3A_6 = arith.constant 0 : i32
    %sign3A_7 = arith.cmpi slt, %sub3A_3, %sign3A_6 : i32
    %sign3A_8 = arith.extui %sign3A_7 : i1 to i32
    %sign3A_9 = arith.subi %sign3A_5, %sign3A_8 : i32
    %sign3A_10 = arith.constant 0 : i32
    %sign3A_11 = arith.cmpi sgt, %jit3A, %sign3A_10 : i32
    %sign3A_12 = arith.extui %sign3A_11 : i1 to i32
    %sign3A_13 = arith.constant 0 : i32
    %sign3A_14 = arith.cmpi slt, %jit3A, %sign3A_13 : i32
    %sign3A_15 = arith.extui %sign3A_14 : i1 to i32
    %sign3A_16 = arith.subi %sign3A_12, %sign3A_15 : i32
    %ne3A = arith.cmpi ne, %sign3A_9, %sign3A_16 : i32
    %rem3A = arith.remsi %sub3A_3, %jit3A : i32
    %ne3A_17 = arith.constant 0 : i32
    %ne3A_18 = arith.cmpi ne, %rem3A, %ne3A_17 : i32
    %and3A = arith.andi %ne3A, %ne3A_18 : i1
    %sub3A_19 = arith.constant 1 : i32
    %sub3A_20 = arith.subi %div3A, %sub3A_19 : i32
    %select_n3A = arith.select %and3A, %sub3A_20, %div3A : i32
    %while3A = arith.constant 0 : i32
    %while3A_21 = arith.constant 0 : i32
    %while3A_22 = arith.subi %select_n3A, %while3A_21 : i32
    %while3A_23 = arith.addi %while3A_21, %while3A_22 : i32
    %while3A_24 = arith.constant 1 : i32
    %while3A_25 = arith.divsi %while3A_22, %while3A_24 : i32
    %while3A_26 = arith.muli %while3A_25, %while3A_24 : i32
    %while3A_27 = arith.addi %while3A_21, %while3A_26 : i32
    %while3A_28 = arith.constant 1 : i32
    scf.for %while3A_38 = %while3A_21 to %while3A_27 step %while3A_28  : i32 {
      %mul3A_39 = arith.constant 32 : i32
      %mul3A_40 = arith.muli %while3A_38, %mul3A_39 : i32
      %add3A_41 = arith.addi %add3A, %mul3A_40 : i32
      %mul3A_42 = arith.constant 128 : i32
      %mul3A_43 = arith.muli %add3A_41, %mul3A_42 : i32
      "tpu.region"() ({
        %run_scoped3A = tpu.sem_alloc : memref<!tpu.dma_semaphore, #tpu.memory_space<semaphore_mem>>
        %dma_start3A = tpu.memref_slice %arg3[%mul3A_43] : memref<320000xi32, #tpu.memory_space<hbm>> -> memref<128xi32, #tpu.memory_space<hbm>>
        %dma_start3A_44 = tpu.memref_slice %arg3[%mul3A_43] : memref<320000xi32, #tpu.memory_space<hbm>> -> memref<128xi32, #tpu.memory_space<hbm>>
        tpu.enqueue_dma source(%dma_start3A_44 : memref<128xi32, #tpu.memory_space<hbm>>) target(%arg7 : memref<128xi32, #tpu.memory_space<vmem>>) target_semaphore(%run_scoped3A : memref<!tpu.dma_semaphore, #tpu.memory_space<semaphore_mem>>)
        %dma_wait3A = tpu.memref_slice %arg3[%mul3A_43] : memref<320000xi32, #tpu.memory_space<hbm>> -> memref<128xi32, #tpu.memory_space<hbm>>
        %dma_wait3A_45 = tpu.memref_slice %arg3[%mul3A_43] : memref<320000xi32, #tpu.memory_space<hbm>> -> memref<128xi32, #tpu.memory_space<hbm>>
        tpu.wait_dma2 semaphore(%run_scoped3A : memref<!tpu.dma_semaphore, #tpu.memory_space<semaphore_mem>>) src(%dma_wait3A_45 : memref<128xi32, #tpu.memory_space<hbm>>) dst(%arg7 : memref<128xi32, #tpu.memory_space<vmem>>)
        tpu.yield
      }) : () -> ()
      "tpu.region"() ({
        %run_scoped3A = tpu.sem_alloc : memref<!tpu.dma_semaphore, #tpu.memory_space<semaphore_mem>>
        %dma_start3A = arith.constant 0 : i32
        %dma_start3A_44 = tpu.memref_slice %arg2[%mul3A_43, %dma_start3A] : memref<320000x128xf32, #tpu.memory_space<hbm>> -> memref<128x128xf32, #tpu.memory_space<hbm>>
        %dma_start3A_45 = arith.constant 0 : i32
        %dma_start3A_46 = tpu.memref_slice %arg2[%mul3A_43, %dma_start3A_45] : memref<320000x128xf32, #tpu.memory_space<hbm>> -> memref<128x128xf32, #tpu.memory_space<hbm>>
        tpu.enqueue_dma source(%dma_start3A_46 : memref<128x128xf32, #tpu.memory_space<hbm>>) target(%arg6 : memref<128x128xf32, #tpu.memory_space<vmem>>) target_semaphore(%run_scoped3A : memref<!tpu.dma_semaphore, #tpu.memory_space<semaphore_mem>>)
        %dma_wait3A = arith.constant 0 : i32
        %dma_wait3A_47 = tpu.memref_slice %arg2[%mul3A_43, %dma_wait3A] : memref<320000x128xf32, #tpu.memory_space<hbm>> -> memref<128x128xf32, #tpu.memory_space<hbm>>
        %dma_wait3A_48 = arith.constant 0 : i32
        %dma_wait3A_49 = tpu.memref_slice %arg2[%mul3A_43, %dma_wait3A_48] : memref<320000x128xf32, #tpu.memory_space<hbm>> -> memref<128x128xf32, #tpu.memory_space<hbm>>
        tpu.wait_dma2 semaphore(%run_scoped3A : memref<!tpu.dma_semaphore, #tpu.memory_space<semaphore_mem>>) src(%dma_wait3A_49 : memref<128x128xf32, #tpu.memory_space<hbm>>) dst(%arg6 : memref<128x128xf32, #tpu.memory_space<vmem>>)
        tpu.yield
      }) : () -> ()
      "tpu.region"() ({
        %run_scoped3A = tpu.sem_alloc : memref<!tpu.dma_semaphore, #tpu.memory_space<semaphore_mem>>
        %dma_start3A = arith.constant 0 : i32
        %dma_start3A_44 = arith.constant 0 : i32
        %dma_start3A_45 = tpu.memref_slice %arg8[%dma_start3A, %dma_start3A_44] : memref<10240x128xf32, #tpu.memory_space<vmem_shared>> -> memref<10240x128xf32, #tpu.memory_space<vmem_shared>>
        tpu.enqueue_indirect_dma source(%arg6 : memref<128x128xf32, #tpu.memory_space<vmem>>) target(%dma_start3A_45 : memref<10240x128xf32, #tpu.memory_space<vmem_shared>>) offsets(%arg7 : memref<128xi32, #tpu.memory_space<vmem>>) semaphore(%run_scoped3A : memref<!tpu.dma_semaphore, #tpu.memory_space<semaphore_mem>>) {add = true}
        %dma_wait3A = arith.constant 0 : i32
        %dma_wait3A_46 = arith.constant 0 : i32
        %dma_wait3A_47 = tpu.memref_slice %arg8[%dma_wait3A, %dma_wait3A_46] : memref<10240x128xf32, #tpu.memory_space<vmem_shared>> -> memref<10240x128xf32, #tpu.memory_space<vmem_shared>>
        tpu.wait_indirect_dma semaphore(%run_scoped3A : memref<!tpu.dma_semaphore, #tpu.memory_space<semaphore_mem>>) src(%arg6 : memref<128x128xf32, #tpu.memory_space<vmem>>) dst(%dma_wait3A_47 : memref<10240x128xf32, #tpu.memory_space<vmem_shared>>)
        tpu.yield
      }) : () -> ()
    }
    %while3A_29 = arith.constant 1 : i32
    scf.for %while3A_38 = %while3A_27 to %while3A_23 step %while3A_29  : i32 {
      %mul3A_39 = arith.constant 32 : i32
      %mul3A_40 = arith.muli %while3A_38, %mul3A_39 : i32
      %add3A_41 = arith.addi %add3A, %mul3A_40 : i32
      %mul3A_42 = arith.constant 128 : i32
      %mul3A_43 = arith.muli %add3A_41, %mul3A_42 : i32
      "tpu.region"() ({
        %run_scoped3A = tpu.sem_alloc : memref<!tpu.dma_semaphore, #tpu.memory_space<semaphore_mem>>
        %dma_start3A = tpu.memref_slice %arg3[%mul3A_43] : memref<320000xi32, #tpu.memory_space<hbm>> -> memref<128xi32, #tpu.memory_space<hbm>>
        %dma_start3A_44 = tpu.memref_slice %arg3[%mul3A_43] : memref<320000xi32, #tpu.memory_space<hbm>> -> memref<128xi32, #tpu.memory_space<hbm>>
        tpu.enqueue_dma source(%dma_start3A_44 : memref<128xi32, #tpu.memory_space<hbm>>) target(%arg7 : memref<128xi32, #tpu.memory_space<vmem>>) target_semaphore(%run_scoped3A : memref<!tpu.dma_semaphore, #tpu.memory_space<semaphore_mem>>)
        %dma_wait3A = tpu.memref_slice %arg3[%mul3A_43] : memref<320000xi32, #tpu.memory_space<hbm>> -> memref<128xi32, #tpu.memory_space<hbm>>
        %dma_wait3A_45 = tpu.memref_slice %arg3[%mul3A_43] : memref<320000xi32, #tpu.memory_space<hbm>> -> memref<128xi32, #tpu.memory_space<hbm>>
        tpu.wait_dma2 semaphore(%run_scoped3A : memref<!tpu.dma_semaphore, #tpu.memory_space<semaphore_mem>>) src(%dma_wait3A_45 : memref<128xi32, #tpu.memory_space<hbm>>) dst(%arg7 : memref<128xi32, #tpu.memory_space<vmem>>)
        tpu.yield
      }) : () -> ()
      "tpu.region"() ({
        %run_scoped3A = tpu.sem_alloc : memref<!tpu.dma_semaphore, #tpu.memory_space<semaphore_mem>>
        %dma_start3A = arith.constant 0 : i32
        %dma_start3A_44 = tpu.memref_slice %arg2[%mul3A_43, %dma_start3A] : memref<320000x128xf32, #tpu.memory_space<hbm>> -> memref<128x128xf32, #tpu.memory_space<hbm>>
        %dma_start3A_45 = arith.constant 0 : i32
        %dma_start3A_46 = tpu.memref_slice %arg2[%mul3A_43, %dma_start3A_45] : memref<320000x128xf32, #tpu.memory_space<hbm>> -> memref<128x128xf32, #tpu.memory_space<hbm>>
        tpu.enqueue_dma source(%dma_start3A_46 : memref<128x128xf32, #tpu.memory_space<hbm>>) target(%arg6 : memref<128x128xf32, #tpu.memory_space<vmem>>) target_semaphore(%run_scoped3A : memref<!tpu.dma_semaphore, #tpu.memory_space<semaphore_mem>>)
        %dma_wait3A = arith.constant 0 : i32
        %dma_wait3A_47 = tpu.memref_slice %arg2[%mul3A_43, %dma_wait3A] : memref<320000x128xf32, #tpu.memory_space<hbm>> -> memref<128x128xf32, #tpu.memory_space<hbm>>
        %dma_wait3A_48 = arith.constant 0 : i32
        %dma_wait3A_49 = tpu.memref_slice %arg2[%mul3A_43, %dma_wait3A_48] : memref<320000x128xf32, #tpu.memory_space<hbm>> -> memref<128x128xf32, #tpu.memory_space<hbm>>
        tpu.wait_dma2 semaphore(%run_scoped3A : memref<!tpu.dma_semaphore, #tpu.memory_space<semaphore_mem>>) src(%dma_wait3A_49 : memref<128x128xf32, #tpu.memory_space<hbm>>) dst(%arg6 : memref<128x128xf32, #tpu.memory_space<vmem>>)
        tpu.yield
      }) : () -> ()
      "tpu.region"() ({
        %run_scoped3A = tpu.sem_alloc : memref<!tpu.dma_semaphore, #tpu.memory_space<semaphore_mem>>
        %dma_start3A = arith.constant 0 : i32
        %dma_start3A_44 = arith.constant 0 : i32
        %dma_start3A_45 = tpu.memref_slice %arg8[%dma_start3A, %dma_start3A_44] : memref<10240x128xf32, #tpu.memory_space<vmem_shared>> -> memref<10240x128xf32, #tpu.memory_space<vmem_shared>>
        tpu.enqueue_indirect_dma source(%arg6 : memref<128x128xf32, #tpu.memory_space<vmem>>) target(%dma_start3A_45 : memref<10240x128xf32, #tpu.memory_space<vmem_shared>>) offsets(%arg7 : memref<128xi32, #tpu.memory_space<vmem>>) semaphore(%run_scoped3A : memref<!tpu.dma_semaphore, #tpu.memory_space<semaphore_mem>>) {add = true}
        %dma_wait3A = arith.constant 0 : i32
        %dma_wait3A_46 = arith.constant 0 : i32
        %dma_wait3A_47 = tpu.memref_slice %arg8[%dma_wait3A, %dma_wait3A_46] : memref<10240x128xf32, #tpu.memory_space<vmem_shared>> -> memref<10240x128xf32, #tpu.memory_space<vmem_shared>>
        tpu.wait_indirect_dma semaphore(%run_scoped3A : memref<!tpu.dma_semaphore, #tpu.memory_space<semaphore_mem>>) src(%arg6 : memref<128x128xf32, #tpu.memory_space<vmem>>) dst(%dma_wait3A_47 : memref<10240x128xf32, #tpu.memory_space<vmem_shared>>)
        tpu.yield
      }) : () -> ()
    }
    %barrier3A_30 = arith.constant 0 : index
    tpu.barrier barrier_id(%barrier3A_30)
    %mul3A_31 = arith.constant 640 : i32
    %mul3A_32 = arith.muli %arg1, %mul3A_31 : i32
    %mul3A_33 = arith.constant 10240 : i32
    %mul3A_34 = arith.muli %arg0, %mul3A_33 : i32
    %mul3A_35 = arith.constant 640 : i32
    %mul3A_36 = arith.muli %arg1, %mul3A_35 : i32
    %add3A_37 = arith.addi %mul3A_34, %mul3A_36 : i32
    "tpu.region"() ({
      %run_scoped3A = tpu.sem_alloc : memref<!tpu.dma_semaphore, #tpu.memory_space<semaphore_mem>>
      %dma_start3A = arith.constant 0 : i32
      %dma_start3A_38 = tpu.memref_slice %arg5[%add3A_37, %dma_start3A] : memref<20480x128xf32, #tpu.memory_space<hbm>> -> memref<640x128xf32, #tpu.memory_space<hbm>>
      %dma_start3A_39 = arith.constant 0 : i32
      %dma_start3A_40 = tpu.memref_slice %arg8[%mul3A_32, %dma_start3A_39] : memref<10240x128xf32, #tpu.memory_space<vmem_shared>> -> memref<640x128xf32, #tpu.memory_space<vmem_shared>>
      tpu.enqueue_dma source(%dma_start3A_40 : memref<640x128xf32, #tpu.memory_space<vmem_shared>>) target(%dma_start3A_38 : memref<640x128xf32, #tpu.memory_space<hbm>>) target_semaphore(%run_scoped3A : memref<!tpu.dma_semaphore, #tpu.memory_space<semaphore_mem>>)
      %dma_wait3A = arith.constant 0 : i32
      %dma_wait3A_41 = tpu.memref_slice %arg5[%add3A_37, %dma_wait3A] : memref<20480x128xf32, #tpu.memory_space<hbm>> -> memref<640x128xf32, #tpu.memory_space<hbm>>
      %dma_wait3A_42 = arith.constant 0 : i32
      %dma_wait3A_43 = tpu.memref_slice %arg8[%mul3A_32, %dma_wait3A_42] : memref<10240x128xf32, #tpu.memory_space<vmem_shared>> -> memref<640x128xf32, #tpu.memory_space<vmem_shared>>
      tpu.wait_dma2 semaphore(%run_scoped3A : memref<!tpu.dma_semaphore, #tpu.memory_space<semaphore_mem>>) src(%dma_wait3A_43 : memref<640x128xf32, #tpu.memory_space<vmem_shared>>) dst(%dma_wait3A_41 : memref<640x128xf32, #tpu.memory_space<hbm>>)
      tpu.yield
    }) : () -> ()
    return
  }
}

#map = affine_map<(d0, d1) -> (0, 0)>
#map1 = affine_map<(d0, d1) -> (0)>
module attributes {stable_mosaic.version = 14 : i64} {
  func.func @body(%arg0: i32, %arg1: i32, %arg2: memref<10000x128xf32, #tpu.memory_space<hbm>>, %arg3: memref<10000x256xf32, #tpu.memory_space<hbm>>, %arg4: memref<320000xi32, #tpu.memory_space<hbm>>, %arg5: memref<320000xi32, #tpu.memory_space<hbm>>, %arg6: memref<320000x128xf32, #tpu.memory_space<hbm>>, %arg7: memref<320000x256xf32, #tpu.memory_space<hbm>>, %arg8: memref<128xi32, #tpu.memory_space<vmem>>, %arg9: memref<128xi32, #tpu.memory_space<vmem>>, %arg10: memref<128x128xf32, #tpu.memory_space<vmem>>, %arg11: memref<128x256xf32, #tpu.memory_space<vmem>>, %arg12: memref<!tpu.dma_semaphore, #tpu.memory_space<semaphore_mem>>, %arg13: memref<!tpu.dma_semaphore, #tpu.memory_space<semaphore_mem>>) attributes {dimension_semantics = [#tpu.dimension_semantics<core_parallel>, #tpu.dimension_semantics<subcore_parallel>], iteration_bounds = array<i64: 2, 16>, scalar_prefetch = 0 : i64, scratch_operands = 6 : i64, tpu.core_type = #tpu.core_type<sc_vector_subcore>, window_params = [{transform_indices = #map}, {transform_indices = #map}, {transform_indices = #map1}, {transform_indices = #map1}, {transform_indices = #map}, {transform_indices = #map}]} {
    %mul3A = arith.constant 2 : i32
    %mul3A_0 = arith.muli %arg1, %mul3A : i32
    %add3A = arith.addi %mul3A_0, %arg0 : i32
    %sub3A = arith.constant 2531 : i32
    %sub3A_1 = arith.subi %sub3A, %add3A : i32
    %jit3A = arith.constant 32 : i32
    %div3A = arith.divsi %sub3A_1, %jit3A : i32
    %sign3A = arith.constant 0 : i32
    %sign3A_2 = arith.cmpi sgt, %sub3A_1, %sign3A : i32
    %sign3A_3 = arith.extui %sign3A_2 : i1 to i32
    %sign3A_4 = arith.constant 0 : i32
    %sign3A_5 = arith.cmpi slt, %sub3A_1, %sign3A_4 : i32
    %sign3A_6 = arith.extui %sign3A_5 : i1 to i32
    %sign3A_7 = arith.subi %sign3A_3, %sign3A_6 : i32
    %sign3A_8 = arith.constant 0 : i32
    %sign3A_9 = arith.cmpi sgt, %jit3A, %sign3A_8 : i32
    %sign3A_10 = arith.extui %sign3A_9 : i1 to i32
    %sign3A_11 = arith.constant 0 : i32
    %sign3A_12 = arith.cmpi slt, %jit3A, %sign3A_11 : i32
    %sign3A_13 = arith.extui %sign3A_12 : i1 to i32
    %sign3A_14 = arith.subi %sign3A_10, %sign3A_13 : i32
    %ne3A = arith.cmpi ne, %sign3A_7, %sign3A_14 : i32
    %rem3A = arith.remsi %sub3A_1, %jit3A : i32
    %ne3A_15 = arith.constant 0 : i32
    %ne3A_16 = arith.cmpi ne, %rem3A, %ne3A_15 : i32
    %and3A = arith.andi %ne3A, %ne3A_16 : i1
    %sub3A_17 = arith.constant 1 : i32
    %sub3A_18 = arith.subi %div3A, %sub3A_17 : i32
    %select_n3A = arith.select %and3A, %sub3A_18, %div3A : i32
    %while3A = arith.constant 0 : i32
    %while3A_19 = arith.constant 0 : i32
    %while3A_20 = arith.subi %select_n3A, %while3A_19 : i32
    %while3A_21 = arith.addi %while3A_19, %while3A_20 : i32
    %while3A_22 = arith.constant 1 : i32
    %while3A_23 = arith.divsi %while3A_20, %while3A_22 : i32
    %while3A_24 = arith.muli %while3A_23, %while3A_22 : i32
    %while3A_25 = arith.addi %while3A_19, %while3A_24 : i32
    %while3A_26 = arith.constant 1 : i32
    scf.for %while3A_28 = %while3A_19 to %while3A_25 step %while3A_26  : i32 {
      %mul3A_29 = arith.constant 32 : i32
      %mul3A_30 = arith.muli %while3A_28, %mul3A_29 : i32
      %add3A_31 = arith.addi %add3A, %mul3A_30 : i32
      %mul3A_32 = arith.constant 128 : i32
      %mul3A_33 = arith.muli %add3A_31, %mul3A_32 : i32
      "tpu.region"() ({
        %run_scoped3A = tpu.sem_alloc : memref<!tpu.dma_semaphore, #tpu.memory_space<semaphore_mem>>
        %dma_start3A_44 = tpu.memref_slice %arg5[%mul3A_33] : memref<320000xi32, #tpu.memory_space<hbm>> -> memref<128xi32, #tpu.memory_space<hbm>>
        %dma_start3A_45 = tpu.memref_slice %arg5[%mul3A_33] : memref<320000xi32, #tpu.memory_space<hbm>> -> memref<128xi32, #tpu.memory_space<hbm>>
        tpu.enqueue_dma source(%dma_start3A_45 : memref<128xi32, #tpu.memory_space<hbm>>) target(%arg9 : memref<128xi32, #tpu.memory_space<vmem>>) target_semaphore(%run_scoped3A : memref<!tpu.dma_semaphore, #tpu.memory_space<semaphore_mem>>)
        %dma_wait3A_46 = tpu.memref_slice %arg5[%mul3A_33] : memref<320000xi32, #tpu.memory_space<hbm>> -> memref<128xi32, #tpu.memory_space<hbm>>
        %dma_wait3A_47 = tpu.memref_slice %arg5[%mul3A_33] : memref<320000xi32, #tpu.memory_space<hbm>> -> memref<128xi32, #tpu.memory_space<hbm>>
        tpu.wait_dma2 semaphore(%run_scoped3A : memref<!tpu.dma_semaphore, #tpu.memory_space<semaphore_mem>>) src(%dma_wait3A_47 : memref<128xi32, #tpu.memory_space<hbm>>) dst(%arg9 : memref<128xi32, #tpu.memory_space<vmem>>)
        tpu.yield
      }) : () -> ()
      "tpu.region"() ({
        %run_scoped3A = tpu.sem_alloc : memref<!tpu.dma_semaphore, #tpu.memory_space<semaphore_mem>>
        %dma_start3A_44 = tpu.memref_slice %arg4[%mul3A_33] : memref<320000xi32, #tpu.memory_space<hbm>> -> memref<128xi32, #tpu.memory_space<hbm>>
        %dma_start3A_45 = tpu.memref_slice %arg4[%mul3A_33] : memref<320000xi32, #tpu.memory_space<hbm>> -> memref<128xi32, #tpu.memory_space<hbm>>
        tpu.enqueue_dma source(%dma_start3A_45 : memref<128xi32, #tpu.memory_space<hbm>>) target(%arg8 : memref<128xi32, #tpu.memory_space<vmem>>) target_semaphore(%run_scoped3A : memref<!tpu.dma_semaphore, #tpu.memory_space<semaphore_mem>>)
        %dma_wait3A_46 = tpu.memref_slice %arg4[%mul3A_33] : memref<320000xi32, #tpu.memory_space<hbm>> -> memref<128xi32, #tpu.memory_space<hbm>>
        %dma_wait3A_47 = tpu.memref_slice %arg4[%mul3A_33] : memref<320000xi32, #tpu.memory_space<hbm>> -> memref<128xi32, #tpu.memory_space<hbm>>
        tpu.wait_dma2 semaphore(%run_scoped3A : memref<!tpu.dma_semaphore, #tpu.memory_space<semaphore_mem>>) src(%dma_wait3A_47 : memref<128xi32, #tpu.memory_space<hbm>>) dst(%arg8 : memref<128xi32, #tpu.memory_space<vmem>>)
        tpu.yield
      }) : () -> ()
      %dma_start3A = arith.constant 0 : i32
      %dma_start3A_34 = arith.constant 0 : i32
      %dma_start3A_35 = tpu.memref_slice %arg2[%dma_start3A, %dma_start3A_34] : memref<10000x128xf32, #tpu.memory_space<hbm>> -> memref<10000x128xf32, #tpu.memory_space<hbm>>
      tpu.enqueue_indirect_dma source(%dma_start3A_35 : memref<10000x128xf32, #tpu.memory_space<hbm>>) target(%arg10 : memref<128x128xf32, #tpu.memory_space<vmem>>) offsets(%arg9 : memref<128xi32, #tpu.memory_space<vmem>>) semaphore(%arg12 : memref<!tpu.dma_semaphore, #tpu.memory_space<semaphore_mem>>)
      %dma_start3A_36 = arith.constant 0 : i32
      %dma_start3A_37 = arith.constant 0 : i32
      %dma_start3A_38 = tpu.memref_slice %arg3[%dma_start3A_36, %dma_start3A_37] : memref<10000x256xf32, #tpu.memory_space<hbm>> -> memref<10000x256xf32, #tpu.memory_space<hbm>>
      tpu.enqueue_indirect_dma source(%dma_start3A_38 : memref<10000x256xf32, #tpu.memory_space<hbm>>) target(%arg11 : memref<128x256xf32, #tpu.memory_space<vmem>>) offsets(%arg8 : memref<128xi32, #tpu.memory_space<vmem>>) semaphore(%arg13 : memref<!tpu.dma_semaphore, #tpu.memory_space<semaphore_mem>>)
      %dma_wait3A = arith.constant 0 : i32
      %dma_wait3A_39 = arith.constant 0 : i32
      %dma_wait3A_40 = tpu.memref_slice %arg2[%dma_wait3A, %dma_wait3A_39] : memref<10000x128xf32, #tpu.memory_space<hbm>> -> memref<10000x128xf32, #tpu.memory_space<hbm>>
      tpu.wait_indirect_dma semaphore(%arg12 : memref<!tpu.dma_semaphore, #tpu.memory_space<semaphore_mem>>) src(%dma_wait3A_40 : memref<10000x128xf32, #tpu.memory_space<hbm>>) dst(%arg10 : memref<128x128xf32, #tpu.memory_space<vmem>>)
      %dma_wait3A_41 = arith.constant 0 : i32
      %dma_wait3A_42 = arith.constant 0 : i32
      %dma_wait3A_43 = tpu.memref_slice %arg3[%dma_wait3A_41, %dma_wait3A_42] : memref<10000x256xf32, #tpu.memory_space<hbm>> -> memref<10000x256xf32, #tpu.memory_space<hbm>>
      tpu.wait_indirect_dma semaphore(%arg13 : memref<!tpu.dma_semaphore, #tpu.memory_space<semaphore_mem>>) src(%dma_wait3A_43 : memref<10000x256xf32, #tpu.memory_space<hbm>>) dst(%arg11 : memref<128x256xf32, #tpu.memory_space<vmem>>)
      "tpu.region"() ({
        %run_scoped3A = tpu.sem_alloc : memref<!tpu.dma_semaphore, #tpu.memory_space<semaphore_mem>>
        %dma_start3A_44 = arith.constant 0 : i32
        %dma_start3A_45 = tpu.memref_slice %arg6[%mul3A_33, %dma_start3A_44] : memref<320000x128xf32, #tpu.memory_space<hbm>> -> memref<128x128xf32, #tpu.memory_space<hbm>>
        %dma_start3A_46 = arith.constant 0 : i32
        %dma_start3A_47 = tpu.memref_slice %arg6[%mul3A_33, %dma_start3A_46] : memref<320000x128xf32, #tpu.memory_space<hbm>> -> memref<128x128xf32, #tpu.memory_space<hbm>>
        tpu.enqueue_dma source(%arg10 : memref<128x128xf32, #tpu.memory_space<vmem>>) target(%dma_start3A_47 : memref<128x128xf32, #tpu.memory_space<hbm>>) target_semaphore(%run_scoped3A : memref<!tpu.dma_semaphore, #tpu.memory_space<semaphore_mem>>)
        %dma_wait3A_48 = arith.constant 0 : i32
        %dma_wait3A_49 = tpu.memref_slice %arg6[%mul3A_33, %dma_wait3A_48] : memref<320000x128xf32, #tpu.memory_space<hbm>> -> memref<128x128xf32, #tpu.memory_space<hbm>>
        %dma_wait3A_50 = arith.constant 0 : i32
        %dma_wait3A_51 = tpu.memref_slice %arg6[%mul3A_33, %dma_wait3A_50] : memref<320000x128xf32, #tpu.memory_space<hbm>> -> memref<128x128xf32, #tpu.memory_space<hbm>>
        tpu.wait_dma2 semaphore(%run_scoped3A : memref<!tpu.dma_semaphore, #tpu.memory_space<semaphore_mem>>) src(%arg10 : memref<128x128xf32, #tpu.memory_space<vmem>>) dst(%dma_wait3A_51 : memref<128x128xf32, #tpu.memory_space<hbm>>)
        tpu.yield
      }) : () -> ()
      "tpu.region"() ({
        %run_scoped3A = tpu.sem_alloc : memref<!tpu.dma_semaphore, #tpu.memory_space<semaphore_mem>>
        %dma_start3A_44 = arith.constant 0 : i32
        %dma_start3A_45 = tpu.memref_slice %arg7[%mul3A_33, %dma_start3A_44] : memref<320000x256xf32, #tpu.memory_space<hbm>> -> memref<128x256xf32, #tpu.memory_space<hbm>>
        %dma_start3A_46 = arith.constant 0 : i32
        %dma_start3A_47 = tpu.memref_slice %arg7[%mul3A_33, %dma_start3A_46] : memref<320000x256xf32, #tpu.memory_space<hbm>> -> memref<128x256xf32, #tpu.memory_space<hbm>>
        tpu.enqueue_dma source(%arg11 : memref<128x256xf32, #tpu.memory_space<vmem>>) target(%dma_start3A_47 : memref<128x256xf32, #tpu.memory_space<hbm>>) target_semaphore(%run_scoped3A : memref<!tpu.dma_semaphore, #tpu.memory_space<semaphore_mem>>)
        %dma_wait3A_48 = arith.constant 0 : i32
        %dma_wait3A_49 = tpu.memref_slice %arg7[%mul3A_33, %dma_wait3A_48] : memref<320000x256xf32, #tpu.memory_space<hbm>> -> memref<128x256xf32, #tpu.memory_space<hbm>>
        %dma_wait3A_50 = arith.constant 0 : i32
        %dma_wait3A_51 = tpu.memref_slice %arg7[%mul3A_33, %dma_wait3A_50] : memref<320000x256xf32, #tpu.memory_space<hbm>> -> memref<128x256xf32, #tpu.memory_space<hbm>>
        tpu.wait_dma2 semaphore(%run_scoped3A : memref<!tpu.dma_semaphore, #tpu.memory_space<semaphore_mem>>) src(%arg11 : memref<128x256xf32, #tpu.memory_space<vmem>>) dst(%dma_wait3A_51 : memref<128x256xf32, #tpu.memory_space<hbm>>)
        tpu.yield
      }) : () -> ()
    }
    %while3A_27 = arith.constant 1 : i32
    scf.for %while3A_28 = %while3A_25 to %while3A_21 step %while3A_27  : i32 {
      %mul3A_29 = arith.constant 32 : i32
      %mul3A_30 = arith.muli %while3A_28, %mul3A_29 : i32
      %add3A_31 = arith.addi %add3A, %mul3A_30 : i32
      %mul3A_32 = arith.constant 128 : i32
      %mul3A_33 = arith.muli %add3A_31, %mul3A_32 : i32
      "tpu.region"() ({
        %run_scoped3A = tpu.sem_alloc : memref<!tpu.dma_semaphore, #tpu.memory_space<semaphore_mem>>
        %dma_start3A_44 = tpu.memref_slice %arg5[%mul3A_33] : memref<320000xi32, #tpu.memory_space<hbm>> -> memref<128xi32, #tpu.memory_space<hbm>>
        %dma_start3A_45 = tpu.memref_slice %arg5[%mul3A_33] : memref<320000xi32, #tpu.memory_space<hbm>> -> memref<128xi32, #tpu.memory_space<hbm>>
        tpu.enqueue_dma source(%dma_start3A_45 : memref<128xi32, #tpu.memory_space<hbm>>) target(%arg9 : memref<128xi32, #tpu.memory_space<vmem>>) target_semaphore(%run_scoped3A : memref<!tpu.dma_semaphore, #tpu.memory_space<semaphore_mem>>)
        %dma_wait3A_46 = tpu.memref_slice %arg5[%mul3A_33] : memref<320000xi32, #tpu.memory_space<hbm>> -> memref<128xi32, #tpu.memory_space<hbm>>
        %dma_wait3A_47 = tpu.memref_slice %arg5[%mul3A_33] : memref<320000xi32, #tpu.memory_space<hbm>> -> memref<128xi32, #tpu.memory_space<hbm>>
        tpu.wait_dma2 semaphore(%run_scoped3A : memref<!tpu.dma_semaphore, #tpu.memory_space<semaphore_mem>>) src(%dma_wait3A_47 : memref<128xi32, #tpu.memory_space<hbm>>) dst(%arg9 : memref<128xi32, #tpu.memory_space<vmem>>)
        tpu.yield
      }) : () -> ()
      "tpu.region"() ({
        %run_scoped3A = tpu.sem_alloc : memref<!tpu.dma_semaphore, #tpu.memory_space<semaphore_mem>>
        %dma_start3A_44 = tpu.memref_slice %arg4[%mul3A_33] : memref<320000xi32, #tpu.memory_space<hbm>> -> memref<128xi32, #tpu.memory_space<hbm>>
        %dma_start3A_45 = tpu.memref_slice %arg4[%mul3A_33] : memref<320000xi32, #tpu.memory_space<hbm>> -> memref<128xi32, #tpu.memory_space<hbm>>
        tpu.enqueue_dma source(%dma_start3A_45 : memref<128xi32, #tpu.memory_space<hbm>>) target(%arg8 : memref<128xi32, #tpu.memory_space<vmem>>) target_semaphore(%run_scoped3A : memref<!tpu.dma_semaphore, #tpu.memory_space<semaphore_mem>>)
        %dma_wait3A_46 = tpu.memref_slice %arg4[%mul3A_33] : memref<320000xi32, #tpu.memory_space<hbm>> -> memref<128xi32, #tpu.memory_space<hbm>>
        %dma_wait3A_47 = tpu.memref_slice %arg4[%mul3A_33] : memref<320000xi32, #tpu.memory_space<hbm>> -> memref<128xi32, #tpu.memory_space<hbm>>
        tpu.wait_dma2 semaphore(%run_scoped3A : memref<!tpu.dma_semaphore, #tpu.memory_space<semaphore_mem>>) src(%dma_wait3A_47 : memref<128xi32, #tpu.memory_space<hbm>>) dst(%arg8 : memref<128xi32, #tpu.memory_space<vmem>>)
        tpu.yield
      }) : () -> ()
      %dma_start3A = arith.constant 0 : i32
      %dma_start3A_34 = arith.constant 0 : i32
      %dma_start3A_35 = tpu.memref_slice %arg2[%dma_start3A, %dma_start3A_34] : memref<10000x128xf32, #tpu.memory_space<hbm>> -> memref<10000x128xf32, #tpu.memory_space<hbm>>
      tpu.enqueue_indirect_dma source(%dma_start3A_35 : memref<10000x128xf32, #tpu.memory_space<hbm>>) target(%arg10 : memref<128x128xf32, #tpu.memory_space<vmem>>) offsets(%arg9 : memref<128xi32, #tpu.memory_space<vmem>>) semaphore(%arg12 : memref<!tpu.dma_semaphore, #tpu.memory_space<semaphore_mem>>)
      %dma_start3A_36 = arith.constant 0 : i32
      %dma_start3A_37 = arith.constant 0 : i32
      %dma_start3A_38 = tpu.memref_slice %arg3[%dma_start3A_36, %dma_start3A_37] : memref<10000x256xf32, #tpu.memory_space<hbm>> -> memref<10000x256xf32, #tpu.memory_space<hbm>>
      tpu.enqueue_indirect_dma source(%dma_start3A_38 : memref<10000x256xf32, #tpu.memory_space<hbm>>) target(%arg11 : memref<128x256xf32, #tpu.memory_space<vmem>>) offsets(%arg8 : memref<128xi32, #tpu.memory_space<vmem>>) semaphore(%arg13 : memref<!tpu.dma_semaphore, #tpu.memory_space<semaphore_mem>>)
      %dma_wait3A = arith.constant 0 : i32
      %dma_wait3A_39 = arith.constant 0 : i32
      %dma_wait3A_40 = tpu.memref_slice %arg2[%dma_wait3A, %dma_wait3A_39] : memref<10000x128xf32, #tpu.memory_space<hbm>> -> memref<10000x128xf32, #tpu.memory_space<hbm>>
      tpu.wait_indirect_dma semaphore(%arg12 : memref<!tpu.dma_semaphore, #tpu.memory_space<semaphore_mem>>) src(%dma_wait3A_40 : memref<10000x128xf32, #tpu.memory_space<hbm>>) dst(%arg10 : memref<128x128xf32, #tpu.memory_space<vmem>>)
      %dma_wait3A_41 = arith.constant 0 : i32
      %dma_wait3A_42 = arith.constant 0 : i32
      %dma_wait3A_43 = tpu.memref_slice %arg3[%dma_wait3A_41, %dma_wait3A_42] : memref<10000x256xf32, #tpu.memory_space<hbm>> -> memref<10000x256xf32, #tpu.memory_space<hbm>>
      tpu.wait_indirect_dma semaphore(%arg13 : memref<!tpu.dma_semaphore, #tpu.memory_space<semaphore_mem>>) src(%dma_wait3A_43 : memref<10000x256xf32, #tpu.memory_space<hbm>>) dst(%arg11 : memref<128x256xf32, #tpu.memory_space<vmem>>)
      "tpu.region"() ({
        %run_scoped3A = tpu.sem_alloc : memref<!tpu.dma_semaphore, #tpu.memory_space<semaphore_mem>>
        %dma_start3A_44 = arith.constant 0 : i32
        %dma_start3A_45 = tpu.memref_slice %arg6[%mul3A_33, %dma_start3A_44] : memref<320000x128xf32, #tpu.memory_space<hbm>> -> memref<128x128xf32, #tpu.memory_space<hbm>>
        %dma_start3A_46 = arith.constant 0 : i32
        %dma_start3A_47 = tpu.memref_slice %arg6[%mul3A_33, %dma_start3A_46] : memref<320000x128xf32, #tpu.memory_space<hbm>> -> memref<128x128xf32, #tpu.memory_space<hbm>>
        tpu.enqueue_dma source(%arg10 : memref<128x128xf32, #tpu.memory_space<vmem>>) target(%dma_start3A_47 : memref<128x128xf32, #tpu.memory_space<hbm>>) target_semaphore(%run_scoped3A : memref<!tpu.dma_semaphore, #tpu.memory_space<semaphore_mem>>)
        %dma_wait3A_48 = arith.constant 0 : i32
        %dma_wait3A_49 = tpu.memref_slice %arg6[%mul3A_33, %dma_wait3A_48] : memref<320000x128xf32, #tpu.memory_space<hbm>> -> memref<128x128xf32, #tpu.memory_space<hbm>>
        %dma_wait3A_50 = arith.constant 0 : i32
        %dma_wait3A_51 = tpu.memref_slice %arg6[%mul3A_33, %dma_wait3A_50] : memref<320000x128xf32, #tpu.memory_space<hbm>> -> memref<128x128xf32, #tpu.memory_space<hbm>>
        tpu.wait_dma2 semaphore(%run_scoped3A : memref<!tpu.dma_semaphore, #tpu.memory_space<semaphore_mem>>) src(%arg10 : memref<128x128xf32, #tpu.memory_space<vmem>>) dst(%dma_wait3A_51 : memref<128x128xf32, #tpu.memory_space<hbm>>)
        tpu.yield
      }) : () -> ()
      "tpu.region"() ({
        %run_scoped3A = tpu.sem_alloc : memref<!tpu.dma_semaphore, #tpu.memory_space<semaphore_mem>>
        %dma_start3A_44 = arith.constant 0 : i32
        %dma_start3A_45 = tpu.memref_slice %arg7[%mul3A_33, %dma_start3A_44] : memref<320000x256xf32, #tpu.memory_space<hbm>> -> memref<128x256xf32, #tpu.memory_space<hbm>>
        %dma_start3A_46 = arith.constant 0 : i32
        %dma_start3A_47 = tpu.memref_slice %arg7[%mul3A_33, %dma_start3A_46] : memref<320000x256xf32, #tpu.memory_space<hbm>> -> memref<128x256xf32, #tpu.memory_space<hbm>>
        tpu.enqueue_dma source(%arg11 : memref<128x256xf32, #tpu.memory_space<vmem>>) target(%dma_start3A_47 : memref<128x256xf32, #tpu.memory_space<hbm>>) target_semaphore(%run_scoped3A : memref<!tpu.dma_semaphore, #tpu.memory_space<semaphore_mem>>)
        %dma_wait3A_48 = arith.constant 0 : i32
        %dma_wait3A_49 = tpu.memref_slice %arg7[%mul3A_33, %dma_wait3A_48] : memref<320000x256xf32, #tpu.memory_space<hbm>> -> memref<128x256xf32, #tpu.memory_space<hbm>>
        %dma_wait3A_50 = arith.constant 0 : i32
        %dma_wait3A_51 = tpu.memref_slice %arg7[%mul3A_33, %dma_wait3A_50] : memref<320000x256xf32, #tpu.memory_space<hbm>> -> memref<128x256xf32, #tpu.memory_space<hbm>>
        tpu.wait_dma2 semaphore(%run_scoped3A : memref<!tpu.dma_semaphore, #tpu.memory_space<semaphore_mem>>) src(%arg11 : memref<128x256xf32, #tpu.memory_space<vmem>>) dst(%dma_wait3A_51 : memref<128x256xf32, #tpu.memory_space<hbm>>)
        tpu.yield
      }) : () -> ()
    }
    return
  }
}

#map = affine_map<(d0, d1) -> (0, 0)>
#map1 = affine_map<(d0, d1) -> (0)>
module attributes {stable_mosaic.version = 14 : i64} {
  func.func @body(%arg0: i32, %arg1: i32, %arg2: memref<320000x128xf32, #tpu.memory_space<hbm>>, %arg3: memref<320000xi32, #tpu.memory_space<hbm>>, %arg4: memref<640x128xf32, #tpu.memory_space<hbm>>, %arg5: memref<20480x128xf32, #tpu.memory_space<hbm>>, %arg6: memref<128x128xf32, #tpu.memory_space<vmem>>, %arg7: memref<128xi32, #tpu.memory_space<vmem>>, %arg8: memref<10240x128xf32, #tpu.memory_space<vmem_shared>>) attributes {dimension_semantics = [#tpu.dimension_semantics<core_parallel>, #tpu.dimension_semantics<subcore_parallel>], iteration_bounds = array<i64: 2, 16>, scalar_prefetch = 0 : i64, scratch_operands = 3 : i64, tpu.core_type = #tpu.core_type<sc_vector_subcore>, window_params = [{transform_indices = #map}, {transform_indices = #map1}, {transform_indices = #map}, {transform_indices = #map}]} {
    %mul3A = arith.constant 2 : i32
    %mul3A_0 = arith.muli %arg1, %mul3A : i32
    %add3A = arith.addi %mul3A_0, %arg0 : i32
    %mul3A_1 = arith.constant 640 : i32
    %mul3A_2 = arith.muli %arg1, %mul3A_1 : i32
    "tpu.region"() ({
      %run_scoped3A = tpu.sem_alloc : memref<!tpu.dma_semaphore, #tpu.memory_space<semaphore_mem>>
      %dma_start3A = arith.constant 0 : i32
      %dma_start3A_38 = tpu.memref_slice %arg8[%mul3A_2, %dma_start3A] : memref<10240x128xf32, #tpu.memory_space<vmem_shared>> -> memref<640x128xf32, #tpu.memory_space<vmem_shared>>
      tpu.enqueue_dma source(%arg4 : memref<640x128xf32, #tpu.memory_space<hbm>>) target(%dma_start3A_38 : memref<640x128xf32, #tpu.memory_space<vmem_shared>>) target_semaphore(%run_scoped3A : memref<!tpu.dma_semaphore, #tpu.memory_space<semaphore_mem>>)
      %dma_wait3A = arith.constant 0 : i32
      %dma_wait3A_39 = tpu.memref_slice %arg8[%mul3A_2, %dma_wait3A] : memref<10240x128xf32, #tpu.memory_space<vmem_shared>> -> memref<640x128xf32, #tpu.memory_space<vmem_shared>>
      tpu.wait_dma2 semaphore(%run_scoped3A : memref<!tpu.dma_semaphore, #tpu.memory_space<semaphore_mem>>) src(%arg4 : memref<640x128xf32, #tpu.memory_space<hbm>>) dst(%dma_wait3A_39 : memref<640x128xf32, #tpu.memory_space<vmem_shared>>)
      tpu.yield
    }) : () -> ()
    %barrier3A = arith.constant 0 : index
    tpu.barrier barrier_id(%barrier3A)
    %sub3A = arith.constant 2531 : i32
    %sub3A_3 = arith.subi %sub3A, %add3A : i32
    %jit3A = arith.constant 32 : i32
    %div3A = arith.divsi %sub3A_3, %jit3A : i32
    %sign3A = arith.constant 0 : i32
    %sign3A_4 = arith.cmpi sgt, %sub3A_3, %sign3A : i32
    %sign3A_5 = arith.extui %sign3A_4 : i1 to i32
    %sign3A_6 = arith.constant 0 : i32
    %sign3A_7 = arith.cmpi slt, %sub3A_3, %sign3A_6 : i32
    %sign3A_8 = arith.extui %sign3A_7 : i1 to i32
    %sign3A_9 = arith.subi %sign3A_5, %sign3A_8 : i32
    %sign3A_10 = arith.constant 0 : i32
    %sign3A_11 = arith.cmpi sgt, %jit3A, %sign3A_10 : i32
    %sign3A_12 = arith.extui %sign3A_11 : i1 to i32
    %sign3A_13 = arith.constant 0 : i32
    %sign3A_14 = arith.cmpi slt, %jit3A, %sign3A_13 : i32
    %sign3A_15 = arith.extui %sign3A_14 : i1 to i32
    %sign3A_16 = arith.subi %sign3A_12, %sign3A_15 : i32
    %ne3A = arith.cmpi ne, %sign3A_9, %sign3A_16 : i32
    %rem3A = arith.remsi %sub3A_3, %jit3A : i32
    %ne3A_17 = arith.constant 0 : i32
    %ne3A_18 = arith.cmpi ne, %rem3A, %ne3A_17 : i32
    %and3A = arith.andi %ne3A, %ne3A_18 : i1
    %sub3A_19 = arith.constant 1 : i32
    %sub3A_20 = arith.subi %div3A, %sub3A_19 : i32
    %select_n3A = arith.select %and3A, %sub3A_20, %div3A : i32
    %while3A = arith.constant 0 : i32
    %while3A_21 = arith.constant 0 : i32
    %while3A_22 = arith.subi %select_n3A, %while3A_21 : i32
    %while3A_23 = arith.addi %while3A_21, %while3A_22 : i32
    %while3A_24 = arith.constant 1 : i32
    %while3A_25 = arith.divsi %while3A_22, %while3A_24 : i32
    %while3A_26 = arith.muli %while3A_25, %while3A_24 : i32
    %while3A_27 = arith.addi %while3A_21, %while3A_26 : i32
    %while3A_28 = arith.constant 1 : i32
    scf.for %while3A_38 = %while3A_21 to %while3A_27 step %while3A_28  : i32 {
      %mul3A_39 = arith.constant 32 : i32
      %mul3A_40 = arith.muli %while3A_38, %mul3A_39 : i32
      %add3A_41 = arith.addi %add3A, %mul3A_40 : i32
      %mul3A_42 = arith.constant 128 : i32
      %mul3A_43 = arith.muli %add3A_41, %mul3A_42 : i32
      "tpu.region"() ({
        %run_scoped3A = tpu.sem_alloc : memref<!tpu.dma_semaphore, #tpu.memory_space<semaphore_mem>>
        %dma_start3A = tpu.memref_slice %arg3[%mul3A_43] : memref<320000xi32, #tpu.memory_space<hbm>> -> memref<128xi32, #tpu.memory_space<hbm>>
        %dma_start3A_44 = tpu.memref_slice %arg3[%mul3A_43] : memref<320000xi32, #tpu.memory_space<hbm>> -> memref<128xi32, #tpu.memory_space<hbm>>
        tpu.enqueue_dma source(%dma_start3A_44 : memref<128xi32, #tpu.memory_space<hbm>>) target(%arg7 : memref<128xi32, #tpu.memory_space<vmem>>) target_semaphore(%run_scoped3A : memref<!tpu.dma_semaphore, #tpu.memory_space<semaphore_mem>>)
        %dma_wait3A = tpu.memref_slice %arg3[%mul3A_43] : memref<320000xi32, #tpu.memory_space<hbm>> -> memref<128xi32, #tpu.memory_space<hbm>>
        %dma_wait3A_45 = tpu.memref_slice %arg3[%mul3A_43] : memref<320000xi32, #tpu.memory_space<hbm>> -> memref<128xi32, #tpu.memory_space<hbm>>
        tpu.wait_dma2 semaphore(%run_scoped3A : memref<!tpu.dma_semaphore, #tpu.memory_space<semaphore_mem>>) src(%dma_wait3A_45 : memref<128xi32, #tpu.memory_space<hbm>>) dst(%arg7 : memref<128xi32, #tpu.memory_space<vmem>>)
        tpu.yield
      }) : () -> ()
      "tpu.region"() ({
        %run_scoped3A = tpu.sem_alloc : memref<!tpu.dma_semaphore, #tpu.memory_space<semaphore_mem>>
        %dma_start3A = arith.constant 0 : i32
        %dma_start3A_44 = tpu.memref_slice %arg2[%mul3A_43, %dma_start3A] : memref<320000x128xf32, #tpu.memory_space<hbm>> -> memref<128x128xf32, #tpu.memory_space<hbm>>
        %dma_start3A_45 = arith.constant 0 : i32
        %dma_start3A_46 = tpu.memref_slice %arg2[%mul3A_43, %dma_start3A_45] : memref<320000x128xf32, #tpu.memory_space<hbm>> -> memref<128x128xf32, #tpu.memory_space<hbm>>
        tpu.enqueue_dma source(%dma_start3A_46 : memref<128x128xf32, #tpu.memory_space<hbm>>) target(%arg6 : memref<128x128xf32, #tpu.memory_space<vmem>>) target_semaphore(%run_scoped3A : memref<!tpu.dma_semaphore, #tpu.memory_space<semaphore_mem>>)
        %dma_wait3A = arith.constant 0 : i32
        %dma_wait3A_47 = tpu.memref_slice %arg2[%mul3A_43, %dma_wait3A] : memref<320000x128xf32, #tpu.memory_space<hbm>> -> memref<128x128xf32, #tpu.memory_space<hbm>>
        %dma_wait3A_48 = arith.constant 0 : i32
        %dma_wait3A_49 = tpu.memref_slice %arg2[%mul3A_43, %dma_wait3A_48] : memref<320000x128xf32, #tpu.memory_space<hbm>> -> memref<128x128xf32, #tpu.memory_space<hbm>>
        tpu.wait_dma2 semaphore(%run_scoped3A : memref<!tpu.dma_semaphore, #tpu.memory_space<semaphore_mem>>) src(%dma_wait3A_49 : memref<128x128xf32, #tpu.memory_space<hbm>>) dst(%arg6 : memref<128x128xf32, #tpu.memory_space<vmem>>)
        tpu.yield
      }) : () -> ()
      "tpu.region"() ({
        %run_scoped3A = tpu.sem_alloc : memref<!tpu.dma_semaphore, #tpu.memory_space<semaphore_mem>>
        %dma_start3A = arith.constant 0 : i32
        %dma_start3A_44 = arith.constant 0 : i32
        %dma_start3A_45 = tpu.memref_slice %arg8[%dma_start3A, %dma_start3A_44] : memref<10240x128xf32, #tpu.memory_space<vmem_shared>> -> memref<10240x128xf32, #tpu.memory_space<vmem_shared>>
        tpu.enqueue_indirect_dma source(%arg6 : memref<128x128xf32, #tpu.memory_space<vmem>>) target(%dma_start3A_45 : memref<10240x128xf32, #tpu.memory_space<vmem_shared>>) offsets(%arg7 : memref<128xi32, #tpu.memory_space<vmem>>) semaphore(%run_scoped3A : memref<!tpu.dma_semaphore, #tpu.memory_space<semaphore_mem>>) {add = true}
        %dma_wait3A = arith.constant 0 : i32
        %dma_wait3A_46 = arith.constant 0 : i32
        %dma_wait3A_47 = tpu.memref_slice %arg8[%dma_wait3A, %dma_wait3A_46] : memref<10240x128xf32, #tpu.memory_space<vmem_shared>> -> memref<10240x128xf32, #tpu.memory_space<vmem_shared>>
        tpu.wait_indirect_dma semaphore(%run_scoped3A : memref<!tpu.dma_semaphore, #tpu.memory_space<semaphore_mem>>) src(%arg6 : memref<128x128xf32, #tpu.memory_space<vmem>>) dst(%dma_wait3A_47 : memref<10240x128xf32, #tpu.memory_space<vmem_shared>>)
        tpu.yield
      }) : () -> ()
    }
    %while3A_29 = arith.constant 1 : i32
    scf.for %while3A_38 = %while3A_27 to %while3A_23 step %while3A_29  : i32 {
      %mul3A_39 = arith.constant 32 : i32
      %mul3A_40 = arith.muli %while3A_38, %mul3A_39 : i32
      %add3A_41 = arith.addi %add3A, %mul3A_40 : i32
      %mul3A_42 = arith.constant 128 : i32
      %mul3A_43 = arith.muli %add3A_41, %mul3A_42 : i32
      "tpu.region"() ({
        %run_scoped3A = tpu.sem_alloc : memref<!tpu.dma_semaphore, #tpu.memory_space<semaphore_mem>>
        %dma_start3A = tpu.memref_slice %arg3[%mul3A_43] : memref<320000xi32, #tpu.memory_space<hbm>> -> memref<128xi32, #tpu.memory_space<hbm>>
        %dma_start3A_44 = tpu.memref_slice %arg3[%mul3A_43] : memref<320000xi32, #tpu.memory_space<hbm>> -> memref<128xi32, #tpu.memory_space<hbm>>
        tpu.enqueue_dma source(%dma_start3A_44 : memref<128xi32, #tpu.memory_space<hbm>>) target(%arg7 : memref<128xi32, #tpu.memory_space<vmem>>) target_semaphore(%run_scoped3A : memref<!tpu.dma_semaphore, #tpu.memory_space<semaphore_mem>>)
        %dma_wait3A = tpu.memref_slice %arg3[%mul3A_43] : memref<320000xi32, #tpu.memory_space<hbm>> -> memref<128xi32, #tpu.memory_space<hbm>>
        %dma_wait3A_45 = tpu.memref_slice %arg3[%mul3A_43] : memref<320000xi32, #tpu.memory_space<hbm>> -> memref<128xi32, #tpu.memory_space<hbm>>
        tpu.wait_dma2 semaphore(%run_scoped3A : memref<!tpu.dma_semaphore, #tpu.memory_space<semaphore_mem>>) src(%dma_wait3A_45 : memref<128xi32, #tpu.memory_space<hbm>>) dst(%arg7 : memref<128xi32, #tpu.memory_space<vmem>>)
        tpu.yield
      }) : () -> ()
      "tpu.region"() ({
        %run_scoped3A = tpu.sem_alloc : memref<!tpu.dma_semaphore, #tpu.memory_space<semaphore_mem>>
        %dma_start3A = arith.constant 0 : i32
        %dma_start3A_44 = tpu.memref_slice %arg2[%mul3A_43, %dma_start3A] : memref<320000x128xf32, #tpu.memory_space<hbm>> -> memref<128x128xf32, #tpu.memory_space<hbm>>
        %dma_start3A_45 = arith.constant 0 : i32
        %dma_start3A_46 = tpu.memref_slice %arg2[%mul3A_43, %dma_start3A_45] : memref<320000x128xf32, #tpu.memory_space<hbm>> -> memref<128x128xf32, #tpu.memory_space<hbm>>
        tpu.enqueue_dma source(%dma_start3A_46 : memref<128x128xf32, #tpu.memory_space<hbm>>) target(%arg6 : memref<128x128xf32, #tpu.memory_space<vmem>>) target_semaphore(%run_scoped3A : memref<!tpu.dma_semaphore, #tpu.memory_space<semaphore_mem>>)
        %dma_wait3A = arith.constant 0 : i32
        %dma_wait3A_47 = tpu.memref_slice %arg2[%mul3A_43, %dma_wait3A] : memref<320000x128xf32, #tpu.memory_space<hbm>> -> memref<128x128xf32, #tpu.memory_space<hbm>>
        %dma_wait3A_48 = arith.constant 0 : i32
        %dma_wait3A_49 = tpu.memref_slice %arg2[%mul3A_43, %dma_wait3A_48] : memref<320000x128xf32, #tpu.memory_space<hbm>> -> memref<128x128xf32, #tpu.memory_space<hbm>>
        tpu.wait_dma2 semaphore(%run_scoped3A : memref<!tpu.dma_semaphore, #tpu.memory_space<semaphore_mem>>) src(%dma_wait3A_49 : memref<128x128xf32, #tpu.memory_space<hbm>>) dst(%arg6 : memref<128x128xf32, #tpu.memory_space<vmem>>)
        tpu.yield
      }) : () -> ()
      "tpu.region"() ({
        %run_scoped3A = tpu.sem_alloc : memref<!tpu.dma_semaphore, #tpu.memory_space<semaphore_mem>>
        %dma_start3A = arith.constant 0 : i32
        %dma_start3A_44 = arith.constant 0 : i32
        %dma_start3A_45 = tpu.memref_slice %arg8[%dma_start3A, %dma_start3A_44] : memref<10240x128xf32, #tpu.memory_space<vmem_shared>> -> memref<10240x128xf32, #tpu.memory_space<vmem_shared>>
        tpu.enqueue_indirect_dma source(%arg6 : memref<128x128xf32, #tpu.memory_space<vmem>>) target(%dma_start3A_45 : memref<10240x128xf32, #tpu.memory_space<vmem_shared>>) offsets(%arg7 : memref<128xi32, #tpu.memory_space<vmem>>) semaphore(%run_scoped3A : memref<!tpu.dma_semaphore, #tpu.memory_space<semaphore_mem>>) {add = true}
        %dma_wait3A = arith.constant 0 : i32
        %dma_wait3A_46 = arith.constant 0 : i32
        %dma_wait3A_47 = tpu.memref_slice %arg8[%dma_wait3A, %dma_wait3A_46] : memref<10240x128xf32, #tpu.memory_space<vmem_shared>> -> memref<10240x128xf32, #tpu.memory_space<vmem_shared>>
        tpu.wait_indirect_dma semaphore(%run_scoped3A : memref<!tpu.dma_semaphore, #tpu.memory_space<semaphore_mem>>) src(%arg6 : memref<128x128xf32, #tpu.memory_space<vmem>>) dst(%dma_wait3A_47 : memref<10240x128xf32, #tpu.memory_space<vmem_shared>>)
        tpu.yield
      }) : () -> ()
    }
    %barrier3A_30 = arith.constant 0 : index
    tpu.barrier barrier_id(%barrier3A_30)
    %mul3A_31 = arith.constant 640 : i32
    %mul3A_32 = arith.muli %arg1, %mul3A_31 : i32
    %mul3A_33 = arith.constant 10240 : i32
    %mul3A_34 = arith.muli %arg0, %mul3A_33 : i32
    %mul3A_35 = arith.constant 640 : i32
    %mul3A_36 = arith.muli %arg1, %mul3A_35 : i32
    %add3A_37 = arith.addi %mul3A_34, %mul3A_36 : i32
    "tpu.region"() ({
      %run_scoped3A = tpu.sem_alloc : memref<!tpu.dma_semaphore, #tpu.memory_space<semaphore_mem>>
      %dma_start3A = arith.constant 0 : i32
      %dma_start3A_38 = tpu.memref_slice %arg5[%add3A_37, %dma_start3A] : memref<20480x128xf32, #tpu.memory_space<hbm>> -> memref<640x128xf32, #tpu.memory_space<hbm>>
      %dma_start3A_39 = arith.constant 0 : i32
      %dma_start3A_40 = tpu.memref_slice %arg8[%mul3A_32, %dma_start3A_39] : memref<10240x128xf32, #tpu.memory_space<vmem_shared>> -> memref<640x128xf32, #tpu.memory_space<vmem_shared>>
      tpu.enqueue_dma source(%dma_start3A_40 : memref<640x128xf32, #tpu.memory_space<vmem_shared>>) target(%dma_start3A_38 : memref<640x128xf32, #tpu.memory_space<hbm>>) target_semaphore(%run_scoped3A : memref<!tpu.dma_semaphore, #tpu.memory_space<semaphore_mem>>)
      %dma_wait3A = arith.constant 0 : i32
      %dma_wait3A_41 = tpu.memref_slice %arg5[%add3A_37, %dma_wait3A] : memref<20480x128xf32, #tpu.memory_space<hbm>> -> memref<640x128xf32, #tpu.memory_space<hbm>>
      %dma_wait3A_42 = arith.constant 0 : i32
      %dma_wait3A_43 = tpu.memref_slice %arg8[%mul3A_32, %dma_wait3A_42] : memref<10240x128xf32, #tpu.memory_space<vmem_shared>> -> memref<640x128xf32, #tpu.memory_space<vmem_shared>>
      tpu.wait_dma2 semaphore(%run_scoped3A : memref<!tpu.dma_semaphore, #tpu.memory_space<semaphore_mem>>) src(%dma_wait3A_43 : memref<640x128xf32, #tpu.memory_space<vmem_shared>>) dst(%dma_wait3A_41 : memref<640x128xf32, #tpu.memory_space<hbm>>)
      tpu.yield
    }) : () -> ()
    return
  }
}

#map = affine_map<(d0, d1) -> (0, 0)>
#map1 = affine_map<(d0, d1) -> (0)>
module attributes {stable_mosaic.version = 14 : i64} {
  func.func @body(%arg0: i32, %arg1: i32, %arg2: memref<320000x128xf32, #tpu.memory_space<hbm>>, %arg3: memref<320000xi32, #tpu.memory_space<hbm>>, %arg4: memref<640x128xf32, #tpu.memory_space<hbm>>, %arg5: memref<20480x128xf32, #tpu.memory_space<hbm>>, %arg6: memref<128x128xf32, #tpu.memory_space<vmem>>, %arg7: memref<128xi32, #tpu.memory_space<vmem>>, %arg8: memref<10240x128xf32, #tpu.memory_space<vmem_shared>>) attributes {dimension_semantics = [#tpu.dimension_semantics<core_parallel>, #tpu.dimension_semantics<subcore_parallel>], iteration_bounds = array<i64: 2, 16>, scalar_prefetch = 0 : i64, scratch_operands = 3 : i64, tpu.core_type = #tpu.core_type<sc_vector_subcore>, window_params = [{transform_indices = #map}, {transform_indices = #map1}, {transform_indices = #map}, {transform_indices = #map}]} {
    %mul3A = arith.constant 2 : i32
    %mul3A_0 = arith.muli %arg1, %mul3A : i32
    %add3A = arith.addi %mul3A_0, %arg0 : i32
    %mul3A_1 = arith.constant 640 : i32
    %mul3A_2 = arith.muli %arg1, %mul3A_1 : i32
    "tpu.region"() ({
      %run_scoped3A = tpu.sem_alloc : memref<!tpu.dma_semaphore, #tpu.memory_space<semaphore_mem>>
      %dma_start3A = arith.constant 0 : i32
      %dma_start3A_38 = tpu.memref_slice %arg8[%mul3A_2, %dma_start3A] : memref<10240x128xf32, #tpu.memory_space<vmem_shared>> -> memref<640x128xf32, #tpu.memory_space<vmem_shared>>
      tpu.enqueue_dma source(%arg4 : memref<640x128xf32, #tpu.memory_space<hbm>>) target(%dma_start3A_38 : memref<640x128xf32, #tpu.memory_space<vmem_shared>>) target_semaphore(%run_scoped3A : memref<!tpu.dma_semaphore, #tpu.memory_space<semaphore_mem>>)
      %dma_wait3A = arith.constant 0 : i32
      %dma_wait3A_39 = tpu.memref_slice %arg8[%mul3A_2, %dma_wait3A] : memref<10240x128xf32, #tpu.memory_space<vmem_shared>> -> memref<640x128xf32, #tpu.memory_space<vmem_shared>>
      tpu.wait_dma2 semaphore(%run_scoped3A : memref<!tpu.dma_semaphore, #tpu.memory_space<semaphore_mem>>) src(%arg4 : memref<640x128xf32, #tpu.memory_space<hbm>>) dst(%dma_wait3A_39 : memref<640x128xf32, #tpu.memory_space<vmem_shared>>)
      tpu.yield
    }) : () -> ()
    %barrier3A = arith.constant 0 : index
    tpu.barrier barrier_id(%barrier3A)
    %sub3A = arith.constant 2531 : i32
    %sub3A_3 = arith.subi %sub3A, %add3A : i32
    %jit3A = arith.constant 32 : i32
    %div3A = arith.divsi %sub3A_3, %jit3A : i32
    %sign3A = arith.constant 0 : i32
    %sign3A_4 = arith.cmpi sgt, %sub3A_3, %sign3A : i32
    %sign3A_5 = arith.extui %sign3A_4 : i1 to i32
    %sign3A_6 = arith.constant 0 : i32
    %sign3A_7 = arith.cmpi slt, %sub3A_3, %sign3A_6 : i32
    %sign3A_8 = arith.extui %sign3A_7 : i1 to i32
    %sign3A_9 = arith.subi %sign3A_5, %sign3A_8 : i32
    %sign3A_10 = arith.constant 0 : i32
    %sign3A_11 = arith.cmpi sgt, %jit3A, %sign3A_10 : i32
    %sign3A_12 = arith.extui %sign3A_11 : i1 to i32
    %sign3A_13 = arith.constant 0 : i32
    %sign3A_14 = arith.cmpi slt, %jit3A, %sign3A_13 : i32
    %sign3A_15 = arith.extui %sign3A_14 : i1 to i32
    %sign3A_16 = arith.subi %sign3A_12, %sign3A_15 : i32
    %ne3A = arith.cmpi ne, %sign3A_9, %sign3A_16 : i32
    %rem3A = arith.remsi %sub3A_3, %jit3A : i32
    %ne3A_17 = arith.constant 0 : i32
    %ne3A_18 = arith.cmpi ne, %rem3A, %ne3A_17 : i32
    %and3A = arith.andi %ne3A, %ne3A_18 : i1
    %sub3A_19 = arith.constant 1 : i32
    %sub3A_20 = arith.subi %div3A, %sub3A_19 : i32
    %select_n3A = arith.select %and3A, %sub3A_20, %div3A : i32
    %while3A = arith.constant 0 : i32
    %while3A_21 = arith.constant 0 : i32
    %while3A_22 = arith.subi %select_n3A, %while3A_21 : i32
    %while3A_23 = arith.addi %while3A_21, %while3A_22 : i32
    %while3A_24 = arith.constant 1 : i32
    %while3A_25 = arith.divsi %while3A_22, %while3A_24 : i32
    %while3A_26 = arith.muli %while3A_25, %while3A_24 : i32
    %while3A_27 = arith.addi %while3A_21, %while3A_26 : i32
    %while3A_28 = arith.constant 1 : i32
    scf.for %while3A_38 = %while3A_21 to %while3A_27 step %while3A_28  : i32 {
      %mul3A_39 = arith.constant 32 : i32
      %mul3A_40 = arith.muli %while3A_38, %mul3A_39 : i32
      %add3A_41 = arith.addi %add3A, %mul3A_40 : i32
      %mul3A_42 = arith.constant 128 : i32
      %mul3A_43 = arith.muli %add3A_41, %mul3A_42 : i32
      "tpu.region"() ({
        %run_scoped3A = tpu.sem_alloc : memref<!tpu.dma_semaphore, #tpu.memory_space<semaphore_mem>>
        %dma_start3A = tpu.memref_slice %arg3[%mul3A_43] : memref<320000xi32, #tpu.memory_space<hbm>> -> memref<128xi32, #tpu.memory_space<hbm>>
        %dma_start3A_44 = tpu.memref_slice %arg3[%mul3A_43] : memref<320000xi32, #tpu.memory_space<hbm>> -> memref<128xi32, #tpu.memory_space<hbm>>
        tpu.enqueue_dma source(%dma_start3A_44 : memref<128xi32, #tpu.memory_space<hbm>>) target(%arg7 : memref<128xi32, #tpu.memory_space<vmem>>) target_semaphore(%run_scoped3A : memref<!tpu.dma_semaphore, #tpu.memory_space<semaphore_mem>>)
        %dma_wait3A = tpu.memref_slice %arg3[%mul3A_43] : memref<320000xi32, #tpu.memory_space<hbm>> -> memref<128xi32, #tpu.memory_space<hbm>>
        %dma_wait3A_45 = tpu.memref_slice %arg3[%mul3A_43] : memref<320000xi32, #tpu.memory_space<hbm>> -> memref<128xi32, #tpu.memory_space<hbm>>
        tpu.wait_dma2 semaphore(%run_scoped3A : memref<!tpu.dma_semaphore, #tpu.memory_space<semaphore_mem>>) src(%dma_wait3A_45 : memref<128xi32, #tpu.memory_space<hbm>>) dst(%arg7 : memref<128xi32, #tpu.memory_space<vmem>>)
        tpu.yield
      }) : () -> ()
      "tpu.region"() ({
        %run_scoped3A = tpu.sem_alloc : memref<!tpu.dma_semaphore, #tpu.memory_space<semaphore_mem>>
        %dma_start3A = arith.constant 0 : i32
        %dma_start3A_44 = tpu.memref_slice %arg2[%mul3A_43, %dma_start3A] : memref<320000x128xf32, #tpu.memory_space<hbm>> -> memref<128x128xf32, #tpu.memory_space<hbm>>
        %dma_start3A_45 = arith.constant 0 : i32
        %dma_start3A_46 = tpu.memref_slice %arg2[%mul3A_43, %dma_start3A_45] : memref<320000x128xf32, #tpu.memory_space<hbm>> -> memref<128x128xf32, #tpu.memory_space<hbm>>
        tpu.enqueue_dma source(%dma_start3A_46 : memref<128x128xf32, #tpu.memory_space<hbm>>) target(%arg6 : memref<128x128xf32, #tpu.memory_space<vmem>>) target_semaphore(%run_scoped3A : memref<!tpu.dma_semaphore, #tpu.memory_space<semaphore_mem>>)
        %dma_wait3A = arith.constant 0 : i32
        %dma_wait3A_47 = tpu.memref_slice %arg2[%mul3A_43, %dma_wait3A] : memref<320000x128xf32, #tpu.memory_space<hbm>> -> memref<128x128xf32, #tpu.memory_space<hbm>>
        %dma_wait3A_48 = arith.constant 0 : i32
        %dma_wait3A_49 = tpu.memref_slice %arg2[%mul3A_43, %dma_wait3A_48] : memref<320000x128xf32, #tpu.memory_space<hbm>> -> memref<128x128xf32, #tpu.memory_space<hbm>>
        tpu.wait_dma2 semaphore(%run_scoped3A : memref<!tpu.dma_semaphore, #tpu.memory_space<semaphore_mem>>) src(%dma_wait3A_49 : memref<128x128xf32, #tpu.memory_space<hbm>>) dst(%arg6 : memref<128x128xf32, #tpu.memory_space<vmem>>)
        tpu.yield
      }) : () -> ()
      "tpu.region"() ({
        %run_scoped3A = tpu.sem_alloc : memref<!tpu.dma_semaphore, #tpu.memory_space<semaphore_mem>>
        %dma_start3A = arith.constant 0 : i32
        %dma_start3A_44 = arith.constant 0 : i32
        %dma_start3A_45 = tpu.memref_slice %arg8[%dma_start3A, %dma_start3A_44] : memref<10240x128xf32, #tpu.memory_space<vmem_shared>> -> memref<10240x128xf32, #tpu.memory_space<vmem_shared>>
        tpu.enqueue_indirect_dma source(%arg6 : memref<128x128xf32, #tpu.memory_space<vmem>>) target(%dma_start3A_45 : memref<10240x128xf32, #tpu.memory_space<vmem_shared>>) offsets(%arg7 : memref<128xi32, #tpu.memory_space<vmem>>) semaphore(%run_scoped3A : memref<!tpu.dma_semaphore, #tpu.memory_space<semaphore_mem>>) {add = true}
        %dma_wait3A = arith.constant 0 : i32
        %dma_wait3A_46 = arith.constant 0 : i32
        %dma_wait3A_47 = tpu.memref_slice %arg8[%dma_wait3A, %dma_wait3A_46] : memref<10240x128xf32, #tpu.memory_space<vmem_shared>> -> memref<10240x128xf32, #tpu.memory_space<vmem_shared>>
        tpu.wait_indirect_dma semaphore(%run_scoped3A : memref<!tpu.dma_semaphore, #tpu.memory_space<semaphore_mem>>) src(%arg6 : memref<128x128xf32, #tpu.memory_space<vmem>>) dst(%dma_wait3A_47 : memref<10240x128xf32, #tpu.memory_space<vmem_shared>>)
        tpu.yield
      }) : () -> ()
    }
    %while3A_29 = arith.constant 1 : i32
    scf.for %while3A_38 = %while3A_27 to %while3A_23 step %while3A_29  : i32 {
      %mul3A_39 = arith.constant 32 : i32
      %mul3A_40 = arith.muli %while3A_38, %mul3A_39 : i32
      %add3A_41 = arith.addi %add3A, %mul3A_40 : i32
      %mul3A_42 = arith.constant 128 : i32
      %mul3A_43 = arith.muli %add3A_41, %mul3A_42 : i32
      "tpu.region"() ({
        %run_scoped3A = tpu.sem_alloc : memref<!tpu.dma_semaphore, #tpu.memory_space<semaphore_mem>>
        %dma_start3A = tpu.memref_slice %arg3[%mul3A_43] : memref<320000xi32, #tpu.memory_space<hbm>> -> memref<128xi32, #tpu.memory_space<hbm>>
        %dma_start3A_44 = tpu.memref_slice %arg3[%mul3A_43] : memref<320000xi32, #tpu.memory_space<hbm>> -> memref<128xi32, #tpu.memory_space<hbm>>
        tpu.enqueue_dma source(%dma_start3A_44 : memref<128xi32, #tpu.memory_space<hbm>>) target(%arg7 : memref<128xi32, #tpu.memory_space<vmem>>) target_semaphore(%run_scoped3A : memref<!tpu.dma_semaphore, #tpu.memory_space<semaphore_mem>>)
        %dma_wait3A = tpu.memref_slice %arg3[%mul3A_43] : memref<320000xi32, #tpu.memory_space<hbm>> -> memref<128xi32, #tpu.memory_space<hbm>>
        %dma_wait3A_45 = tpu.memref_slice %arg3[%mul3A_43] : memref<320000xi32, #tpu.memory_space<hbm>> -> memref<128xi32, #tpu.memory_space<hbm>>
        tpu.wait_dma2 semaphore(%run_scoped3A : memref<!tpu.dma_semaphore, #tpu.memory_space<semaphore_mem>>) src(%dma_wait3A_45 : memref<128xi32, #tpu.memory_space<hbm>>) dst(%arg7 : memref<128xi32, #tpu.memory_space<vmem>>)
        tpu.yield
      }) : () -> ()
      "tpu.region"() ({
        %run_scoped3A = tpu.sem_alloc : memref<!tpu.dma_semaphore, #tpu.memory_space<semaphore_mem>>
        %dma_start3A = arith.constant 0 : i32
        %dma_start3A_44 = tpu.memref_slice %arg2[%mul3A_43, %dma_start3A] : memref<320000x128xf32, #tpu.memory_space<hbm>> -> memref<128x128xf32, #tpu.memory_space<hbm>>
        %dma_start3A_45 = arith.constant 0 : i32
        %dma_start3A_46 = tpu.memref_slice %arg2[%mul3A_43, %dma_start3A_45] : memref<320000x128xf32, #tpu.memory_space<hbm>> -> memref<128x128xf32, #tpu.memory_space<hbm>>
        tpu.enqueue_dma source(%dma_start3A_46 : memref<128x128xf32, #tpu.memory_space<hbm>>) target(%arg6 : memref<128x128xf32, #tpu.memory_space<vmem>>) target_semaphore(%run_scoped3A : memref<!tpu.dma_semaphore, #tpu.memory_space<semaphore_mem>>)
        %dma_wait3A = arith.constant 0 : i32
        %dma_wait3A_47 = tpu.memref_slice %arg2[%mul3A_43, %dma_wait3A] : memref<320000x128xf32, #tpu.memory_space<hbm>> -> memref<128x128xf32, #tpu.memory_space<hbm>>
        %dma_wait3A_48 = arith.constant 0 : i32
        %dma_wait3A_49 = tpu.memref_slice %arg2[%mul3A_43, %dma_wait3A_48] : memref<320000x128xf32, #tpu.memory_space<hbm>> -> memref<128x128xf32, #tpu.memory_space<hbm>>
        tpu.wait_dma2 semaphore(%run_scoped3A : memref<!tpu.dma_semaphore, #tpu.memory_space<semaphore_mem>>) src(%dma_wait3A_49 : memref<128x128xf32, #tpu.memory_space<hbm>>) dst(%arg6 : memref<128x128xf32, #tpu.memory_space<vmem>>)
        tpu.yield
      }) : () -> ()
      "tpu.region"() ({
        %run_scoped3A = tpu.sem_alloc : memref<!tpu.dma_semaphore, #tpu.memory_space<semaphore_mem>>
        %dma_start3A = arith.constant 0 : i32
        %dma_start3A_44 = arith.constant 0 : i32
        %dma_start3A_45 = tpu.memref_slice %arg8[%dma_start3A, %dma_start3A_44] : memref<10240x128xf32, #tpu.memory_space<vmem_shared>> -> memref<10240x128xf32, #tpu.memory_space<vmem_shared>>
        tpu.enqueue_indirect_dma source(%arg6 : memref<128x128xf32, #tpu.memory_space<vmem>>) target(%dma_start3A_45 : memref<10240x128xf32, #tpu.memory_space<vmem_shared>>) offsets(%arg7 : memref<128xi32, #tpu.memory_space<vmem>>) semaphore(%run_scoped3A : memref<!tpu.dma_semaphore, #tpu.memory_space<semaphore_mem>>) {add = true}
        %dma_wait3A = arith.constant 0 : i32
        %dma_wait3A_46 = arith.constant 0 : i32
        %dma_wait3A_47 = tpu.memref_slice %arg8[%dma_wait3A, %dma_wait3A_46] : memref<10240x128xf32, #tpu.memory_space<vmem_shared>> -> memref<10240x128xf32, #tpu.memory_space<vmem_shared>>
        tpu.wait_indirect_dma semaphore(%run_scoped3A : memref<!tpu.dma_semaphore, #tpu.memory_space<semaphore_mem>>) src(%arg6 : memref<128x128xf32, #tpu.memory_space<vmem>>) dst(%dma_wait3A_47 : memref<10240x128xf32, #tpu.memory_space<vmem_shared>>)
        tpu.yield
      }) : () -> ()
    }
    %barrier3A_30 = arith.constant 0 : index
    tpu.barrier barrier_id(%barrier3A_30)
    %mul3A_31 = arith.constant 640 : i32
    %mul3A_32 = arith.muli %arg1, %mul3A_31 : i32
    %mul3A_33 = arith.constant 10240 : i32
    %mul3A_34 = arith.muli %arg0, %mul3A_33 : i32
    %mul3A_35 = arith.constant 640 : i32
    %mul3A_36 = arith.muli %arg1, %mul3A_35 : i32
    %add3A_37 = arith.addi %mul3A_34, %mul3A_36 : i32
    "tpu.region"() ({
      %run_scoped3A = tpu.sem_alloc : memref<!tpu.dma_semaphore, #tpu.memory_space<semaphore_mem>>
      %dma_start3A = arith.constant 0 : i32
      %dma_start3A_38 = tpu.memref_slice %arg5[%add3A_37, %dma_start3A] : memref<20480x128xf32, #tpu.memory_space<hbm>> -> memref<640x128xf32, #tpu.memory_space<hbm>>
      %dma_start3A_39 = arith.constant 0 : i32
      %dma_start3A_40 = tpu.memref_slice %arg8[%mul3A_32, %dma_start3A_39] : memref<10240x128xf32, #tpu.memory_space<vmem_shared>> -> memref<640x128xf32, #tpu.memory_space<vmem_shared>>
      tpu.enqueue_dma source(%dma_start3A_40 : memref<640x128xf32, #tpu.memory_space<vmem_shared>>) target(%dma_start3A_38 : memref<640x128xf32, #tpu.memory_space<hbm>>) target_semaphore(%run_scoped3A : memref<!tpu.dma_semaphore, #tpu.memory_space<semaphore_mem>>)
      %dma_wait3A = arith.constant 0 : i32
      %dma_wait3A_41 = tpu.memref_slice %arg5[%add3A_37, %dma_wait3A] : memref<20480x128xf32, #tpu.memory_space<hbm>> -> memref<640x128xf32, #tpu.memory_space<hbm>>
      %dma_wait3A_42 = arith.constant 0 : i32
      %dma_wait3A_43 = tpu.memref_slice %arg8[%mul3A_32, %dma_wait3A_42] : memref<10240x128xf32, #tpu.memory_space<vmem_shared>> -> memref<640x128xf32, #tpu.memory_space<vmem_shared>>
      tpu.wait_dma2 semaphore(%run_scoped3A : memref<!tpu.dma_semaphore, #tpu.memory_space<semaphore_mem>>) src(%dma_wait3A_43 : memref<640x128xf32, #tpu.memory_space<vmem_shared>>) dst(%dma_wait3A_41 : memref<640x128xf32, #tpu.memory_space<hbm>>)
      tpu.yield
    }) : () -> ()
    return
  }
}

#map = affine_map<(d0, d1) -> (0, 0)>
#map1 = affine_map<(d0, d1) -> (0)>
module attributes {stable_mosaic.version = 14 : i64} {
  func.func @body(%arg0: i32, %arg1: i32, %arg2: memref<10000x128xf32, #tpu.memory_space<hbm>>, %arg3: memref<10000x256xf32, #tpu.memory_space<hbm>>, %arg4: memref<320000xi32, #tpu.memory_space<hbm>>, %arg5: memref<320000xi32, #tpu.memory_space<hbm>>, %arg6: memref<320000x128xf32, #tpu.memory_space<hbm>>, %arg7: memref<320000x256xf32, #tpu.memory_space<hbm>>, %arg8: memref<128xi32, #tpu.memory_space<vmem>>, %arg9: memref<128xi32, #tpu.memory_space<vmem>>, %arg10: memref<128x128xf32, #tpu.memory_space<vmem>>, %arg11: memref<128x256xf32, #tpu.memory_space<vmem>>, %arg12: memref<!tpu.dma_semaphore, #tpu.memory_space<semaphore_mem>>, %arg13: memref<!tpu.dma_semaphore, #tpu.memory_space<semaphore_mem>>) attributes {dimension_semantics = [#tpu.dimension_semantics<core_parallel>, #tpu.dimension_semantics<subcore_parallel>], iteration_bounds = array<i64: 2, 16>, scalar_prefetch = 0 : i64, scratch_operands = 6 : i64, tpu.core_type = #tpu.core_type<sc_vector_subcore>, window_params = [{transform_indices = #map}, {transform_indices = #map}, {transform_indices = #map1}, {transform_indices = #map1}, {transform_indices = #map}, {transform_indices = #map}]} {
    %mul3A = arith.constant 2 : i32
    %mul3A_0 = arith.muli %arg1, %mul3A : i32
    %add3A = arith.addi %mul3A_0, %arg0 : i32
    %sub3A = arith.constant 2531 : i32
    %sub3A_1 = arith.subi %sub3A, %add3A : i32
    %jit3A = arith.constant 32 : i32
    %div3A = arith.divsi %sub3A_1, %jit3A : i32
    %sign3A = arith.constant 0 : i32
    %sign3A_2 = arith.cmpi sgt, %sub3A_1, %sign3A : i32
    %sign3A_3 = arith.extui %sign3A_2 : i1 to i32
    %sign3A_4 = arith.constant 0 : i32
    %sign3A_5 = arith.cmpi slt, %sub3A_1, %sign3A_4 : i32
    %sign3A_6 = arith.extui %sign3A_5 : i1 to i32
    %sign3A_7 = arith.subi %sign3A_3, %sign3A_6 : i32
    %sign3A_8 = arith.constant 0 : i32
    %sign3A_9 = arith.cmpi sgt, %jit3A, %sign3A_8 : i32
    %sign3A_10 = arith.extui %sign3A_9 : i1 to i32
    %sign3A_11 = arith.constant 0 : i32
    %sign3A_12 = arith.cmpi slt, %jit3A, %sign3A_11 : i32
    %sign3A_13 = arith.extui %sign3A_12 : i1 to i32
    %sign3A_14 = arith.subi %sign3A_10, %sign3A_13 : i32
    %ne3A = arith.cmpi ne, %sign3A_7, %sign3A_14 : i32
    %rem3A = arith.remsi %sub3A_1, %jit3A : i32
    %ne3A_15 = arith.constant 0 : i32
    %ne3A_16 = arith.cmpi ne, %rem3A, %ne3A_15 : i32
    %and3A = arith.andi %ne3A, %ne3A_16 : i1
    %sub3A_17 = arith.constant 1 : i32
    %sub3A_18 = arith.subi %div3A, %sub3A_17 : i32
    %select_n3A = arith.select %and3A, %sub3A_18, %div3A : i32
    %while3A = arith.constant 0 : i32
    %while3A_19 = arith.constant 0 : i32
    %while3A_20 = arith.subi %select_n3A, %while3A_19 : i32
    %while3A_21 = arith.addi %while3A_19, %while3A_20 : i32
    %while3A_22 = arith.constant 1 : i32
    %while3A_23 = arith.divsi %while3A_20, %while3A_22 : i32
    %while3A_24 = arith.muli %while3A_23, %while3A_22 : i32
    %while3A_25 = arith.addi %while3A_19, %while3A_24 : i32
    %while3A_26 = arith.constant 1 : i32
    scf.for %while3A_28 = %while3A_19 to %while3A_25 step %while3A_26  : i32 {
      %mul3A_29 = arith.constant 32 : i32
      %mul3A_30 = arith.muli %while3A_28, %mul3A_29 : i32
      %add3A_31 = arith.addi %add3A, %mul3A_30 : i32
      %mul3A_32 = arith.constant 128 : i32
      %mul3A_33 = arith.muli %add3A_31, %mul3A_32 : i32
      "tpu.region"() ({
        %run_scoped3A = tpu.sem_alloc : memref<!tpu.dma_semaphore, #tpu.memory_space<semaphore_mem>>
        %dma_start3A_44 = tpu.memref_slice %arg5[%mul3A_33] : memref<320000xi32, #tpu.memory_space<hbm>> -> memref<128xi32, #tpu.memory_space<hbm>>
        %dma_start3A_45 = tpu.memref_slice %arg5[%mul3A_33] : memref<320000xi32, #tpu.memory_space<hbm>> -> memref<128xi32, #tpu.memory_space<hbm>>
        tpu.enqueue_dma source(%dma_start3A_45 : memref<128xi32, #tpu.memory_space<hbm>>) target(%arg9 : memref<128xi32, #tpu.memory_space<vmem>>) target_semaphore(%run_scoped3A : memref<!tpu.dma_semaphore, #tpu.memory_space<semaphore_mem>>)
        %dma_wait3A_46 = tpu.memref_slice %arg5[%mul3A_33] : memref<320000xi32, #tpu.memory_space<hbm>> -> memref<128xi32, #tpu.memory_space<hbm>>
        %dma_wait3A_47 = tpu.memref_slice %arg5[%mul3A_33] : memref<320000xi32, #tpu.memory_space<hbm>> -> memref<128xi32, #tpu.memory_space<hbm>>
        tpu.wait_dma2 semaphore(%run_scoped3A : memref<!tpu.dma_semaphore, #tpu.memory_space<semaphore_mem>>) src(%dma_wait3A_47 : memref<128xi32, #tpu.memory_space<hbm>>) dst(%arg9 : memref<128xi32, #tpu.memory_space<vmem>>)
        tpu.yield
      }) : () -> ()
      "tpu.region"() ({
        %run_scoped3A = tpu.sem_alloc : memref<!tpu.dma_semaphore, #tpu.memory_space<semaphore_mem>>
        %dma_start3A_44 = tpu.memref_slice %arg4[%mul3A_33] : memref<320000xi32, #tpu.memory_space<hbm>> -> memref<128xi32, #tpu.memory_space<hbm>>
        %dma_start3A_45 = tpu.memref_slice %arg4[%mul3A_33] : memref<320000xi32, #tpu.memory_space<hbm>> -> memref<128xi32, #tpu.memory_space<hbm>>
        tpu.enqueue_dma source(%dma_start3A_45 : memref<128xi32, #tpu.memory_space<hbm>>) target(%arg8 : memref<128xi32, #tpu.memory_space<vmem>>) target_semaphore(%run_scoped3A : memref<!tpu.dma_semaphore, #tpu.memory_space<semaphore_mem>>)
        %dma_wait3A_46 = tpu.memref_slice %arg4[%mul3A_33] : memref<320000xi32, #tpu.memory_space<hbm>> -> memref<128xi32, #tpu.memory_space<hbm>>
        %dma_wait3A_47 = tpu.memref_slice %arg4[%mul3A_33] : memref<320000xi32, #tpu.memory_space<hbm>> -> memref<128xi32, #tpu.memory_space<hbm>>
        tpu.wait_dma2 semaphore(%run_scoped3A : memref<!tpu.dma_semaphore, #tpu.memory_space<semaphore_mem>>) src(%dma_wait3A_47 : memref<128xi32, #tpu.memory_space<hbm>>) dst(%arg8 : memref<128xi32, #tpu.memory_space<vmem>>)
        tpu.yield
      }) : () -> ()
      %dma_start3A = arith.constant 0 : i32
      %dma_start3A_34 = arith.constant 0 : i32
      %dma_start3A_35 = tpu.memref_slice %arg2[%dma_start3A, %dma_start3A_34] : memref<10000x128xf32, #tpu.memory_space<hbm>> -> memref<10000x128xf32, #tpu.memory_space<hbm>>
      tpu.enqueue_indirect_dma source(%dma_start3A_35 : memref<10000x128xf32, #tpu.memory_space<hbm>>) target(%arg10 : memref<128x128xf32, #tpu.memory_space<vmem>>) offsets(%arg9 : memref<128xi32, #tpu.memory_space<vmem>>) semaphore(%arg12 : memref<!tpu.dma_semaphore, #tpu.memory_space<semaphore_mem>>)
      %dma_start3A_36 = arith.constant 0 : i32
      %dma_start3A_37 = arith.constant 0 : i32
      %dma_start3A_38 = tpu.memref_slice %arg3[%dma_start3A_36, %dma_start3A_37] : memref<10000x256xf32, #tpu.memory_space<hbm>> -> memref<10000x256xf32, #tpu.memory_space<hbm>>
      tpu.enqueue_indirect_dma source(%dma_start3A_38 : memref<10000x256xf32, #tpu.memory_space<hbm>>) target(%arg11 : memref<128x256xf32, #tpu.memory_space<vmem>>) offsets(%arg8 : memref<128xi32, #tpu.memory_space<vmem>>) semaphore(%arg13 : memref<!tpu.dma_semaphore, #tpu.memory_space<semaphore_mem>>)
      %dma_wait3A = arith.constant 0 : i32
      %dma_wait3A_39 = arith.constant 0 : i32
      %dma_wait3A_40 = tpu.memref_slice %arg2[%dma_wait3A, %dma_wait3A_39] : memref<10000x128xf32, #tpu.memory_space<hbm>> -> memref<10000x128xf32, #tpu.memory_space<hbm>>
      tpu.wait_indirect_dma semaphore(%arg12 : memref<!tpu.dma_semaphore, #tpu.memory_space<semaphore_mem>>) src(%dma_wait3A_40 : memref<10000x128xf32, #tpu.memory_space<hbm>>) dst(%arg10 : memref<128x128xf32, #tpu.memory_space<vmem>>)
      %dma_wait3A_41 = arith.constant 0 : i32
      %dma_wait3A_42 = arith.constant 0 : i32
      %dma_wait3A_43 = tpu.memref_slice %arg3[%dma_wait3A_41, %dma_wait3A_42] : memref<10000x256xf32, #tpu.memory_space<hbm>> -> memref<10000x256xf32, #tpu.memory_space<hbm>>
      tpu.wait_indirect_dma semaphore(%arg13 : memref<!tpu.dma_semaphore, #tpu.memory_space<semaphore_mem>>) src(%dma_wait3A_43 : memref<10000x256xf32, #tpu.memory_space<hbm>>) dst(%arg11 : memref<128x256xf32, #tpu.memory_space<vmem>>)
      "tpu.region"() ({
        %run_scoped3A = tpu.sem_alloc : memref<!tpu.dma_semaphore, #tpu.memory_space<semaphore_mem>>
        %dma_start3A_44 = arith.constant 0 : i32
        %dma_start3A_45 = tpu.memref_slice %arg6[%mul3A_33, %dma_start3A_44] : memref<320000x128xf32, #tpu.memory_space<hbm>> -> memref<128x128xf32, #tpu.memory_space<hbm>>
        %dma_start3A_46 = arith.constant 0 : i32
        %dma_start3A_47 = tpu.memref_slice %arg6[%mul3A_33, %dma_start3A_46] : memref<320000x128xf32, #tpu.memory_space<hbm>> -> memref<128x128xf32, #tpu.memory_space<hbm>>
        tpu.enqueue_dma source(%arg10 : memref<128x128xf32, #tpu.memory_space<vmem>>) target(%dma_start3A_47 : memref<128x128xf32, #tpu.memory_space<hbm>>) target_semaphore(%run_scoped3A : memref<!tpu.dma_semaphore, #tpu.memory_space<semaphore_mem>>)
        %dma_wait3A_48 = arith.constant 0 : i32
        %dma_wait3A_49 = tpu.memref_slice %arg6[%mul3A_33, %dma_wait3A_48] : memref<320000x128xf32, #tpu.memory_space<hbm>> -> memref<128x128xf32, #tpu.memory_space<hbm>>
        %dma_wait3A_50 = arith.constant 0 : i32
        %dma_wait3A_51 = tpu.memref_slice %arg6[%mul3A_33, %dma_wait3A_50] : memref<320000x128xf32, #tpu.memory_space<hbm>> -> memref<128x128xf32, #tpu.memory_space<hbm>>
        tpu.wait_dma2 semaphore(%run_scoped3A : memref<!tpu.dma_semaphore, #tpu.memory_space<semaphore_mem>>) src(%arg10 : memref<128x128xf32, #tpu.memory_space<vmem>>) dst(%dma_wait3A_51 : memref<128x128xf32, #tpu.memory_space<hbm>>)
        tpu.yield
      }) : () -> ()
      "tpu.region"() ({
        %run_scoped3A = tpu.sem_alloc : memref<!tpu.dma_semaphore, #tpu.memory_space<semaphore_mem>>
        %dma_start3A_44 = arith.constant 0 : i32
        %dma_start3A_45 = tpu.memref_slice %arg7[%mul3A_33, %dma_start3A_44] : memref<320000x256xf32, #tpu.memory_space<hbm>> -> memref<128x256xf32, #tpu.memory_space<hbm>>
        %dma_start3A_46 = arith.constant 0 : i32
        %dma_start3A_47 = tpu.memref_slice %arg7[%mul3A_33, %dma_start3A_46] : memref<320000x256xf32, #tpu.memory_space<hbm>> -> memref<128x256xf32, #tpu.memory_space<hbm>>
        tpu.enqueue_dma source(%arg11 : memref<128x256xf32, #tpu.memory_space<vmem>>) target(%dma_start3A_47 : memref<128x256xf32, #tpu.memory_space<hbm>>) target_semaphore(%run_scoped3A : memref<!tpu.dma_semaphore, #tpu.memory_space<semaphore_mem>>)
        %dma_wait3A_48 = arith.constant 0 : i32
        %dma_wait3A_49 = tpu.memref_slice %arg7[%mul3A_33, %dma_wait3A_48] : memref<320000x256xf32, #tpu.memory_space<hbm>> -> memref<128x256xf32, #tpu.memory_space<hbm>>
        %dma_wait3A_50 = arith.constant 0 : i32
        %dma_wait3A_51 = tpu.memref_slice %arg7[%mul3A_33, %dma_wait3A_50] : memref<320000x256xf32, #tpu.memory_space<hbm>> -> memref<128x256xf32, #tpu.memory_space<hbm>>
        tpu.wait_dma2 semaphore(%run_scoped3A : memref<!tpu.dma_semaphore, #tpu.memory_space<semaphore_mem>>) src(%arg11 : memref<128x256xf32, #tpu.memory_space<vmem>>) dst(%dma_wait3A_51 : memref<128x256xf32, #tpu.memory_space<hbm>>)
        tpu.yield
      }) : () -> ()
    }
    %while3A_27 = arith.constant 1 : i32
    scf.for %while3A_28 = %while3A_25 to %while3A_21 step %while3A_27  : i32 {
      %mul3A_29 = arith.constant 32 : i32
      %mul3A_30 = arith.muli %while3A_28, %mul3A_29 : i32
      %add3A_31 = arith.addi %add3A, %mul3A_30 : i32
      %mul3A_32 = arith.constant 128 : i32
      %mul3A_33 = arith.muli %add3A_31, %mul3A_32 : i32
      "tpu.region"() ({
        %run_scoped3A = tpu.sem_alloc : memref<!tpu.dma_semaphore, #tpu.memory_space<semaphore_mem>>
        %dma_start3A_44 = tpu.memref_slice %arg5[%mul3A_33] : memref<320000xi32, #tpu.memory_space<hbm>> -> memref<128xi32, #tpu.memory_space<hbm>>
        %dma_start3A_45 = tpu.memref_slice %arg5[%mul3A_33] : memref<320000xi32, #tpu.memory_space<hbm>> -> memref<128xi32, #tpu.memory_space<hbm>>
        tpu.enqueue_dma source(%dma_start3A_45 : memref<128xi32, #tpu.memory_space<hbm>>) target(%arg9 : memref<128xi32, #tpu.memory_space<vmem>>) target_semaphore(%run_scoped3A : memref<!tpu.dma_semaphore, #tpu.memory_space<semaphore_mem>>)
        %dma_wait3A_46 = tpu.memref_slice %arg5[%mul3A_33] : memref<320000xi32, #tpu.memory_space<hbm>> -> memref<128xi32, #tpu.memory_space<hbm>>
        %dma_wait3A_47 = tpu.memref_slice %arg5[%mul3A_33] : memref<320000xi32, #tpu.memory_space<hbm>> -> memref<128xi32, #tpu.memory_space<hbm>>
        tpu.wait_dma2 semaphore(%run_scoped3A : memref<!tpu.dma_semaphore, #tpu.memory_space<semaphore_mem>>) src(%dma_wait3A_47 : memref<128xi32, #tpu.memory_space<hbm>>) dst(%arg9 : memref<128xi32, #tpu.memory_space<vmem>>)
        tpu.yield
      }) : () -> ()
      "tpu.region"() ({
        %run_scoped3A = tpu.sem_alloc : memref<!tpu.dma_semaphore, #tpu.memory_space<semaphore_mem>>
        %dma_start3A_44 = tpu.memref_slice %arg4[%mul3A_33] : memref<320000xi32, #tpu.memory_space<hbm>> -> memref<128xi32, #tpu.memory_space<hbm>>
        %dma_start3A_45 = tpu.memref_slice %arg4[%mul3A_33] : memref<320000xi32, #tpu.memory_space<hbm>> -> memref<128xi32, #tpu.memory_space<hbm>>
        tpu.enqueue_dma source(%dma_start3A_45 : memref<128xi32, #tpu.memory_space<hbm>>) target(%arg8 : memref<128xi32, #tpu.memory_space<vmem>>) target_semaphore(%run_scoped3A : memref<!tpu.dma_semaphore, #tpu.memory_space<semaphore_mem>>)
        %dma_wait3A_46 = tpu.memref_slice %arg4[%mul3A_33] : memref<320000xi32, #tpu.memory_space<hbm>> -> memref<128xi32, #tpu.memory_space<hbm>>
        %dma_wait3A_47 = tpu.memref_slice %arg4[%mul3A_33] : memref<320000xi32, #tpu.memory_space<hbm>> -> memref<128xi32, #tpu.memory_space<hbm>>
        tpu.wait_dma2 semaphore(%run_scoped3A : memref<!tpu.dma_semaphore, #tpu.memory_space<semaphore_mem>>) src(%dma_wait3A_47 : memref<128xi32, #tpu.memory_space<hbm>>) dst(%arg8 : memref<128xi32, #tpu.memory_space<vmem>>)
        tpu.yield
      }) : () -> ()
      %dma_start3A = arith.constant 0 : i32
      %dma_start3A_34 = arith.constant 0 : i32
      %dma_start3A_35 = tpu.memref_slice %arg2[%dma_start3A, %dma_start3A_34] : memref<10000x128xf32, #tpu.memory_space<hbm>> -> memref<10000x128xf32, #tpu.memory_space<hbm>>
      tpu.enqueue_indirect_dma source(%dma_start3A_35 : memref<10000x128xf32, #tpu.memory_space<hbm>>) target(%arg10 : memref<128x128xf32, #tpu.memory_space<vmem>>) offsets(%arg9 : memref<128xi32, #tpu.memory_space<vmem>>) semaphore(%arg12 : memref<!tpu.dma_semaphore, #tpu.memory_space<semaphore_mem>>)
      %dma_start3A_36 = arith.constant 0 : i32
      %dma_start3A_37 = arith.constant 0 : i32
      %dma_start3A_38 = tpu.memref_slice %arg3[%dma_start3A_36, %dma_start3A_37] : memref<10000x256xf32, #tpu.memory_space<hbm>> -> memref<10000x256xf32, #tpu.memory_space<hbm>>
      tpu.enqueue_indirect_dma source(%dma_start3A_38 : memref<10000x256xf32, #tpu.memory_space<hbm>>) target(%arg11 : memref<128x256xf32, #tpu.memory_space<vmem>>) offsets(%arg8 : memref<128xi32, #tpu.memory_space<vmem>>) semaphore(%arg13 : memref<!tpu.dma_semaphore, #tpu.memory_space<semaphore_mem>>)
      %dma_wait3A = arith.constant 0 : i32
      %dma_wait3A_39 = arith.constant 0 : i32
      %dma_wait3A_40 = tpu.memref_slice %arg2[%dma_wait3A, %dma_wait3A_39] : memref<10000x128xf32, #tpu.memory_space<hbm>> -> memref<10000x128xf32, #tpu.memory_space<hbm>>
      tpu.wait_indirect_dma semaphore(%arg12 : memref<!tpu.dma_semaphore, #tpu.memory_space<semaphore_mem>>) src(%dma_wait3A_40 : memref<10000x128xf32, #tpu.memory_space<hbm>>) dst(%arg10 : memref<128x128xf32, #tpu.memory_space<vmem>>)
      %dma_wait3A_41 = arith.constant 0 : i32
      %dma_wait3A_42 = arith.constant 0 : i32
      %dma_wait3A_43 = tpu.memref_slice %arg3[%dma_wait3A_41, %dma_wait3A_42] : memref<10000x256xf32, #tpu.memory_space<hbm>> -> memref<10000x256xf32, #tpu.memory_space<hbm>>
      tpu.wait_indirect_dma semaphore(%arg13 : memref<!tpu.dma_semaphore, #tpu.memory_space<semaphore_mem>>) src(%dma_wait3A_43 : memref<10000x256xf32, #tpu.memory_space<hbm>>) dst(%arg11 : memref<128x256xf32, #tpu.memory_space<vmem>>)
      "tpu.region"() ({
        %run_scoped3A = tpu.sem_alloc : memref<!tpu.dma_semaphore, #tpu.memory_space<semaphore_mem>>
        %dma_start3A_44 = arith.constant 0 : i32
        %dma_start3A_45 = tpu.memref_slice %arg6[%mul3A_33, %dma_start3A_44] : memref<320000x128xf32, #tpu.memory_space<hbm>> -> memref<128x128xf32, #tpu.memory_space<hbm>>
        %dma_start3A_46 = arith.constant 0 : i32
        %dma_start3A_47 = tpu.memref_slice %arg6[%mul3A_33, %dma_start3A_46] : memref<320000x128xf32, #tpu.memory_space<hbm>> -> memref<128x128xf32, #tpu.memory_space<hbm>>
        tpu.enqueue_dma source(%arg10 : memref<128x128xf32, #tpu.memory_space<vmem>>) target(%dma_start3A_47 : memref<128x128xf32, #tpu.memory_space<hbm>>) target_semaphore(%run_scoped3A : memref<!tpu.dma_semaphore, #tpu.memory_space<semaphore_mem>>)
        %dma_wait3A_48 = arith.constant 0 : i32
        %dma_wait3A_49 = tpu.memref_slice %arg6[%mul3A_33, %dma_wait3A_48] : memref<320000x128xf32, #tpu.memory_space<hbm>> -> memref<128x128xf32, #tpu.memory_space<hbm>>
        %dma_wait3A_50 = arith.constant 0 : i32
        %dma_wait3A_51 = tpu.memref_slice %arg6[%mul3A_33, %dma_wait3A_50] : memref<320000x128xf32, #tpu.memory_space<hbm>> -> memref<128x128xf32, #tpu.memory_space<hbm>>
        tpu.wait_dma2 semaphore(%run_scoped3A : memref<!tpu.dma_semaphore, #tpu.memory_space<semaphore_mem>>) src(%arg10 : memref<128x128xf32, #tpu.memory_space<vmem>>) dst(%dma_wait3A_51 : memref<128x128xf32, #tpu.memory_space<hbm>>)
        tpu.yield
      }) : () -> ()
      "tpu.region"() ({
        %run_scoped3A = tpu.sem_alloc : memref<!tpu.dma_semaphore, #tpu.memory_space<semaphore_mem>>
        %dma_start3A_44 = arith.constant 0 : i32
        %dma_start3A_45 = tpu.memref_slice %arg7[%mul3A_33, %dma_start3A_44] : memref<320000x256xf32, #tpu.memory_space<hbm>> -> memref<128x256xf32, #tpu.memory_space<hbm>>
        %dma_start3A_46 = arith.constant 0 : i32
        %dma_start3A_47 = tpu.memref_slice %arg7[%mul3A_33, %dma_start3A_46] : memref<320000x256xf32, #tpu.memory_space<hbm>> -> memref<128x256xf32, #tpu.memory_space<hbm>>
        tpu.enqueue_dma source(%arg11 : memref<128x256xf32, #tpu.memory_space<vmem>>) target(%dma_start3A_47 : memref<128x256xf32, #tpu.memory_space<hbm>>) target_semaphore(%run_scoped3A : memref<!tpu.dma_semaphore, #tpu.memory_space<semaphore_mem>>)
        %dma_wait3A_48 = arith.constant 0 : i32
        %dma_wait3A_49 = tpu.memref_slice %arg7[%mul3A_33, %dma_wait3A_48] : memref<320000x256xf32, #tpu.memory_space<hbm>> -> memref<128x256xf32, #tpu.memory_space<hbm>>
        %dma_wait3A_50 = arith.constant 0 : i32
        %dma_wait3A_51 = tpu.memref_slice %arg7[%mul3A_33, %dma_wait3A_50] : memref<320000x256xf32, #tpu.memory_space<hbm>> -> memref<128x256xf32, #tpu.memory_space<hbm>>
        tpu.wait_dma2 semaphore(%run_scoped3A : memref<!tpu.dma_semaphore, #tpu.memory_space<semaphore_mem>>) src(%arg11 : memref<128x256xf32, #tpu.memory_space<vmem>>) dst(%dma_wait3A_51 : memref<128x256xf32, #tpu.memory_space<hbm>>)
        tpu.yield
      }) : () -> ()
    }
    return
  }
}

#map = affine_map<(d0, d1) -> (0, 0)>
#map1 = affine_map<(d0, d1) -> (0)>
module attributes {stable_mosaic.version = 14 : i64} {
  func.func @body(%arg0: i32, %arg1: i32, %arg2: memref<320000x128xf32, #tpu.memory_space<hbm>>, %arg3: memref<320000xi32, #tpu.memory_space<hbm>>, %arg4: memref<640x128xf32, #tpu.memory_space<hbm>>, %arg5: memref<20480x128xf32, #tpu.memory_space<hbm>>, %arg6: memref<128x128xf32, #tpu.memory_space<vmem>>, %arg7: memref<128xi32, #tpu.memory_space<vmem>>, %arg8: memref<10240x128xf32, #tpu.memory_space<vmem_shared>>) attributes {dimension_semantics = [#tpu.dimension_semantics<core_parallel>, #tpu.dimension_semantics<subcore_parallel>], iteration_bounds = array<i64: 2, 16>, scalar_prefetch = 0 : i64, scratch_operands = 3 : i64, tpu.core_type = #tpu.core_type<sc_vector_subcore>, window_params = [{transform_indices = #map}, {transform_indices = #map1}, {transform_indices = #map}, {transform_indices = #map}]} {
    %mul3A = arith.constant 2 : i32
    %mul3A_0 = arith.muli %arg1, %mul3A : i32
    %add3A = arith.addi %mul3A_0, %arg0 : i32
    %mul3A_1 = arith.constant 640 : i32
    %mul3A_2 = arith.muli %arg1, %mul3A_1 : i32
    "tpu.region"() ({
      %run_scoped3A = tpu.sem_alloc : memref<!tpu.dma_semaphore, #tpu.memory_space<semaphore_mem>>
      %dma_start3A = arith.constant 0 : i32
      %dma_start3A_38 = tpu.memref_slice %arg8[%mul3A_2, %dma_start3A] : memref<10240x128xf32, #tpu.memory_space<vmem_shared>> -> memref<640x128xf32, #tpu.memory_space<vmem_shared>>
      tpu.enqueue_dma source(%arg4 : memref<640x128xf32, #tpu.memory_space<hbm>>) target(%dma_start3A_38 : memref<640x128xf32, #tpu.memory_space<vmem_shared>>) target_semaphore(%run_scoped3A : memref<!tpu.dma_semaphore, #tpu.memory_space<semaphore_mem>>)
      %dma_wait3A = arith.constant 0 : i32
      %dma_wait3A_39 = tpu.memref_slice %arg8[%mul3A_2, %dma_wait3A] : memref<10240x128xf32, #tpu.memory_space<vmem_shared>> -> memref<640x128xf32, #tpu.memory_space<vmem_shared>>
      tpu.wait_dma2 semaphore(%run_scoped3A : memref<!tpu.dma_semaphore, #tpu.memory_space<semaphore_mem>>) src(%arg4 : memref<640x128xf32, #tpu.memory_space<hbm>>) dst(%dma_wait3A_39 : memref<640x128xf32, #tpu.memory_space<vmem_shared>>)
      tpu.yield
    }) : () -> ()
    %barrier3A = arith.constant 0 : index
    tpu.barrier barrier_id(%barrier3A)
    %sub3A = arith.constant 2531 : i32
    %sub3A_3 = arith.subi %sub3A, %add3A : i32
    %jit3A = arith.constant 32 : i32
    %div3A = arith.divsi %sub3A_3, %jit3A : i32
    %sign3A = arith.constant 0 : i32
    %sign3A_4 = arith.cmpi sgt, %sub3A_3, %sign3A : i32
    %sign3A_5 = arith.extui %sign3A_4 : i1 to i32
    %sign3A_6 = arith.constant 0 : i32
    %sign3A_7 = arith.cmpi slt, %sub3A_3, %sign3A_6 : i32
    %sign3A_8 = arith.extui %sign3A_7 : i1 to i32
    %sign3A_9 = arith.subi %sign3A_5, %sign3A_8 : i32
    %sign3A_10 = arith.constant 0 : i32
    %sign3A_11 = arith.cmpi sgt, %jit3A, %sign3A_10 : i32
    %sign3A_12 = arith.extui %sign3A_11 : i1 to i32
    %sign3A_13 = arith.constant 0 : i32
    %sign3A_14 = arith.cmpi slt, %jit3A, %sign3A_13 : i32
    %sign3A_15 = arith.extui %sign3A_14 : i1 to i32
    %sign3A_16 = arith.subi %sign3A_12, %sign3A_15 : i32
    %ne3A = arith.cmpi ne, %sign3A_9, %sign3A_16 : i32
    %rem3A = arith.remsi %sub3A_3, %jit3A : i32
    %ne3A_17 = arith.constant 0 : i32
    %ne3A_18 = arith.cmpi ne, %rem3A, %ne3A_17 : i32
    %and3A = arith.andi %ne3A, %ne3A_18 : i1
    %sub3A_19 = arith.constant 1 : i32
    %sub3A_20 = arith.subi %div3A, %sub3A_19 : i32
    %select_n3A = arith.select %and3A, %sub3A_20, %div3A : i32
    %while3A = arith.constant 0 : i32
    %while3A_21 = arith.constant 0 : i32
    %while3A_22 = arith.subi %select_n3A, %while3A_21 : i32
    %while3A_23 = arith.addi %while3A_21, %while3A_22 : i32
    %while3A_24 = arith.constant 1 : i32
    %while3A_25 = arith.divsi %while3A_22, %while3A_24 : i32
    %while3A_26 = arith.muli %while3A_25, %while3A_24 : i32
    %while3A_27 = arith.addi %while3A_21, %while3A_26 : i32
    %while3A_28 = arith.constant 1 : i32
    scf.for %while3A_38 = %while3A_21 to %while3A_27 step %while3A_28  : i32 {
      %mul3A_39 = arith.constant 32 : i32
      %mul3A_40 = arith.muli %while3A_38, %mul3A_39 : i32
      %add3A_41 = arith.addi %add3A, %mul3A_40 : i32
      %mul3A_42 = arith.constant 128 : i32
      %mul3A_43 = arith.muli %add3A_41, %mul3A_42 : i32
      "tpu.region"() ({
        %run_scoped3A = tpu.sem_alloc : memref<!tpu.dma_semaphore, #tpu.memory_space<semaphore_mem>>
        %dma_start3A = tpu.memref_slice %arg3[%mul3A_43] : memref<320000xi32, #tpu.memory_space<hbm>> -> memref<128xi32, #tpu.memory_space<hbm>>
        %dma_start3A_44 = tpu.memref_slice %arg3[%mul3A_43] : memref<320000xi32, #tpu.memory_space<hbm>> -> memref<128xi32, #tpu.memory_space<hbm>>
        tpu.enqueue_dma source(%dma_start3A_44 : memref<128xi32, #tpu.memory_space<hbm>>) target(%arg7 : memref<128xi32, #tpu.memory_space<vmem>>) target_semaphore(%run_scoped3A : memref<!tpu.dma_semaphore, #tpu.memory_space<semaphore_mem>>)
        %dma_wait3A = tpu.memref_slice %arg3[%mul3A_43] : memref<320000xi32, #tpu.memory_space<hbm>> -> memref<128xi32, #tpu.memory_space<hbm>>
        %dma_wait3A_45 = tpu.memref_slice %arg3[%mul3A_43] : memref<320000xi32, #tpu.memory_space<hbm>> -> memref<128xi32, #tpu.memory_space<hbm>>
        tpu.wait_dma2 semaphore(%run_scoped3A : memref<!tpu.dma_semaphore, #tpu.memory_space<semaphore_mem>>) src(%dma_wait3A_45 : memref<128xi32, #tpu.memory_space<hbm>>) dst(%arg7 : memref<128xi32, #tpu.memory_space<vmem>>)
        tpu.yield
      }) : () -> ()
      "tpu.region"() ({
        %run_scoped3A = tpu.sem_alloc : memref<!tpu.dma_semaphore, #tpu.memory_space<semaphore_mem>>
        %dma_start3A = arith.constant 0 : i32
        %dma_start3A_44 = tpu.memref_slice %arg2[%mul3A_43, %dma_start3A] : memref<320000x128xf32, #tpu.memory_space<hbm>> -> memref<128x128xf32, #tpu.memory_space<hbm>>
        %dma_start3A_45 = arith.constant 0 : i32
        %dma_start3A_46 = tpu.memref_slice %arg2[%mul3A_43, %dma_start3A_45] : memref<320000x128xf32, #tpu.memory_space<hbm>> -> memref<128x128xf32, #tpu.memory_space<hbm>>
        tpu.enqueue_dma source(%dma_start3A_46 : memref<128x128xf32, #tpu.memory_space<hbm>>) target(%arg6 : memref<128x128xf32, #tpu.memory_space<vmem>>) target_semaphore(%run_scoped3A : memref<!tpu.dma_semaphore, #tpu.memory_space<semaphore_mem>>)
        %dma_wait3A = arith.constant 0 : i32
        %dma_wait3A_47 = tpu.memref_slice %arg2[%mul3A_43, %dma_wait3A] : memref<320000x128xf32, #tpu.memory_space<hbm>> -> memref<128x128xf32, #tpu.memory_space<hbm>>
        %dma_wait3A_48 = arith.constant 0 : i32
        %dma_wait3A_49 = tpu.memref_slice %arg2[%mul3A_43, %dma_wait3A_48] : memref<320000x128xf32, #tpu.memory_space<hbm>> -> memref<128x128xf32, #tpu.memory_space<hbm>>
        tpu.wait_dma2 semaphore(%run_scoped3A : memref<!tpu.dma_semaphore, #tpu.memory_space<semaphore_mem>>) src(%dma_wait3A_49 : memref<128x128xf32, #tpu.memory_space<hbm>>) dst(%arg6 : memref<128x128xf32, #tpu.memory_space<vmem>>)
        tpu.yield
      }) : () -> ()
      "tpu.region"() ({
        %run_scoped3A = tpu.sem_alloc : memref<!tpu.dma_semaphore, #tpu.memory_space<semaphore_mem>>
        %dma_start3A = arith.constant 0 : i32
        %dma_start3A_44 = arith.constant 0 : i32
        %dma_start3A_45 = tpu.memref_slice %arg8[%dma_start3A, %dma_start3A_44] : memref<10240x128xf32, #tpu.memory_space<vmem_shared>> -> memref<10240x128xf32, #tpu.memory_space<vmem_shared>>
        tpu.enqueue_indirect_dma source(%arg6 : memref<128x128xf32, #tpu.memory_space<vmem>>) target(%dma_start3A_45 : memref<10240x128xf32, #tpu.memory_space<vmem_shared>>) offsets(%arg7 : memref<128xi32, #tpu.memory_space<vmem>>) semaphore(%run_scoped3A : memref<!tpu.dma_semaphore, #tpu.memory_space<semaphore_mem>>) {add = true}
        %dma_wait3A = arith.constant 0 : i32
        %dma_wait3A_46 = arith.constant 0 : i32
        %dma_wait3A_47 = tpu.memref_slice %arg8[%dma_wait3A, %dma_wait3A_46] : memref<10240x128xf32, #tpu.memory_space<vmem_shared>> -> memref<10240x128xf32, #tpu.memory_space<vmem_shared>>
        tpu.wait_indirect_dma semaphore(%run_scoped3A : memref<!tpu.dma_semaphore, #tpu.memory_space<semaphore_mem>>) src(%arg6 : memref<128x128xf32, #tpu.memory_space<vmem>>) dst(%dma_wait3A_47 : memref<10240x128xf32, #tpu.memory_space<vmem_shared>>)
        tpu.yield
      }) : () -> ()
    }
    %while3A_29 = arith.constant 1 : i32
    scf.for %while3A_38 = %while3A_27 to %while3A_23 step %while3A_29  : i32 {
      %mul3A_39 = arith.constant 32 : i32
      %mul3A_40 = arith.muli %while3A_38, %mul3A_39 : i32
      %add3A_41 = arith.addi %add3A, %mul3A_40 : i32
      %mul3A_42 = arith.constant 128 : i32
      %mul3A_43 = arith.muli %add3A_41, %mul3A_42 : i32
      "tpu.region"() ({
        %run_scoped3A = tpu.sem_alloc : memref<!tpu.dma_semaphore, #tpu.memory_space<semaphore_mem>>
        %dma_start3A = tpu.memref_slice %arg3[%mul3A_43] : memref<320000xi32, #tpu.memory_space<hbm>> -> memref<128xi32, #tpu.memory_space<hbm>>
        %dma_start3A_44 = tpu.memref_slice %arg3[%mul3A_43] : memref<320000xi32, #tpu.memory_space<hbm>> -> memref<128xi32, #tpu.memory_space<hbm>>
        tpu.enqueue_dma source(%dma_start3A_44 : memref<128xi32, #tpu.memory_space<hbm>>) target(%arg7 : memref<128xi32, #tpu.memory_space<vmem>>) target_semaphore(%run_scoped3A : memref<!tpu.dma_semaphore, #tpu.memory_space<semaphore_mem>>)
        %dma_wait3A = tpu.memref_slice %arg3[%mul3A_43] : memref<320000xi32, #tpu.memory_space<hbm>> -> memref<128xi32, #tpu.memory_space<hbm>>
        %dma_wait3A_45 = tpu.memref_slice %arg3[%mul3A_43] : memref<320000xi32, #tpu.memory_space<hbm>> -> memref<128xi32, #tpu.memory_space<hbm>>
        tpu.wait_dma2 semaphore(%run_scoped3A : memref<!tpu.dma_semaphore, #tpu.memory_space<semaphore_mem>>) src(%dma_wait3A_45 : memref<128xi32, #tpu.memory_space<hbm>>) dst(%arg7 : memref<128xi32, #tpu.memory_space<vmem>>)
        tpu.yield
      }) : () -> ()
      "tpu.region"() ({
        %run_scoped3A = tpu.sem_alloc : memref<!tpu.dma_semaphore, #tpu.memory_space<semaphore_mem>>
        %dma_start3A = arith.constant 0 : i32
        %dma_start3A_44 = tpu.memref_slice %arg2[%mul3A_43, %dma_start3A] : memref<320000x128xf32, #tpu.memory_space<hbm>> -> memref<128x128xf32, #tpu.memory_space<hbm>>
        %dma_start3A_45 = arith.constant 0 : i32
        %dma_start3A_46 = tpu.memref_slice %arg2[%mul3A_43, %dma_start3A_45] : memref<320000x128xf32, #tpu.memory_space<hbm>> -> memref<128x128xf32, #tpu.memory_space<hbm>>
        tpu.enqueue_dma source(%dma_start3A_46 : memref<128x128xf32, #tpu.memory_space<hbm>>) target(%arg6 : memref<128x128xf32, #tpu.memory_space<vmem>>) target_semaphore(%run_scoped3A : memref<!tpu.dma_semaphore, #tpu.memory_space<semaphore_mem>>)
        %dma_wait3A = arith.constant 0 : i32
        %dma_wait3A_47 = tpu.memref_slice %arg2[%mul3A_43, %dma_wait3A] : memref<320000x128xf32, #tpu.memory_space<hbm>> -> memref<128x128xf32, #tpu.memory_space<hbm>>
        %dma_wait3A_48 = arith.constant 0 : i32
        %dma_wait3A_49 = tpu.memref_slice %arg2[%mul3A_43, %dma_wait3A_48] : memref<320000x128xf32, #tpu.memory_space<hbm>> -> memref<128x128xf32, #tpu.memory_space<hbm>>
        tpu.wait_dma2 semaphore(%run_scoped3A : memref<!tpu.dma_semaphore, #tpu.memory_space<semaphore_mem>>) src(%dma_wait3A_49 : memref<128x128xf32, #tpu.memory_space<hbm>>) dst(%arg6 : memref<128x128xf32, #tpu.memory_space<vmem>>)
        tpu.yield
      }) : () -> ()
      "tpu.region"() ({
        %run_scoped3A = tpu.sem_alloc : memref<!tpu.dma_semaphore, #tpu.memory_space<semaphore_mem>>
        %dma_start3A = arith.constant 0 : i32
        %dma_start3A_44 = arith.constant 0 : i32
        %dma_start3A_45 = tpu.memref_slice %arg8[%dma_start3A, %dma_start3A_44] : memref<10240x128xf32, #tpu.memory_space<vmem_shared>> -> memref<10240x128xf32, #tpu.memory_space<vmem_shared>>
        tpu.enqueue_indirect_dma source(%arg6 : memref<128x128xf32, #tpu.memory_space<vmem>>) target(%dma_start3A_45 : memref<10240x128xf32, #tpu.memory_space<vmem_shared>>) offsets(%arg7 : memref<128xi32, #tpu.memory_space<vmem>>) semaphore(%run_scoped3A : memref<!tpu.dma_semaphore, #tpu.memory_space<semaphore_mem>>) {add = true}
        %dma_wait3A = arith.constant 0 : i32
        %dma_wait3A_46 = arith.constant 0 : i32
        %dma_wait3A_47 = tpu.memref_slice %arg8[%dma_wait3A, %dma_wait3A_46] : memref<10240x128xf32, #tpu.memory_space<vmem_shared>> -> memref<10240x128xf32, #tpu.memory_space<vmem_shared>>
        tpu.wait_indirect_dma semaphore(%run_scoped3A : memref<!tpu.dma_semaphore, #tpu.memory_space<semaphore_mem>>) src(%arg6 : memref<128x128xf32, #tpu.memory_space<vmem>>) dst(%dma_wait3A_47 : memref<10240x128xf32, #tpu.memory_space<vmem_shared>>)
        tpu.yield
      }) : () -> ()
    }
    %barrier3A_30 = arith.constant 0 : index
    tpu.barrier barrier_id(%barrier3A_30)
    %mul3A_31 = arith.constant 640 : i32
    %mul3A_32 = arith.muli %arg1, %mul3A_31 : i32
    %mul3A_33 = arith.constant 10240 : i32
    %mul3A_34 = arith.muli %arg0, %mul3A_33 : i32
    %mul3A_35 = arith.constant 640 : i32
    %mul3A_36 = arith.muli %arg1, %mul3A_35 : i32
    %add3A_37 = arith.addi %mul3A_34, %mul3A_36 : i32
    "tpu.region"() ({
      %run_scoped3A = tpu.sem_alloc : memref<!tpu.dma_semaphore, #tpu.memory_space<semaphore_mem>>
      %dma_start3A = arith.constant 0 : i32
      %dma_start3A_38 = tpu.memref_slice %arg5[%add3A_37, %dma_start3A] : memref<20480x128xf32, #tpu.memory_space<hbm>> -> memref<640x128xf32, #tpu.memory_space<hbm>>
      %dma_start3A_39 = arith.constant 0 : i32
      %dma_start3A_40 = tpu.memref_slice %arg8[%mul3A_32, %dma_start3A_39] : memref<10240x128xf32, #tpu.memory_space<vmem_shared>> -> memref<640x128xf32, #tpu.memory_space<vmem_shared>>
      tpu.enqueue_dma source(%dma_start3A_40 : memref<640x128xf32, #tpu.memory_space<vmem_shared>>) target(%dma_start3A_38 : memref<640x128xf32, #tpu.memory_space<hbm>>) target_semaphore(%run_scoped3A : memref<!tpu.dma_semaphore, #tpu.memory_space<semaphore_mem>>)
      %dma_wait3A = arith.constant 0 : i32
      %dma_wait3A_41 = tpu.memref_slice %arg5[%add3A_37, %dma_wait3A] : memref<20480x128xf32, #tpu.memory_space<hbm>> -> memref<640x128xf32, #tpu.memory_space<hbm>>
      %dma_wait3A_42 = arith.constant 0 : i32
      %dma_wait3A_43 = tpu.memref_slice %arg8[%mul3A_32, %dma_wait3A_42] : memref<10240x128xf32, #tpu.memory_space<vmem_shared>> -> memref<640x128xf32, #tpu.memory_space<vmem_shared>>
      tpu.wait_dma2 semaphore(%run_scoped3A : memref<!tpu.dma_semaphore, #tpu.memory_space<semaphore_mem>>) src(%dma_wait3A_43 : memref<640x128xf32, #tpu.memory_space<vmem_shared>>) dst(%dma_wait3A_41 : memref<640x128xf32, #tpu.memory_space<hbm>>)
      tpu.yield
    }) : () -> ()
    return
  }
}

#map = affine_map<(d0, d1) -> (0, 0)>
#map1 = affine_map<(d0, d1) -> (0)>
module attributes {stable_mosaic.version = 14 : i64} {
  func.func @body(%arg0: i32, %arg1: i32, %arg2: memref<320000x128xf32, #tpu.memory_space<hbm>>, %arg3: memref<320000xi32, #tpu.memory_space<hbm>>, %arg4: memref<640x128xf32, #tpu.memory_space<hbm>>, %arg5: memref<20480x128xf32, #tpu.memory_space<hbm>>, %arg6: memref<128x128xf32, #tpu.memory_space<vmem>>, %arg7: memref<128xi32, #tpu.memory_space<vmem>>, %arg8: memref<10240x128xf32, #tpu.memory_space<vmem_shared>>) attributes {dimension_semantics = [#tpu.dimension_semantics<core_parallel>, #tpu.dimension_semantics<subcore_parallel>], iteration_bounds = array<i64: 2, 16>, scalar_prefetch = 0 : i64, scratch_operands = 3 : i64, tpu.core_type = #tpu.core_type<sc_vector_subcore>, window_params = [{transform_indices = #map}, {transform_indices = #map1}, {transform_indices = #map}, {transform_indices = #map}]} {
    %mul3A = arith.constant 2 : i32
    %mul3A_0 = arith.muli %arg1, %mul3A : i32
    %add3A = arith.addi %mul3A_0, %arg0 : i32
    %mul3A_1 = arith.constant 640 : i32
    %mul3A_2 = arith.muli %arg1, %mul3A_1 : i32
    "tpu.region"() ({
      %run_scoped3A = tpu.sem_alloc : memref<!tpu.dma_semaphore, #tpu.memory_space<semaphore_mem>>
      %dma_start3A = arith.constant 0 : i32
      %dma_start3A_38 = tpu.memref_slice %arg8[%mul3A_2, %dma_start3A] : memref<10240x128xf32, #tpu.memory_space<vmem_shared>> -> memref<640x128xf32, #tpu.memory_space<vmem_shared>>
      tpu.enqueue_dma source(%arg4 : memref<640x128xf32, #tpu.memory_space<hbm>>) target(%dma_start3A_38 : memref<640x128xf32, #tpu.memory_space<vmem_shared>>) target_semaphore(%run_scoped3A : memref<!tpu.dma_semaphore, #tpu.memory_space<semaphore_mem>>)
      %dma_wait3A = arith.constant 0 : i32
      %dma_wait3A_39 = tpu.memref_slice %arg8[%mul3A_2, %dma_wait3A] : memref<10240x128xf32, #tpu.memory_space<vmem_shared>> -> memref<640x128xf32, #tpu.memory_space<vmem_shared>>
      tpu.wait_dma2 semaphore(%run_scoped3A : memref<!tpu.dma_semaphore, #tpu.memory_space<semaphore_mem>>) src(%arg4 : memref<640x128xf32, #tpu.memory_space<hbm>>) dst(%dma_wait3A_39 : memref<640x128xf32, #tpu.memory_space<vmem_shared>>)
      tpu.yield
    }) : () -> ()
    %barrier3A = arith.constant 0 : index
    tpu.barrier barrier_id(%barrier3A)
    %sub3A = arith.constant 2531 : i32
    %sub3A_3 = arith.subi %sub3A, %add3A : i32
    %jit3A = arith.constant 32 : i32
    %div3A = arith.divsi %sub3A_3, %jit3A : i32
    %sign3A = arith.constant 0 : i32
    %sign3A_4 = arith.cmpi sgt, %sub3A_3, %sign3A : i32
    %sign3A_5 = arith.extui %sign3A_4 : i1 to i32
    %sign3A_6 = arith.constant 0 : i32
    %sign3A_7 = arith.cmpi slt, %sub3A_3, %sign3A_6 : i32
    %sign3A_8 = arith.extui %sign3A_7 : i1 to i32
    %sign3A_9 = arith.subi %sign3A_5, %sign3A_8 : i32
    %sign3A_10 = arith.constant 0 : i32
    %sign3A_11 = arith.cmpi sgt, %jit3A, %sign3A_10 : i32
    %sign3A_12 = arith.extui %sign3A_11 : i1 to i32
    %sign3A_13 = arith.constant 0 : i32
    %sign3A_14 = arith.cmpi slt, %jit3A, %sign3A_13 : i32
    %sign3A_15 = arith.extui %sign3A_14 : i1 to i32
    %sign3A_16 = arith.subi %sign3A_12, %sign3A_15 : i32
    %ne3A = arith.cmpi ne, %sign3A_9, %sign3A_16 : i32
    %rem3A = arith.remsi %sub3A_3, %jit3A : i32
    %ne3A_17 = arith.constant 0 : i32
    %ne3A_18 = arith.cmpi ne, %rem3A, %ne3A_17 : i32
    %and3A = arith.andi %ne3A, %ne3A_18 : i1
    %sub3A_19 = arith.constant 1 : i32
    %sub3A_20 = arith.subi %div3A, %sub3A_19 : i32
    %select_n3A = arith.select %and3A, %sub3A_20, %div3A : i32
    %while3A = arith.constant 0 : i32
    %while3A_21 = arith.constant 0 : i32
    %while3A_22 = arith.subi %select_n3A, %while3A_21 : i32
    %while3A_23 = arith.addi %while3A_21, %while3A_22 : i32
    %while3A_24 = arith.constant 1 : i32
    %while3A_25 = arith.divsi %while3A_22, %while3A_24 : i32
    %while3A_26 = arith.muli %while3A_25, %while3A_24 : i32
    %while3A_27 = arith.addi %while3A_21, %while3A_26 : i32
    %while3A_28 = arith.constant 1 : i32
    scf.for %while3A_38 = %while3A_21 to %while3A_27 step %while3A_28  : i32 {
      %mul3A_39 = arith.constant 32 : i32
      %mul3A_40 = arith.muli %while3A_38, %mul3A_39 : i32
      %add3A_41 = arith.addi %add3A, %mul3A_40 : i32
      %mul3A_42 = arith.constant 128 : i32
      %mul3A_43 = arith.muli %add3A_41, %mul3A_42 : i32
      "tpu.region"() ({
        %run_scoped3A = tpu.sem_alloc : memref<!tpu.dma_semaphore, #tpu.memory_space<semaphore_mem>>
        %dma_start3A = tpu.memref_slice %arg3[%mul3A_43] : memref<320000xi32, #tpu.memory_space<hbm>> -> memref<128xi32, #tpu.memory_space<hbm>>
        %dma_start3A_44 = tpu.memref_slice %arg3[%mul3A_43] : memref<320000xi32, #tpu.memory_space<hbm>> -> memref<128xi32, #tpu.memory_space<hbm>>
        tpu.enqueue_dma source(%dma_start3A_44 : memref<128xi32, #tpu.memory_space<hbm>>) target(%arg7 : memref<128xi32, #tpu.memory_space<vmem>>) target_semaphore(%run_scoped3A : memref<!tpu.dma_semaphore, #tpu.memory_space<semaphore_mem>>)
        %dma_wait3A = tpu.memref_slice %arg3[%mul3A_43] : memref<320000xi32, #tpu.memory_space<hbm>> -> memref<128xi32, #tpu.memory_space<hbm>>
        %dma_wait3A_45 = tpu.memref_slice %arg3[%mul3A_43] : memref<320000xi32, #tpu.memory_space<hbm>> -> memref<128xi32, #tpu.memory_space<hbm>>
        tpu.wait_dma2 semaphore(%run_scoped3A : memref<!tpu.dma_semaphore, #tpu.memory_space<semaphore_mem>>) src(%dma_wait3A_45 : memref<128xi32, #tpu.memory_space<hbm>>) dst(%arg7 : memref<128xi32, #tpu.memory_space<vmem>>)
        tpu.yield
      }) : () -> ()
      "tpu.region"() ({
        %run_scoped3A = tpu.sem_alloc : memref<!tpu.dma_semaphore, #tpu.memory_space<semaphore_mem>>
        %dma_start3A = arith.constant 0 : i32
        %dma_start3A_44 = tpu.memref_slice %arg2[%mul3A_43, %dma_start3A] : memref<320000x128xf32, #tpu.memory_space<hbm>> -> memref<128x128xf32, #tpu.memory_space<hbm>>
        %dma_start3A_45 = arith.constant 0 : i32
        %dma_start3A_46 = tpu.memref_slice %arg2[%mul3A_43, %dma_start3A_45] : memref<320000x128xf32, #tpu.memory_space<hbm>> -> memref<128x128xf32, #tpu.memory_space<hbm>>
        tpu.enqueue_dma source(%dma_start3A_46 : memref<128x128xf32, #tpu.memory_space<hbm>>) target(%arg6 : memref<128x128xf32, #tpu.memory_space<vmem>>) target_semaphore(%run_scoped3A : memref<!tpu.dma_semaphore, #tpu.memory_space<semaphore_mem>>)
        %dma_wait3A = arith.constant 0 : i32
        %dma_wait3A_47 = tpu.memref_slice %arg2[%mul3A_43, %dma_wait3A] : memref<320000x128xf32, #tpu.memory_space<hbm>> -> memref<128x128xf32, #tpu.memory_space<hbm>>
        %dma_wait3A_48 = arith.constant 0 : i32
        %dma_wait3A_49 = tpu.memref_slice %arg2[%mul3A_43, %dma_wait3A_48] : memref<320000x128xf32, #tpu.memory_space<hbm>> -> memref<128x128xf32, #tpu.memory_space<hbm>>
        tpu.wait_dma2 semaphore(%run_scoped3A : memref<!tpu.dma_semaphore, #tpu.memory_space<semaphore_mem>>) src(%dma_wait3A_49 : memref<128x128xf32, #tpu.memory_space<hbm>>) dst(%arg6 : memref<128x128xf32, #tpu.memory_space<vmem>>)
        tpu.yield
      }) : () -> ()
      "tpu.region"() ({
        %run_scoped3A = tpu.sem_alloc : memref<!tpu.dma_semaphore, #tpu.memory_space<semaphore_mem>>
        %dma_start3A = arith.constant 0 : i32
        %dma_start3A_44 = arith.constant 0 : i32
        %dma_start3A_45 = tpu.memref_slice %arg8[%dma_start3A, %dma_start3A_44] : memref<10240x128xf32, #tpu.memory_space<vmem_shared>> -> memref<10240x128xf32, #tpu.memory_space<vmem_shared>>
        tpu.enqueue_indirect_dma source(%arg6 : memref<128x128xf32, #tpu.memory_space<vmem>>) target(%dma_start3A_45 : memref<10240x128xf32, #tpu.memory_space<vmem_shared>>) offsets(%arg7 : memref<128xi32, #tpu.memory_space<vmem>>) semaphore(%run_scoped3A : memref<!tpu.dma_semaphore, #tpu.memory_space<semaphore_mem>>) {add = true}
        %dma_wait3A = arith.constant 0 : i32
        %dma_wait3A_46 = arith.constant 0 : i32
        %dma_wait3A_47 = tpu.memref_slice %arg8[%dma_wait3A, %dma_wait3A_46] : memref<10240x128xf32, #tpu.memory_space<vmem_shared>> -> memref<10240x128xf32, #tpu.memory_space<vmem_shared>>
        tpu.wait_indirect_dma semaphore(%run_scoped3A : memref<!tpu.dma_semaphore, #tpu.memory_space<semaphore_mem>>) src(%arg6 : memref<128x128xf32, #tpu.memory_space<vmem>>) dst(%dma_wait3A_47 : memref<10240x128xf32, #tpu.memory_space<vmem_shared>>)
        tpu.yield
      }) : () -> ()
    }
    %while3A_29 = arith.constant 1 : i32
    scf.for %while3A_38 = %while3A_27 to %while3A_23 step %while3A_29  : i32 {
      %mul3A_39 = arith.constant 32 : i32
      %mul3A_40 = arith.muli %while3A_38, %mul3A_39 : i32
      %add3A_41 = arith.addi %add3A, %mul3A_40 : i32
      %mul3A_42 = arith.constant 128 : i32
      %mul3A_43 = arith.muli %add3A_41, %mul3A_42 : i32
      "tpu.region"() ({
        %run_scoped3A = tpu.sem_alloc : memref<!tpu.dma_semaphore, #tpu.memory_space<semaphore_mem>>
        %dma_start3A = tpu.memref_slice %arg3[%mul3A_43] : memref<320000xi32, #tpu.memory_space<hbm>> -> memref<128xi32, #tpu.memory_space<hbm>>
        %dma_start3A_44 = tpu.memref_slice %arg3[%mul3A_43] : memref<320000xi32, #tpu.memory_space<hbm>> -> memref<128xi32, #tpu.memory_space<hbm>>
        tpu.enqueue_dma source(%dma_start3A_44 : memref<128xi32, #tpu.memory_space<hbm>>) target(%arg7 : memref<128xi32, #tpu.memory_space<vmem>>) target_semaphore(%run_scoped3A : memref<!tpu.dma_semaphore, #tpu.memory_space<semaphore_mem>>)
        %dma_wait3A = tpu.memref_slice %arg3[%mul3A_43] : memref<320000xi32, #tpu.memory_space<hbm>> -> memref<128xi32, #tpu.memory_space<hbm>>
        %dma_wait3A_45 = tpu.memref_slice %arg3[%mul3A_43] : memref<320000xi32, #tpu.memory_space<hbm>> -> memref<128xi32, #tpu.memory_space<hbm>>
        tpu.wait_dma2 semaphore(%run_scoped3A : memref<!tpu.dma_semaphore, #tpu.memory_space<semaphore_mem>>) src(%dma_wait3A_45 : memref<128xi32, #tpu.memory_space<hbm>>) dst(%arg7 : memref<128xi32, #tpu.memory_space<vmem>>)
        tpu.yield
      }) : () -> ()
      "tpu.region"() ({
        %run_scoped3A = tpu.sem_alloc : memref<!tpu.dma_semaphore, #tpu.memory_space<semaphore_mem>>
        %dma_start3A = arith.constant 0 : i32
        %dma_start3A_44 = tpu.memref_slice %arg2[%mul3A_43, %dma_start3A] : memref<320000x128xf32, #tpu.memory_space<hbm>> -> memref<128x128xf32, #tpu.memory_space<hbm>>
        %dma_start3A_45 = arith.constant 0 : i32
        %dma_start3A_46 = tpu.memref_slice %arg2[%mul3A_43, %dma_start3A_45] : memref<320000x128xf32, #tpu.memory_space<hbm>> -> memref<128x128xf32, #tpu.memory_space<hbm>>
        tpu.enqueue_dma source(%dma_start3A_46 : memref<128x128xf32, #tpu.memory_space<hbm>>) target(%arg6 : memref<128x128xf32, #tpu.memory_space<vmem>>) target_semaphore(%run_scoped3A : memref<!tpu.dma_semaphore, #tpu.memory_space<semaphore_mem>>)
        %dma_wait3A = arith.constant 0 : i32
        %dma_wait3A_47 = tpu.memref_slice %arg2[%mul3A_43, %dma_wait3A] : memref<320000x128xf32, #tpu.memory_space<hbm>> -> memref<128x128xf32, #tpu.memory_space<hbm>>
        %dma_wait3A_48 = arith.constant 0 : i32
        %dma_wait3A_49 = tpu.memref_slice %arg2[%mul3A_43, %dma_wait3A_48] : memref<320000x128xf32, #tpu.memory_space<hbm>> -> memref<128x128xf32, #tpu.memory_space<hbm>>
        tpu.wait_dma2 semaphore(%run_scoped3A : memref<!tpu.dma_semaphore, #tpu.memory_space<semaphore_mem>>) src(%dma_wait3A_49 : memref<128x128xf32, #tpu.memory_space<hbm>>) dst(%arg6 : memref<128x128xf32, #tpu.memory_space<vmem>>)
        tpu.yield
      }) : () -> ()
      "tpu.region"() ({
        %run_scoped3A = tpu.sem_alloc : memref<!tpu.dma_semaphore, #tpu.memory_space<semaphore_mem>>
        %dma_start3A = arith.constant 0 : i32
        %dma_start3A_44 = arith.constant 0 : i32
        %dma_start3A_45 = tpu.memref_slice %arg8[%dma_start3A, %dma_start3A_44] : memref<10240x128xf32, #tpu.memory_space<vmem_shared>> -> memref<10240x128xf32, #tpu.memory_space<vmem_shared>>
        tpu.enqueue_indirect_dma source(%arg6 : memref<128x128xf32, #tpu.memory_space<vmem>>) target(%dma_start3A_45 : memref<10240x128xf32, #tpu.memory_space<vmem_shared>>) offsets(%arg7 : memref<128xi32, #tpu.memory_space<vmem>>) semaphore(%run_scoped3A : memref<!tpu.dma_semaphore, #tpu.memory_space<semaphore_mem>>) {add = true}
        %dma_wait3A = arith.constant 0 : i32
        %dma_wait3A_46 = arith.constant 0 : i32
        %dma_wait3A_47 = tpu.memref_slice %arg8[%dma_wait3A, %dma_wait3A_46] : memref<10240x128xf32, #tpu.memory_space<vmem_shared>> -> memref<10240x128xf32, #tpu.memory_space<vmem_shared>>
        tpu.wait_indirect_dma semaphore(%run_scoped3A : memref<!tpu.dma_semaphore, #tpu.memory_space<semaphore_mem>>) src(%arg6 : memref<128x128xf32, #tpu.memory_space<vmem>>) dst(%dma_wait3A_47 : memref<10240x128xf32, #tpu.memory_space<vmem_shared>>)
        tpu.yield
      }) : () -> ()
    }
    %barrier3A_30 = arith.constant 0 : index
    tpu.barrier barrier_id(%barrier3A_30)
    %mul3A_31 = arith.constant 640 : i32
    %mul3A_32 = arith.muli %arg1, %mul3A_31 : i32
    %mul3A_33 = arith.constant 10240 : i32
    %mul3A_34 = arith.muli %arg0, %mul3A_33 : i32
    %mul3A_35 = arith.constant 640 : i32
    %mul3A_36 = arith.muli %arg1, %mul3A_35 : i32
    %add3A_37 = arith.addi %mul3A_34, %mul3A_36 : i32
    "tpu.region"() ({
      %run_scoped3A = tpu.sem_alloc : memref<!tpu.dma_semaphore, #tpu.memory_space<semaphore_mem>>
      %dma_start3A = arith.constant 0 : i32
      %dma_start3A_38 = tpu.memref_slice %arg5[%add3A_37, %dma_start3A] : memref<20480x128xf32, #tpu.memory_space<hbm>> -> memref<640x128xf32, #tpu.memory_space<hbm>>
      %dma_start3A_39 = arith.constant 0 : i32
      %dma_start3A_40 = tpu.memref_slice %arg8[%mul3A_32, %dma_start3A_39] : memref<10240x128xf32, #tpu.memory_space<vmem_shared>> -> memref<640x128xf32, #tpu.memory_space<vmem_shared>>
      tpu.enqueue_dma source(%dma_start3A_40 : memref<640x128xf32, #tpu.memory_space<vmem_shared>>) target(%dma_start3A_38 : memref<640x128xf32, #tpu.memory_space<hbm>>) target_semaphore(%run_scoped3A : memref<!tpu.dma_semaphore, #tpu.memory_space<semaphore_mem>>)
      %dma_wait3A = arith.constant 0 : i32
      %dma_wait3A_41 = tpu.memref_slice %arg5[%add3A_37, %dma_wait3A] : memref<20480x128xf32, #tpu.memory_space<hbm>> -> memref<640x128xf32, #tpu.memory_space<hbm>>
      %dma_wait3A_42 = arith.constant 0 : i32
      %dma_wait3A_43 = tpu.memref_slice %arg8[%mul3A_32, %dma_wait3A_42] : memref<10240x128xf32, #tpu.memory_space<vmem_shared>> -> memref<640x128xf32, #tpu.memory_space<vmem_shared>>
      tpu.wait_dma2 semaphore(%run_scoped3A : memref<!tpu.dma_semaphore, #tpu.memory_space<semaphore_mem>>) src(%dma_wait3A_43 : memref<640x128xf32, #tpu.memory_space<vmem_shared>>) dst(%dma_wait3A_41 : memref<640x128xf32, #tpu.memory_space<hbm>>)
      tpu.yield
    }) : () -> ()
    return
  }
}

module attributes {stable_mosaic.version = 14 : i64} {
  func.func @body(%arg0: i32, %arg1: memref<1000x128xf32, #tpu.memory_space<vmem>>, %arg2: memref<128x512xf32, #tpu.memory_space<vmem>>, %arg3: memref<1x512xf32, #tpu.memory_space<vmem>>, %arg4: memref<1000x128xf32, #tpu.memory_space<vmem>>, %arg5: memref<1000x256xf32, #tpu.memory_space<vmem>>, %arg6: memref<1000x128xf32, #tpu.memory_space<vmem>>) attributes {dimension_semantics = [#tpu.dimension_semantics<arbitrary>], iteration_bounds = array<i64: 10>, scalar_prefetch = 0 : i64, scratch_operands = 0 : i64, tpu.core_type = #tpu.core_type<tc>, window_params = [{transform_indices = @transform_0, window_bounds = array<i64: 1000, 128>}, {pipeline_mode = #tpu.pipeline_mode<synchronous>, transform_indices = @transform_1, window_bounds = array<i64: 128, 512>}, {pipeline_mode = #tpu.pipeline_mode<synchronous>, transform_indices = @transform_2, window_bounds = array<i64: 1, 512>}, {transform_indices = @transform_3, window_bounds = array<i64: 1000, 128>}, {transform_indices = @transform_4, window_bounds = array<i64: 1000, 256>}, {transform_indices = @transform_5, window_bounds = array<i64: 1000, 128>}]} {
    %get3A = arith.constant 0 : index
    %get3A_0 = arith.constant 0 : index
    %get3A_1 = vector.load %arg1[%get3A, %get3A_0] : memref<1000x128xf32, #tpu.memory_space<vmem>>, vector<1000x128xf32>
    %get3A_2 = arith.constant 0 : index
    %get3A_3 = arith.constant 0 : index
    %get3A_4 = vector.load %arg2[%get3A_2, %get3A_3] : memref<128x512xf32, #tpu.memory_space<vmem>>, vector<128x512xf32>
    %dot_general3A = arith.constant dense<0.000000e+00> : vector<1000x512xf32>
    %dot_general3A_5 = tpu.matmul %get3A_1, %get3A_4, %dot_general3A {dimension_numbers = #tpu.dot_dimension_numbers<[1], [0], [0], [1], [0, 0, 1, 1], [], []>, transpose_lhs_hint = false} : vector<1000x128xf32>, vector<128x512xf32>, vector<1000x512xf32> -> vector<1000x512xf32>
    %get3A_6 = arith.constant 0 : index
    %get3A_7 = arith.constant 0 : index
    %get3A_8 = vector.load %arg3[%get3A_6, %get3A_7] : memref<1x512xf32, #tpu.memory_space<vmem>>, vector<1x512xf32>
    %add3A = vector.broadcast %get3A_8 : vector<1x512xf32> to vector<1000x512xf32>
    %add3A_9 = arith.addf %dot_general3A_5, %add3A : vector<1000x512xf32>
    %slice3A = vector.extract_strided_slice %add3A_9 {offsets = [0, 0], sizes = [1000, 128], strides = [1, 1]} : vector<1000x512xf32> to vector<1000x128xf32>
    %swap3A = arith.constant 0 : index
    %swap3A_10 = arith.constant 0 : index
    %swap3A_11 = vector.load %arg4[%swap3A, %swap3A_10] : memref<1000x128xf32, #tpu.memory_space<vmem>>, vector<1000x128xf32>
    tpu.vector_store %arg4[%swap3A, %swap3A_10], %slice3A {strides = array<i32>} : memref<1000x128xf32, #tpu.memory_space<vmem>>, vector<1000x128xf32>,
    %slice3A_12 = vector.extract_strided_slice %add3A_9 {offsets = [0, 128], sizes = [1000, 256], strides = [1, 1]} : vector<1000x512xf32> to vector<1000x256xf32>
    %swap3A_13 = arith.constant 0 : index
    %swap3A_14 = arith.constant 0 : index
    %swap3A_15 = vector.load %arg5[%swap3A_13, %swap3A_14] : memref<1000x256xf32, #tpu.memory_space<vmem>>, vector<1000x256xf32>
    tpu.vector_store %arg5[%swap3A_13, %swap3A_14], %slice3A_12 {strides = array<i32>} : memref<1000x256xf32, #tpu.memory_space<vmem>>, vector<1000x256xf32>,
    %slice3A_16 = vector.extract_strided_slice %add3A_9 {offsets = [0, 384], sizes = [1000, 128], strides = [1, 1]} : vector<1000x512xf32> to vector<1000x128xf32>
    %swap3A_17 = arith.constant 0 : index
    %swap3A_18 = arith.constant 0 : index
    %swap3A_19 = vector.load %arg6[%swap3A_17, %swap3A_18] : memref<1000x128xf32, #tpu.memory_space<vmem>>, vector<1000x128xf32>
    tpu.vector_store %arg6[%swap3A_17, %swap3A_18], %slice3A_16 {strides = array<i32>} : memref<1000x128xf32, #tpu.memory_space<vmem>>, vector<1000x128xf32>,
    return
  }
  func.func @transform_0(%arg0: i32) -> (i32, i32) {
    %c0_i32 = arith.constant 0 : i32
    %c0_i32_0 = arith.constant 0 : i32
    return %arg0, %c0_i32 : i32, i32
  }
  func.func @transform_1(%arg0: i32) -> (i32, i32) {
    %c0_i32 = arith.constant 0 : i32
    %c0_i32_0 = arith.constant 0 : i32
    %c0_i32_1 = arith.constant 0 : i32
    return %c0_i32, %c0_i32_0 : i32, i32
  }
  func.func @transform_2(%arg0: i32) -> (i32, i32) {
    %c0_i32 = arith.constant 0 : i32
    %c0_i32_0 = arith.constant 0 : i32
    %c0_i32_1 = arith.constant 0 : i32
    return %c0_i32, %c0_i32_0 : i32, i32
  }
  func.func @transform_3(%arg0: i32) -> (i32, i32) {
    %c0_i32 = arith.constant 0 : i32
    %c0_i32_0 = arith.constant 0 : i32
    return %arg0, %c0_i32 : i32, i32
  }
  func.func @transform_4(%arg0: i32) -> (i32, i32) {
    %c0_i32 = arith.constant 0 : i32
    %c0_i32_0 = arith.constant 0 : i32
    return %arg0, %c0_i32 : i32, i32
  }
  func.func @transform_5(%arg0: i32) -> (i32, i32) {
    %c0_i32 = arith.constant 0 : i32
    %c0_i32_0 = arith.constant 0 : i32
    return %arg0, %c0_i32 : i32, i32
  }
}

module attributes {stable_mosaic.version = 14 : i64} {
  func.func @body(%arg0: i32, %arg1: memref<2000x128xf32, #tpu.memory_space<vmem>>, %arg2: memref<2000x256xf32, #tpu.memory_space<vmem>>, %arg3: memref<2000x128xf32, #tpu.memory_space<vmem>>, %arg4: memref<128x128xf32, #tpu.memory_space<vmem>>, %arg5: memref<128x128xf32, #tpu.memory_space<vmem>>, %arg6: memref<2000x128xf32, #tpu.memory_space<vmem>>, %arg7: memref<2000x128xf32, #tpu.memory_space<vmem>>) attributes {dimension_semantics = [#tpu.dimension_semantics<arbitrary>], iteration_bounds = array<i64: 160>, scalar_prefetch = 0 : i64, scratch_operands = 0 : i64, tpu.core_type = #tpu.core_type<tc>, window_params = [{transform_indices = @transform_0, window_bounds = array<i64: 2000, 128>}, {transform_indices = @transform_1, window_bounds = array<i64: 2000, 256>}, {transform_indices = @transform_2, window_bounds = array<i64: 2000, 128>}, {pipeline_mode = #tpu.pipeline_mode<synchronous>, transform_indices = @transform_3, window_bounds = array<i64: 128, 128>}, {pipeline_mode = #tpu.pipeline_mode<synchronous>, transform_indices = @transform_4, window_bounds = array<i64: 128, 128>}, {transform_indices = @transform_5, window_bounds = array<i64: 2000, 128>}, {transform_indices = @transform_6, window_bounds = array<i64: 2000, 128>}]} {
    %get3A = arith.constant 0 : index
    %get3A_0 = arith.constant 0 : index
    %get3A_1 = vector.load %arg1[%get3A, %get3A_0] : memref<2000x128xf32, #tpu.memory_space<vmem>>, vector<2000x128xf32>
    %get3A_2 = arith.constant 0 : index
    %get3A_3 = arith.constant 0 : index
    %get3A_4 = vector.load %arg2[%get3A_2, %get3A_3] : memref<2000x256xf32, #tpu.memory_space<vmem>>, vector<2000x256xf32>
    %get3A_5 = arith.constant 0 : index
    %get3A_6 = arith.constant 0 : index
    %get3A_7 = vector.load %arg3[%get3A_5, %get3A_6] : memref<2000x128xf32, #tpu.memory_space<vmem>>, vector<2000x128xf32>
    %slice3A = vector.extract_strided_slice %get3A_4 {offsets = [0, 0], sizes = [2000, 128], strides = [1, 1]} : vector<2000x256xf32> to vector<2000x128xf32>
    %add3A = arith.addf %slice3A, %get3A_7 : vector<2000x128xf32>
    %mul3A = arith.mulf %get3A_1, %add3A : vector<2000x128xf32>
    %get3A_8 = arith.constant 0 : index
    %get3A_9 = arith.constant 0 : index
    %get3A_10 = vector.load %arg4[%get3A_8, %get3A_9] : memref<128x128xf32, #tpu.memory_space<vmem>>, vector<128x128xf32>
    %convert_element_type3A = arith.truncf %mul3A : vector<2000x128xf32> to vector<2000x128xbf16>
    %convert_element_type3A_11 = arith.extf %convert_element_type3A : vector<2000x128xbf16> to vector<2000x128xf32>
    %sub3A = arith.subf %mul3A, %convert_element_type3A_11 : vector<2000x128xf32>
    %convert_element_type3A_12 = arith.truncf %sub3A : vector<2000x128xf32> to vector<2000x128xbf16>
    %convert_element_type3A_13 = arith.extf %convert_element_type3A_12 : vector<2000x128xbf16> to vector<2000x128xf32>
    %sub3A_14 = arith.subf %sub3A, %convert_element_type3A_13 : vector<2000x128xf32>
    %dot_general3A = arith.constant dense<0.000000e+00> : vector<2000x128xf32>
    %dot_general3A_15 = tpu.matmul %convert_element_type3A_11, %get3A_10, %dot_general3A {dimension_numbers = #tpu.dot_dimension_numbers<[1], [0], [0], [1], [0, 0, 1, 1], [], []>, transpose_lhs_hint = false} : vector<2000x128xf32>, vector<128x128xf32>, vector<2000x128xf32> -> vector<2000x128xf32>
    %dot_general3A_16 = arith.constant dense<0.000000e+00> : vector<2000x128xf32>
    %dot_general3A_17 = tpu.matmul %convert_element_type3A_13, %get3A_10, %dot_general3A_16 {dimension_numbers = #tpu.dot_dimension_numbers<[1], [0], [0], [1], [0, 0, 1, 1], [], []>, transpose_lhs_hint = false} : vector<2000x128xf32>, vector<128x128xf32>, vector<2000x128xf32> -> vector<2000x128xf32>
    %add3A_18 = arith.addf %dot_general3A_15, %dot_general3A_17 : vector<2000x128xf32>
    %dot_general3A_19 = arith.constant dense<0.000000e+00> : vector<2000x128xf32>
    %dot_general3A_20 = tpu.matmul %sub3A_14, %get3A_10, %dot_general3A_19 {dimension_numbers = #tpu.dot_dimension_numbers<[1], [0], [0], [1], [0, 0, 1, 1], [], []>, transpose_lhs_hint = false} : vector<2000x128xf32>, vector<128x128xf32>, vector<2000x128xf32> -> vector<2000x128xf32>
    %add3A_21 = arith.addf %add3A_18, %dot_general3A_20 : vector<2000x128xf32>
    %exp3A = math.exp %add3A_21 : vector<2000x128xf32>
    %slice3A_22 = vector.extract_strided_slice %get3A_4 {offsets = [0, 128], sizes = [2000, 128], strides = [1, 1]} : vector<2000x256xf32> to vector<2000x128xf32>
    %add3A_23 = arith.addf %slice3A_22, %get3A_7 : vector<2000x128xf32>
    %mul3A_24 = arith.mulf %add3A_23, %exp3A : vector<2000x128xf32>
    %swap3A = arith.constant 0 : index
    %swap3A_25 = arith.constant 0 : index
    %swap3A_26 = vector.load %arg6[%swap3A, %swap3A_25] : memref<2000x128xf32, #tpu.memory_space<vmem>>, vector<2000x128xf32>
    tpu.vector_store %arg6[%swap3A, %swap3A_25], %mul3A_24 {strides = array<i32>} : memref<2000x128xf32, #tpu.memory_space<vmem>>, vector<2000x128xf32>,
    %get3A_27 = arith.constant 0 : index
    %get3A_28 = arith.constant 0 : index
    %get3A_29 = vector.load %arg5[%get3A_27, %get3A_28] : memref<128x128xf32, #tpu.memory_space<vmem>>, vector<128x128xf32>
    %convert_element_type3A_30 = arith.truncf %exp3A : vector<2000x128xf32> to vector<2000x128xbf16>
    %convert_element_type3A_31 = arith.extf %convert_element_type3A_30 : vector<2000x128xbf16> to vector<2000x128xf32>
    %sub3A_32 = arith.subf %exp3A, %convert_element_type3A_31 : vector<2000x128xf32>
    %convert_element_type3A_33 = arith.truncf %sub3A_32 : vector<2000x128xf32> to vector<2000x128xbf16>
    %convert_element_type3A_34 = arith.extf %convert_element_type3A_33 : vector<2000x128xbf16> to vector<2000x128xf32>
    %sub3A_35 = arith.subf %sub3A_32, %convert_element_type3A_34 : vector<2000x128xf32>
    %dot_general3A_36 = arith.constant dense<0.000000e+00> : vector<2000x128xf32>
    %dot_general3A_37 = tpu.matmul %convert_element_type3A_31, %get3A_29, %dot_general3A_36 {dimension_numbers = #tpu.dot_dimension_numbers<[1], [0], [0], [1], [0, 0, 1, 1], [], []>, transpose_lhs_hint = false} : vector<2000x128xf32>, vector<128x128xf32>, vector<2000x128xf32> -> vector<2000x128xf32>
    %dot_general3A_38 = arith.constant dense<0.000000e+00> : vector<2000x128xf32>
    %dot_general3A_39 = tpu.matmul %convert_element_type3A_34, %get3A_29, %dot_general3A_38 {dimension_numbers = #tpu.dot_dimension_numbers<[1], [0], [0], [1], [0, 0, 1, 1], [], []>, transpose_lhs_hint = false} : vector<2000x128xf32>, vector<128x128xf32>, vector<2000x128xf32> -> vector<2000x128xf32>
    %add3A_40 = arith.addf %dot_general3A_37, %dot_general3A_39 : vector<2000x128xf32>
    %dot_general3A_41 = arith.constant dense<0.000000e+00> : vector<2000x128xf32>
    %dot_general3A_42 = tpu.matmul %sub3A_35, %get3A_29, %dot_general3A_41 {dimension_numbers = #tpu.dot_dimension_numbers<[1], [0], [0], [1], [0, 0, 1, 1], [], []>, transpose_lhs_hint = false} : vector<2000x128xf32>, vector<128x128xf32>, vector<2000x128xf32> -> vector<2000x128xf32>
    %add3A_43 = arith.addf %add3A_40, %dot_general3A_42 : vector<2000x128xf32>
    %swap3A_44 = arith.constant 0 : index
    %swap3A_45 = arith.constant 0 : index
    %swap3A_46 = vector.load %arg7[%swap3A_44, %swap3A_45] : memref<2000x128xf32, #tpu.memory_space<vmem>>, vector<2000x128xf32>
    tpu.vector_store %arg7[%swap3A_44, %swap3A_45], %add3A_43 {strides = array<i32>} : memref<2000x128xf32, #tpu.memory_space<vmem>>, vector<2000x128xf32>,
    return
  }
  func.func @transform_0(%arg0: i32) -> (i32, i32) {
    %c0_i32 = arith.constant 0 : i32
    %c0_i32_0 = arith.constant 0 : i32
    return %arg0, %c0_i32 : i32, i32
  }
  func.func @transform_1(%arg0: i32) -> (i32, i32) {
    %c0_i32 = arith.constant 0 : i32
    %c0_i32_0 = arith.constant 0 : i32
    return %arg0, %c0_i32 : i32, i32
  }
  func.func @transform_2(%arg0: i32) -> (i32, i32) {
    %c0_i32 = arith.constant 0 : i32
    %c0_i32_0 = arith.constant 0 : i32
    return %arg0, %c0_i32 : i32, i32
  }
  func.func @transform_3(%arg0: i32) -> (i32, i32) {
    %c0_i32 = arith.constant 0 : i32
    %c0_i32_0 = arith.constant 0 : i32
    %c0_i32_1 = arith.constant 0 : i32
    return %c0_i32, %c0_i32_0 : i32, i32
  }
  func.func @transform_4(%arg0: i32) -> (i32, i32) {
    %c0_i32 = arith.constant 0 : i32
    %c0_i32_0 = arith.constant 0 : i32
    %c0_i32_1 = arith.constant 0 : i32
    return %c0_i32, %c0_i32_0 : i32, i32
  }
  func.func @transform_5(%arg0: i32) -> (i32, i32) {
    %c0_i32 = arith.constant 0 : i32
    %c0_i32_0 = arith.constant 0 : i32
    return %arg0, %c0_i32 : i32, i32
  }
  func.func @transform_6(%arg0: i32) -> (i32, i32) {
    %c0_i32 = arith.constant 0 : i32
    %c0_i32_0 = arith.constant 0 : i32
    return %arg0, %c0_i32 : i32, i32
  }
}

module attributes {stable_mosaic.version = 14 : i64} {
  func.func @body(%arg0: i32, %arg1: memref<2000x128xf32, #tpu.memory_space<vmem>>, %arg2: memref<128x384xf32, #tpu.memory_space<vmem>>, %arg3: memref<1x384xf32, #tpu.memory_space<vmem>>, %arg4: memref<2000x384xf32, #tpu.memory_space<vmem>>) attributes {dimension_semantics = [#tpu.dimension_semantics<arbitrary>], iteration_bounds = array<i64: 160>, scalar_prefetch = 0 : i64, scratch_operands = 0 : i64, tpu.core_type = #tpu.core_type<tc>, window_params = [{transform_indices = @transform_0, window_bounds = array<i64: 2000, 128>}, {pipeline_mode = #tpu.pipeline_mode<synchronous>, transform_indices = @transform_1, window_bounds = array<i64: 128, 384>}, {pipeline_mode = #tpu.pipeline_mode<synchronous>, transform_indices = @transform_2, window_bounds = array<i64: 1, 384>}, {transform_indices = @transform_3, window_bounds = array<i64: 2000, 384>}]} {
    %get3A = arith.constant 0 : index
    %get3A_0 = arith.constant 0 : index
    %get3A_1 = vector.load %arg1[%get3A, %get3A_0] : memref<2000x128xf32, #tpu.memory_space<vmem>>, vector<2000x128xf32>
    %get3A_2 = arith.constant 0 : index
    %get3A_3 = arith.constant 0 : index
    %get3A_4 = vector.load %arg2[%get3A_2, %get3A_3] : memref<128x384xf32, #tpu.memory_space<vmem>>, vector<128x384xf32>
    %dot_general3A = arith.constant dense<0.000000e+00> : vector<2000x384xf32>
    %dot_general3A_5 = tpu.matmul %get3A_1, %get3A_4, %dot_general3A {dimension_numbers = #tpu.dot_dimension_numbers<[1], [0], [0], [1], [0, 0, 1, 1], [], []>, transpose_lhs_hint = false} : vector<2000x128xf32>, vector<128x384xf32>, vector<2000x384xf32> -> vector<2000x384xf32>
    %get3A_6 = arith.constant 0 : index
    %get3A_7 = arith.constant 0 : index
    %get3A_8 = vector.load %arg3[%get3A_6, %get3A_7] : memref<1x384xf32, #tpu.memory_space<vmem>>, vector<1x384xf32>
    %add3A = vector.broadcast %get3A_8 : vector<1x384xf32> to vector<2000x384xf32>
    %add3A_9 = arith.addf %dot_general3A_5, %add3A : vector<2000x384xf32>
    %swap3A = arith.constant 0 : index
    %swap3A_10 = arith.constant 0 : index
    %swap3A_11 = vector.load %arg4[%swap3A, %swap3A_10] : memref<2000x384xf32, #tpu.memory_space<vmem>>, vector<2000x384xf32>
    tpu.vector_store %arg4[%swap3A, %swap3A_10], %add3A_9 {strides = array<i32>} : memref<2000x384xf32, #tpu.memory_space<vmem>>, vector<2000x384xf32>,
    return
  }
  func.func @transform_0(%arg0: i32) -> (i32, i32) {
    %c0_i32 = arith.constant 0 : i32
    %c0_i32_0 = arith.constant 0 : i32
    return %arg0, %c0_i32 : i32, i32
  }
  func.func @transform_1(%arg0: i32) -> (i32, i32) {
    %c0_i32 = arith.constant 0 : i32
    %c0_i32_0 = arith.constant 0 : i32
    %c0_i32_1 = arith.constant 0 : i32
    return %c0_i32, %c0_i32_0 : i32, i32
  }
  func.func @transform_2(%arg0: i32) -> (i32, i32) {
    %c0_i32 = arith.constant 0 : i32
    %c0_i32_0 = arith.constant 0 : i32
    %c0_i32_1 = arith.constant 0 : i32
    return %c0_i32, %c0_i32_0 : i32, i32
  }
  func.func @transform_3(%arg0: i32) -> (i32, i32) {
    %c0_i32 = arith.constant 0 : i32
    %c0_i32_0 = arith.constant 0 : i32
    return %arg0, %c0_i32 : i32, i32
  }
}

module attributes {stable_mosaic.version = 14 : i64} {
  func.func @body(%arg0: i32, %arg1: memref<1000x128xf32, #tpu.memory_space<vmem>>, %arg2: memref<1000x128xf32, #tpu.memory_space<vmem>>, %arg3: memref<1000x128xf32, #tpu.memory_space<vmem>>, %arg4: memref<1000x128xf32, #tpu.memory_space<vmem>>, %arg5: memref<1000x128xf32, #tpu.memory_space<vmem>>, %arg6: memref<128x128xf32, #tpu.memory_space<vmem>>, %arg7: memref<1000x128xf32, #tpu.memory_space<vmem>>) attributes {dimension_semantics = [#tpu.dimension_semantics<arbitrary>], iteration_bounds = array<i64: 10>, scalar_prefetch = 0 : i64, scratch_operands = 0 : i64, tpu.core_type = #tpu.core_type<tc>, window_params = [{transform_indices = @transform_0, window_bounds = array<i64: 1000, 128>}, {transform_indices = @transform_1, window_bounds = array<i64: 1000, 128>}, {transform_indices = @transform_2, window_bounds = array<i64: 1000, 128>}, {transform_indices = @transform_3, window_bounds = array<i64: 1000, 128>}, {transform_indices = @transform_4, window_bounds = array<i64: 1000, 128>}, {pipeline_mode = #tpu.pipeline_mode<synchronous>, transform_indices = @transform_5, window_bounds = array<i64: 128, 128>}, {transform_indices = @transform_6, window_bounds = array<i64: 1000, 128>}]} {
    %get3A = arith.constant 0 : index
    %get3A_0 = arith.constant 0 : index
    %get3A_1 = vector.load %arg1[%get3A, %get3A_0] : memref<1000x128xf32, #tpu.memory_space<vmem>>, vector<1000x128xf32>
    %get3A_2 = arith.constant 0 : index
    %get3A_3 = arith.constant 0 : index
    %get3A_4 = vector.load %arg2[%get3A_2, %get3A_3] : memref<1000x128xf32, #tpu.memory_space<vmem>>, vector<1000x128xf32>
    %add3A = arith.addf %get3A_1, %get3A_4 : vector<1000x128xf32>
    %get3A_5 = arith.constant 0 : index
    %get3A_6 = arith.constant 0 : index
    %get3A_7 = vector.load %arg3[%get3A_5, %get3A_6] : memref<1000x128xf32, #tpu.memory_space<vmem>>, vector<1000x128xf32>
    %get3A_8 = arith.constant 0 : index
    %get3A_9 = arith.constant 0 : index
    %get3A_10 = vector.load %arg4[%get3A_8, %get3A_9] : memref<1000x128xf32, #tpu.memory_space<vmem>>, vector<1000x128xf32>
    %add3A_11 = arith.addf %get3A_7, %get3A_10 : vector<1000x128xf32>
    %get3A_12 = arith.constant 0 : index
    %get3A_13 = arith.constant 0 : index
    %get3A_14 = vector.load %arg6[%get3A_12, %get3A_13] : memref<128x128xf32, #tpu.memory_space<vmem>>, vector<128x128xf32>
    %convert_element_type3A = arith.truncf %add3A_11 : vector<1000x128xf32> to vector<1000x128xbf16>
    %convert_element_type3A_15 = arith.extf %convert_element_type3A : vector<1000x128xbf16> to vector<1000x128xf32>
    %sub3A = arith.subf %add3A_11, %convert_element_type3A_15 : vector<1000x128xf32>
    %convert_element_type3A_16 = arith.truncf %sub3A : vector<1000x128xf32> to vector<1000x128xbf16>
    %convert_element_type3A_17 = arith.extf %convert_element_type3A_16 : vector<1000x128xbf16> to vector<1000x128xf32>
    %sub3A_18 = arith.subf %sub3A, %convert_element_type3A_17 : vector<1000x128xf32>
    %dot_general3A = arith.constant dense<0.000000e+00> : vector<1000x128xf32>
    %dot_general3A_19 = tpu.matmul %convert_element_type3A_15, %get3A_14, %dot_general3A {dimension_numbers = #tpu.dot_dimension_numbers<[1], [0], [0], [1], [0, 0, 1, 1], [], []>, transpose_lhs_hint = false} : vector<1000x128xf32>, vector<128x128xf32>, vector<1000x128xf32> -> vector<1000x128xf32>
    %dot_general3A_20 = arith.constant dense<0.000000e+00> : vector<1000x128xf32>
    %dot_general3A_21 = tpu.matmul %convert_element_type3A_17, %get3A_14, %dot_general3A_20 {dimension_numbers = #tpu.dot_dimension_numbers<[1], [0], [0], [1], [0, 0, 1, 1], [], []>, transpose_lhs_hint = false} : vector<1000x128xf32>, vector<128x128xf32>, vector<1000x128xf32> -> vector<1000x128xf32>
    %add3A_22 = arith.addf %dot_general3A_19, %dot_general3A_21 : vector<1000x128xf32>
    %dot_general3A_23 = arith.constant dense<0.000000e+00> : vector<1000x128xf32>
    %dot_general3A_24 = tpu.matmul %sub3A_18, %get3A_14, %dot_general3A_23 {dimension_numbers = #tpu.dot_dimension_numbers<[1], [0], [0], [1], [0, 0, 1, 1], [], []>, transpose_lhs_hint = false} : vector<1000x128xf32>, vector<128x128xf32>, vector<1000x128xf32> -> vector<1000x128xf32>
    %add3A_25 = arith.addf %add3A_22, %dot_general3A_24 : vector<1000x128xf32>
    %add3A_26 = arith.constant 1.000000e-16 : f32
    %add3A_27 = vector.broadcast %add3A_26 : f32 to vector<1000x128xf32>
    %add3A_28 = arith.addf %add3A_25, %add3A_27 : vector<1000x128xf32>
    %div3A = arith.divf %add3A, %add3A_28 : vector<1000x128xf32>
    %get3A_29 = arith.constant 0 : index
    %get3A_30 = arith.constant 0 : index
    %get3A_31 = vector.load %arg5[%get3A_29, %get3A_30] : memref<1000x128xf32, #tpu.memory_space<vmem>>, vector<1000x128xf32>
    %add3A_32 = arith.addf %div3A, %get3A_31 : vector<1000x128xf32>
    %swap3A = arith.constant 0 : index
    %swap3A_33 = arith.constant 0 : index
    %swap3A_34 = vector.load %arg7[%swap3A, %swap3A_33] : memref<1000x128xf32, #tpu.memory_space<vmem>>, vector<1000x128xf32>
    tpu.vector_store %arg7[%swap3A, %swap3A_33], %add3A_32 {strides = array<i32>} : memref<1000x128xf32, #tpu.memory_space<vmem>>, vector<1000x128xf32>,
    return
  }
  func.func @transform_0(%arg0: i32) -> (i32, i32) {
    %c0_i32 = arith.constant 0 : i32
    %c0_i32_0 = arith.constant 0 : i32
    return %arg0, %c0_i32 : i32, i32
  }
  func.func @transform_1(%arg0: i32) -> (i32, i32) {
    %c0_i32 = arith.constant 0 : i32
    %c0_i32_0 = arith.constant 0 : i32
    return %arg0, %c0_i32 : i32, i32
  }
  func.func @transform_2(%arg0: i32) -> (i32, i32) {
    %c0_i32 = arith.constant 0 : i32
    %c0_i32_0 = arith.constant 0 : i32
    return %arg0, %c0_i32 : i32, i32
  }
  func.func @transform_3(%arg0: i32) -> (i32, i32) {
    %c0_i32 = arith.constant 0 : i32
    %c0_i32_0 = arith.constant 0 : i32
    return %arg0, %c0_i32 : i32, i32
  }
  func.func @transform_4(%arg0: i32) -> (i32, i32) {
    %c0_i32 = arith.constant 0 : i32
    %c0_i32_0 = arith.constant 0 : i32
    return %arg0, %c0_i32 : i32, i32
  }
  func.func @transform_5(%arg0: i32) -> (i32, i32) {
    %c0_i32 = arith.constant 0 : i32
    %c0_i32_0 = arith.constant 0 : i32
    %c0_i32_1 = arith.constant 0 : i32
    return %c0_i32, %c0_i32_0 : i32, i32
  }
  func.func @transform_6(%arg0: i32) -> (i32, i32) {
    %c0_i32 = arith.constant 0 : i32
    %c0_i32_0 = arith.constant 0 : i32
    return %arg0, %c0_i32 : i32, i32
  }
}

module attributes {stable_mosaic.version = 14 : i64} {
  func.func @body(%arg0: i32, %arg1: memref<1000x128xf32, #tpu.memory_space<vmem>>, %arg2: memref<1000x128xf32, #tpu.memory_space<vmem>>, %arg3: memref<8x128xf32, #tpu.memory_space<vmem>>) attributes {dimension_semantics = [#tpu.dimension_semantics<arbitrary>], iteration_bounds = array<i64: 10>, scalar_prefetch = 0 : i64, scratch_operands = 0 : i64, tpu.core_type = #tpu.core_type<tc>, window_params = [{transform_indices = @transform_0, window_bounds = array<i64: 1000, 128>}, {transform_indices = @transform_1, window_bounds = array<i64: 1000, 128>}, {pipeline_mode = #tpu.pipeline_mode<synchronous>, transform_indices = @transform_2, window_bounds = array<i64: 8, 128>}]} {
    %get3A = arith.constant 0 : index
    %get3A_0 = arith.constant 0 : index
    %get3A_1 = vector.load %arg1[%get3A, %get3A_0] : memref<1000x128xf32, #tpu.memory_space<vmem>>, vector<1000x128xf32>
    %mul3A = arith.constant 5.000000e-01 : f32
    %mul3A_2 = vector.broadcast %mul3A : f32 to vector<1000x128xf32>
    %mul3A_3 = arith.mulf %mul3A_2, %get3A_1 : vector<1000x128xf32>
    %mul3A_4 = arith.constant 0.707106769 : f32
    %mul3A_5 = vector.broadcast %mul3A_4 : f32 to vector<1000x128xf32>
    %mul3A_6 = arith.mulf %get3A_1, %mul3A_5 : vector<1000x128xf32>
    %erf3A = math.erf %mul3A_6 : vector<1000x128xf32>
    %add3A = arith.constant 1.000000e+00 : f32
    %add3A_7 = vector.broadcast %add3A : f32 to vector<1000x128xf32>
    %add3A_8 = arith.addf %add3A_7, %erf3A : vector<1000x128xf32>
    %mul3A_9 = arith.mulf %mul3A_3, %add3A_8 : vector<1000x128xf32>
    %swap3A = arith.constant 0 : index
    %swap3A_10 = arith.constant 0 : index
    %swap3A_11 = vector.load %arg2[%swap3A, %swap3A_10] : memref<1000x128xf32, #tpu.memory_space<vmem>>, vector<1000x128xf32>
    tpu.vector_store %arg2[%swap3A, %swap3A_10], %mul3A_9 {strides = array<i32>} : memref<1000x128xf32, #tpu.memory_space<vmem>>, vector<1000x128xf32>,
    %reduce_sum3A = arith.constant dense<0.000000e+00> : vector<128xf32>
    %reduce_sum3A_12 = vector.multi_reduction <add>, %mul3A_9, %reduce_sum3A [0] : vector<1000x128xf32> to vector<128xf32>
    %broadcast_in_dim3A = vector.shape_cast %reduce_sum3A_12 : vector<128xf32> to vector<1x128xf32>
    %mul3A_13 = arith.mulf %mul3A_9, %mul3A_9 : vector<1000x128xf32>
    %reduce_sum3A_14 = arith.constant dense<0.000000e+00> : vector<128xf32>
    %reduce_sum3A_15 = vector.multi_reduction <add>, %mul3A_13, %reduce_sum3A_14 [0] : vector<1000x128xf32> to vector<128xf32>
    %broadcast_in_dim3A_16 = vector.shape_cast %reduce_sum3A_15 : vector<128xf32> to vector<1x128xf32>
    %broadcast_in_dim3A_17 = arith.constant 0.000000e+00 : f32
    %broadcast_in_dim3A_18 = vector.broadcast %broadcast_in_dim3A_17 : f32 to vector<6x128xf32>
    %concatenate3A = tpu.concatenate %broadcast_in_dim3A, %broadcast_in_dim3A_16, %broadcast_in_dim3A_18 in 0 : vector<1x128xf32>, vector<1x128xf32>, vector<6x128xf32> -> vector<8x128xf32>
    %eq3A = arith.constant 0 : i32
    %eq3A_19 = arith.cmpi eq, %arg0, %eq3A : i32
    %convert_element_type3A = arith.extui %eq3A_19 : i1 to i32
    %cond3A = arith.constant 0 : i32
    %cond3A_20 = arith.cmpi ne, %convert_element_type3A, %cond3A : i32
    scf.if %cond3A_20 {
      %broadcast_in_dim3A_28 = arith.constant 0.000000e+00 : f32
      %broadcast_in_dim3A_29 = vector.broadcast %broadcast_in_dim3A_28 : f32 to vector<8x128xf32>
      %swap3A_30 = arith.constant 0 : index
      %swap3A_31 = arith.constant 0 : index
      %swap3A_32 = vector.load %arg3[%swap3A_30, %swap3A_31] : memref<8x128xf32, #tpu.memory_space<vmem>>, vector<8x128xf32>
      tpu.vector_store %arg3[%swap3A_30, %swap3A_31], %broadcast_in_dim3A_29 {strides = array<i32>} : memref<8x128xf32, #tpu.memory_space<vmem>>, vector<8x128xf32>,
    } else {
    }
    %get3A_21 = arith.constant 0 : index
    %get3A_22 = arith.constant 0 : index
    %get3A_23 = vector.load %arg3[%get3A_21, %get3A_22] : memref<8x128xf32, #tpu.memory_space<vmem>>, vector<8x128xf32>
    %add3A_24 = arith.addf %get3A_23, %concatenate3A : vector<8x128xf32>
    %swap3A_25 = arith.constant 0 : index
    %swap3A_26 = arith.constant 0 : index
    %swap3A_27 = vector.load %arg3[%swap3A_25, %swap3A_26] : memref<8x128xf32, #tpu.memory_space<vmem>>, vector<8x128xf32>
    tpu.vector_store %arg3[%swap3A_25, %swap3A_26], %add3A_24 {strides = array<i32>} : memref<8x128xf32, #tpu.memory_space<vmem>>, vector<8x128xf32>,
    return
  }
  func.func @transform_0(%arg0: i32) -> (i32, i32) {
    %c0_i32 = arith.constant 0 : i32
    %c0_i32_0 = arith.constant 0 : i32
    return %arg0, %c0_i32 : i32, i32
  }
  func.func @transform_1(%arg0: i32) -> (i32, i32) {
    %c0_i32 = arith.constant 0 : i32
    %c0_i32_0 = arith.constant 0 : i32
    return %arg0, %c0_i32 : i32, i32
  }
  func.func @transform_2(%arg0: i32) -> (i32, i32) {
    %c0_i32 = arith.constant 0 : i32
    %c0_i32_0 = arith.constant 0 : i32
    %c0_i32_1 = arith.constant 0 : i32
    return %c0_i32, %c0_i32_0 : i32, i32
  }
}

module attributes {stable_mosaic.version = 14 : i64} {
  func.func @body(%arg0: i32, %arg1: memref<1000x128xf32, #tpu.memory_space<vmem>>, %arg2: memref<8x128xf32, #tpu.memory_space<vmem>>, %arg3: memref<1x128xf32, #tpu.memory_space<vmem>>, %arg4: memref<1x128xf32, #tpu.memory_space<vmem>>, %arg5: memref<1x128xf32, #tpu.memory_space<vmem>>, %arg6: memref<1000x128xf32, #tpu.memory_space<vmem>>) attributes {dimension_semantics = [#tpu.dimension_semantics<arbitrary>], iteration_bounds = array<i64: 10>, scalar_prefetch = 0 : i64, scratch_operands = 0 : i64, tpu.core_type = #tpu.core_type<tc>, window_params = [{transform_indices = @transform_0, window_bounds = array<i64: 1000, 128>}, {pipeline_mode = #tpu.pipeline_mode<synchronous>, transform_indices = @transform_1, window_bounds = array<i64: 8, 128>}, {pipeline_mode = #tpu.pipeline_mode<synchronous>, transform_indices = @transform_2, window_bounds = array<i64: 1, 128>}, {pipeline_mode = #tpu.pipeline_mode<synchronous>, transform_indices = @transform_3, window_bounds = array<i64: 1, 128>}, {pipeline_mode = #tpu.pipeline_mode<synchronous>, transform_indices = @transform_4, window_bounds = array<i64: 1, 128>}, {transform_indices = @transform_5, window_bounds = array<i64: 1000, 128>}]} {
    %get3A = arith.constant 0 : index
    %get3A_0 = arith.constant 0 : index
    %get3A_1 = vector.load %arg2[%get3A, %get3A_0] : memref<8x128xf32, #tpu.memory_space<vmem>>, vector<1x128xf32>
    %mul3A = arith.constant 9.99999974E-5 : f32
    %mul3A_2 = vector.broadcast %mul3A : f32 to vector<1x128xf32>
    %mul3A_3 = arith.mulf %get3A_1, %mul3A_2 : vector<1x128xf32>
    %get3A_4 = arith.constant 1 : index
    %get3A_5 = arith.constant 0 : index
    %get3A_6 = vector.load %arg2[%get3A_4, %get3A_5] : memref<8x128xf32, #tpu.memory_space<vmem>>, vector<1x128xf32>
    %mul3A_7 = arith.constant 9.99999974E-5 : f32
    %mul3A_8 = vector.broadcast %mul3A_7 : f32 to vector<1x128xf32>
    %mul3A_9 = arith.mulf %get3A_6, %mul3A_8 : vector<1x128xf32>
    %get3A_10 = arith.constant 0 : index
    %get3A_11 = arith.constant 0 : index
    %get3A_12 = vector.load %arg5[%get3A_10, %get3A_11] : memref<1x128xf32, #tpu.memory_space<vmem>>, vector<1x128xf32>
    %mul3A_13 = arith.mulf %get3A_12, %mul3A_3 : vector<1x128xf32>
    %mul3A_14 = arith.constant 2.000000e+00 : f32
    %mul3A_15 = vector.broadcast %mul3A_14 : f32 to vector<1x128xf32>
    %mul3A_16 = arith.mulf %mul3A_15, %mul3A_13 : vector<1x128xf32>
    %mul3A_17 = arith.mulf %mul3A_16, %mul3A_3 : vector<1x128xf32>
    %sub3A = arith.subf %mul3A_9, %mul3A_17 : vector<1x128xf32>
    %mul3A_18 = arith.mulf %mul3A_13, %mul3A_13 : vector<1x128xf32>
    %add3A = arith.addf %sub3A, %mul3A_18 : vector<1x128xf32>
    %get3A_19 = arith.constant 0 : index
    %get3A_20 = arith.constant 0 : index
    %get3A_21 = vector.load %arg1[%get3A_19, %get3A_20] : memref<1000x128xf32, #tpu.memory_space<vmem>>, vector<1000x128xf32>
    %sub3A_22 = vector.broadcast %mul3A_13 : vector<1x128xf32> to vector<1000x128xf32>
    %sub3A_23 = arith.subf %get3A_21, %sub3A_22 : vector<1000x128xf32>
    %get3A_24 = arith.constant 0 : index
    %get3A_25 = arith.constant 0 : index
    %get3A_26 = vector.load %arg3[%get3A_24, %get3A_25] : memref<1x128xf32, #tpu.memory_space<vmem>>, vector<1x128xf32>
    %mul3A_27 = vector.broadcast %get3A_26 : vector<1x128xf32> to vector<1000x128xf32>
    %mul3A_28 = arith.mulf %mul3A_27, %sub3A_23 : vector<1000x128xf32>
    %add3A_29 = arith.constant 9.99999974E-6 : f32
    %add3A_30 = vector.broadcast %add3A_29 : f32 to vector<1x128xf32>
    %add3A_31 = arith.addf %add3A, %add3A_30 : vector<1x128xf32>
    %sqrt3A = math.sqrt %add3A_31 : vector<1x128xf32>
    %div3A = vector.broadcast %sqrt3A : vector<1x128xf32> to vector<1000x128xf32>
    %div3A_32 = arith.divf %mul3A_28, %div3A : vector<1000x128xf32>
    %get3A_33 = arith.constant 0 : index
    %get3A_34 = arith.constant 0 : index
    %get3A_35 = vector.load %arg4[%get3A_33, %get3A_34] : memref<1x128xf32, #tpu.memory_space<vmem>>, vector<1x128xf32>
    %add3A_36 = vector.broadcast %get3A_35 : vector<1x128xf32> to vector<1000x128xf32>
    %add3A_37 = arith.addf %div3A_32, %add3A_36 : vector<1000x128xf32>
    %swap3A = arith.constant 0 : index
    %swap3A_38 = arith.constant 0 : index
    %swap3A_39 = vector.load %arg6[%swap3A, %swap3A_38] : memref<1000x128xf32, #tpu.memory_space<vmem>>, vector<1000x128xf32>
    tpu.vector_store %arg6[%swap3A, %swap3A_38], %add3A_37 {strides = array<i32>} : memref<1000x128xf32, #tpu.memory_space<vmem>>, vector<1000x128xf32>,
    return
  }
  func.func @transform_0(%arg0: i32) -> (i32, i32) {
    %c0_i32 = arith.constant 0 : i32
    %c0_i32_0 = arith.constant 0 : i32
    return %arg0, %c0_i32 : i32, i32
  }
  func.func @transform_1(%arg0: i32) -> (i32, i32) {
    %c0_i32 = arith.constant 0 : i32
    %c0_i32_0 = arith.constant 0 : i32
    %c0_i32_1 = arith.constant 0 : i32
    return %c0_i32, %c0_i32_0 : i32, i32
  }
  func.func @transform_2(%arg0: i32) -> (i32, i32) {
    %c0_i32 = arith.constant 0 : i32
    %c0_i32_0 = arith.constant 0 : i32
    %c0_i32_1 = arith.constant 0 : i32
    return %c0_i32, %c0_i32_0 : i32, i32
  }
  func.func @transform_3(%arg0: i32) -> (i32, i32) {
    %c0_i32 = arith.constant 0 : i32
    %c0_i32_0 = arith.constant 0 : i32
    %c0_i32_1 = arith.constant 0 : i32
    return %c0_i32, %c0_i32_0 : i32, i32
  }
  func.func @transform_4(%arg0: i32) -> (i32, i32) {
    %c0_i32 = arith.constant 0 : i32
    %c0_i32_0 = arith.constant 0 : i32
    %c0_i32_1 = arith.constant 0 : i32
    return %c0_i32, %c0_i32_0 : i32, i32
  }
  func.func @transform_5(%arg0: i32) -> (i32, i32) {
    %c0_i32 = arith.constant 0 : i32
    %c0_i32_0 = arith.constant 0 : i32
    return %arg0, %c0_i32 : i32, i32
  }
}

module attributes {stable_mosaic.version = 14 : i64} {
  func.func @body(%arg0: i32, %arg1: memref<2000x128xf32, #tpu.memory_space<vmem>>, %arg2: memref<2000x256xf32, #tpu.memory_space<vmem>>, %arg3: memref<2000x128xf32, #tpu.memory_space<vmem>>, %arg4: memref<128x128xf32, #tpu.memory_space<vmem>>, %arg5: memref<128x128xf32, #tpu.memory_space<vmem>>, %arg6: memref<2000x128xf32, #tpu.memory_space<vmem>>, %arg7: memref<2000x128xf32, #tpu.memory_space<vmem>>) attributes {dimension_semantics = [#tpu.dimension_semantics<arbitrary>], iteration_bounds = array<i64: 160>, scalar_prefetch = 0 : i64, scratch_operands = 0 : i64, tpu.core_type = #tpu.core_type<tc>, window_params = [{transform_indices = @transform_0, window_bounds = array<i64: 2000, 128>}, {transform_indices = @transform_1, window_bounds = array<i64: 2000, 256>}, {transform_indices = @transform_2, window_bounds = array<i64: 2000, 128>}, {pipeline_mode = #tpu.pipeline_mode<synchronous>, transform_indices = @transform_3, window_bounds = array<i64: 128, 128>}, {pipeline_mode = #tpu.pipeline_mode<synchronous>, transform_indices = @transform_4, window_bounds = array<i64: 128, 128>}, {transform_indices = @transform_5, window_bounds = array<i64: 2000, 128>}, {transform_indices = @transform_6, window_bounds = array<i64: 2000, 128>}]} {
    %get3A = arith.constant 0 : index
    %get3A_0 = arith.constant 0 : index
    %get3A_1 = vector.load %arg1[%get3A, %get3A_0] : memref<2000x128xf32, #tpu.memory_space<vmem>>, vector<2000x128xf32>
    %get3A_2 = arith.constant 0 : index
    %get3A_3 = arith.constant 0 : index
    %get3A_4 = vector.load %arg2[%get3A_2, %get3A_3] : memref<2000x256xf32, #tpu.memory_space<vmem>>, vector<2000x256xf32>
    %get3A_5 = arith.constant 0 : index
    %get3A_6 = arith.constant 0 : index
    %get3A_7 = vector.load %arg3[%get3A_5, %get3A_6] : memref<2000x128xf32, #tpu.memory_space<vmem>>, vector<2000x128xf32>
    %slice3A = vector.extract_strided_slice %get3A_4 {offsets = [0, 0], sizes = [2000, 128], strides = [1, 1]} : vector<2000x256xf32> to vector<2000x128xf32>
    %add3A = arith.addf %slice3A, %get3A_7 : vector<2000x128xf32>
    %mul3A = arith.mulf %get3A_1, %add3A : vector<2000x128xf32>
    %get3A_8 = arith.constant 0 : index
    %get3A_9 = arith.constant 0 : index
    %get3A_10 = vector.load %arg4[%get3A_8, %get3A_9] : memref<128x128xf32, #tpu.memory_space<vmem>>, vector<128x128xf32>
    %convert_element_type3A = arith.truncf %mul3A : vector<2000x128xf32> to vector<2000x128xbf16>
    %convert_element_type3A_11 = arith.extf %convert_element_type3A : vector<2000x128xbf16> to vector<2000x128xf32>
    %sub3A = arith.subf %mul3A, %convert_element_type3A_11 : vector<2000x128xf32>
    %convert_element_type3A_12 = arith.truncf %sub3A : vector<2000x128xf32> to vector<2000x128xbf16>
    %convert_element_type3A_13 = arith.extf %convert_element_type3A_12 : vector<2000x128xbf16> to vector<2000x128xf32>
    %sub3A_14 = arith.subf %sub3A, %convert_element_type3A_13 : vector<2000x128xf32>
    %dot_general3A = arith.constant dense<0.000000e+00> : vector<2000x128xf32>
    %dot_general3A_15 = tpu.matmul %convert_element_type3A_11, %get3A_10, %dot_general3A {dimension_numbers = #tpu.dot_dimension_numbers<[1], [0], [0], [1], [0, 0, 1, 1], [], []>, transpose_lhs_hint = false} : vector<2000x128xf32>, vector<128x128xf32>, vector<2000x128xf32> -> vector<2000x128xf32>
    %dot_general3A_16 = arith.constant dense<0.000000e+00> : vector<2000x128xf32>
    %dot_general3A_17 = tpu.matmul %convert_element_type3A_13, %get3A_10, %dot_general3A_16 {dimension_numbers = #tpu.dot_dimension_numbers<[1], [0], [0], [1], [0, 0, 1, 1], [], []>, transpose_lhs_hint = false} : vector<2000x128xf32>, vector<128x128xf32>, vector<2000x128xf32> -> vector<2000x128xf32>
    %add3A_18 = arith.addf %dot_general3A_15, %dot_general3A_17 : vector<2000x128xf32>
    %dot_general3A_19 = arith.constant dense<0.000000e+00> : vector<2000x128xf32>
    %dot_general3A_20 = tpu.matmul %sub3A_14, %get3A_10, %dot_general3A_19 {dimension_numbers = #tpu.dot_dimension_numbers<[1], [0], [0], [1], [0, 0, 1, 1], [], []>, transpose_lhs_hint = false} : vector<2000x128xf32>, vector<128x128xf32>, vector<2000x128xf32> -> vector<2000x128xf32>
    %add3A_21 = arith.addf %add3A_18, %dot_general3A_20 : vector<2000x128xf32>
    %exp3A = math.exp %add3A_21 : vector<2000x128xf32>
    %slice3A_22 = vector.extract_strided_slice %get3A_4 {offsets = [0, 128], sizes = [2000, 128], strides = [1, 1]} : vector<2000x256xf32> to vector<2000x128xf32>
    %add3A_23 = arith.addf %slice3A_22, %get3A_7 : vector<2000x128xf32>
    %mul3A_24 = arith.mulf %add3A_23, %exp3A : vector<2000x128xf32>
    %swap3A = arith.constant 0 : index
    %swap3A_25 = arith.constant 0 : index
    %swap3A_26 = vector.load %arg6[%swap3A, %swap3A_25] : memref<2000x128xf32, #tpu.memory_space<vmem>>, vector<2000x128xf32>
    tpu.vector_store %arg6[%swap3A, %swap3A_25], %mul3A_24 {strides = array<i32>} : memref<2000x128xf32, #tpu.memory_space<vmem>>, vector<2000x128xf32>,
    %get3A_27 = arith.constant 0 : index
    %get3A_28 = arith.constant 0 : index
    %get3A_29 = vector.load %arg5[%get3A_27, %get3A_28] : memref<128x128xf32, #tpu.memory_space<vmem>>, vector<128x128xf32>
    %convert_element_type3A_30 = arith.truncf %exp3A : vector<2000x128xf32> to vector<2000x128xbf16>
    %convert_element_type3A_31 = arith.extf %convert_element_type3A_30 : vector<2000x128xbf16> to vector<2000x128xf32>
    %sub3A_32 = arith.subf %exp3A, %convert_element_type3A_31 : vector<2000x128xf32>
    %convert_element_type3A_33 = arith.truncf %sub3A_32 : vector<2000x128xf32> to vector<2000x128xbf16>
    %convert_element_type3A_34 = arith.extf %convert_element_type3A_33 : vector<2000x128xbf16> to vector<2000x128xf32>
    %sub3A_35 = arith.subf %sub3A_32, %convert_element_type3A_34 : vector<2000x128xf32>
    %dot_general3A_36 = arith.constant dense<0.000000e+00> : vector<2000x128xf32>
    %dot_general3A_37 = tpu.matmul %convert_element_type3A_31, %get3A_29, %dot_general3A_36 {dimension_numbers = #tpu.dot_dimension_numbers<[1], [0], [0], [1], [0, 0, 1, 1], [], []>, transpose_lhs_hint = false} : vector<2000x128xf32>, vector<128x128xf32>, vector<2000x128xf32> -> vector<2000x128xf32>
    %dot_general3A_38 = arith.constant dense<0.000000e+00> : vector<2000x128xf32>
    %dot_general3A_39 = tpu.matmul %convert_element_type3A_34, %get3A_29, %dot_general3A_38 {dimension_numbers = #tpu.dot_dimension_numbers<[1], [0], [0], [1], [0, 0, 1, 1], [], []>, transpose_lhs_hint = false} : vector<2000x128xf32>, vector<128x128xf32>, vector<2000x128xf32> -> vector<2000x128xf32>
    %add3A_40 = arith.addf %dot_general3A_37, %dot_general3A_39 : vector<2000x128xf32>
    %dot_general3A_41 = arith.constant dense<0.000000e+00> : vector<2000x128xf32>
    %dot_general3A_42 = tpu.matmul %sub3A_35, %get3A_29, %dot_general3A_41 {dimension_numbers = #tpu.dot_dimension_numbers<[1], [0], [0], [1], [0, 0, 1, 1], [], []>, transpose_lhs_hint = false} : vector<2000x128xf32>, vector<128x128xf32>, vector<2000x128xf32> -> vector<2000x128xf32>
    %add3A_43 = arith.addf %add3A_40, %dot_general3A_42 : vector<2000x128xf32>
    %swap3A_44 = arith.constant 0 : index
    %swap3A_45 = arith.constant 0 : index
    %swap3A_46 = vector.load %arg7[%swap3A_44, %swap3A_45] : memref<2000x128xf32, #tpu.memory_space<vmem>>, vector<2000x128xf32>
    tpu.vector_store %arg7[%swap3A_44, %swap3A_45], %add3A_43 {strides = array<i32>} : memref<2000x128xf32, #tpu.memory_space<vmem>>, vector<2000x128xf32>,
    return
  }
  func.func @transform_0(%arg0: i32) -> (i32, i32) {
    %c0_i32 = arith.constant 0 : i32
    %c0_i32_0 = arith.constant 0 : i32
    return %arg0, %c0_i32 : i32, i32
  }
  func.func @transform_1(%arg0: i32) -> (i32, i32) {
    %c0_i32 = arith.constant 0 : i32
    %c0_i32_0 = arith.constant 0 : i32
    return %arg0, %c0_i32 : i32, i32
  }
  func.func @transform_2(%arg0: i32) -> (i32, i32) {
    %c1_i32 = arith.constant 1 : i32
    %c0_i32 = arith.constant 0 : i32
    return %arg0, %c1_i32 : i32, i32
  }
  func.func @transform_3(%arg0: i32) -> (i32, i32) {
    %c0_i32 = arith.constant 0 : i32
    %c0_i32_0 = arith.constant 0 : i32
    %c0_i32_1 = arith.constant 0 : i32
    return %c0_i32, %c0_i32_0 : i32, i32
  }
  func.func @transform_4(%arg0: i32) -> (i32, i32) {
    %c0_i32 = arith.constant 0 : i32
    %c0_i32_0 = arith.constant 0 : i32
    %c0_i32_1 = arith.constant 0 : i32
    return %c0_i32, %c0_i32_0 : i32, i32
  }
  func.func @transform_5(%arg0: i32) -> (i32, i32) {
    %c0_i32 = arith.constant 0 : i32
    %c0_i32_0 = arith.constant 0 : i32
    return %arg0, %c0_i32 : i32, i32
  }
  func.func @transform_6(%arg0: i32) -> (i32, i32) {
    %c0_i32 = arith.constant 0 : i32
    %c0_i32_0 = arith.constant 0 : i32
    return %arg0, %c0_i32 : i32, i32
  }
}

module attributes {stable_mosaic.version = 14 : i64} {
  func.func @body(%arg0: i32, %arg1: memref<2000x128xf32, #tpu.memory_space<vmem>>, %arg2: memref<2000x256xf32, #tpu.memory_space<vmem>>, %arg3: memref<2000x128xf32, #tpu.memory_space<vmem>>, %arg4: memref<128x128xf32, #tpu.memory_space<vmem>>, %arg5: memref<128x128xf32, #tpu.memory_space<vmem>>, %arg6: memref<2000x128xf32, #tpu.memory_space<vmem>>, %arg7: memref<2000x128xf32, #tpu.memory_space<vmem>>) attributes {dimension_semantics = [#tpu.dimension_semantics<arbitrary>], iteration_bounds = array<i64: 160>, scalar_prefetch = 0 : i64, scratch_operands = 0 : i64, tpu.core_type = #tpu.core_type<tc>, window_params = [{transform_indices = @transform_0, window_bounds = array<i64: 2000, 128>}, {transform_indices = @transform_1, window_bounds = array<i64: 2000, 256>}, {transform_indices = @transform_2, window_bounds = array<i64: 2000, 128>}, {pipeline_mode = #tpu.pipeline_mode<synchronous>, transform_indices = @transform_3, window_bounds = array<i64: 128, 128>}, {pipeline_mode = #tpu.pipeline_mode<synchronous>, transform_indices = @transform_4, window_bounds = array<i64: 128, 128>}, {transform_indices = @transform_5, window_bounds = array<i64: 2000, 128>}, {transform_indices = @transform_6, window_bounds = array<i64: 2000, 128>}]} {
    %get3A = arith.constant 0 : index
    %get3A_0 = arith.constant 0 : index
    %get3A_1 = vector.load %arg1[%get3A, %get3A_0] : memref<2000x128xf32, #tpu.memory_space<vmem>>, vector<2000x128xf32>
    %get3A_2 = arith.constant 0 : index
    %get3A_3 = arith.constant 0 : index
    %get3A_4 = vector.load %arg2[%get3A_2, %get3A_3] : memref<2000x256xf32, #tpu.memory_space<vmem>>, vector<2000x256xf32>
    %get3A_5 = arith.constant 0 : index
    %get3A_6 = arith.constant 0 : index
    %get3A_7 = vector.load %arg3[%get3A_5, %get3A_6] : memref<2000x128xf32, #tpu.memory_space<vmem>>, vector<2000x128xf32>
    %slice3A = vector.extract_strided_slice %get3A_4 {offsets = [0, 0], sizes = [2000, 128], strides = [1, 1]} : vector<2000x256xf32> to vector<2000x128xf32>
    %add3A = arith.addf %slice3A, %get3A_7 : vector<2000x128xf32>
    %mul3A = arith.mulf %get3A_1, %add3A : vector<2000x128xf32>
    %get3A_8 = arith.constant 0 : index
    %get3A_9 = arith.constant 0 : index
    %get3A_10 = vector.load %arg4[%get3A_8, %get3A_9] : memref<128x128xf32, #tpu.memory_space<vmem>>, vector<128x128xf32>
    %convert_element_type3A = arith.truncf %mul3A : vector<2000x128xf32> to vector<2000x128xbf16>
    %convert_element_type3A_11 = arith.extf %convert_element_type3A : vector<2000x128xbf16> to vector<2000x128xf32>
    %sub3A = arith.subf %mul3A, %convert_element_type3A_11 : vector<2000x128xf32>
    %convert_element_type3A_12 = arith.truncf %sub3A : vector<2000x128xf32> to vector<2000x128xbf16>
    %convert_element_type3A_13 = arith.extf %convert_element_type3A_12 : vector<2000x128xbf16> to vector<2000x128xf32>
    %sub3A_14 = arith.subf %sub3A, %convert_element_type3A_13 : vector<2000x128xf32>
    %dot_general3A = arith.constant dense<0.000000e+00> : vector<2000x128xf32>
    %dot_general3A_15 = tpu.matmul %convert_element_type3A_11, %get3A_10, %dot_general3A {dimension_numbers = #tpu.dot_dimension_numbers<[1], [0], [0], [1], [0, 0, 1, 1], [], []>, transpose_lhs_hint = false} : vector<2000x128xf32>, vector<128x128xf32>, vector<2000x128xf32> -> vector<2000x128xf32>
    %dot_general3A_16 = arith.constant dense<0.000000e+00> : vector<2000x128xf32>
    %dot_general3A_17 = tpu.matmul %convert_element_type3A_13, %get3A_10, %dot_general3A_16 {dimension_numbers = #tpu.dot_dimension_numbers<[1], [0], [0], [1], [0, 0, 1, 1], [], []>, transpose_lhs_hint = false} : vector<2000x128xf32>, vector<128x128xf32>, vector<2000x128xf32> -> vector<2000x128xf32>
    %add3A_18 = arith.addf %dot_general3A_15, %dot_general3A_17 : vector<2000x128xf32>
    %dot_general3A_19 = arith.constant dense<0.000000e+00> : vector<2000x128xf32>
    %dot_general3A_20 = tpu.matmul %sub3A_14, %get3A_10, %dot_general3A_19 {dimension_numbers = #tpu.dot_dimension_numbers<[1], [0], [0], [1], [0, 0, 1, 1], [], []>, transpose_lhs_hint = false} : vector<2000x128xf32>, vector<128x128xf32>, vector<2000x128xf32> -> vector<2000x128xf32>
    %add3A_21 = arith.addf %add3A_18, %dot_general3A_20 : vector<2000x128xf32>
    %exp3A = math.exp %add3A_21 : vector<2000x128xf32>
    %slice3A_22 = vector.extract_strided_slice %get3A_4 {offsets = [0, 128], sizes = [2000, 128], strides = [1, 1]} : vector<2000x256xf32> to vector<2000x128xf32>
    %add3A_23 = arith.addf %slice3A_22, %get3A_7 : vector<2000x128xf32>
    %mul3A_24 = arith.mulf %add3A_23, %exp3A : vector<2000x128xf32>
    %swap3A = arith.constant 0 : index
    %swap3A_25 = arith.constant 0 : index
    %swap3A_26 = vector.load %arg6[%swap3A, %swap3A_25] : memref<2000x128xf32, #tpu.memory_space<vmem>>, vector<2000x128xf32>
    tpu.vector_store %arg6[%swap3A, %swap3A_25], %mul3A_24 {strides = array<i32>} : memref<2000x128xf32, #tpu.memory_space<vmem>>, vector<2000x128xf32>,
    %get3A_27 = arith.constant 0 : index
    %get3A_28 = arith.constant 0 : index
    %get3A_29 = vector.load %arg5[%get3A_27, %get3A_28] : memref<128x128xf32, #tpu.memory_space<vmem>>, vector<128x128xf32>
    %convert_element_type3A_30 = arith.truncf %exp3A : vector<2000x128xf32> to vector<2000x128xbf16>
    %convert_element_type3A_31 = arith.extf %convert_element_type3A_30 : vector<2000x128xbf16> to vector<2000x128xf32>
    %sub3A_32 = arith.subf %exp3A, %convert_element_type3A_31 : vector<2000x128xf32>
    %convert_element_type3A_33 = arith.truncf %sub3A_32 : vector<2000x128xf32> to vector<2000x128xbf16>
    %convert_element_type3A_34 = arith.extf %convert_element_type3A_33 : vector<2000x128xbf16> to vector<2000x128xf32>
    %sub3A_35 = arith.subf %sub3A_32, %convert_element_type3A_34 : vector<2000x128xf32>
    %dot_general3A_36 = arith.constant dense<0.000000e+00> : vector<2000x128xf32>
    %dot_general3A_37 = tpu.matmul %convert_element_type3A_31, %get3A_29, %dot_general3A_36 {dimension_numbers = #tpu.dot_dimension_numbers<[1], [0], [0], [1], [0, 0, 1, 1], [], []>, transpose_lhs_hint = false} : vector<2000x128xf32>, vector<128x128xf32>, vector<2000x128xf32> -> vector<2000x128xf32>
    %dot_general3A_38 = arith.constant dense<0.000000e+00> : vector<2000x128xf32>
    %dot_general3A_39 = tpu.matmul %convert_element_type3A_34, %get3A_29, %dot_general3A_38 {dimension_numbers = #tpu.dot_dimension_numbers<[1], [0], [0], [1], [0, 0, 1, 1], [], []>, transpose_lhs_hint = false} : vector<2000x128xf32>, vector<128x128xf32>, vector<2000x128xf32> -> vector<2000x128xf32>
    %add3A_40 = arith.addf %dot_general3A_37, %dot_general3A_39 : vector<2000x128xf32>
    %dot_general3A_41 = arith.constant dense<0.000000e+00> : vector<2000x128xf32>
    %dot_general3A_42 = tpu.matmul %sub3A_35, %get3A_29, %dot_general3A_41 {dimension_numbers = #tpu.dot_dimension_numbers<[1], [0], [0], [1], [0, 0, 1, 1], [], []>, transpose_lhs_hint = false} : vector<2000x128xf32>, vector<128x128xf32>, vector<2000x128xf32> -> vector<2000x128xf32>
    %add3A_43 = arith.addf %add3A_40, %dot_general3A_42 : vector<2000x128xf32>
    %swap3A_44 = arith.constant 0 : index
    %swap3A_45 = arith.constant 0 : index
    %swap3A_46 = vector.load %arg7[%swap3A_44, %swap3A_45] : memref<2000x128xf32, #tpu.memory_space<vmem>>, vector<2000x128xf32>
    tpu.vector_store %arg7[%swap3A_44, %swap3A_45], %add3A_43 {strides = array<i32>} : memref<2000x128xf32, #tpu.memory_space<vmem>>, vector<2000x128xf32>,
    return
  }
  func.func @transform_0(%arg0: i32) -> (i32, i32) {
    %c0_i32 = arith.constant 0 : i32
    %c0_i32_0 = arith.constant 0 : i32
    return %arg0, %c0_i32 : i32, i32
  }
  func.func @transform_1(%arg0: i32) -> (i32, i32) {
    %c0_i32 = arith.constant 0 : i32
    %c0_i32_0 = arith.constant 0 : i32
    return %arg0, %c0_i32 : i32, i32
  }
  func.func @transform_2(%arg0: i32) -> (i32, i32) {
    %c2_i32 = arith.constant 2 : i32
    %c0_i32 = arith.constant 0 : i32
    return %arg0, %c2_i32 : i32, i32
  }
  func.func @transform_3(%arg0: i32) -> (i32, i32) {
    %c0_i32 = arith.constant 0 : i32
    %c0_i32_0 = arith.constant 0 : i32
    %c0_i32_1 = arith.constant 0 : i32
    return %c0_i32, %c0_i32_0 : i32, i32
  }
  func.func @transform_4(%arg0: i32) -> (i32, i32) {
    %c0_i32 = arith.constant 0 : i32
    %c0_i32_0 = arith.constant 0 : i32
    %c0_i32_1 = arith.constant 0 : i32
    return %c0_i32, %c0_i32_0 : i32, i32
  }
  func.func @transform_5(%arg0: i32) -> (i32, i32) {
    %c0_i32 = arith.constant 0 : i32
    %c0_i32_0 = arith.constant 0 : i32
    return %arg0, %c0_i32 : i32, i32
  }
  func.func @transform_6(%arg0: i32) -> (i32, i32) {
    %c0_i32 = arith.constant 0 : i32
    %c0_i32_0 = arith.constant 0 : i32
    return %arg0, %c0_i32 : i32, i32
  }
}

module attributes {stable_mosaic.version = 14 : i64} {
  func.func @body(%arg0: i32, %arg1: memref<1000x128xf32, #tpu.memory_space<vmem>>, %arg2: memref<128x512xf32, #tpu.memory_space<vmem>>, %arg3: memref<1x512xf32, #tpu.memory_space<vmem>>, %arg4: memref<1000x512xf32, #tpu.memory_space<vmem>>) attributes {dimension_semantics = [#tpu.dimension_semantics<arbitrary>], iteration_bounds = array<i64: 10>, scalar_prefetch = 0 : i64, scratch_operands = 0 : i64, tpu.core_type = #tpu.core_type<tc>, window_params = [{transform_indices = @transform_0, window_bounds = array<i64: 1000, 128>}, {pipeline_mode = #tpu.pipeline_mode<synchronous>, transform_indices = @transform_1, window_bounds = array<i64: 128, 512>}, {pipeline_mode = #tpu.pipeline_mode<synchronous>, transform_indices = @transform_2, window_bounds = array<i64: 1, 512>}, {transform_indices = @transform_3, window_bounds = array<i64: 1000, 512>}]} {
    %get3A = arith.constant 0 : index
    %get3A_0 = arith.constant 0 : index
    %get3A_1 = vector.load %arg1[%get3A, %get3A_0] : memref<1000x128xf32, #tpu.memory_space<vmem>>, vector<1000x128xf32>
    %get3A_2 = arith.constant 0 : index
    %get3A_3 = arith.constant 0 : index
    %get3A_4 = vector.load %arg2[%get3A_2, %get3A_3] : memref<128x512xf32, #tpu.memory_space<vmem>>, vector<128x512xf32>
    %dot_general3A = arith.constant dense<0.000000e+00> : vector<1000x512xf32>
    %dot_general3A_5 = tpu.matmul %get3A_1, %get3A_4, %dot_general3A {dimension_numbers = #tpu.dot_dimension_numbers<[1], [0], [0], [1], [0, 0, 1, 1], [], []>, transpose_lhs_hint = false} : vector<1000x128xf32>, vector<128x512xf32>, vector<1000x512xf32> -> vector<1000x512xf32>
    %get3A_6 = arith.constant 0 : index
    %get3A_7 = arith.constant 0 : index
    %get3A_8 = vector.load %arg3[%get3A_6, %get3A_7] : memref<1x512xf32, #tpu.memory_space<vmem>>, vector<1x512xf32>
    %add3A = vector.broadcast %get3A_8 : vector<1x512xf32> to vector<1000x512xf32>
    %add3A_9 = arith.addf %dot_general3A_5, %add3A : vector<1000x512xf32>
    %swap3A = arith.constant 0 : index
    %swap3A_10 = arith.constant 0 : index
    %swap3A_11 = vector.load %arg4[%swap3A, %swap3A_10] : memref<1000x512xf32, #tpu.memory_space<vmem>>, vector<1000x512xf32>
    tpu.vector_store %arg4[%swap3A, %swap3A_10], %add3A_9 {strides = array<i32>} : memref<1000x512xf32, #tpu.memory_space<vmem>>, vector<1000x512xf32>,
    return
  }
  func.func @transform_0(%arg0: i32) -> (i32, i32) {
    %c0_i32 = arith.constant 0 : i32
    %c0_i32_0 = arith.constant 0 : i32
    return %arg0, %c0_i32 : i32, i32
  }
  func.func @transform_1(%arg0: i32) -> (i32, i32) {
    %c0_i32 = arith.constant 0 : i32
    %c0_i32_0 = arith.constant 0 : i32
    %c0_i32_1 = arith.constant 0 : i32
    return %c0_i32, %c0_i32_0 : i32, i32
  }
  func.func @transform_2(%arg0: i32) -> (i32, i32) {
    %c0_i32 = arith.constant 0 : i32
    %c0_i32_0 = arith.constant 0 : i32
    %c0_i32_1 = arith.constant 0 : i32
    return %c0_i32, %c0_i32_0 : i32, i32
  }
  func.func @transform_3(%arg0: i32) -> (i32, i32) {
    %c0_i32 = arith.constant 0 : i32
    %c0_i32_0 = arith.constant 0 : i32
    return %arg0, %c0_i32 : i32, i32
  }
}

module attributes {stable_mosaic.version = 14 : i64} {
  func.func @body(%arg0: i32, %arg1: memref<1000x512xf32, #tpu.memory_space<vmem>>, %arg2: memref<1000x512xf32, #tpu.memory_space<vmem>>, %arg3: memref<8x512xf32, #tpu.memory_space<vmem>>) attributes {dimension_semantics = [#tpu.dimension_semantics<arbitrary>], iteration_bounds = array<i64: 10>, scalar_prefetch = 0 : i64, scratch_operands = 0 : i64, tpu.core_type = #tpu.core_type<tc>, window_params = [{transform_indices = @transform_0, window_bounds = array<i64: 1000, 512>}, {transform_indices = @transform_1, window_bounds = array<i64: 1000, 512>}, {pipeline_mode = #tpu.pipeline_mode<synchronous>, transform_indices = @transform_2, window_bounds = array<i64: 8, 512>}]} {
    %get3A = arith.constant 0 : index
    %get3A_0 = arith.constant 0 : index
    %get3A_1 = vector.load %arg1[%get3A, %get3A_0] : memref<1000x512xf32, #tpu.memory_space<vmem>>, vector<1000x512xf32>
    %mul3A = arith.constant 5.000000e-01 : f32
    %mul3A_2 = vector.broadcast %mul3A : f32 to vector<1000x512xf32>
    %mul3A_3 = arith.mulf %mul3A_2, %get3A_1 : vector<1000x512xf32>
    %mul3A_4 = arith.constant 0.707106769 : f32
    %mul3A_5 = vector.broadcast %mul3A_4 : f32 to vector<1000x512xf32>
    %mul3A_6 = arith.mulf %get3A_1, %mul3A_5 : vector<1000x512xf32>
    %erf3A = math.erf %mul3A_6 : vector<1000x512xf32>
    %add3A = arith.constant 1.000000e+00 : f32
    %add3A_7 = vector.broadcast %add3A : f32 to vector<1000x512xf32>
    %add3A_8 = arith.addf %add3A_7, %erf3A : vector<1000x512xf32>
    %mul3A_9 = arith.mulf %mul3A_3, %add3A_8 : vector<1000x512xf32>
    %swap3A = arith.constant 0 : index
    %swap3A_10 = arith.constant 0 : index
    %swap3A_11 = vector.load %arg2[%swap3A, %swap3A_10] : memref<1000x512xf32, #tpu.memory_space<vmem>>, vector<1000x512xf32>
    tpu.vector_store %arg2[%swap3A, %swap3A_10], %mul3A_9 {strides = array<i32>} : memref<1000x512xf32, #tpu.memory_space<vmem>>, vector<1000x512xf32>,
    %reduce_sum3A = arith.constant dense<0.000000e+00> : vector<512xf32>
    %reduce_sum3A_12 = vector.multi_reduction <add>, %mul3A_9, %reduce_sum3A [0] : vector<1000x512xf32> to vector<512xf32>
    %broadcast_in_dim3A = vector.shape_cast %reduce_sum3A_12 : vector<512xf32> to vector<1x512xf32>
    %mul3A_13 = arith.mulf %mul3A_9, %mul3A_9 : vector<1000x512xf32>
    %reduce_sum3A_14 = arith.constant dense<0.000000e+00> : vector<512xf32>
    %reduce_sum3A_15 = vector.multi_reduction <add>, %mul3A_13, %reduce_sum3A_14 [0] : vector<1000x512xf32> to vector<512xf32>
    %broadcast_in_dim3A_16 = vector.shape_cast %reduce_sum3A_15 : vector<512xf32> to vector<1x512xf32>
    %broadcast_in_dim3A_17 = arith.constant 0.000000e+00 : f32
    %broadcast_in_dim3A_18 = vector.broadcast %broadcast_in_dim3A_17 : f32 to vector<6x512xf32>
    %concatenate3A = tpu.concatenate %broadcast_in_dim3A, %broadcast_in_dim3A_16, %broadcast_in_dim3A_18 in 0 : vector<1x512xf32>, vector<1x512xf32>, vector<6x512xf32> -> vector<8x512xf32>
    %eq3A = arith.constant 0 : i32
    %eq3A_19 = arith.cmpi eq, %arg0, %eq3A : i32
    %convert_element_type3A = arith.extui %eq3A_19 : i1 to i32
    %cond3A = arith.constant 0 : i32
    %cond3A_20 = arith.cmpi ne, %convert_element_type3A, %cond3A : i32
    scf.if %cond3A_20 {
      %broadcast_in_dim3A_28 = arith.constant 0.000000e+00 : f32
      %broadcast_in_dim3A_29 = vector.broadcast %broadcast_in_dim3A_28 : f32 to vector<8x512xf32>
      %swap3A_30 = arith.constant 0 : index
      %swap3A_31 = arith.constant 0 : index
      %swap3A_32 = vector.load %arg3[%swap3A_30, %swap3A_31] : memref<8x512xf32, #tpu.memory_space<vmem>>, vector<8x512xf32>
      tpu.vector_store %arg3[%swap3A_30, %swap3A_31], %broadcast_in_dim3A_29 {strides = array<i32>} : memref<8x512xf32, #tpu.memory_space<vmem>>, vector<8x512xf32>,
    } else {
    }
    %get3A_21 = arith.constant 0 : index
    %get3A_22 = arith.constant 0 : index
    %get3A_23 = vector.load %arg3[%get3A_21, %get3A_22] : memref<8x512xf32, #tpu.memory_space<vmem>>, vector<8x512xf32>
    %add3A_24 = arith.addf %get3A_23, %concatenate3A : vector<8x512xf32>
    %swap3A_25 = arith.constant 0 : index
    %swap3A_26 = arith.constant 0 : index
    %swap3A_27 = vector.load %arg3[%swap3A_25, %swap3A_26] : memref<8x512xf32, #tpu.memory_space<vmem>>, vector<8x512xf32>
    tpu.vector_store %arg3[%swap3A_25, %swap3A_26], %add3A_24 {strides = array<i32>} : memref<8x512xf32, #tpu.memory_space<vmem>>, vector<8x512xf32>,
    return
  }
  func.func @transform_0(%arg0: i32) -> (i32, i32) {
    %c0_i32 = arith.constant 0 : i32
    %c0_i32_0 = arith.constant 0 : i32
    return %arg0, %c0_i32 : i32, i32
  }
  func.func @transform_1(%arg0: i32) -> (i32, i32) {
    %c0_i32 = arith.constant 0 : i32
    %c0_i32_0 = arith.constant 0 : i32
    return %arg0, %c0_i32 : i32, i32
  }
  func.func @transform_2(%arg0: i32) -> (i32, i32) {
    %c0_i32 = arith.constant 0 : i32
    %c0_i32_0 = arith.constant 0 : i32
    %c0_i32_1 = arith.constant 0 : i32
    return %c0_i32, %c0_i32_0 : i32, i32
  }
}

module attributes {stable_mosaic.version = 14 : i64} {
  func.func @body(%arg0: i32, %arg1: memref<1000x512xf32, #tpu.memory_space<vmem>>, %arg2: memref<8x512xf32, #tpu.memory_space<vmem>>, %arg3: memref<1x512xf32, #tpu.memory_space<vmem>>, %arg4: memref<1x512xf32, #tpu.memory_space<vmem>>, %arg5: memref<1x512xf32, #tpu.memory_space<vmem>>, %arg6: memref<1000x512xf32, #tpu.memory_space<vmem>>) attributes {dimension_semantics = [#tpu.dimension_semantics<arbitrary>], iteration_bounds = array<i64: 10>, scalar_prefetch = 0 : i64, scratch_operands = 0 : i64, tpu.core_type = #tpu.core_type<tc>, window_params = [{transform_indices = @transform_0, window_bounds = array<i64: 1000, 512>}, {pipeline_mode = #tpu.pipeline_mode<synchronous>, transform_indices = @transform_1, window_bounds = array<i64: 8, 512>}, {pipeline_mode = #tpu.pipeline_mode<synchronous>, transform_indices = @transform_2, window_bounds = array<i64: 1, 512>}, {pipeline_mode = #tpu.pipeline_mode<synchronous>, transform_indices = @transform_3, window_bounds = array<i64: 1, 512>}, {pipeline_mode = #tpu.pipeline_mode<synchronous>, transform_indices = @transform_4, window_bounds = array<i64: 1, 512>}, {transform_indices = @transform_5, window_bounds = array<i64: 1000, 512>}]} {
    %get3A = arith.constant 0 : index
    %get3A_0 = arith.constant 0 : index
    %get3A_1 = vector.load %arg2[%get3A, %get3A_0] : memref<8x512xf32, #tpu.memory_space<vmem>>, vector<1x512xf32>
    %mul3A = arith.constant 9.99999974E-5 : f32
    %mul3A_2 = vector.broadcast %mul3A : f32 to vector<1x512xf32>
    %mul3A_3 = arith.mulf %get3A_1, %mul3A_2 : vector<1x512xf32>
    %get3A_4 = arith.constant 1 : index
    %get3A_5 = arith.constant 0 : index
    %get3A_6 = vector.load %arg2[%get3A_4, %get3A_5] : memref<8x512xf32, #tpu.memory_space<vmem>>, vector<1x512xf32>
    %mul3A_7 = arith.constant 9.99999974E-5 : f32
    %mul3A_8 = vector.broadcast %mul3A_7 : f32 to vector<1x512xf32>
    %mul3A_9 = arith.mulf %get3A_6, %mul3A_8 : vector<1x512xf32>
    %get3A_10 = arith.constant 0 : index
    %get3A_11 = arith.constant 0 : index
    %get3A_12 = vector.load %arg5[%get3A_10, %get3A_11] : memref<1x512xf32, #tpu.memory_space<vmem>>, vector<1x512xf32>
    %mul3A_13 = arith.mulf %get3A_12, %mul3A_3 : vector<1x512xf32>
    %mul3A_14 = arith.constant 2.000000e+00 : f32
    %mul3A_15 = vector.broadcast %mul3A_14 : f32 to vector<1x512xf32>
    %mul3A_16 = arith.mulf %mul3A_15, %mul3A_13 : vector<1x512xf32>
    %mul3A_17 = arith.mulf %mul3A_16, %mul3A_3 : vector<1x512xf32>
    %sub3A = arith.subf %mul3A_9, %mul3A_17 : vector<1x512xf32>
    %mul3A_18 = arith.mulf %mul3A_13, %mul3A_13 : vector<1x512xf32>
    %add3A = arith.addf %sub3A, %mul3A_18 : vector<1x512xf32>
    %get3A_19 = arith.constant 0 : index
    %get3A_20 = arith.constant 0 : index
    %get3A_21 = vector.load %arg1[%get3A_19, %get3A_20] : memref<1000x512xf32, #tpu.memory_space<vmem>>, vector<1000x512xf32>
    %sub3A_22 = vector.broadcast %mul3A_13 : vector<1x512xf32> to vector<1000x512xf32>
    %sub3A_23 = arith.subf %get3A_21, %sub3A_22 : vector<1000x512xf32>
    %get3A_24 = arith.constant 0 : index
    %get3A_25 = arith.constant 0 : index
    %get3A_26 = vector.load %arg3[%get3A_24, %get3A_25] : memref<1x512xf32, #tpu.memory_space<vmem>>, vector<1x512xf32>
    %mul3A_27 = vector.broadcast %get3A_26 : vector<1x512xf32> to vector<1000x512xf32>
    %mul3A_28 = arith.mulf %mul3A_27, %sub3A_23 : vector<1000x512xf32>
    %add3A_29 = arith.constant 9.99999974E-6 : f32
    %add3A_30 = vector.broadcast %add3A_29 : f32 to vector<1x512xf32>
    %add3A_31 = arith.addf %add3A, %add3A_30 : vector<1x512xf32>
    %sqrt3A = math.sqrt %add3A_31 : vector<1x512xf32>
    %div3A = vector.broadcast %sqrt3A : vector<1x512xf32> to vector<1000x512xf32>
    %div3A_32 = arith.divf %mul3A_28, %div3A : vector<1000x512xf32>
    %get3A_33 = arith.constant 0 : index
    %get3A_34 = arith.constant 0 : index
    %get3A_35 = vector.load %arg4[%get3A_33, %get3A_34] : memref<1x512xf32, #tpu.memory_space<vmem>>, vector<1x512xf32>
    %add3A_36 = vector.broadcast %get3A_35 : vector<1x512xf32> to vector<1000x512xf32>
    %add3A_37 = arith.addf %div3A_32, %add3A_36 : vector<1000x512xf32>
    %swap3A = arith.constant 0 : index
    %swap3A_38 = arith.constant 0 : index
    %swap3A_39 = vector.load %arg6[%swap3A, %swap3A_38] : memref<1000x512xf32, #tpu.memory_space<vmem>>, vector<1000x512xf32>
    tpu.vector_store %arg6[%swap3A, %swap3A_38], %add3A_37 {strides = array<i32>} : memref<1000x512xf32, #tpu.memory_space<vmem>>, vector<1000x512xf32>,
    return
  }
  func.func @transform_0(%arg0: i32) -> (i32, i32) {
    %c0_i32 = arith.constant 0 : i32
    %c0_i32_0 = arith.constant 0 : i32
    return %arg0, %c0_i32 : i32, i32
  }
  func.func @transform_1(%arg0: i32) -> (i32, i32) {
    %c0_i32 = arith.constant 0 : i32
    %c0_i32_0 = arith.constant 0 : i32
    %c0_i32_1 = arith.constant 0 : i32
    return %c0_i32, %c0_i32_0 : i32, i32
  }
  func.func @transform_2(%arg0: i32) -> (i32, i32) {
    %c0_i32 = arith.constant 0 : i32
    %c0_i32_0 = arith.constant 0 : i32
    %c0_i32_1 = arith.constant 0 : i32
    return %c0_i32, %c0_i32_0 : i32, i32
  }
  func.func @transform_3(%arg0: i32) -> (i32, i32) {
    %c0_i32 = arith.constant 0 : i32
    %c0_i32_0 = arith.constant 0 : i32
    %c0_i32_1 = arith.constant 0 : i32
    return %c0_i32, %c0_i32_0 : i32, i32
  }
  func.func @transform_4(%arg0: i32) -> (i32, i32) {
    %c0_i32 = arith.constant 0 : i32
    %c0_i32_0 = arith.constant 0 : i32
    %c0_i32_1 = arith.constant 0 : i32
    return %c0_i32, %c0_i32_0 : i32, i32
  }
  func.func @transform_5(%arg0: i32) -> (i32, i32) {
    %c0_i32 = arith.constant 0 : i32
    %c0_i32_0 = arith.constant 0 : i32
    return %arg0, %c0_i32 : i32, i32
  }
}

module attributes {stable_mosaic.version = 14 : i64} {
  func.func @body(%arg0: i32, %arg1: memref<1000x512xf32, #tpu.memory_space<vmem>>, %arg2: memref<512x128xf32, #tpu.memory_space<vmem>>, %arg3: memref<1x128xf32, #tpu.memory_space<vmem>>, %arg4: memref<1000x128xf32, #tpu.memory_space<vmem>>, %arg5: memref<1x128xf32, #tpu.memory_space<vmem>>, %arg6: memref<1x128xf32, #tpu.memory_space<vmem>>) attributes {dimension_semantics = [#tpu.dimension_semantics<arbitrary>], iteration_bounds = array<i64: 10>, scalar_prefetch = 0 : i64, scratch_operands = 1 : i64, tpu.core_type = #tpu.core_type<tc>, window_params = [{transform_indices = @transform_0, window_bounds = array<i64: 1000, 512>}, {pipeline_mode = #tpu.pipeline_mode<synchronous>, transform_indices = @transform_1, window_bounds = array<i64: 512, 128>}, {pipeline_mode = #tpu.pipeline_mode<synchronous>, transform_indices = @transform_2, window_bounds = array<i64: 1, 128>}, {transform_indices = @transform_3, window_bounds = array<i64: 1000, 128>}, {pipeline_mode = #tpu.pipeline_mode<synchronous>, transform_indices = @transform_4, window_bounds = array<i64: 1, 128>}]} {
    %get3A = arith.constant 0 : index
    %get3A_0 = arith.constant 0 : index
    %get3A_1 = vector.load %arg1[%get3A, %get3A_0] : memref<1000x512xf32, #tpu.memory_space<vmem>>, vector<1000x512xf32>
    %get3A_2 = arith.constant 0 : index
    %get3A_3 = arith.constant 0 : index
    %get3A_4 = vector.load %arg2[%get3A_2, %get3A_3] : memref<512x128xf32, #tpu.memory_space<vmem>>, vector<512x128xf32>
    %dot_general3A = arith.constant dense<0.000000e+00> : vector<1000x128xf32>
    %dot_general3A_5 = tpu.matmul %get3A_1, %get3A_4, %dot_general3A {dimension_numbers = #tpu.dot_dimension_numbers<[1], [0], [0], [1], [0, 0, 1, 1], [], []>, transpose_lhs_hint = false} : vector<1000x512xf32>, vector<512x128xf32>, vector<1000x128xf32> -> vector<1000x128xf32>
    %get3A_6 = arith.constant 0 : index
    %get3A_7 = arith.constant 0 : index
    %get3A_8 = vector.load %arg3[%get3A_6, %get3A_7] : memref<1x128xf32, #tpu.memory_space<vmem>>, vector<1x128xf32>
    %add3A = vector.broadcast %get3A_8 : vector<1x128xf32> to vector<1000x128xf32>
    %add3A_9 = arith.addf %dot_general3A_5, %add3A : vector<1000x128xf32>
    %swap3A = arith.constant 0 : index
    %swap3A_10 = arith.constant 0 : index
    %swap3A_11 = vector.load %arg4[%swap3A, %swap3A_10] : memref<1000x128xf32, #tpu.memory_space<vmem>>, vector<1000x128xf32>
    tpu.vector_store %arg4[%swap3A, %swap3A_10], %add3A_9 {strides = array<i32>} : memref<1000x128xf32, #tpu.memory_space<vmem>>, vector<1000x128xf32>,
    %eq3A = arith.constant 0 : i32
    %eq3A_12 = arith.cmpi eq, %arg0, %eq3A : i32
    %convert_element_type3A = arith.extui %eq3A_12 : i1 to i32
    %cond3A = arith.constant 0 : i32
    %cond3A_13 = arith.cmpi ne, %convert_element_type3A, %cond3A : i32
    scf.if %cond3A_13 {
      %broadcast_in_dim3A_30 = arith.constant 0.000000e+00 : f32
      %broadcast_in_dim3A_31 = vector.broadcast %broadcast_in_dim3A_30 : f32 to vector<1x128xf32>
      %swap3A_32 = arith.constant 0 : index
      %swap3A_33 = arith.constant 0 : index
      %swap3A_34 = vector.load %arg6[%swap3A_32, %swap3A_33] : memref<1x128xf32, #tpu.memory_space<vmem>>, vector<1x128xf32>
      tpu.vector_store %arg6[%swap3A_32, %swap3A_33], %broadcast_in_dim3A_31 {strides = array<i32>} : memref<1x128xf32, #tpu.memory_space<vmem>>, vector<1x128xf32>,
    } else {
    }
    %get3A_14 = arith.constant 0 : index
    %get3A_15 = arith.constant 0 : index
    %get3A_16 = vector.load %arg6[%get3A_14, %get3A_15] : memref<1x128xf32, #tpu.memory_space<vmem>>, vector<1x128xf32>
    %reduce_sum3A = arith.constant dense<0.000000e+00> : vector<128xf32>
    %reduce_sum3A_17 = vector.multi_reduction <add>, %add3A_9, %reduce_sum3A [0] : vector<1000x128xf32> to vector<128xf32>
    %broadcast_in_dim3A = vector.shape_cast %reduce_sum3A_17 : vector<128xf32> to vector<1x128xf32>
    %add3A_18 = arith.addf %get3A_16, %broadcast_in_dim3A : vector<1x128xf32>
    %swap3A_19 = arith.constant 0 : index
    %swap3A_20 = arith.constant 0 : index
    %swap3A_21 = vector.load %arg6[%swap3A_19, %swap3A_20] : memref<1x128xf32, #tpu.memory_space<vmem>>, vector<1x128xf32>
    tpu.vector_store %arg6[%swap3A_19, %swap3A_20], %add3A_18 {strides = array<i32>} : memref<1x128xf32, #tpu.memory_space<vmem>>, vector<1x128xf32>,
    %get3A_22 = arith.constant 0 : index
    %get3A_23 = arith.constant 0 : index
    %get3A_24 = vector.load %arg6[%get3A_22, %get3A_23] : memref<1x128xf32, #tpu.memory_space<vmem>>, vector<1x128xf32>
    %mul3A = arith.constant 9.99999974E-5 : f32
    %mul3A_25 = vector.broadcast %mul3A : f32 to vector<1x128xf32>
    %mul3A_26 = arith.mulf %get3A_24, %mul3A_25 : vector<1x128xf32>
    %swap3A_27 = arith.constant 0 : index
    %swap3A_28 = arith.constant 0 : index
    %swap3A_29 = vector.load %arg5[%swap3A_27, %swap3A_28] : memref<1x128xf32, #tpu.memory_space<vmem>>, vector<1x128xf32>
    tpu.vector_store %arg5[%swap3A_27, %swap3A_28], %mul3A_26 {strides = array<i32>} : memref<1x128xf32, #tpu.memory_space<vmem>>, vector<1x128xf32>,
    return
  }
  func.func @transform_0(%arg0: i32) -> (i32, i32) {
    %c0_i32 = arith.constant 0 : i32
    %c0_i32_0 = arith.constant 0 : i32
    return %arg0, %c0_i32 : i32, i32
  }
  func.func @transform_1(%arg0: i32) -> (i32, i32) {
    %c0_i32 = arith.constant 0 : i32
    %c0_i32_0 = arith.constant 0 : i32
    %c0_i32_1 = arith.constant 0 : i32
    return %c0_i32, %c0_i32_0 : i32, i32
  }
  func.func @transform_2(%arg0: i32) -> (i32, i32) {
    %c0_i32 = arith.constant 0 : i32
    %c0_i32_0 = arith.constant 0 : i32
    %c0_i32_1 = arith.constant 0 : i32
    return %c0_i32, %c0_i32_0 : i32, i32
  }
  func.func @transform_3(%arg0: i32) -> (i32, i32) {
    %c0_i32 = arith.constant 0 : i32
    %c0_i32_0 = arith.constant 0 : i32
    return %arg0, %c0_i32 : i32, i32
  }
  func.func @transform_4(%arg0: i32) -> (i32, i32) {
    %c0_i32 = arith.constant 0 : i32
    %c0_i32_0 = arith.constant 0 : i32
    %c0_i32_1 = arith.constant 0 : i32
    return %c0_i32, %c0_i32_0 : i32, i32
  }
}

</mosaic_0001>

<sc_bundles>
// kernel: kernel.29.cloned.1.call-start
scs
__scs_entry_jumppad:
0x0: {  	(pc) =	sbr.rel $0x88, $3  }
0x1: {  	(tag) =	ssettag $0x0;
	lr =	simm.s32 $0x1  }
0x2: {  	[smem:$0x3F8B] =	sst lr;
	_ =	strace $0xD0000000  }
0x3: {  	_ = 	snop  }
0x4: {  	_ = 	snop  }
0x5: {  	_ = 	snop  }
0x6: {  	_ = 	snop  }
0x7: {  	_ = 	snop  }
__scs_overlays_trampoline_lowered:
0x8: {  	[smem:$0x3F9A] =	sst s0  }
0x9: {  	[smem:$0x3F9B] =	sst s1  }
0xa: {  	[smem:$0x3F9C] =	sst s2  }
0xb: {  	[smem:$0x3F9D] =	sst s3  }
0xc: {  	[smem:$0x3F9E] =	sst s4  }
0xd: {  	[smem:$0x3F9F] =	sst s5  }
0xe: {  	[smem:$0x3FA0] =	sst s6  }
0xf: {  	[smem:$0x3FA1] =	sst s7  }
0x10: {  	[smem:$0x3FA2] =	sst s8  }
0x11: {  	[smem:$0x3FA3] =	sst s9;
	s0 =	simm.s32 @!p0 $0x0  }
0x12: {  	s1 =	sld [smem:$0x3F89];
	s0 =	simm.s32 @p0 $0x1  }
0x13: {  	[smem:$0x3FA4] =	sst s0;
	s0 =	simm.s32 @!p1 $0x0  }
0x14: {  	s2 =	sld [smem:$0x3F88];
	s0 =	simm.s32 @p1 $0x1  }
0x15: {  	[smem:$0x3FA5] =	sst s0;
	s0 =	simm.s32 @!p2 $0x0  }
0x16: {  	s3 =	sld [smem:$0x3FDB];
	s0 =	simm.s32 @p2 $0x1  }
0x17: {  	s4 =	simm.s32 $0x1BF5;
	[smem:$0x3FA7] =	sst s0  }
0x18: {  	s0 =	sld [smem:$0x3F8A];
	_ =	swait.ge [sflag:s4], $0x0  }
0x19: {  	s7 =	sld [smem:$0x3F8B]  }
0x1a: {  	s8 =	sadd.s32 $0xFFFFE003, lr  }
0x1b: {  	s9 =	sadd.s32 $0xFFFFFEF7, lr;
	s5 =	simm.s32 $0xFFFFFFFF;
	p2 =	slt.u32 s8, $0xFFFFF086  }
0x1c: {  	p1 =	slt.u32 s9, $0xF7A;
	s5 =	simm.s32 @!p2 $0x0  }
0x1d: {  	s5 =	simm.s32 @p1 $0x1;
	p0 =	seq.s32 s7, s2  }
0x1e: {  	s7 =	smul.u32 @!p0 $0xF7A, s2;
	p2 =	seq.s32 @!p0 s5, $0x0  }
0x1f: {  	s9 =	smul.u32 $0xF7A, s1;
	s8 =	simm.s32 @!p0 $0x1BF5;
	p2 =	por !p2, p0  }
0x20: {  	[sflag:s8] =	ssyncset.s32 @!p0 $0xFFFFF086;
	s6 =	sadd.s32 @!p0 s3, s7;
	s7 =	simm.s32 @!p0 $0x108  }
0x21: {  	s3 =	sadd.s32 s3, s9;
	s6 =	sadd.s32 @!p0 $0x88, s6;
	s7 =	simm.s32 @p2 $0x1082  }
0x22: {  	[simem:s7], [sflag:s8] =	dma.local @!p0 [hbm:s6], $0xF7A  }
0x23: {  	s9 =	sor.u32 $0xD0000000, s2;
	s6 =	simm.s32 $0x108;
	_ =	swait.ge @!p0 [sflag:s8], $0x0  }
0x24: {  	s3 =	sadd.s32 $0x88, s3;
	s6 =	simm.s32 @!p1 $0x1082;
	[sflag:s4] =	ssyncset.s32 $0xFFFFF086  }
0x25: {  	[simem:s6], [sflag:s4] =	dma.local [hbm:s3], $0xF7A  }
0x26: {  	[smem:$0x3F8B] =	sst s1;
	(tag) =	ssettag s2;
	_ =	strace s9  }
0x27: {  	s1 =	sld [smem:$0x3F9B]  }
0x28: {  	s2 =	sld [smem:$0x3F9C]  }
0x29: {  	s4 =	sld [smem:$0x3F9E]  }
0x2a: {  	p0 =	seq.s32 s5, $0x0;
	s5 =	sld [smem:$0x3F9F]  }
0x2b: {  	s6 =	sld [smem:$0x3FA0]  }
0x2c: {  	s7 =	sld [smem:$0x3FA1]  }
0x2d: {  	s3 =	simm.s32 $0x108;
	s8 =	sld [smem:$0x3FA2]  }
0x2e: {  	s3 =	simm.s32 @!p0 $0x1082;
	s9 =	sld [smem:$0x3FA3]  }
0x2f: {  	lr =	sadd.s32 s0, s3;
	s0 =	sld [smem:$0x3F9A]  }
0x30: {  	s3 =	sld [smem:$0x3F9D]  }
0x31: {  	[smem:$0x3FA6] =	sst s10  }
0x32: {  	s10 =	sld [smem:$0x3FA4];
	_ =	sdelay $0x3  }
0x33: {  	p0 =	seq.s32 s10, $0x1;
	s10 =	sld [smem:$0x3FA6];
	_ =	sdelay $0x3  }
0x34: {  	[smem:$0x3FA6] =	sst s10  }
0x35: {  	s10 =	sld [smem:$0x3FA5];
	_ =	sdelay $0x3  }
0x36: {  	p1 =	seq.s32 s10, $0x1;
	s10 =	sld [smem:$0x3FA6];
	_ =	sdelay $0x3  }
0x37: {  	[smem:$0x3FA6] =	sst s10  }
0x38: {  	s10 =	sld [smem:$0x3FA7]  }
0x39: {  	_ = 	snop;
	(pc) =	sbr.ind lr, $3  }
0x3a: {  	_ = 	snop  }
0x3b: {  	_ = 	snop  }
0x3c: {  	p2 =	seq.s32 s10, $0x1;
	s10 =	sld [smem:$0x3FA6]  }
0x3d: {  	_ =	shalt  }
0x3e: {  	_ =	shalt  }
0x3f: {  	_ =	shalt  }
0x40: {  	_ =	shalt  }
0x41: {  	_ =	shalt  }
0x42: {  	_ =	shalt  }
0x43: {  	_ =	shalt  }
0x44: {  	_ =	shalt  }
0x45: {  	_ =	shalt  }
0x46: {  	_ =	shalt  }
0x47: {  	_ =	shalt  }
0x48: {  	_ =	shalt  }
0x49: {  	_ =	shalt  }
0x4a: {  	_ =	shalt  }
0x4b: {  	_ =	shalt  }
0x4c: {  	_ =	shalt  }
0x4d: {  	_ =	shalt  }
0x4e: {  	_ =	shalt  }
0x4f: {  	_ =	shalt  }
0x50: {  	_ =	shalt  }
0x51: {  	_ =	shalt  }
0x52: {  	_ =	shalt  }
0x53: {  	_ =	shalt  }
0x54: {  	_ =	shalt  }
0x55: {  	_ =	shalt  }
0x56: {  	_ =	shalt  }
0x57: {  	_ =	shalt  }
0x58: {  	_ =	shalt  }
0x59: {  	_ =	shalt  }
0x5a: {  	_ =	shalt  }
0x5b: {  	_ =	shalt  }
0x5c: {  	_ =	shalt  }
0x5d: {  	_ =	shalt  }
0x5e: {  	_ =	shalt  }
0x5f: {  	_ =	shalt  }
0x60: {  	_ =	shalt  }
0x61: {  	_ =	shalt  }
0x62: {  	_ =	shalt  }
0x63: {  	_ =	shalt  }
0x64: {  	_ =	shalt  }
0x65: {  	_ =	shalt  }
0x66: {  	_ =	shalt  }
0x67: {  	_ =	shalt  }
0x68: {  	_ =	shalt  }
0x69: {  	_ =	shalt  }
0x6a: {  	_ =	shalt  }
0x6b: {  	_ =	shalt  }
0x6c: {  	_ =	shalt  }
0x6d: {  	_ =	shalt  }
0x6e: {  	_ =	shalt  }
0x6f: {  	_ =	shalt  }
0x70: {  	_ =	shalt  }
0x71: {  	_ =	shalt  }
0x72: {  	_ =	shalt  }
0x73: {  	_ =	shalt  }
0x74: {  	_ =	shalt  }
0x75: {  	_ =	shalt  }
0x76: {  	_ =	shalt  }
0x77: {  	_ =	shalt  }
0x78: {  	_ =	shalt  }
0x79: {  	_ =	shalt  }
0x7a: {  	_ =	shalt  }
0x7b: {  	_ =	shalt  }
0x7c: {  	_ =	shalt  }
0x7d: {  	_ =	shalt  }
0x7e: {  	_ =	shalt  }
0x7f: {  	_ =	shalt  }
0x80: {  	_ =	shalt  }
0x81: {  	_ =	shalt  }
0x82: {  	_ =	shalt  }
0x83: {  	_ =	shalt  }
0x84: {  	_ =	shalt  }
0x85: {  	_ =	shalt  }
0x86: {  	_ =	shalt  }
0x87: {  	_ =	shalt  }
.Lfunc_end0:
.L_simem_size_0:
called_computation_lowered:
.L_overlay_start_0:
0x88: {  	s2 =	sld [smem:$0x3FD9]  }
0x89: {  	s3 =	sld [smem:$0x3FFE];
	_ =	sdelay $0x1  }
0x8a: {  	s1 =	srdreg.scid  }
0x8b: {  	s0 =	sand.u32 $0x1, s1  }
0x8c: {  	s14 =	sshll.u32 s0, $0xA;
	s2 =	sadd.s32 s3, s2  }
0x8d: {  	s2 =	sadd.s32 s2, s14  }
0x8e: {  	[smem:$0x3FB2] =	sst s2  }
0x8f: {  	_ = 	snop  }
0x90: {  	s2 =	sld [smem:$0x3FD0];
	_ =	sdelay $0x2  }
0x91: {  	s15 =	simm.s32 $0xB;
	s4 =	simm.s32 $0x10  }
0x92: {  	[smem:s4], [sflag:s15] =	dma.local [hbm:s2], $0x1  }
0x93: {  	_ =	swait.eq [sflag:s15], $0x1  }
0x94: {  	[sflag:s15] =	ssyncset.done $0x0  }
0x95: {  	[sflag:s15] =	ssyncadd.s32 $0xFFFFFFFF  }
0x96: {  	s16 =	sld [smem:$0x10];
	(tm) =	ssettm $0x1  }
0x97: {  	s17 =	sld [smem:$0x3FFB];
	_ =	sdelay $0x3  }
0x98: {  	_ =	strace s17  }
0x99: {  	s3 =	sld [smem:$0x3FFC];
	_ =	sdelay $0x3  }
0x9a: {  	_ =	strace s3  }
0x9b: {  	s3 =	sld [smem:$0x3FFD];
	_ =	sdelay $0x3  }
0x9c: {  	_ =	strace s3  }
0x9d: {  	_ =	strace $0x8FFFFFFF  }
0x9e: {  	s18 =	sld [smem:$0x3FDB];
	_ =	sdelay $0x1  }
0x9f: {  	s19 =	simm.s32 $_scs_section_size  }
0xa0: {  	s5 =	simm.s32 $_size__tile_overlayer_lowered;
	s6 =	simm.s32 $_tile_overlayer_lowered  }
0xa1: {  	s22 =	simm.s32 $0x1BFF;
	s21 =	sshll.u32 s6, $0x1;
	s3 =	sadd.s32 s19, s18  }
0xa2: {  	s7 =	simm.s32 $0x0;
	s20 =	sshll.u32 s5, $0x1;
	s5 =	sadd.s32 s21, s3  }
0xa3: {  	[timem:s7], [sflag:s22] =	dma.local [hbm:s5], s20  }
0xa4: {  	_ =	swait.ge [sflag:s22], s20  }
0xa5: {  	s4 =	ssub.s32 $0x0, s20;
	[sflag:s22] =	ssyncset.done $0x0  }
0xa6: {  	[sflag:s22] =	ssyncadd.s32 s4;
	_ =	sdelay $0x1  }
0xa7: {  	s23 =	simm.s32 $0x1B8B  }
0xa8: {  	_ =	swait.ge [sflag:s23], $0x1  }
0xa9: {  	[sflag:s23] =	ssyncset.done $0x0  }
0xaa: {  	s25 =	simm.s32 $0x1B8E;
	s24 =	sld [smem:$0x3FFE];
	[sflag:s23] =	ssyncadd.s32 $0xFFFFFFFF  }
0xab: {  	s26 =	simm.s32 $execute0_lowered;
	[smem:$0x3FD2] =	sst s25  }
0xac: {  	s5 =	sshll.u32 s26, $0x1;
	_ =	strace $0x80000046;
	[dreg:$0x1] =	wrdreg $0xFFFFFFFF  }
0xad: {  	s28 =	simm.s32 $_size_execute0_lowered;
	s3 =	sadd.s32 s3, s5;
	[dreg:$0x0] =	wrdreg $0x0  }
0xae: {  	s5 =	sshll.u32 s28, $0x1;
	[dreg:$0x2] =	wrdreg s3  }
0xaf: {  	[dreg:$0x3] =	wrdreg s5  }
0xb0: {  	[dreg:$0x4] =	wrdreg $0xC0  }
0xb1: {  	_ =	task [dreg:s7], $0x5FFFF  }
0xb2: {  	[dreg:$0x1] =	wrdreg $0xFFFFFFFF  }
0xb3: {  	[dreg:$0x0] =	wrdreg $0x60  }
0xb4: {  	[dreg:$0x2] =	wrdreg s16  }
0xb5: {  	[dreg:$0x3] =	wrdreg s24  }
0xb6: {  	[dreg:$0x4] =	wrdreg $0x9  }
0xb7: {  	_ =	task.clear_ibuf [dreg:s7], $0x5FFFF;
	_ =	strace $0x90000046  }
0xb8: {  	s29 =	simm.s32 $0x9;
	_ =	strace $0x80000048  }
0xb9: {  	_ =	swait.ge [sflag:s29], $0x1  }
0xba: {  	[sflag:s29] =	ssyncadd.s32 $0xFFFFFFFF  }
0xbb: {  	_ =	strace $0x90000048  }
0xbc: {  	_ =	sfence  }
0xbd: {  	s30 =	sld [smem:$0x0];
	_ =	sdelay $0x2  }
0xbe: {  	s31 =	sshll.u32 s1, $0xD;
	s1 =	sshrl.u32 s1, $0x2  }
0xbf: {  	s3 =	sand.u32 $0x4000, s31;
	s1 =	sadd.s32 s1, s30  }
0xc0: {  	s0 =	sor.u32 s3, s0;
	s1 =	sshll.u32 s1, $0x11  }
0xc1: {  	s0 =	sor.u32 s1, s0  }
0xc2: {  	s0 =	sadd.s32 $0x8F2B, s0  }
0xc3: {  	[sflag:s0] =	ssyncadd.remote.s32 $0x1  }
0xc4: {  	_ =	sfence.sel $0xFFFF  }
0xc5: {  	[dreg:$0x0] =	wrdreg $0xFFFFFFFF;
	(pc) =	sbr.abs _section_cstart, $3  }
0xc6: {  	[dreg:$0x1] =	wrdreg $0xFFFFFFFF  }
0xc7: {  	_ =	task.clear_ibuf [dreg:s7], $0x2FFFF;
	_ =	strace $0x9FFFFFFF  }
0xc8: {  	(tm) =	ssettm $0x7FFFFFFF  }
0xc9: {  	_ =	shalt  }
tec
execute0_lowered:
.L_overlay_start_1:
0x0: {  	(tag) =	ssettag $0x1  }
0x1: {  	s0 =	rddreg [dreg:$0x0]  }
0x2: {  	s19 =	rddreg [dreg:$0x1];
	s1 =	simm.s32 $0x0;
	s9 =	stileid.u32  }
0x3: {  	s20 =	srdreg.scid;
	s10 =	simm.s32 $0x3;
	s30 =	simm.s32 $0x4900  }
0x4: {  	s11 =	simm.s32 $0x100;
	s31 =	simm.s32 $0x5100;
	s12 =	simm.s32 $0x4100  }
0x5: {  	s13 =	simm.s32 $0x5900;
	s14 =	simm.s32 $0x6100;
	s15 =	simm.s32 $0x6900  }
0x6: {  	s16 =	simm.s32 $0x7100;
	s17 =	simm.s32 $0x7900;
	s18 =	simm.s32 $0x8100  }
0x7: {  	s28 =	simm.s32 $0x2;
	s29 =	simm.s32 $0x0;
	[dreg:$0x3] =	wrdreg s0  }
0x8: {  	[smem:$0x7FF] =	sst s1;
	s2 =	sadd.s32 $0xDE00, s19;
	s3 =	sadd.s32 $0x23C00, s19  }
0x9: {  	s4 =	sadd.s32 $0x17C00, s19;
	s5 =	sshll.u32 s9, $0xC;
	s6 =	sand.u32 $0x1, s20  }
0xa: {  	s21 =	sshll.u32 s9, $0xD;
	s8 =	sshll.u32 s9, $0x1;
	s26 =	sshll.u32 s9, $0x8  }
0xb: {  	s9 =	simm.s32 $0x80;
	_ =	strace $0x80000047;
	[dreg:$0x4] =	wrdreg s2  }
0xc: {  	s20 =	simm.s32 $0x9100;
	[dreg:$0x5] =	wrdreg s4;
	s5 =	sadd.s32 s5, s19  }
0xd: {  	s2 =	ssub.s32 $0x2, s6;
	s0 =	sadd.s32 s21, s19;
	s22 =	sor.u32 s8, s6  }
0xe: {  	s24 =	sshll.u32 s6, $0xC;
	s25 =	sshll.u32 s6, $0xB;
	[dreg:$0x6] =	wrdreg s30  }
0xf: {  	s6 =	sshll.u32 s6, $0x7;
	[dreg:$0x7] =	wrdreg s31;
	s19 =	simm.s32 $0x8900  }
0x10: {  	s21 =	simm.s32 $0x9900;
	s7 =	sshrl.u32 s2, $0x1;
	s23 =	ssub.s32 $0x9E3, s22  }
0x11: {  	s0 =	sadd.s32 s24, s0;
	s5 =	sadd.s32 s25, s5;
	s8 =	sor.u32 s6, s26  }
0x12: {  	s22 =	simm.s32 $0xA100;
	s24 =	simm.s32 $0xB100;
	s2 =	ssub.s32 s2, s7  }
0x13: {  	v2 =	vlaneseq.u32;
	s25 =	simm.s32 $0xB900;
	s26 =	simm.s32 $0x1;
	s2 =	smax.u32 s2, $0x1  }
0x14: {  	vm0 =	vmmov $0xffff;
	v1 =	vshrl.u32 v2, $0x3;
	s0 =	sadd.s32 $0x57B000, s0;
	[dreg:$0x8] =	wrdreg s2;
	s2 =	sshrl.u32 s23, $0x5  }
0x15: {  	v0 =	vand.u32 $0x7, v2;
	v2 =	vor.u32 $0x8, v2;
	v1 =	vmul.u32 $0x8, v1;
	s7 =	sadd.s32 $0x99000, s5;
	s23 =	simm.s32 $0xA900;
	[dreg:$0x9] =	wrdreg s2  }
.LBB2_1:
0x16: {  	s30 =	smov.u32 s8  }
0x17: {  	s31 =	smov.u32 s7;
	s6 =	smov.u32 s0;
	s5 =	rddreg [dreg:$0x9]  }
.LBB2_2:
0x18: {  	s4 =	rddreg [dreg:$0x5];
	s2 =	sshrl.u32 s30, $0x3  }
0x19: {  	s4 =	sadd.s32 s4, s2  }
0x1a: {  	[tilespmem:s9], [sflag:$0x3] =	stream.linear.gather [hbm4b:s4+s1], $0x80, $0x38;
	[tilespmem:$0xC100] =	vst v63  }
0x1b: {  	_ =	swait.ge [sflag:s10], $0x80  }
0x1c: {  	s4 =	rddreg [dreg:$0x4];
	[sflag:s10] =	ssyncset.done $0x0  }
0x1d: {  	s2 =	sadd.s32 s4, s2;
	[sflag:s10] =	ssyncadd.s32 $0xFFFFFF80  }
0x1e: {  	[tilespmem:s1], [sflag:$0x3] =	stream.linear.gather [hbm4b:s2+s1], $0x80, $0x38;
	[tilespmem:$0xC100] =	vst v63  }
0x1f: {  	_ =	swait.ge [sflag:s10], $0x80  }
0x20: {  	[sflag:s10] =	ssyncset.done $0x0  }
0x21: {  	s4 =	rddreg [dreg:$0x3];
	[sflag:s10] =	ssyncadd.s32 $0xFFFFFF80  }
0x22: {  	[tilespmem:s11], [sflag:$0x1] =	stream.indirect.gather [hbm4b:s4+s9], $0x80, s9, s9, $0xb8;
	[tilespmem:$0xC100] =	vst v63  }
0x23: {  	v3 =	vld [tilespmem:$0x0];
	_ =	sdelay $0x4  }
0x24: {  	v4 =	vshll.u32 v3, $0x1  }
0x25: {  	v3 =	vand.u32 $0x7, v3;
	v4 =	vand.u32 $0xFFFFFFF0, v4  }
0x26: {  	v3 =	vor.u32 v3, v4  }
0x27: {  	v4 =	vperm.xlane v3, v0;
	_ =	sdelay $0x1  }
0x28: {  	v3 =	vperm.xlane v3, v2;
	v4 =	vadd.s32 v1, v4;
	_ =	sdelay $0x1  }
0x29: {  	v3 =	vadd.s32 v1, v3;
	_ =	sdelay $0x2  }
0x2a: {  	[tilespmem:s12], [sflag:$0x2] =	stream.indirect_vreg.gather [hbm4b:s3+s1], $0x80, v4, vm0, $0xb8;
	[tilespmem:$0xC100] =	vst v63  }
0x2b: {  	s4 =	rddreg [dreg:$0x6]  }
0x2c: {  	[tilespmem:s4], [sflag:$0x2] =	stream.indirect_vreg.gather [hbm4b:s3+s1], $0x80, v3, vm0, $0xb8;
	[tilespmem:$0xC100] =	vst v63  }
0x2d: {  	v3 =	vld [tilespmem:$0x10];
	_ =	sdelay $0x4  }
0x2e: {  	v57 =	vshll.u32 v3, $0x1  }
0x2f: {  	v3 =	vand.u32 $0x7, v3;
	v4 =	vand.u32 $0xFFFFFFF0, v57  }
0x30: {  	v3 =	vor.u32 v3, v4  }
0x31: {  	v4 =	vperm.xlane v3, v0;
	_ =	sdelay $0x1  }
0x32: {  	v3 =	vperm.xlane v3, v2;
	v4 =	vadd.s32 v1, v4;
	_ =	sdelay $0x1  }
0x33: {  	v3 =	vadd.s32 v1, v3;
	_ =	sdelay $0x1  }
0x34: {  	s4 =	rddreg [dreg:$0x7]  }
0x35: {  	[tilespmem:s4], [sflag:$0x2] =	stream.indirect_vreg.gather [hbm4b:s3+s1], $0x80, v4, vm0, $0xb8;
	[tilespmem:$0xC100] =	vst v63  }
0x36: {  	_ = 	snop  }
0x37: {  	[tilespmem:s13], [sflag:$0x2] =	stream.indirect_vreg.gather [hbm4b:s3+s1], $0x80, v3, vm0, $0xb8;
	[tilespmem:$0xC100] =	vst v63  }
0x38: {  	v3 =	vld [tilespmem:$0x20];
	_ =	sdelay $0x4  }
0x39: {  	v58 =	vshll.u32 v3, $0x1  }
0x3a: {  	v3 =	vand.u32 $0x7, v3;
	v4 =	vand.u32 $0xFFFFFFF0, v58  }
0x3b: {  	v3 =	vor.u32 v3, v4  }
0x3c: {  	v4 =	vperm.xlane v3, v0;
	_ =	sdelay $0x1  }
0x3d: {  	v3 =	vperm.xlane v3, v2;
	v4 =	vadd.s32 v1, v4;
	_ =	sdelay $0x1  }
0x3e: {  	v3 =	vadd.s32 v1, v3;
	_ =	sdelay $0x2  }
0x3f: {  	[tilespmem:s14], [sflag:$0x2] =	stream.indirect_vreg.gather [hbm4b:s3+s1], $0x80, v4, vm0, $0xb8;
	[tilespmem:$0xC100] =	vst v63  }
0x40: {  	_ = 	snop  }
0x41: {  	[tilespmem:s15], [sflag:$0x2] =	stream.indirect_vreg.gather [hbm4b:s3+s1], $0x80, v3, vm0, $0xb8;
	[tilespmem:$0xC100] =	vst v63  }
0x42: {  	v3 =	vld [tilespmem:$0x30];
	_ =	sdelay $0x4  }
0x43: {  	v59 =	vshll.u32 v3, $0x1  }
0x44: {  	v3 =	vand.u32 $0x7, v3;
	v4 =	vand.u32 $0xFFFFFFF0, v59  }
0x45: {  	v3 =	vor.u32 v3, v4  }
0x46: {  	v4 =	vperm.xlane v3, v0;
	_ =	sdelay $0x1  }
0x47: {  	v3 =	vperm.xlane v3, v2;
	v4 =	vadd.s32 v1, v4;
	_ =	sdelay $0x1  }
0x48: {  	v3 =	vadd.s32 v1, v3;
	_ =	sdelay $0x2  }
0x49: {  	[tilespmem:s16], [sflag:$0x2] =	stream.indirect_vreg.gather [hbm4b:s3+s1], $0x80, v4, vm0, $0xb8;
	[tilespmem:$0xC100] =	vst v63  }
0x4a: {  	_ = 	snop  }
0x4b: {  	[tilespmem:s17], [sflag:$0x2] =	stream.indirect_vreg.gather [hbm4b:s3+s1], $0x80, v3, vm0, $0xb8;
	[tilespmem:$0xC100] =	vst v63  }
0x4c: {  	v3 =	vld [tilespmem:$0x40];
	_ =	sdelay $0x4  }
0x4d: {  	v60 =	vshll.u32 v3, $0x1  }
0x4e: {  	v3 =	vand.u32 $0x7, v3;
	v4 =	vand.u32 $0xFFFFFFF0, v60  }
0x4f: {  	v3 =	vor.u32 v3, v4  }
0x50: {  	v4 =	vperm.xlane v3, v0;
	_ =	sdelay $0x1  }
0x51: {  	v3 =	vperm.xlane v3, v2;
	v4 =	vadd.s32 v1, v4;
	_ =	sdelay $0x1  }
0x52: {  	v3 =	vadd.s32 v1, v3;
	_ =	sdelay $0x2  }
0x53: {  	[tilespmem:s18], [sflag:$0x2] =	stream.indirect_vreg.gather [hbm4b:s3+s1], $0x80, v4, vm0, $0xb8;
	[tilespmem:$0xC100] =	vst v63  }
0x54: {  	_ = 	snop  }
0x55: {  	[tilespmem:s19], [sflag:$0x2] =	stream.indirect_vreg.gather [hbm4b:s3+s1], $0x80, v3, vm0, $0xb8;
	[tilespmem:$0xC100] =	vst v63  }
0x56: {  	v3 =	vld [tilespmem:$0x50];
	_ =	sdelay $0x4  }
0x57: {  	v61 =	vshll.u32 v3, $0x1  }
0x58: {  	v3 =	vand.u32 $0x7, v3;
	v4 =	vand.u32 $0xFFFFFFF0, v61  }
0x59: {  	v3 =	vor.u32 v3, v4  }
0x5a: {  	v4 =	vperm.xlane v3, v0;
	_ =	sdelay $0x1  }
0x5b: {  	v3 =	vperm.xlane v3, v2;
	v4 =	vadd.s32 v1, v4;
	_ =	sdelay $0x1  }
0x5c: {  	v3 =	vadd.s32 v1, v3;
	_ =	sdelay $0x2  }
0x5d: {  	[tilespmem:s20], [sflag:$0x2] =	stream.indirect_vreg.gather [hbm4b:s3+s1], $0x80, v4, vm0, $0xb8;
	[tilespmem:$0xC100] =	vst v63  }
0x5e: {  	_ = 	snop  }
0x5f: {  	[tilespmem:s21], [sflag:$0x2] =	stream.indirect_vreg.gather [hbm4b:s3+s1], $0x80, v3, vm0, $0xb8;
	[tilespmem:$0xC100] =	vst v63  }
0x60: {  	v3 =	vld [tilespmem:$0x60];
	_ =	sdelay $0x4  }
0x61: {  	v62 =	vshll.u32 v3, $0x1  }
0x62: {  	v3 =	vand.u32 $0x7, v3;
	v4 =	vand.u32 $0xFFFFFFF0, v62  }
0x63: {  	v3 =	vor.u32 v3, v4  }
0x64: {  	v4 =	vperm.xlane v3, v0;
	_ =	sdelay $0x1  }
0x65: {  	v3 =	vperm.xlane v3, v2;
	v4 =	vadd.s32 v1, v4;
	_ =	sdelay $0x1  }
0x66: {  	v3 =	vadd.s32 v1, v3;
	_ =	sdelay $0x2  }
0x67: {  	[tilespmem:s22], [sflag:$0x2] =	stream.indirect_vreg.gather [hbm4b:s3+s1], $0x80, v4, vm0, $0xb8;
	[tilespmem:$0xC100] =	vst v63  }
0x68: {  	_ = 	snop  }
0x69: {  	[tilespmem:s23], [sflag:$0x2] =	stream.indirect_vreg.gather [hbm4b:s3+s1], $0x80, v3, vm0, $0xb8;
	[tilespmem:$0xC100] =	vst v63  }
0x6a: {  	v3 =	vld [tilespmem:$0x70];
	_ =	sdelay $0x4  }
0x6b: {  	v63 =	vshll.u32 v3, $0x1  }
0x6c: {  	v3 =	vand.u32 $0x7, v3;
	v4 =	vand.u32 $0xFFFFFFF0, v63  }
0x6d: {  	v3 =	vor.u32 v3, v4  }
0x6e: {  	v4 =	vperm.xlane v3, v0;
	_ =	sdelay $0x1  }
0x6f: {  	v3 =	vperm.xlane v3, v2;
	v4 =	vadd.s32 v1, v4;
	_ =	sdelay $0x1  }
0x70: {  	v3 =	vadd.s32 v1, v3;
	_ =	sdelay $0x2  }
0x71: {  	[tilespmem:s24], [sflag:$0x2] =	stream.indirect_vreg.gather [hbm4b:s3+s1], $0x80, v4, vm0, $0xb8;
	[tilespmem:$0xC100] =	vst v63  }
0x72: {  	_ = 	snop  }
0x73: {  	[tilespmem:s25], [sflag:$0x2] =	stream.indirect_vreg.gather [hbm4b:s3+s1], $0x80, v3, vm0, $0xb8;
	[tilespmem:$0xC100] =	vst v63  }
0x74: {  	_ =	swait.ge [sflag:s26], $0x4000  }
0x75: {  	[sflag:s26] =	ssyncset.done $0x0  }
0x76: {  	[sflag:s26] =	ssyncadd.s32 $0xFFFFC000  }
0x77: {  	_ =	swait.ge [sflag:s28], $0x8000  }
0x78: {  	[sflag:s28] =	ssyncset.done $0x0  }
0x79: {  	[sflag:s28] =	ssyncadd.s32 $0xFFFF8000  }
0x7a: {  	[hbm4b:s31+s1] =	stream.linear.scatter [tilespmem:s11], [sflag:$0x3], $0x4000, $0x38;
	[tilespmem:$0xC100] =	vst v63  }
0x7b: {  	_ =	swait.ge [sflag:s10], $0x4000  }
0x7c: {  	p0 =	sne.s32 s5, $0x1;
	[sflag:s10] =	ssyncset.done $0x0  }
.Ltmp0:
0x7d: {  	[sflag:s10] =	ssyncadd.s32 $0xFFFFC000;
	(pc) =	sbr.rel @p0 .LBB2_2-.Ltmp0, $4  }
0x7e: {  	[hbm4b:s6+s1] =	stream.linear.scatter [tilespmem:s12], [sflag:$0x3], $0x8000, $0x38;
	[tilespmem:$0xC100] =	vst v63  }
0x7f: {  	_ =	swait.ge [sflag:s10], $0x8000  }
0x80: {  	s30 =	sadd.s32 $0x1000, s30;
	s5 =	sadd.s32 $0xFFFFFFFF, s5;
	[sflag:s10] =	ssyncset.done $0x0  }
0x81: {  	s31 =	sadd.s32 $0x10000, s31;
	s6 =	sadd.s32 $0x20000, s6;
	[sflag:s10] =	ssyncadd.s32 $0xFFFF8000  }
0x82: {  	s29 =	sadd.s32 $0x1, s29;
	s2 =	rddreg [dreg:$0x8]  }
0x83: {  	p0 =	sne.s32 s29, s2  }
.Ltmp1:
0x84: {  	_ = 	snop;
	(pc) =	sbr.rel @p0 .LBB2_1-.Ltmp1, $1  }
0x85: {  	_ =	sdelay $0x3  }
0x86: {  	_ =	sfence.sel $0x180000  }
0x87: {  	[bflag:$0x0] =	sbarrier.arrive $0xFFFF  }
0x88: {  	_ =	strace $0x90000047  }
0x89: {  	s0 =	stileid.u32;
	[bflag:$0x2] =	sbarrier.arrive $0xFFFF  }
0x8a: {  	p0 =	sne.s32 s0, $0x0;
	s0 =	rddreg [dreg:$0x2]  }
0x8b: {  	s0 =	sadd.s32 @!p0 $0x100000, s0  }
0x8c: {  	[sflag:s0] =	ssyncadd.tile.s32 @!p0 $0x1;
	_ =	shalt  }
.Lfunc_end2:
_tile_overlayer_lowered:
.L_overlay_start_2:
0x8d: {  	(tag) =	ssettag $0x2  }
0x8e: {  	s0 =	rddreg [dreg:$0x0];
	s2 =	stileid.u32  }
0x8f: {  	s1 =	rddreg [dreg:$0x1];
	p0 =	sne.s32 s2, $0x0  }
0x90: {  	s3 =	rddreg [dreg:$0x2];
	[bflag:$0x3] =	sbarrier.arrive $0xFFFF;
	s2 =	simm.s32 @!p0 $0x1C03  }
0x91: {  	[timem:s3], [sflag:s2] =	dma.local @!p0 [hbm:s0], s1  }
0x92: {  	s0 =	simm.s32 @!p0 $0x3  }
0x93: {  	_ =	swait.ge @!p0 [sflag:s0], s1  }
0x94: {  	s1 =	ssub.s32 @!p0 $0x0, s1;
	[sflag:s0] =	ssyncset.done @!p0 $0x0  }
0x95: {  	[sflag:s0] =	ssyncadd.s32 @!p0 s1  }
0x96: {  	[bflag:$0x3] =	sbarrier.arrive $0xFFFF  }
0x97: {  	_ =	shalt  }

// kernel: kernel.32.cloned.1.call-start
scs
__scs_entry_jumppad:
0x0: {  	(pc) =	sbr.rel $0x88, $3  }
0x1: {  	(tag) =	ssettag $0x0;
	lr =	simm.s32 $0x1  }
0x2: {  	[smem:$0x3F8B] =	sst lr;
	_ =	strace $0xD0000000  }
0x3: {  	_ = 	snop  }
0x4: {  	_ = 	snop  }
0x5: {  	_ = 	snop  }
0x6: {  	_ = 	snop  }
0x7: {  	_ = 	snop  }
__scs_overlays_trampoline_lowered:
0x8: {  	[smem:$0x3F9A] =	sst s0  }
0x9: {  	[smem:$0x3F9B] =	sst s1  }
0xa: {  	[smem:$0x3F9C] =	sst s2  }
0xb: {  	[smem:$0x3F9D] =	sst s3  }
0xc: {  	[smem:$0x3F9E] =	sst s4  }
0xd: {  	[smem:$0x3F9F] =	sst s5  }
0xe: {  	[smem:$0x3FA0] =	sst s6  }
0xf: {  	[smem:$0x3FA1] =	sst s7  }
0x10: {  	[smem:$0x3FA2] =	sst s8  }
0x11: {  	[smem:$0x3FA3] =	sst s9;
	s0 =	simm.s32 @!p0 $0x0  }
0x12: {  	s1 =	sld [smem:$0x3F89];
	s0 =	simm.s32 @p0 $0x1  }
0x13: {  	[smem:$0x3FA4] =	sst s0;
	s0 =	simm.s32 @!p1 $0x0  }
0x14: {  	s2 =	sld [smem:$0x3F88];
	s0 =	simm.s32 @p1 $0x1  }
0x15: {  	[smem:$0x3FA5] =	sst s0;
	s0 =	simm.s32 @!p2 $0x0  }
0x16: {  	s3 =	sld [smem:$0x3FDB];
	s0 =	simm.s32 @p2 $0x1  }
0x17: {  	s4 =	simm.s32 $0x1BF5;
	[smem:$0x3FA7] =	sst s0  }
0x18: {  	s0 =	sld [smem:$0x3F8A];
	_ =	swait.ge [sflag:s4], $0x0  }
0x19: {  	s7 =	sld [smem:$0x3F8B]  }
0x1a: {  	s8 =	sadd.s32 $0xFFFFE003, lr  }
0x1b: {  	s9 =	sadd.s32 $0xFFFFFEF7, lr;
	s5 =	simm.s32 $0xFFFFFFFF;
	p2 =	slt.u32 s8, $0xFFFFF086  }
0x1c: {  	p1 =	slt.u32 s9, $0xF7A;
	s5 =	simm.s32 @!p2 $0x0  }
0x1d: {  	s5 =	simm.s32 @p1 $0x1;
	p0 =	seq.s32 s7, s2  }
0x1e: {  	s7 =	smul.u32 @!p0 $0xF7A, s2;
	p2 =	seq.s32 @!p0 s5, $0x0  }
0x1f: {  	s9 =	smul.u32 $0xF7A, s1;
	s8 =	simm.s32 @!p0 $0x1BF5;
	p2 =	por !p2, p0  }
0x20: {  	[sflag:s8] =	ssyncset.s32 @!p0 $0xFFFFF086;
	s6 =	sadd.s32 @!p0 s3, s7;
	s7 =	simm.s32 @!p0 $0x108  }
0x21: {  	s3 =	sadd.s32 s3, s9;
	s6 =	sadd.s32 @!p0 $0x88, s6;
	s7 =	simm.s32 @p2 $0x1082  }
0x22: {  	[simem:s7], [sflag:s8] =	dma.local @!p0 [hbm:s6], $0xF7A  }
0x23: {  	s9 =	sor.u32 $0xD0000000, s2;
	s6 =	simm.s32 $0x108;
	_ =	swait.ge @!p0 [sflag:s8], $0x0  }
0x24: {  	s3 =	sadd.s32 $0x88, s3;
	s6 =	simm.s32 @!p1 $0x1082;
	[sflag:s4] =	ssyncset.s32 $0xFFFFF086  }
0x25: {  	[simem:s6], [sflag:s4] =	dma.local [hbm:s3], $0xF7A  }
0x26: {  	[smem:$0x3F8B] =	sst s1;
	(tag) =	ssettag s2;
	_ =	strace s9  }
0x27: {  	s1 =	sld [smem:$0x3F9B]  }
0x28: {  	s2 =	sld [smem:$0x3F9C]  }
0x29: {  	s4 =	sld [smem:$0x3F9E]  }
0x2a: {  	p0 =	seq.s32 s5, $0x0;
	s5 =	sld [smem:$0x3F9F]  }
0x2b: {  	s6 =	sld [smem:$0x3FA0]  }
0x2c: {  	s7 =	sld [smem:$0x3FA1]  }
0x2d: {  	s3 =	simm.s32 $0x108;
	s8 =	sld [smem:$0x3FA2]  }
0x2e: {  	s3 =	simm.s32 @!p0 $0x1082;
	s9 =	sld [smem:$0x3FA3]  }
0x2f: {  	lr =	sadd.s32 s0, s3;
	s0 =	sld [smem:$0x3F9A]  }
0x30: {  	s3 =	sld [smem:$0x3F9D]  }
0x31: {  	[smem:$0x3FA6] =	sst s10  }
0x32: {  	s10 =	sld [smem:$0x3FA4];
	_ =	sdelay $0x3  }
0x33: {  	p0 =	seq.s32 s10, $0x1;
	s10 =	sld [smem:$0x3FA6];
	_ =	sdelay $0x3  }
0x34: {  	[smem:$0x3FA6] =	sst s10  }
0x35: {  	s10 =	sld [smem:$0x3FA5];
	_ =	sdelay $0x3  }
0x36: {  	p1 =	seq.s32 s10, $0x1;
	s10 =	sld [smem:$0x3FA6];
	_ =	sdelay $0x3  }
0x37: {  	[smem:$0x3FA6] =	sst s10  }
0x38: {  	s10 =	sld [smem:$0x3FA7]  }
0x39: {  	_ = 	snop;
	(pc) =	sbr.ind lr, $3  }
0x3a: {  	_ = 	snop  }
0x3b: {  	_ = 	snop  }
0x3c: {  	p2 =	seq.s32 s10, $0x1;
	s10 =	sld [smem:$0x3FA6]  }
0x3d: {  	_ =	shalt  }
0x3e: {  	_ =	shalt  }
0x3f: {  	_ =	shalt  }
0x40: {  	_ =	shalt  }
0x41: {  	_ =	shalt  }
0x42: {  	_ =	shalt  }
0x43: {  	_ =	shalt  }
0x44: {  	_ =	shalt  }
0x45: {  	_ =	shalt  }
0x46: {  	_ =	shalt  }
0x47: {  	_ =	shalt  }
0x48: {  	_ =	shalt  }
0x49: {  	_ =	shalt  }
0x4a: {  	_ =	shalt  }
0x4b: {  	_ =	shalt  }
0x4c: {  	_ =	shalt  }
0x4d: {  	_ =	shalt  }
0x4e: {  	_ =	shalt  }
0x4f: {  	_ =	shalt  }
0x50: {  	_ =	shalt  }
0x51: {  	_ =	shalt  }
0x52: {  	_ =	shalt  }
0x53: {  	_ =	shalt  }
0x54: {  	_ =	shalt  }
0x55: {  	_ =	shalt  }
0x56: {  	_ =	shalt  }
0x57: {  	_ =	shalt  }
0x58: {  	_ =	shalt  }
0x59: {  	_ =	shalt  }
0x5a: {  	_ =	shalt  }
0x5b: {  	_ =	shalt  }
0x5c: {  	_ =	shalt  }
0x5d: {  	_ =	shalt  }
0x5e: {  	_ =	shalt  }
0x5f: {  	_ =	shalt  }
0x60: {  	_ =	shalt  }
0x61: {  	_ =	shalt  }
0x62: {  	_ =	shalt  }
0x63: {  	_ =	shalt  }
0x64: {  	_ =	shalt  }
0x65: {  	_ =	shalt  }
0x66: {  	_ =	shalt  }
0x67: {  	_ =	shalt  }
0x68: {  	_ =	shalt  }
0x69: {  	_ =	shalt  }
0x6a: {  	_ =	shalt  }
0x6b: {  	_ =	shalt  }
0x6c: {  	_ =	shalt  }
0x6d: {  	_ =	shalt  }
0x6e: {  	_ =	shalt  }
0x6f: {  	_ =	shalt  }
0x70: {  	_ =	shalt  }
0x71: {  	_ =	shalt  }
0x72: {  	_ =	shalt  }
0x73: {  	_ =	shalt  }
0x74: {  	_ =	shalt  }
0x75: {  	_ =	shalt  }
0x76: {  	_ =	shalt  }
0x77: {  	_ =	shalt  }
0x78: {  	_ =	shalt  }
0x79: {  	_ =	shalt  }
0x7a: {  	_ =	shalt  }
0x7b: {  	_ =	shalt  }
0x7c: {  	_ =	shalt  }
0x7d: {  	_ =	shalt  }
0x7e: {  	_ =	shalt  }
0x7f: {  	_ =	shalt  }
0x80: {  	_ =	shalt  }
0x81: {  	_ =	shalt  }
0x82: {  	_ =	shalt  }
0x83: {  	_ =	shalt  }
0x84: {  	_ =	shalt  }
0x85: {  	_ =	shalt  }
0x86: {  	_ =	shalt  }
0x87: {  	_ =	shalt  }
.Lfunc_end0:
.L_simem_size_0:
called_computation.1_lowered:
.L_overlay_start_0:
0x88: {  	s2 =	sld [smem:$0x3FD9]  }
0x89: {  	s3 =	sld [smem:$0x3FFE];
	_ =	sdelay $0x1  }
0x8a: {  	s1 =	srdreg.scid  }
0x8b: {  	s0 =	sand.u32 $0x1, s1  }
0x8c: {  	s17 =	sshll.u32 s0, $0xA;
	s2 =	sadd.s32 s3, s2  }
0x8d: {  	s2 =	sadd.s32 s2, s17  }
0x8e: {  	[smem:$0x3FB2] =	sst s2  }
0x8f: {  	_ = 	snop  }
0x90: {  	(tm) =	ssettm $0x1  }
0x91: {  	s18 =	sld [smem:$0x3FFB];
	_ =	sdelay $0x3  }
0x92: {  	_ =	strace s18  }
0x93: {  	s2 =	sld [smem:$0x3FFC];
	_ =	sdelay $0x3  }
0x94: {  	_ =	strace s2  }
0x95: {  	s2 =	sld [smem:$0x3FFD];
	_ =	sdelay $0x3  }
0x96: {  	_ =	strace s2  }
0x97: {  	_ =	strace $0x8FFFFFFF  }
0x98: {  	s19 =	sld [smem:$0x3FDB];
	_ =	sdelay $0x1  }
0x99: {  	s20 =	simm.s32 $_scs_section_size  }
0x9a: {  	s4 =	simm.s32 $_size__tile_overlayer_lowered;
	s5 =	simm.s32 $_tile_overlayer_lowered  }
0x9b: {  	s6 =	simm.s32 $0x1BFF;
	s21 =	sshll.u32 s5, $0x1;
	s3 =	sadd.s32 s20, s19  }
0x9c: {  	s22 =	simm.s32 $0x0;
	s4 =	sshll.u32 s4, $0x1;
	s5 =	sadd.s32 s21, s3  }
0x9d: {  	[timem:s22], [sflag:s6] =	dma.local [hbm:s5], s4  }
0x9e: {  	_ =	swait.ge [sflag:s6], s4  }
0x9f: {  	s4 =	ssub.s32 $0x0, s4;
	[sflag:s6] =	ssyncset.done $0x0  }
0xa0: {  	[sflag:s6] =	ssyncadd.s32 s4;
	_ =	sdelay $0x1  }
0xa1: {  	s23 =	simm.s32 $0x1B8B  }
0xa2: {  	_ =	swait.ge [sflag:s23], $0x1  }
0xa3: {  	[sflag:s23] =	ssyncset.done $0x0  }
0xa4: {  	[sflag:s23] =	ssyncadd.s32 $0xFFFFFFFF  }
0xa5: {  	s4 =	sld [smem:$0x0]  }
0xa6: {  	s5 =	sand.u32 $0xFFFFFFFE, s1  }
0xa7: {  	p0 =	sne.s32 s1, s5  }
0xa8: {  	s5 =	sshll.u32 @p0 s5, $0xE  }
0xa9: {  	s5 =	sadd.s32 @p0 $0x11B8D, s5;
	s6 =	sshll.u32 @p0 s4, $0x11  }
0xaa: {  	s5 =	sor.u32 @p0 s6, s5  }
0xab: {  	[sflag:s5] =	ssyncadd.remote.s32 @p0 $0x1;
	_ =	sdelay $0x1  }
0xac: {  	s5 =	simm.s32 @p0 $0x1B8D  }
0xad: {  	_ =	swait.eq @p0 [sflag:s5], $0x1  }
0xae: {  	[sflag:s5] =	ssyncadd.s32 @p0 $0xFFFFFFFF  }
0xaf: {  	s6 =	sshll.u32 @!p0 s1, $0xE  }
0xb0: {  	s6 =	sor.u32 @!p0 $0x4000, s6;
	s5 =	simm.s32 @!p0 $0x1B8D  }
0xb1: {  	s4 =	sshll.u32 @!p0 s4, $0x11;
	s6 =	sadd.s32 @!p0 $0x11B8D, s6;
	_ =	swait.eq @!p0 [sflag:s5], $0x1  }
0xb2: {  	s4 =	sor.u32 @!p0 s4, s6;
	[sflag:s5] =	ssyncadd.s32 @!p0 $0xFFFFFFFF  }
0xb3: {  	s25 =	simm.s32 $0x1B8E;
	s24 =	sld [smem:$0x3FFE];
	[sflag:s4] =	ssyncadd.remote.s32 @!p0 $0x1  }
0xb4: {  	s26 =	simm.s32 $execute0_lowered;
	[smem:$0x3FD2] =	sst s25  }
0xb5: {  	s5 =	sshll.u32 s26, $0x1;
	_ =	strace $0x8000004C;
	[dreg:$0x1] =	wrdreg $0xFFFFFFFF  }
0xb6: {  	s28 =	simm.s32 $_size_execute0_lowered;
	s3 =	sadd.s32 s3, s5;
	[dreg:$0x0] =	wrdreg $0x0  }
0xb7: {  	s5 =	sshll.u32 s28, $0x1;
	[dreg:$0x2] =	wrdreg s3  }
0xb8: {  	[dreg:$0x3] =	wrdreg s5  }
0xb9: {  	[dreg:$0x4] =	wrdreg $0xC0  }
0xba: {  	_ =	task [dreg:s22], $0x5FFFF  }
0xbb: {  	[dreg:$0x1] =	wrdreg $0xFFFFFFFF  }
0xbc: {  	[dreg:$0x0] =	wrdreg $0x60  }
0xbd: {  	[dreg:$0x2] =	wrdreg s24  }
0xbe: {  	[dreg:$0x3] =	wrdreg $0x40800  }
0xbf: {  	[dreg:$0x4] =	wrdreg $0x9  }
0xc0: {  	_ =	task.clear_ibuf [dreg:s22], $0x5FFFF;
	_ =	strace $0x9000004C  }
0xc1: {  	s29 =	simm.s32 $0x9;
	_ =	strace $0x8000004E  }
0xc2: {  	_ =	swait.ge [sflag:s29], $0x1  }
0xc3: {  	[sflag:s29] =	ssyncadd.s32 $0xFFFFFFFF  }
0xc4: {  	_ =	strace $0x9000004E  }
0xc5: {  	_ =	sfence  }
0xc6: {  	s30 =	sld [smem:$0x0];
	_ =	sdelay $0x2  }
0xc7: {  	s31 =	sshll.u32 s1, $0xD;
	s1 =	sshrl.u32 s1, $0x2  }
0xc8: {  	s4 =	sand.u32 $0x4000, s31;
	s1 =	sadd.s32 s1, s30  }
0xc9: {  	s0 =	sor.u32 s4, s0;
	s1 =	sshll.u32 s1, $0x11  }
0xca: {  	s0 =	sor.u32 s1, s0  }
0xcb: {  	s0 =	sadd.s32 $0x8F2B, s0  }
0xcc: {  	[sflag:s0] =	ssyncadd.remote.s32 $0x1  }
0xcd: {  	_ =	sfence.sel $0xFFFF  }
0xce: {  	[dreg:$0x0] =	wrdreg $0xFFFFFFFF;
	(pc) =	sbr.abs _section_cstart, $3  }
0xcf: {  	[dreg:$0x1] =	wrdreg $0xFFFFFFFF  }
0xd0: {  	_ =	task.clear_ibuf [dreg:s22], $0x2FFFF;
	_ =	strace $0x9FFFFFFF  }
0xd1: {  	(tm) =	ssettm $0x7FFFFFFF  }
tec
execute0_lowered:
.L_overlay_start_1:
0x0: {  	(tag) =	ssettag $0x1  }
0x1: {  	s6 =	rddreg [dreg:$0x0]  }
0x2: {  	s2 =	rddreg [dreg:$0x1]  }
0x3: {  	s0 =	rddreg [dreg:$0x2]  }
0x4: {  	s3 =	simm.s32 $0x0;
	s1 =	stileid.u32;
	s4 =	srdreg.scid  }
0x5: {  	s14 =	simm.s32 $0x4000;
	s15 =	simm.s32 $0x80;
	s16 =	simm.s32 $0x0  }
0x6: {  	[smem:$0x7FF] =	sst s3;
	s11 =	sand.u32 $0x1, s4;
	s5 =	smul.u32 $0x2800, s1  }
0x7: {  	s25 =	sshll.u32 s1, $0xC;
	s4 =	sadd.s32 $0x17C00, s6;
	s12 =	smul.u32 $0x50000, s1  }
0x8: {  	s26 =	sshll.u32 s1, $0x1;
	s29 =	sshll.u32 s1, $0x6;
	s31 =	sshll.u32 s1, $0x8  }
0x9: {  	_ =	strace $0x8000004D;
	s7 =	smul.u32 $0x28000, s11;
	s8 =	ssub.s32 $0x2, s11  }
0xa: {  	s10 =	sadd.s32 s25, s6;
	s30 =	sshll.u32 s11, $0xB;
	s9 =	sshrl.u32 s8, $0x1  }
0xb: {  	s28 =	sshrl.u32 s12, $0x2;
	s10 =	sadd.s32 s30, s10;
	s7 =	sadd.s32 s5, s7  }
0xc: {  	s5 =	sadd.s32 $0x23C00, s6;
	s8 =	ssub.s32 s8, s9;
	s13 =	sadd.s32 s28, s2  }
0xd: {  	s9 =	sor.u32 s26, s11;
	s10 =	sadd.s32 $0x22C7000, s10;
	s11 =	sshll.u32 s11, $0x7  }
0xe: {  	s7 =	sadd.s32 s7, s6;
	s6 =	sor.u32 $0x1C01, s29;
	s9 =	ssub.s32 $0x9E3, s9  }
0xf: {  	s8 =	smax.u32 s8, $0x1;
	s11 =	sor.u32 s11, s31;
	s12 =	sshrl.u32 s13, $0x3  }
0x10: {  	s13 =	simm.s32 $0x1;
	s7 =	sadd.s32 $0xE9000, s7;
	s9 =	sshrl.u32 s9, $0x5  }
.LBB2_1:
0x11: {  	[spmem:s12], [sflag:s6] =	dma.local [hbm:s5], $0x2800  }
0x12: {  	p1 =	sne.s32 s9, $0x1  }
.Ltmp0:
0x13: {  	_ =	swait.ge [sflag:s13], $0x2800;
	(pc) =	sbr.rel @!p1 .LBB2_2-.Ltmp0, $4  }
0x14: {  	[sflag:s13] =	ssyncset.done $0x0  }
0x15: {  	[sflag:s13] =	ssyncadd.s32 $0xFFFFD800  }
0x16: {  	[bflag:$0x0] =	sbarrier.arrive $0xFFFF  }
0x17: {  	s17 =	sadd.s32 $0xFFFFFFFF, s9;
	s20 =	sshrl.u32 s11, $0x3;
	p0 =	por $0x0, $0x0  }
0x18: {  	s18 =	sadd.s32 s4, s20  }
0x19: {  	[tilespmem:s14], [sflag:$0x1] =	stream.linear.gather [hbm4b:s18+s3], $0x80, $0x38;
	[tilespmem:$0x18080] =	vst v63  }
0x1a: {  	_ =	swait.ge [sflag:s13], $0x80  }
0x1b: {  	[sflag:s13] =	ssyncset.done $0x0  }
0x1c: {  	[sflag:s13] =	ssyncadd.s32 $0xFFFFFF80  }
0x1d: {  	[tilespmem:s3], [sflag:$0x1] =	stream.linear.gather [hbm4b:s10+s3], $0x4000, $0x38;
	[tilespmem:$0x18080] =	vst v63  }
0x1e: {  	p1 =	sne.s32 s17, $0x1;
	_ =	swait.ge [sflag:s13], $0x4000  }
.Ltmp1:
0x1f: {  	[sflag:s13] =	ssyncset.done $0x0;
	(pc) =	sbr.rel @!p1 .LBB2_4-.Ltmp1, $4  }
0x20: {  	s19 =	sadd.s32 $0x1000, s11;
	[sflag:s13] =	ssyncadd.s32 $0xFFFFC000  }
0x21: {  	[spmem:s2] =	stream.indirect.scatter.add.f32 [tilespmem:s3], [sflag:$0x1], $0x80, s14, s15, $0xb8;
	[tilespmem:$0x18080] =	vst v63  }
0x22: {  	p0 =	por $0x1, $0x1;
	s18 =	sadd.s32 $0xFFFFFFFF, s17;
	_ =	swait.ge [sflag:s13], $0x4000  }
0x23: {  	s20 =	sshrl.u32 s19, $0x3;
	s17 =	smov.u32 s10;
	[sflag:s13] =	ssyncset.done $0x0  }
.LBB2_5:
0x24: {  	s20 =	sadd.s32 s4, s20;
	[sflag:s13] =	ssyncadd.s32 $0xFFFFC000;
	s17 =	sadd.s32 $0x10000, s17  }
0x25: {  	[tilespmem:s14], [sflag:$0x1] =	stream.linear.gather [hbm4b:s20+s3], $0x80, $0x38;
	[tilespmem:$0x18080] =	vst v63  }
0x26: {  	p1 =	sne.s32 s18, $0x1;
	s18 =	sadd.s32 $0xFFFFFFFF, s18;
	_ =	swait.ge [sflag:s13], $0x80  }
0x27: {  	[sflag:s13] =	ssyncset.done $0x0  }
0x28: {  	[sflag:s13] =	ssyncadd.s32 $0xFFFFFF80  }
0x29: {  	[tilespmem:s3], [sflag:$0x1] =	stream.linear.gather [hbm4b:s17+s3], $0x4000, $0x38;
	[tilespmem:$0x18080] =	vst v63  }
0x2a: {  	_ =	swait.ge [sflag:s13], $0x4000  }
.Ltmp2:
0x2b: {  	[sflag:s13] =	ssyncset.done $0x0;
	(pc) =	sbr.rel @p1 .LBB2_5-.Ltmp2, $4  }
0x2c: {  	[sflag:s13] =	ssyncadd.s32 $0xFFFFC000  }
0x2d: {  	[spmem:s2] =	stream.indirect.scatter.add.f32 [tilespmem:s3], [sflag:$0x1], $0x80, s14, s15, $0xb8;
	[tilespmem:$0x18080] =	vst v63  }
0x2e: {  	s19 =	sadd.s32 $0x1000, s19;
	_ =	swait.ge [sflag:s13], $0x4000  }
0x2f: {  	s20 =	sshrl.u32 s19, $0x3;
	[sflag:s13] =	ssyncset.done $0x0  }
.LBB2_6:
0x30: {  	s18 =	sadd.s32 s4, s20;
	[sflag:s13] =	ssyncadd.s32 @p0 $0xFFFFC000  }
0x31: {  	[tilespmem:s14], [sflag:$0x1] =	stream.linear.gather [hbm4b:s18+s3], $0x80, $0x38;
	[tilespmem:$0x18080] =	vst v63  }
0x32: {  	_ =	swait.ge [sflag:s13], $0x80  }
0x33: {  	s17 =	sadd.s32 @p0 $0x10000, s17;
	s18 =	smov.u32 s10;
	[sflag:s13] =	ssyncset.done $0x0  }
0x34: {  	s18 =	smov.u32 @p0 s17;
	[sflag:s13] =	ssyncadd.s32 $0xFFFFFF80  }
0x35: {  	[tilespmem:s3], [sflag:$0x1] =	stream.linear.gather [hbm4b:s18+s3], $0x4000, $0x38;
	[tilespmem:$0x18080] =	vst v63  }
0x36: {  	_ =	swait.ge [sflag:s13], $0x4000  }
0x37: {  	[sflag:s13] =	ssyncset.done $0x0  }
0x38: {  	[sflag:s13] =	ssyncadd.s32 $0xFFFFC000  }
0x39: {  	[spmem:s2] =	stream.indirect.scatter.add.f32 [tilespmem:s3], [sflag:$0x1], $0x80, s14, s15, $0xb8;
	[tilespmem:$0x18080] =	vst v63  }
0x3a: {  	_ =	swait.ge [sflag:s13], $0x4000  }
0x3b: {  	[sflag:s13] =	ssyncset.done $0x0  }
0x3c: {  	s16 =	sadd.s32 $0x1, s16;
	[sflag:s13] =	ssyncadd.s32 $0xFFFFC000  }
0x3d: {  	p0 =	sne.s32 s16, s8;
	[bflag:$0x0] =	sbarrier.arrive $0xFFFF  }
0x3e: {  	[hbm:s7], [sflag:s6] =	dma.local [spmem:s12], $0x2800  }
.Ltmp3:
0x3f: {  	_ = 	snop;
	(pc) =	sbr.rel @p0 .LBB2_1-.Ltmp3, $4  }
.Ltmp4:
0x40: {  	_ = 	snop;
	(pc) =	sbr.rel @!p0 .LBB2_7-.Ltmp4, $4  }
0x41: {  	_ =	swait.ge [sflag:s13], $0x2800  }
0x42: {  	[sflag:s13] =	ssyncset.done $0x0  }
0x43: {  	[sflag:s13] =	ssyncadd.s32 $0xFFFFD800  }
0x44: {  	_ = 	snop  }
.LBB2_2:
.Ltmp5:
0x45: {  	(pc) =	sbr.rel .LBB2_6-.Ltmp5, $2  }
0x46: {  	_ =	sdelay $0x2  }
0x47: {  	s17 =	smov.u32 s10  }
.LBB2_4:
.Ltmp6:
0x48: {  	(pc) =	sbr.rel .LBB2_6-.Ltmp6, $2  }
0x49: {  	_ =	sdelay $0x2  }
0x4a: {  	s17 =	smov.u32 s10  }
.LBB2_7:
0x4b: {  	_ =	sfence.sel $0x180000  }
0x4c: {  	[bflag:$0x0] =	sbarrier.arrive $0xFFFF  }
0x4d: {  	p0 =	sne.s32 s1, $0x0;
	_ =	strace $0x9000004D  }
0x4e: {  	s0 =	sadd.s32 @!p0 $0x100000, s0;
	[bflag:$0x2] =	sbarrier.arrive $0xFFFF  }
0x4f: {  	[sflag:s0] =	ssyncadd.tile.s32 @!p0 $0x1;
	_ =	shalt  }
.Lfunc_end2:
_tile_overlayer_lowered:
.L_overlay_start_2:
0x50: {  	(tag) =	ssettag $0x2  }
0x51: {  	s0 =	rddreg [dreg:$0x0];
	s2 =	stileid.u32  }
0x52: {  	s1 =	rddreg [dreg:$0x1];
	p0 =	sne.s32 s2, $0x0  }
0x53: {  	s3 =	rddreg [dreg:$0x2];
	[bflag:$0x3] =	sbarrier.arrive $0xFFFF;
	s2 =	simm.s32 @!p0 $0x1C01  }
0x54: {  	[timem:s3], [sflag:s2] =	dma.local @!p0 [hbm:s0], s1  }
0x55: {  	s0 =	simm.s32 @!p0 $0x1  }
0x56: {  	_ =	swait.ge @!p0 [sflag:s0], s1  }
0x57: {  	s1 =	ssub.s32 @!p0 $0x0, s1;
	[sflag:s0] =	ssyncset.done @!p0 $0x0  }
0x58: {  	[sflag:s0] =	ssyncadd.s32 @!p0 s1  }
0x59: {  	[bflag:$0x3] =	sbarrier.arrive $0xFFFF  }
0x5a: {  	_ =	shalt  }

// kernel: kernel.35.cloned.1.call-start
scs
__scs_entry_jumppad:
0x0: {  	(pc) =	sbr.rel $0x88, $3  }
0x1: {  	(tag) =	ssettag $0x0;
	lr =	simm.s32 $0x1  }
0x2: {  	[smem:$0x3F8B] =	sst lr;
	_ =	strace $0xD0000000  }
0x3: {  	_ = 	snop  }
0x4: {  	_ = 	snop  }
0x5: {  	_ = 	snop  }
0x6: {  	_ = 	snop  }
0x7: {  	_ = 	snop  }
__scs_overlays_trampoline_lowered:
0x8: {  	[smem:$0x3F9A] =	sst s0  }
0x9: {  	[smem:$0x3F9B] =	sst s1  }
0xa: {  	[smem:$0x3F9C] =	sst s2  }
0xb: {  	[smem:$0x3F9D] =	sst s3  }
0xc: {  	[smem:$0x3F9E] =	sst s4  }
0xd: {  	[smem:$0x3F9F] =	sst s5  }
0xe: {  	[smem:$0x3FA0] =	sst s6  }
0xf: {  	[smem:$0x3FA1] =	sst s7  }
0x10: {  	[smem:$0x3FA2] =	sst s8  }
0x11: {  	[smem:$0x3FA3] =	sst s9;
	s0 =	simm.s32 @!p0 $0x0  }
0x12: {  	s1 =	sld [smem:$0x3F89];
	s0 =	simm.s32 @p0 $0x1  }
0x13: {  	[smem:$0x3FA4] =	sst s0;
	s0 =	simm.s32 @!p1 $0x0  }
0x14: {  	s2 =	sld [smem:$0x3F88];
	s0 =	simm.s32 @p1 $0x1  }
0x15: {  	[smem:$0x3FA5] =	sst s0;
	s0 =	simm.s32 @!p2 $0x0  }
0x16: {  	s3 =	sld [smem:$0x3FDB];
	s0 =	simm.s32 @p2 $0x1  }
0x17: {  	s4 =	simm.s32 $0x1BF5;
	[smem:$0x3FA7] =	sst s0  }
0x18: {  	s0 =	sld [smem:$0x3F8A];
	_ =	swait.ge [sflag:s4], $0x0  }
0x19: {  	s7 =	sld [smem:$0x3F8B]  }
0x1a: {  	s8 =	sadd.s32 $0xFFFFE003, lr  }
0x1b: {  	s9 =	sadd.s32 $0xFFFFFEF7, lr;
	s5 =	simm.s32 $0xFFFFFFFF;
	p2 =	slt.u32 s8, $0xFFFFF086  }
0x1c: {  	p1 =	slt.u32 s9, $0xF7A;
	s5 =	simm.s32 @!p2 $0x0  }
0x1d: {  	s5 =	simm.s32 @p1 $0x1;
	p0 =	seq.s32 s7, s2  }
0x1e: {  	s7 =	smul.u32 @!p0 $0xF7A, s2;
	p2 =	seq.s32 @!p0 s5, $0x0  }
0x1f: {  	s9 =	smul.u32 $0xF7A, s1;
	s8 =	simm.s32 @!p0 $0x1BF5;
	p2 =	por !p2, p0  }
0x20: {  	[sflag:s8] =	ssyncset.s32 @!p0 $0xFFFFF086;
	s6 =	sadd.s32 @!p0 s3, s7;
	s7 =	simm.s32 @!p0 $0x108  }
0x21: {  	s3 =	sadd.s32 s3, s9;
	s6 =	sadd.s32 @!p0 $0x88, s6;
	s7 =	simm.s32 @p2 $0x1082  }
0x22: {  	[simem:s7], [sflag:s8] =	dma.local @!p0 [hbm:s6], $0xF7A  }
0x23: {  	s9 =	sor.u32 $0xD0000000, s2;
	s6 =	simm.s32 $0x108;
	_ =	swait.ge @!p0 [sflag:s8], $0x0  }
0x24: {  	s3 =	sadd.s32 $0x88, s3;
	s6 =	simm.s32 @!p1 $0x1082;
	[sflag:s4] =	ssyncset.s32 $0xFFFFF086  }
0x25: {  	[simem:s6], [sflag:s4] =	dma.local [hbm:s3], $0xF7A  }
0x26: {  	[smem:$0x3F8B] =	sst s1;
	(tag) =	ssettag s2;
	_ =	strace s9  }
0x27: {  	s1 =	sld [smem:$0x3F9B]  }
0x28: {  	s2 =	sld [smem:$0x3F9C]  }
0x29: {  	s4 =	sld [smem:$0x3F9E]  }
0x2a: {  	p0 =	seq.s32 s5, $0x0;
	s5 =	sld [smem:$0x3F9F]  }
0x2b: {  	s6 =	sld [smem:$0x3FA0]  }
0x2c: {  	s7 =	sld [smem:$0x3FA1]  }
0x2d: {  	s3 =	simm.s32 $0x108;
	s8 =	sld [smem:$0x3FA2]  }
0x2e: {  	s3 =	simm.s32 @!p0 $0x1082;
	s9 =	sld [smem:$0x3FA3]  }
0x2f: {  	lr =	sadd.s32 s0, s3;
	s0 =	sld [smem:$0x3F9A]  }
0x30: {  	s3 =	sld [smem:$0x3F9D]  }
0x31: {  	[smem:$0x3FA6] =	sst s10  }
0x32: {  	s10 =	sld [smem:$0x3FA4];
	_ =	sdelay $0x3  }
0x33: {  	p0 =	seq.s32 s10, $0x1;
	s10 =	sld [smem:$0x3FA6];
	_ =	sdelay $0x3  }
0x34: {  	[smem:$0x3FA6] =	sst s10  }
0x35: {  	s10 =	sld [smem:$0x3FA5];
	_ =	sdelay $0x3  }
0x36: {  	p1 =	seq.s32 s10, $0x1;
	s10 =	sld [smem:$0x3FA6];
	_ =	sdelay $0x3  }
0x37: {  	[smem:$0x3FA6] =	sst s10  }
0x38: {  	s10 =	sld [smem:$0x3FA7]  }
0x39: {  	_ = 	snop;
	(pc) =	sbr.ind lr, $3  }
0x3a: {  	_ = 	snop  }
0x3b: {  	_ = 	snop  }
0x3c: {  	p2 =	seq.s32 s10, $0x1;
	s10 =	sld [smem:$0x3FA6]  }
0x3d: {  	_ =	shalt  }
0x3e: {  	_ =	shalt  }
0x3f: {  	_ =	shalt  }
0x40: {  	_ =	shalt  }
0x41: {  	_ =	shalt  }
0x42: {  	_ =	shalt  }
0x43: {  	_ =	shalt  }
0x44: {  	_ =	shalt  }
0x45: {  	_ =	shalt  }
0x46: {  	_ =	shalt  }
0x47: {  	_ =	shalt  }
0x48: {  	_ =	shalt  }
0x49: {  	_ =	shalt  }
0x4a: {  	_ =	shalt  }
0x4b: {  	_ =	shalt  }
0x4c: {  	_ =	shalt  }
0x4d: {  	_ =	shalt  }
0x4e: {  	_ =	shalt  }
0x4f: {  	_ =	shalt  }
0x50: {  	_ =	shalt  }
0x51: {  	_ =	shalt  }
0x52: {  	_ =	shalt  }
0x53: {  	_ =	shalt  }
0x54: {  	_ =	shalt  }
0x55: {  	_ =	shalt  }
0x56: {  	_ =	shalt  }
0x57: {  	_ =	shalt  }
0x58: {  	_ =	shalt  }
0x59: {  	_ =	shalt  }
0x5a: {  	_ =	shalt  }
0x5b: {  	_ =	shalt  }
0x5c: {  	_ =	shalt  }
0x5d: {  	_ =	shalt  }
0x5e: {  	_ =	shalt  }
0x5f: {  	_ =	shalt  }
0x60: {  	_ =	shalt  }
0x61: {  	_ =	shalt  }
0x62: {  	_ =	shalt  }
0x63: {  	_ =	shalt  }
0x64: {  	_ =	shalt  }
0x65: {  	_ =	shalt  }
0x66: {  	_ =	shalt  }
0x67: {  	_ =	shalt  }
0x68: {  	_ =	shalt  }
0x69: {  	_ =	shalt  }
0x6a: {  	_ =	shalt  }
0x6b: {  	_ =	shalt  }
0x6c: {  	_ =	shalt  }
0x6d: {  	_ =	shalt  }
0x6e: {  	_ =	shalt  }
0x6f: {  	_ =	shalt  }
0x70: {  	_ =	shalt  }
0x71: {  	_ =	shalt  }
0x72: {  	_ =	shalt  }
0x73: {  	_ =	shalt  }
0x74: {  	_ =	shalt  }
0x75: {  	_ =	shalt  }
0x76: {  	_ =	shalt  }
0x77: {  	_ =	shalt  }
0x78: {  	_ =	shalt  }
0x79: {  	_ =	shalt  }
0x7a: {  	_ =	shalt  }
0x7b: {  	_ =	shalt  }
0x7c: {  	_ =	shalt  }
0x7d: {  	_ =	shalt  }
0x7e: {  	_ =	shalt  }
0x7f: {  	_ =	shalt  }
0x80: {  	_ =	shalt  }
0x81: {  	_ =	shalt  }
0x82: {  	_ =	shalt  }
0x83: {  	_ =	shalt  }
0x84: {  	_ =	shalt  }
0x85: {  	_ =	shalt  }
0x86: {  	_ =	shalt  }
0x87: {  	_ =	shalt  }
.Lfunc_end0:
.L_simem_size_0:
called_computation.2_lowered:
.L_overlay_start_0:
0x88: {  	s2 =	sld [smem:$0x3FD9]  }
0x89: {  	s3 =	sld [smem:$0x3FFE];
	_ =	sdelay $0x1  }
0x8a: {  	s1 =	srdreg.scid  }
0x8b: {  	s0 =	sand.u32 $0x1, s1  }
0x8c: {  	s16 =	sshll.u32 s0, $0xA;
	s2 =	sadd.s32 s3, s2  }
0x8d: {  	s2 =	sadd.s32 s2, s16  }
0x8e: {  	[smem:$0x3FB2] =	sst s2  }
0x8f: {  	_ = 	snop  }
0x90: {  	(tm) =	ssettm $0x1  }
0x91: {  	s17 =	sld [smem:$0x3FFB];
	_ =	sdelay $0x3  }
0x92: {  	_ =	strace s17  }
0x93: {  	s2 =	sld [smem:$0x3FFC];
	_ =	sdelay $0x3  }
0x94: {  	_ =	strace s2  }
0x95: {  	s2 =	sld [smem:$0x3FFD];
	_ =	sdelay $0x3  }
0x96: {  	_ =	strace s2  }
0x97: {  	_ =	strace $0x8FFFFFFF  }
0x98: {  	s18 =	sld [smem:$0x3FDB];
	_ =	sdelay $0x1  }
0x99: {  	s19 =	simm.s32 $_scs_section_size  }
0x9a: {  	s4 =	simm.s32 $_size__tile_overlayer_lowered;
	s5 =	simm.s32 $_tile_overlayer_lowered  }
0x9b: {  	s22 =	simm.s32 $0x1BFF;
	s21 =	sshll.u32 s5, $0x1;
	s2 =	sadd.s32 s19, s18  }
0x9c: {  	s6 =	simm.s32 $0x0;
	s20 =	sshll.u32 s4, $0x1;
	s4 =	sadd.s32 s21, s2  }
0x9d: {  	[timem:s6], [sflag:s22] =	dma.local [hbm:s4], s20  }
0x9e: {  	_ =	swait.ge [sflag:s22], s20  }
0x9f: {  	s3 =	ssub.s32 $0x0, s20;
	[sflag:s22] =	ssyncset.done $0x0  }
0xa0: {  	[sflag:s22] =	ssyncadd.s32 s3;
	_ =	sdelay $0x1  }
0xa1: {  	s23 =	simm.s32 $0x1B8B  }
0xa2: {  	_ =	swait.ge [sflag:s23], $0x1  }
0xa3: {  	[sflag:s23] =	ssyncset.done $0x0  }
0xa4: {  	s25 =	simm.s32 $0x1B8E;
	s24 =	sld [smem:$0x3FFE];
	[sflag:s23] =	ssyncadd.s32 $0xFFFFFFFF  }
0xa5: {  	s26 =	simm.s32 $execute0_lowered;
	[smem:$0x3FD2] =	sst s25  }
0xa6: {  	s4 =	sshll.u32 s26, $0x1;
	_ =	strace $0x80000049;
	[dreg:$0x1] =	wrdreg $0xFFFFFFFF  }
0xa7: {  	s28 =	simm.s32 $_size_execute0_lowered;
	s2 =	sadd.s32 s2, s4;
	[dreg:$0x0] =	wrdreg $0x0  }
0xa8: {  	s4 =	sshll.u32 s28, $0x1;
	[dreg:$0x2] =	wrdreg s2  }
0xa9: {  	[dreg:$0x3] =	wrdreg s4  }
0xaa: {  	[dreg:$0x4] =	wrdreg $0xC0  }
0xab: {  	_ =	task [dreg:s6], $0x5FFFF  }
0xac: {  	[dreg:$0x1] =	wrdreg $0xFFFFFFFF  }
0xad: {  	[dreg:$0x0] =	wrdreg $0x60  }
0xae: {  	[dreg:$0x2] =	wrdreg s24  }
0xaf: {  	[dreg:$0x3] =	wrdreg $0x40800  }
0xb0: {  	[dreg:$0x4] =	wrdreg $0xA  }
0xb1: {  	_ =	task.clear_ibuf [dreg:s6], $0x5FFFF;
	_ =	strace $0x90000049  }
0xb2: {  	s29 =	simm.s32 $0xA;
	_ =	strace $0x8000004B  }
0xb3: {  	_ =	swait.ge [sflag:s29], $0x1  }
0xb4: {  	[sflag:s29] =	ssyncadd.s32 $0xFFFFFFFF  }
0xb5: {  	_ =	strace $0x9000004B  }
0xb6: {  	_ =	sfence  }
0xb7: {  	s30 =	sld [smem:$0x0];
	_ =	sdelay $0x2  }
0xb8: {  	s31 =	sshll.u32 s1, $0xD;
	s1 =	sshrl.u32 s1, $0x2  }
0xb9: {  	s3 =	sand.u32 $0x4000, s31;
	s1 =	sadd.s32 s1, s30  }
0xba: {  	s0 =	sor.u32 s3, s0;
	s1 =	sshll.u32 s1, $0x11  }
0xbb: {  	s0 =	sor.u32 s1, s0  }
0xbc: {  	s0 =	sadd.s32 $0x8F2B, s0  }
0xbd: {  	[sflag:s0] =	ssyncadd.remote.s32 $0x1  }
0xbe: {  	_ =	sfence.sel $0xFFFF  }
0xbf: {  	[dreg:$0x0] =	wrdreg $0xFFFFFFFF;
	(pc) =	sbr.abs _section_cstart, $3  }
0xc0: {  	[dreg:$0x1] =	wrdreg $0xFFFFFFFF  }
0xc1: {  	_ =	task.clear_ibuf [dreg:s6], $0x2FFFF;
	_ =	strace $0x9FFFFFFF  }
0xc2: {  	(tm) =	ssettm $0x7FFFFFFF  }
0xc3: {  	_ =	shalt  }
tec
execute0_lowered:
.L_overlay_start_1:
0x0: {  	(tag) =	ssettag $0x1  }
0x1: {  	s6 =	rddreg [dreg:$0x0]  }
0x2: {  	s2 =	rddreg [dreg:$0x1]  }
0x3: {  	s0 =	rddreg [dreg:$0x2]  }
0x4: {  	s3 =	simm.s32 $0x0;
	s1 =	stileid.u32;
	s4 =	srdreg.scid  }
0x5: {  	s14 =	simm.s32 $0x4000;
	s15 =	simm.s32 $0x80;
	s16 =	simm.s32 $0x0  }
0x6: {  	[smem:$0x7FF] =	sst s3;
	s11 =	sand.u32 $0x1, s4;
	s5 =	smul.u32 $0x2800, s1  }
0x7: {  	s25 =	sshll.u32 s1, $0xC;
	s4 =	sadd.s32 $0x17C00, s6;
	s12 =	smul.u32 $0x50000, s1  }
0x8: {  	s26 =	sshll.u32 s1, $0x1;
	s29 =	sshll.u32 s1, $0x6;
	s31 =	sshll.u32 s1, $0x8  }
0x9: {  	_ =	strace $0x8000004A;
	s7 =	smul.u32 $0x28000, s11;
	s8 =	ssub.s32 $0x2, s11  }
0xa: {  	s10 =	sadd.s32 s25, s6;
	s30 =	sshll.u32 s11, $0xB;
	s9 =	sshrl.u32 s8, $0x1  }
0xb: {  	s28 =	sshrl.u32 s12, $0x2;
	s10 =	sadd.s32 s30, s10;
	s7 =	sadd.s32 s5, s7  }
0xc: {  	s5 =	sadd.s32 $0x23C00, s6;
	s8 =	ssub.s32 s8, s9;
	s13 =	sadd.s32 s28, s2  }
0xd: {  	s9 =	sor.u32 s26, s11;
	s10 =	sadd.s32 $0x1DE5000, s10;
	s11 =	sshll.u32 s11, $0x7  }
0xe: {  	s7 =	sadd.s32 s7, s6;
	s6 =	sor.u32 $0x1C01, s29;
	s9 =	ssub.s32 $0x9E3, s9  }
0xf: {  	s8 =	smax.u32 s8, $0x1;
	s11 =	sor.u32 s11, s31;
	s12 =	sshrl.u32 s13, $0x3  }
0x10: {  	s13 =	simm.s32 $0x1;
	s7 =	sadd.s32 $0x99000, s7;
	s9 =	sshrl.u32 s9, $0x5  }
.LBB2_1:
0x11: {  	[spmem:s12], [sflag:s6] =	dma.local [hbm:s5], $0x2800  }
0x12: {  	p1 =	sne.s32 s9, $0x1  }
.Ltmp0:
0x13: {  	_ =	swait.ge [sflag:s13], $0x2800;
	(pc) =	sbr.rel @!p1 .LBB2_2-.Ltmp0, $4  }
0x14: {  	[sflag:s13] =	ssyncset.done $0x0  }
0x15: {  	[sflag:s13] =	ssyncadd.s32 $0xFFFFD800  }
0x16: {  	[bflag:$0x0] =	sbarrier.arrive $0xFFFF  }
0x17: {  	s17 =	sadd.s32 $0xFFFFFFFF, s9;
	s20 =	sshrl.u32 s11, $0x3;
	p0 =	por $0x0, $0x0  }
0x18: {  	s18 =	sadd.s32 s4, s20  }
0x19: {  	[tilespmem:s14], [sflag:$0x1] =	stream.linear.gather [hbm4b:s18+s3], $0x80, $0x38;
	[tilespmem:$0x18080] =	vst v63  }
0x1a: {  	_ =	swait.ge [sflag:s13], $0x80  }
0x1b: {  	[sflag:s13] =	ssyncset.done $0x0  }
0x1c: {  	[sflag:s13] =	ssyncadd.s32 $0xFFFFFF80  }
0x1d: {  	[tilespmem:s3], [sflag:$0x1] =	stream.linear.gather [hbm4b:s10+s3], $0x4000, $0x38;
	[tilespmem:$0x18080] =	vst v63  }
0x1e: {  	p1 =	sne.s32 s17, $0x1;
	_ =	swait.ge [sflag:s13], $0x4000  }
.Ltmp1:
0x1f: {  	[sflag:s13] =	ssyncset.done $0x0;
	(pc) =	sbr.rel @!p1 .LBB2_4-.Ltmp1, $4  }
0x20: {  	s19 =	sadd.s32 $0x1000, s11;
	[sflag:s13] =	ssyncadd.s32 $0xFFFFC000  }
0x21: {  	[spmem:s2] =	stream.indirect.scatter.add.f32 [tilespmem:s3], [sflag:$0x1], $0x80, s14, s15, $0xb8;
	[tilespmem:$0x18080] =	vst v63  }
0x22: {  	p0 =	por $0x1, $0x1;
	s18 =	sadd.s32 $0xFFFFFFFF, s17;
	_ =	swait.ge [sflag:s13], $0x4000  }
0x23: {  	s20 =	sshrl.u32 s19, $0x3;
	s17 =	smov.u32 s10;
	[sflag:s13] =	ssyncset.done $0x0  }
.LBB2_5:
0x24: {  	s20 =	sadd.s32 s4, s20;
	[sflag:s13] =	ssyncadd.s32 $0xFFFFC000;
	s17 =	sadd.s32 $0x10000, s17  }
0x25: {  	[tilespmem:s14], [sflag:$0x1] =	stream.linear.gather [hbm4b:s20+s3], $0x80, $0x38;
	[tilespmem:$0x18080] =	vst v63  }
0x26: {  	p1 =	sne.s32 s18, $0x1;
	s18 =	sadd.s32 $0xFFFFFFFF, s18;
	_ =	swait.ge [sflag:s13], $0x80  }
0x27: {  	[sflag:s13] =	ssyncset.done $0x0  }
0x28: {  	[sflag:s13] =	ssyncadd.s32 $0xFFFFFF80  }
0x29: {  	[tilespmem:s3], [sflag:$0x1] =	stream.linear.gather [hbm4b:s17+s3], $0x4000, $0x38;
	[tilespmem:$0x18080] =	vst v63  }
0x2a: {  	_ =	swait.ge [sflag:s13], $0x4000  }
.Ltmp2:
0x2b: {  	[sflag:s13] =	ssyncset.done $0x0;
	(pc) =	sbr.rel @p1 .LBB2_5-.Ltmp2, $4  }
0x2c: {  	[sflag:s13] =	ssyncadd.s32 $0xFFFFC000  }
0x2d: {  	[spmem:s2] =	stream.indirect.scatter.add.f32 [tilespmem:s3], [sflag:$0x1], $0x80, s14, s15, $0xb8;
	[tilespmem:$0x18080] =	vst v63  }
0x2e: {  	s19 =	sadd.s32 $0x1000, s19;
	_ =	swait.ge [sflag:s13], $0x4000  }
0x2f: {  	s20 =	sshrl.u32 s19, $0x3;
	[sflag:s13] =	ssyncset.done $0x0  }
.LBB2_6:
0x30: {  	s18 =	sadd.s32 s4, s20;
	[sflag:s13] =	ssyncadd.s32 @p0 $0xFFFFC000  }
0x31: {  	[tilespmem:s14], [sflag:$0x1] =	stream.linear.gather [hbm4b:s18+s3], $0x80, $0x38;
	[tilespmem:$0x18080] =	vst v63  }
0x32: {  	_ =	swait.ge [sflag:s13], $0x80  }
0x33: {  	s17 =	sadd.s32 @p0 $0x10000, s17;
	s18 =	smov.u32 s10;
	[sflag:s13] =	ssyncset.done $0x0  }
0x34: {  	s18 =	smov.u32 @p0 s17;
	[sflag:s13] =	ssyncadd.s32 $0xFFFFFF80  }
0x35: {  	[tilespmem:s3], [sflag:$0x1] =	stream.linear.gather [hbm4b:s18+s3], $0x4000, $0x38;
	[tilespmem:$0x18080] =	vst v63  }
0x36: {  	_ =	swait.ge [sflag:s13], $0x4000  }
0x37: {  	[sflag:s13] =	ssyncset.done $0x0  }
0x38: {  	[sflag:s13] =	ssyncadd.s32 $0xFFFFC000  }
0x39: {  	[spmem:s2] =	stream.indirect.scatter.add.f32 [tilespmem:s3], [sflag:$0x1], $0x80, s14, s15, $0xb8;
	[tilespmem:$0x18080] =	vst v63  }
0x3a: {  	_ =	swait.ge [sflag:s13], $0x4000  }
0x3b: {  	[sflag:s13] =	ssyncset.done $0x0  }
0x3c: {  	s16 =	sadd.s32 $0x1, s16;
	[sflag:s13] =	ssyncadd.s32 $0xFFFFC000  }
0x3d: {  	p0 =	sne.s32 s16, s8;
	[bflag:$0x0] =	sbarrier.arrive $0xFFFF  }
0x3e: {  	[hbm:s7], [sflag:s6] =	dma.local [spmem:s12], $0x2800  }
.Ltmp3:
0x3f: {  	_ = 	snop;
	(pc) =	sbr.rel @p0 .LBB2_1-.Ltmp3, $4  }
.Ltmp4:
0x40: {  	_ = 	snop;
	(pc) =	sbr.rel @!p0 .LBB2_7-.Ltmp4, $4  }
0x41: {  	_ =	swait.ge [sflag:s13], $0x2800  }
0x42: {  	[sflag:s13] =	ssyncset.done $0x0  }
0x43: {  	[sflag:s13] =	ssyncadd.s32 $0xFFFFD800  }
0x44: {  	_ = 	snop  }
.LBB2_2:
.Ltmp5:
0x45: {  	(pc) =	sbr.rel .LBB2_6-.Ltmp5, $2  }
0x46: {  	_ =	sdelay $0x2  }
0x47: {  	s17 =	smov.u32 s10  }
.LBB2_4:
.Ltmp6:
0x48: {  	(pc) =	sbr.rel .LBB2_6-.Ltmp6, $2  }
0x49: {  	_ =	sdelay $0x2  }
0x4a: {  	s17 =	smov.u32 s10  }
.LBB2_7:
0x4b: {  	_ =	sfence.sel $0x180000  }
0x4c: {  	[bflag:$0x0] =	sbarrier.arrive $0xFFFF  }
0x4d: {  	p0 =	sne.s32 s1, $0x0;
	_ =	strace $0x9000004A  }
0x4e: {  	s0 =	sadd.s32 @!p0 $0x100000, s0;
	[bflag:$0x2] =	sbarrier.arrive $0xFFFF  }
0x4f: {  	[sflag:s0] =	ssyncadd.tile.s32 @!p0 $0x1;
	_ =	shalt  }
.Lfunc_end2:
_tile_overlayer_lowered:
.L_overlay_start_2:
0x50: {  	(tag) =	ssettag $0x2  }
0x51: {  	s0 =	rddreg [dreg:$0x0];
	s2 =	stileid.u32  }
0x52: {  	s1 =	rddreg [dreg:$0x1];
	p0 =	sne.s32 s2, $0x0  }
0x53: {  	s3 =	rddreg [dreg:$0x2];
	[bflag:$0x3] =	sbarrier.arrive $0xFFFF;
	s2 =	simm.s32 @!p0 $0x1C01  }
0x54: {  	[timem:s3], [sflag:s2] =	dma.local @!p0 [hbm:s0], s1  }
0x55: {  	s0 =	simm.s32 @!p0 $0x1  }
0x56: {  	_ =	swait.ge @!p0 [sflag:s0], s1  }
0x57: {  	s1 =	ssub.s32 @!p0 $0x0, s1;
	[sflag:s0] =	ssyncset.done @!p0 $0x0  }
0x58: {  	[sflag:s0] =	ssyncadd.s32 @!p0 s1  }
0x59: {  	[bflag:$0x3] =	sbarrier.arrive $0xFFFF  }
0x5a: {  	_ =	shalt  }

// kernel: kernel.38.cloned.1.call-start
scs
__scs_entry_jumppad:
0x0: {  	(pc) =	sbr.rel $0x88, $3  }
0x1: {  	(tag) =	ssettag $0x0;
	lr =	simm.s32 $0x1  }
0x2: {  	[smem:$0x3F8B] =	sst lr;
	_ =	strace $0xD0000000  }
0x3: {  	_ = 	snop  }
0x4: {  	_ = 	snop  }
0x5: {  	_ = 	snop  }
0x6: {  	_ = 	snop  }
0x7: {  	_ = 	snop  }
__scs_overlays_trampoline_lowered:
0x8: {  	[smem:$0x3F9A] =	sst s0  }
0x9: {  	[smem:$0x3F9B] =	sst s1  }
0xa: {  	[smem:$0x3F9C] =	sst s2  }
0xb: {  	[smem:$0x3F9D] =	sst s3  }
0xc: {  	[smem:$0x3F9E] =	sst s4  }
0xd: {  	[smem:$0x3F9F] =	sst s5  }
0xe: {  	[smem:$0x3FA0] =	sst s6  }
0xf: {  	[smem:$0x3FA1] =	sst s7  }
0x10: {  	[smem:$0x3FA2] =	sst s8  }
0x11: {  	[smem:$0x3FA3] =	sst s9;
	s0 =	simm.s32 @!p0 $0x0  }
0x12: {  	s1 =	sld [smem:$0x3F89];
	s0 =	simm.s32 @p0 $0x1  }
0x13: {  	[smem:$0x3FA4] =	sst s0;
	s0 =	simm.s32 @!p1 $0x0  }
0x14: {  	s2 =	sld [smem:$0x3F88];
	s0 =	simm.s32 @p1 $0x1  }
0x15: {  	[smem:$0x3FA5] =	sst s0;
	s0 =	simm.s32 @!p2 $0x0  }
0x16: {  	s3 =	sld [smem:$0x3FDB];
	s0 =	simm.s32 @p2 $0x1  }
0x17: {  	s4 =	simm.s32 $0x1BF5;
	[smem:$0x3FA7] =	sst s0  }
0x18: {  	s0 =	sld [smem:$0x3F8A];
	_ =	swait.ge [sflag:s4], $0x0  }
0x19: {  	s7 =	sld [smem:$0x3F8B]  }
0x1a: {  	s8 =	sadd.s32 $0xFFFFE003, lr  }
0x1b: {  	s9 =	sadd.s32 $0xFFFFFEF7, lr;
	s5 =	simm.s32 $0xFFFFFFFF;
	p2 =	slt.u32 s8, $0xFFFFF086  }
0x1c: {  	p1 =	slt.u32 s9, $0xF7A;
	s5 =	simm.s32 @!p2 $0x0  }
0x1d: {  	s5 =	simm.s32 @p1 $0x1;
	p0 =	seq.s32 s7, s2  }
0x1e: {  	s7 =	smul.u32 @!p0 $0xF7A, s2;
	p2 =	seq.s32 @!p0 s5, $0x0  }
0x1f: {  	s9 =	smul.u32 $0xF7A, s1;
	s8 =	simm.s32 @!p0 $0x1BF5;
	p2 =	por !p2, p0  }
0x20: {  	[sflag:s8] =	ssyncset.s32 @!p0 $0xFFFFF086;
	s6 =	sadd.s32 @!p0 s3, s7;
	s7 =	simm.s32 @!p0 $0x108  }
0x21: {  	s3 =	sadd.s32 s3, s9;
	s6 =	sadd.s32 @!p0 $0x88, s6;
	s7 =	simm.s32 @p2 $0x1082  }
0x22: {  	[simem:s7], [sflag:s8] =	dma.local @!p0 [hbm:s6], $0xF7A  }
0x23: {  	s9 =	sor.u32 $0xD0000000, s2;
	s6 =	simm.s32 $0x108;
	_ =	swait.ge @!p0 [sflag:s8], $0x0  }
0x24: {  	s3 =	sadd.s32 $0x88, s3;
	s6 =	simm.s32 @!p1 $0x1082;
	[sflag:s4] =	ssyncset.s32 $0xFFFFF086  }
0x25: {  	[simem:s6], [sflag:s4] =	dma.local [hbm:s3], $0xF7A  }
0x26: {  	[smem:$0x3F8B] =	sst s1;
	(tag) =	ssettag s2;
	_ =	strace s9  }
0x27: {  	s1 =	sld [smem:$0x3F9B]  }
0x28: {  	s2 =	sld [smem:$0x3F9C]  }
0x29: {  	s4 =	sld [smem:$0x3F9E]  }
0x2a: {  	p0 =	seq.s32 s5, $0x0;
	s5 =	sld [smem:$0x3F9F]  }
0x2b: {  	s6 =	sld [smem:$0x3FA0]  }
0x2c: {  	s7 =	sld [smem:$0x3FA1]  }
0x2d: {  	s3 =	simm.s32 $0x108;
	s8 =	sld [smem:$0x3FA2]  }
0x2e: {  	s3 =	simm.s32 @!p0 $0x1082;
	s9 =	sld [smem:$0x3FA3]  }
0x2f: {  	lr =	sadd.s32 s0, s3;
	s0 =	sld [smem:$0x3F9A]  }
0x30: {  	s3 =	sld [smem:$0x3F9D]  }
0x31: {  	[smem:$0x3FA6] =	sst s10  }
0x32: {  	s10 =	sld [smem:$0x3FA4];
	_ =	sdelay $0x3  }
0x33: {  	p0 =	seq.s32 s10, $0x1;
	s10 =	sld [smem:$0x3FA6];
	_ =	sdelay $0x3  }
0x34: {  	[smem:$0x3FA6] =	sst s10  }
0x35: {  	s10 =	sld [smem:$0x3FA5];
	_ =	sdelay $0x3  }
0x36: {  	p1 =	seq.s32 s10, $0x1;
	s10 =	sld [smem:$0x3FA6];
	_ =	sdelay $0x3  }
0x37: {  	[smem:$0x3FA6] =	sst s10  }
0x38: {  	s10 =	sld [smem:$0x3FA7]  }
0x39: {  	_ = 	snop;
	(pc) =	sbr.ind lr, $3  }
0x3a: {  	_ = 	snop  }
0x3b: {  	_ = 	snop  }
0x3c: {  	p2 =	seq.s32 s10, $0x1;
	s10 =	sld [smem:$0x3FA6]  }
0x3d: {  	_ =	shalt  }
0x3e: {  	_ =	shalt  }
0x3f: {  	_ =	shalt  }
0x40: {  	_ =	shalt  }
0x41: {  	_ =	shalt  }
0x42: {  	_ =	shalt  }
0x43: {  	_ =	shalt  }
0x44: {  	_ =	shalt  }
0x45: {  	_ =	shalt  }
0x46: {  	_ =	shalt  }
0x47: {  	_ =	shalt  }
0x48: {  	_ =	shalt  }
0x49: {  	_ =	shalt  }
0x4a: {  	_ =	shalt  }
0x4b: {  	_ =	shalt  }
0x4c: {  	_ =	shalt  }
0x4d: {  	_ =	shalt  }
0x4e: {  	_ =	shalt  }
0x4f: {  	_ =	shalt  }
0x50: {  	_ =	shalt  }
0x51: {  	_ =	shalt  }
0x52: {  	_ =	shalt  }
0x53: {  	_ =	shalt  }
0x54: {  	_ =	shalt  }
0x55: {  	_ =	shalt  }
0x56: {  	_ =	shalt  }
0x57: {  	_ =	shalt  }
0x58: {  	_ =	shalt  }
0x59: {  	_ =	shalt  }
0x5a: {  	_ =	shalt  }
0x5b: {  	_ =	shalt  }
0x5c: {  	_ =	shalt  }
0x5d: {  	_ =	shalt  }
0x5e: {  	_ =	shalt  }
0x5f: {  	_ =	shalt  }
0x60: {  	_ =	shalt  }
0x61: {  	_ =	shalt  }
0x62: {  	_ =	shalt  }
0x63: {  	_ =	shalt  }
0x64: {  	_ =	shalt  }
0x65: {  	_ =	shalt  }
0x66: {  	_ =	shalt  }
0x67: {  	_ =	shalt  }
0x68: {  	_ =	shalt  }
0x69: {  	_ =	shalt  }
0x6a: {  	_ =	shalt  }
0x6b: {  	_ =	shalt  }
0x6c: {  	_ =	shalt  }
0x6d: {  	_ =	shalt  }
0x6e: {  	_ =	shalt  }
0x6f: {  	_ =	shalt  }
0x70: {  	_ =	shalt  }
0x71: {  	_ =	shalt  }
0x72: {  	_ =	shalt  }
0x73: {  	_ =	shalt  }
0x74: {  	_ =	shalt  }
0x75: {  	_ =	shalt  }
0x76: {  	_ =	shalt  }
0x77: {  	_ =	shalt  }
0x78: {  	_ =	shalt  }
0x79: {  	_ =	shalt  }
0x7a: {  	_ =	shalt  }
0x7b: {  	_ =	shalt  }
0x7c: {  	_ =	shalt  }
0x7d: {  	_ =	shalt  }
0x7e: {  	_ =	shalt  }
0x7f: {  	_ =	shalt  }
0x80: {  	_ =	shalt  }
0x81: {  	_ =	shalt  }
0x82: {  	_ =	shalt  }
0x83: {  	_ =	shalt  }
0x84: {  	_ =	shalt  }
0x85: {  	_ =	shalt  }
0x86: {  	_ =	shalt  }
0x87: {  	_ =	shalt  }
.Lfunc_end0:
.L_simem_size_0:
called_computation.3_lowered:
.L_overlay_start_0:
0x88: {  	s2 =	sld [smem:$0x3FD9]  }
0x89: {  	s3 =	sld [smem:$0x3FFE];
	_ =	sdelay $0x1  }
0x8a: {  	s1 =	srdreg.scid  }
0x8b: {  	s0 =	sand.u32 $0x1, s1  }
0x8c: {  	s14 =	sshll.u32 s0, $0xA;
	s2 =	sadd.s32 s3, s2  }
0x8d: {  	s2 =	sadd.s32 s2, s14  }
0x8e: {  	[smem:$0x3FB2] =	sst s2  }
0x8f: {  	_ = 	snop  }
0x90: {  	s2 =	sld [smem:$0x3FD0];
	_ =	sdelay $0x2  }
0x91: {  	s15 =	simm.s32 $0xB;
	s4 =	simm.s32 $0x10  }
0x92: {  	[smem:s4], [sflag:s15] =	dma.local [hbm:s2], $0x1  }
0x93: {  	_ =	swait.eq [sflag:s15], $0x1  }
0x94: {  	[sflag:s15] =	ssyncset.done $0x0  }
0x95: {  	[sflag:s15] =	ssyncadd.s32 $0xFFFFFFFF  }
0x96: {  	s16 =	sld [smem:$0x10];
	(tm) =	ssettm $0x1  }
0x97: {  	s17 =	sld [smem:$0x3FFB];
	_ =	sdelay $0x3  }
0x98: {  	_ =	strace s17  }
0x99: {  	s3 =	sld [smem:$0x3FFC];
	_ =	sdelay $0x3  }
0x9a: {  	_ =	strace s3  }
0x9b: {  	s3 =	sld [smem:$0x3FFD];
	_ =	sdelay $0x3  }
0x9c: {  	_ =	strace s3  }
0x9d: {  	_ =	strace $0x8FFFFFFF  }
0x9e: {  	s18 =	sld [smem:$0x3FDB];
	_ =	sdelay $0x1  }
0x9f: {  	s19 =	simm.s32 $_scs_section_size  }
0xa0: {  	s5 =	simm.s32 $_size__tile_overlayer_lowered;
	s6 =	simm.s32 $_tile_overlayer_lowered  }
0xa1: {  	s22 =	simm.s32 $0x1BFF;
	s21 =	sshll.u32 s6, $0x1;
	s3 =	sadd.s32 s19, s18  }
0xa2: {  	s7 =	simm.s32 $0x0;
	s20 =	sshll.u32 s5, $0x1;
	s5 =	sadd.s32 s21, s3  }
0xa3: {  	[timem:s7], [sflag:s22] =	dma.local [hbm:s5], s20  }
0xa4: {  	_ =	swait.ge [sflag:s22], s20  }
0xa5: {  	s4 =	ssub.s32 $0x0, s20;
	[sflag:s22] =	ssyncset.done $0x0  }
0xa6: {  	[sflag:s22] =	ssyncadd.s32 s4;
	_ =	sdelay $0x1  }
0xa7: {  	s23 =	simm.s32 $0x1B8B  }
0xa8: {  	_ =	swait.ge [sflag:s23], $0x1  }
0xa9: {  	[sflag:s23] =	ssyncset.done $0x0  }
0xaa: {  	s25 =	simm.s32 $0x1B8E;
	s24 =	sld [smem:$0x3FFE];
	[sflag:s23] =	ssyncadd.s32 $0xFFFFFFFF  }
0xab: {  	s26 =	simm.s32 $execute0_lowered;
	[smem:$0x3FD2] =	sst s25  }
0xac: {  	s5 =	sshll.u32 s26, $0x1;
	_ =	strace $0x8000004F;
	[dreg:$0x1] =	wrdreg $0xFFFFFFFF  }
0xad: {  	s28 =	simm.s32 $_size_execute0_lowered;
	s3 =	sadd.s32 s3, s5;
	[dreg:$0x0] =	wrdreg $0x0  }
0xae: {  	s5 =	sshll.u32 s28, $0x1;
	[dreg:$0x2] =	wrdreg s3  }
0xaf: {  	[dreg:$0x3] =	wrdreg s5  }
0xb0: {  	[dreg:$0x4] =	wrdreg $0xC0  }
0xb1: {  	_ =	task [dreg:s7], $0x5FFFF  }
0xb2: {  	[dreg:$0x1] =	wrdreg $0xFFFFFFFF  }
0xb3: {  	[dreg:$0x0] =	wrdreg $0x60  }
0xb4: {  	[dreg:$0x2] =	wrdreg s16  }
0xb5: {  	[dreg:$0x3] =	wrdreg s24  }
0xb6: {  	[dreg:$0x4] =	wrdreg $0x9  }
0xb7: {  	_ =	task.clear_ibuf [dreg:s7], $0x5FFFF;
	_ =	strace $0x9000004F  }
0xb8: {  	s29 =	simm.s32 $0x9;
	_ =	strace $0x80000051  }
0xb9: {  	_ =	swait.ge [sflag:s29], $0x1  }
0xba: {  	[sflag:s29] =	ssyncadd.s32 $0xFFFFFFFF  }
0xbb: {  	_ =	strace $0x90000051  }
0xbc: {  	_ =	sfence  }
0xbd: {  	s30 =	sld [smem:$0x0];
	_ =	sdelay $0x2  }
0xbe: {  	s31 =	sshll.u32 s1, $0xD;
	s1 =	sshrl.u32 s1, $0x2  }
0xbf: {  	s3 =	sand.u32 $0x4000, s31;
	s1 =	sadd.s32 s1, s30  }
0xc0: {  	s0 =	sor.u32 s3, s0;
	s1 =	sshll.u32 s1, $0x11  }
0xc1: {  	s0 =	sor.u32 s1, s0  }
0xc2: {  	s0 =	sadd.s32 $0x8F2B, s0  }
0xc3: {  	[sflag:s0] =	ssyncadd.remote.s32 $0x1  }
0xc4: {  	_ =	sfence.sel $0xFFFF  }
0xc5: {  	[dreg:$0x0] =	wrdreg $0xFFFFFFFF;
	(pc) =	sbr.abs _section_cstart, $3  }
0xc6: {  	[dreg:$0x1] =	wrdreg $0xFFFFFFFF  }
0xc7: {  	_ =	task.clear_ibuf [dreg:s7], $0x2FFFF;
	_ =	strace $0x9FFFFFFF  }
0xc8: {  	(tm) =	ssettm $0x7FFFFFFF  }
0xc9: {  	_ =	shalt  }
tec
execute0_lowered:
.L_overlay_start_1:
0x0: {  	(tag) =	ssettag $0x1  }
0x1: {  	s0 =	rddreg [dreg:$0x0]  }
0x2: {  	s19 =	rddreg [dreg:$0x1];
	s1 =	simm.s32 $0x0;
	s9 =	stileid.u32  }
0x3: {  	s20 =	srdreg.scid;
	s10 =	simm.s32 $0x3;
	s30 =	simm.s32 $0x4900  }
0x4: {  	s11 =	simm.s32 $0x100;
	s31 =	simm.s32 $0x5100;
	s12 =	simm.s32 $0x4100  }
0x5: {  	s13 =	simm.s32 $0x5900;
	s14 =	simm.s32 $0x6100;
	s15 =	simm.s32 $0x6900  }
0x6: {  	s16 =	simm.s32 $0x7100;
	s17 =	simm.s32 $0x7900;
	s18 =	simm.s32 $0x8100  }
0x7: {  	s28 =	simm.s32 $0x2;
	s29 =	simm.s32 $0x0;
	[dreg:$0x3] =	wrdreg s0  }
0x8: {  	[smem:$0x7FF] =	sst s1;
	s2 =	sadd.s32 $0xDE00, s19;
	s3 =	sadd.s32 $0x26A00, s19  }
0x9: {  	s4 =	sadd.s32 $0x17C00, s19;
	s5 =	sshll.u32 s9, $0xC;
	s6 =	sand.u32 $0x1, s20  }
0xa: {  	s21 =	sshll.u32 s9, $0xD;
	s8 =	sshll.u32 s9, $0x1;
	s26 =	sshll.u32 s9, $0x8  }
0xb: {  	s9 =	simm.s32 $0x80;
	_ =	strace $0x80000050;
	[dreg:$0x4] =	wrdreg s2  }
0xc: {  	s20 =	simm.s32 $0x9100;
	[dreg:$0x5] =	wrdreg s4;
	s5 =	sadd.s32 s5, s19  }
0xd: {  	s2 =	ssub.s32 $0x2, s6;
	s0 =	sadd.s32 s21, s19;
	s22 =	sor.u32 s8, s6  }
0xe: {  	s24 =	sshll.u32 s6, $0xC;
	s25 =	sshll.u32 s6, $0xB;
	[dreg:$0x6] =	wrdreg s30  }
0xf: {  	s6 =	sshll.u32 s6, $0x7;
	[dreg:$0x7] =	wrdreg s31;
	s19 =	simm.s32 $0x8900  }
0x10: {  	s21 =	simm.s32 $0x9900;
	s7 =	sshrl.u32 s2, $0x1;
	s23 =	ssub.s32 $0x9E3, s22  }
0x11: {  	s0 =	sadd.s32 s24, s0;
	s5 =	sadd.s32 s25, s5;
	s8 =	sor.u32 s6, s26  }
0x12: {  	s22 =	simm.s32 $0xA100;
	s24 =	simm.s32 $0xB100;
	s2 =	ssub.s32 s2, s7  }
0x13: {  	v2 =	vlaneseq.u32;
	s25 =	simm.s32 $0xB900;
	s26 =	simm.s32 $0x1;
	s2 =	smax.u32 s2, $0x1  }
0x14: {  	vm0 =	vmmov $0xffff;
	v1 =	vshrl.u32 v2, $0x3;
	s0 =	sadd.s32 $0x1DE5000, s0;
	[dreg:$0x8] =	wrdreg s2;
	s2 =	sshrl.u32 s23, $0x5  }
0x15: {  	v0 =	vand.u32 $0x7, v2;
	v2 =	vor.u32 $0x8, v2;
	v1 =	vmul.u32 $0x8, v1;
	s7 =	sadd.s32 $0x9BE00, s5;
	s23 =	simm.s32 $0xA900;
	[dreg:$0x9] =	wrdreg s2  }
.LBB2_1:
0x16: {  	s30 =	smov.u32 s8  }
0x17: {  	s31 =	smov.u32 s7;
	s6 =	smov.u32 s0;
	s5 =	rddreg [dreg:$0x9]  }
.LBB2_2:
0x18: {  	s4 =	rddreg [dreg:$0x5];
	s2 =	sshrl.u32 s30, $0x3  }
0x19: {  	s4 =	sadd.s32 s4, s2  }
0x1a: {  	[tilespmem:s9], [sflag:$0x3] =	stream.linear.gather [hbm4b:s4+s1], $0x80, $0x38;
	[tilespmem:$0xC100] =	vst v63  }
0x1b: {  	_ =	swait.ge [sflag:s10], $0x80  }
0x1c: {  	s4 =	rddreg [dreg:$0x4];
	[sflag:s10] =	ssyncset.done $0x0  }
0x1d: {  	s2 =	sadd.s32 s4, s2;
	[sflag:s10] =	ssyncadd.s32 $0xFFFFFF80  }
0x1e: {  	[tilespmem:s1], [sflag:$0x3] =	stream.linear.gather [hbm4b:s2+s1], $0x80, $0x38;
	[tilespmem:$0xC100] =	vst v63  }
0x1f: {  	_ =	swait.ge [sflag:s10], $0x80  }
0x20: {  	[sflag:s10] =	ssyncset.done $0x0  }
0x21: {  	s4 =	rddreg [dreg:$0x3];
	[sflag:s10] =	ssyncadd.s32 $0xFFFFFF80  }
0x22: {  	[tilespmem:s11], [sflag:$0x1] =	stream.indirect.gather [hbm4b:s4+s9], $0x80, s9, s9, $0xb8;
	[tilespmem:$0xC100] =	vst v63  }
0x23: {  	v3 =	vld [tilespmem:$0x0];
	_ =	sdelay $0x4  }
0x24: {  	v4 =	vshll.u32 v3, $0x1  }
0x25: {  	v3 =	vand.u32 $0x7, v3;
	v4 =	vand.u32 $0xFFFFFFF0, v4  }
0x26: {  	v3 =	vor.u32 v3, v4  }
0x27: {  	v4 =	vperm.xlane v3, v0;
	_ =	sdelay $0x1  }
0x28: {  	v3 =	vperm.xlane v3, v2;
	v4 =	vadd.s32 v1, v4;
	_ =	sdelay $0x1  }
0x29: {  	v3 =	vadd.s32 v1, v3;
	_ =	sdelay $0x2  }
0x2a: {  	[tilespmem:s12], [sflag:$0x2] =	stream.indirect_vreg.gather [hbm4b:s3+s1], $0x80, v4, vm0, $0xb8;
	[tilespmem:$0xC100] =	vst v63  }
0x2b: {  	s4 =	rddreg [dreg:$0x6]  }
0x2c: {  	[tilespmem:s4], [sflag:$0x2] =	stream.indirect_vreg.gather [hbm4b:s3+s1], $0x80, v3, vm0, $0xb8;
	[tilespmem:$0xC100] =	vst v63  }
0x2d: {  	v3 =	vld [tilespmem:$0x10];
	_ =	sdelay $0x4  }
0x2e: {  	v57 =	vshll.u32 v3, $0x1  }
0x2f: {  	v3 =	vand.u32 $0x7, v3;
	v4 =	vand.u32 $0xFFFFFFF0, v57  }
0x30: {  	v3 =	vor.u32 v3, v4  }
0x31: {  	v4 =	vperm.xlane v3, v0;
	_ =	sdelay $0x1  }
0x32: {  	v3 =	vperm.xlane v3, v2;
	v4 =	vadd.s32 v1, v4;
	_ =	sdelay $0x1  }
0x33: {  	v3 =	vadd.s32 v1, v3;
	_ =	sdelay $0x1  }
0x34: {  	s4 =	rddreg [dreg:$0x7]  }
0x35: {  	[tilespmem:s4], [sflag:$0x2] =	stream.indirect_vreg.gather [hbm4b:s3+s1], $0x80, v4, vm0, $0xb8;
	[tilespmem:$0xC100] =	vst v63  }
0x36: {  	_ = 	snop  }
0x37: {  	[tilespmem:s13], [sflag:$0x2] =	stream.indirect_vreg.gather [hbm4b:s3+s1], $0x80, v3, vm0, $0xb8;
	[tilespmem:$0xC100] =	vst v63  }
0x38: {  	v3 =	vld [tilespmem:$0x20];
	_ =	sdelay $0x4  }
0x39: {  	v58 =	vshll.u32 v3, $0x1  }
0x3a: {  	v3 =	vand.u32 $0x7, v3;
	v4 =	vand.u32 $0xFFFFFFF0, v58  }
0x3b: {  	v3 =	vor.u32 v3, v4  }
0x3c: {  	v4 =	vperm.xlane v3, v0;
	_ =	sdelay $0x1  }
0x3d: {  	v3 =	vperm.xlane v3, v2;
	v4 =	vadd.s32 v1, v4;
	_ =	sdelay $0x1  }
0x3e: {  	v3 =	vadd.s32 v1, v3;
	_ =	sdelay $0x2  }
0x3f: {  	[tilespmem:s14], [sflag:$0x2] =	stream.indirect_vreg.gather [hbm4b:s3+s1], $0x80, v4, vm0, $0xb8;
	[tilespmem:$0xC100] =	vst v63  }
0x40: {  	_ = 	snop  }
0x41: {  	[tilespmem:s15], [sflag:$0x2] =	stream.indirect_vreg.gather [hbm4b:s3+s1], $0x80, v3, vm0, $0xb8;
	[tilespmem:$0xC100] =	vst v63  }
0x42: {  	v3 =	vld [tilespmem:$0x30];
	_ =	sdelay $0x4  }
0x43: {  	v59 =	vshll.u32 v3, $0x1  }
0x44: {  	v3 =	vand.u32 $0x7, v3;
	v4 =	vand.u32 $0xFFFFFFF0, v59  }
0x45: {  	v3 =	vor.u32 v3, v4  }
0x46: {  	v4 =	vperm.xlane v3, v0;
	_ =	sdelay $0x1  }
0x47: {  	v3 =	vperm.xlane v3, v2;
	v4 =	vadd.s32 v1, v4;
	_ =	sdelay $0x1  }
0x48: {  	v3 =	vadd.s32 v1, v3;
	_ =	sdelay $0x2  }
0x49: {  	[tilespmem:s16], [sflag:$0x2] =	stream.indirect_vreg.gather [hbm4b:s3+s1], $0x80, v4, vm0, $0xb8;
	[tilespmem:$0xC100] =	vst v63  }
0x4a: {  	_ = 	snop  }
0x4b: {  	[tilespmem:s17], [sflag:$0x2] =	stream.indirect_vreg.gather [hbm4b:s3+s1], $0x80, v3, vm0, $0xb8;
	[tilespmem:$0xC100] =	vst v63  }
0x4c: {  	v3 =	vld [tilespmem:$0x40];
	_ =	sdelay $0x4  }
0x4d: {  	v60 =	vshll.u32 v3, $0x1  }
0x4e: {  	v3 =	vand.u32 $0x7, v3;
	v4 =	vand.u32 $0xFFFFFFF0, v60  }
0x4f: {  	v3 =	vor.u32 v3, v4  }
0x50: {  	v4 =	vperm.xlane v3, v0;
	_ =	sdelay $0x1  }
0x51: {  	v3 =	vperm.xlane v3, v2;
	v4 =	vadd.s32 v1, v4;
	_ =	sdelay $0x1  }
0x52: {  	v3 =	vadd.s32 v1, v3;
	_ =	sdelay $0x2  }
0x53: {  	[tilespmem:s18], [sflag:$0x2] =	stream.indirect_vreg.gather [hbm4b:s3+s1], $0x80, v4, vm0, $0xb8;
	[tilespmem:$0xC100] =	vst v63  }
0x54: {  	_ = 	snop  }
0x55: {  	[tilespmem:s19], [sflag:$0x2] =	stream.indirect_vreg.gather [hbm4b:s3+s1], $0x80, v3, vm0, $0xb8;
	[tilespmem:$0xC100] =	vst v63  }
0x56: {  	v3 =	vld [tilespmem:$0x50];
	_ =	sdelay $0x4  }
0x57: {  	v61 =	vshll.u32 v3, $0x1  }
0x58: {  	v3 =	vand.u32 $0x7, v3;
	v4 =	vand.u32 $0xFFFFFFF0, v61  }
0x59: {  	v3 =	vor.u32 v3, v4  }
0x5a: {  	v4 =	vperm.xlane v3, v0;
	_ =	sdelay $0x1  }
0x5b: {  	v3 =	vperm.xlane v3, v2;
	v4 =	vadd.s32 v1, v4;
	_ =	sdelay $0x1  }
0x5c: {  	v3 =	vadd.s32 v1, v3;
	_ =	sdelay $0x2  }
0x5d: {  	[tilespmem:s20], [sflag:$0x2] =	stream.indirect_vreg.gather [hbm4b:s3+s1], $0x80, v4, vm0, $0xb8;
	[tilespmem:$0xC100] =	vst v63  }
0x5e: {  	_ = 	snop  }
0x5f: {  	[tilespmem:s21], [sflag:$0x2] =	stream.indirect_vreg.gather [hbm4b:s3+s1], $0x80, v3, vm0, $0xb8;
	[tilespmem:$0xC100] =	vst v63  }
0x60: {  	v3 =	vld [tilespmem:$0x60];
	_ =	sdelay $0x4  }
0x61: {  	v62 =	vshll.u32 v3, $0x1  }
0x62: {  	v3 =	vand.u32 $0x7, v3;
	v4 =	vand.u32 $0xFFFFFFF0, v62  }
0x63: {  	v3 =	vor.u32 v3, v4  }
0x64: {  	v4 =	vperm.xlane v3, v0;
	_ =	sdelay $0x1  }
0x65: {  	v3 =	vperm.xlane v3, v2;
	v4 =	vadd.s32 v1, v4;
	_ =	sdelay $0x1  }
0x66: {  	v3 =	vadd.s32 v1, v3;
	_ =	sdelay $0x2  }
0x67: {  	[tilespmem:s22], [sflag:$0x2] =	stream.indirect_vreg.gather [hbm4b:s3+s1], $0x80, v4, vm0, $0xb8;
	[tilespmem:$0xC100] =	vst v63  }
0x68: {  	_ = 	snop  }
0x69: {  	[tilespmem:s23], [sflag:$0x2] =	stream.indirect_vreg.gather [hbm4b:s3+s1], $0x80, v3, vm0, $0xb8;
	[tilespmem:$0xC100] =	vst v63  }
0x6a: {  	v3 =	vld [tilespmem:$0x70];
	_ =	sdelay $0x4  }
0x6b: {  	v63 =	vshll.u32 v3, $0x1  }
0x6c: {  	v3 =	vand.u32 $0x7, v3;
	v4 =	vand.u32 $0xFFFFFFF0, v63  }
0x6d: {  	v3 =	vor.u32 v3, v4  }
0x6e: {  	v4 =	vperm.xlane v3, v0;
	_ =	sdelay $0x1  }
0x6f: {  	v3 =	vperm.xlane v3, v2;
	v4 =	vadd.s32 v1, v4;
	_ =	sdelay $0x1  }
0x70: {  	v3 =	vadd.s32 v1, v3;
	_ =	sdelay $0x2  }
0x71: {  	[tilespmem:s24], [sflag:$0x2] =	stream.indirect_vreg.gather [hbm4b:s3+s1], $0x80, v4, vm0, $0xb8;
	[tilespmem:$0xC100] =	vst v63  }
0x72: {  	_ = 	snop  }
0x73: {  	[tilespmem:s25], [sflag:$0x2] =	stream.indirect_vreg.gather [hbm4b:s3+s1], $0x80, v3, vm0, $0xb8;
	[tilespmem:$0xC100] =	vst v63  }
0x74: {  	_ =	swait.ge [sflag:s26], $0x4000  }
0x75: {  	[sflag:s26] =	ssyncset.done $0x0  }
0x76: {  	[sflag:s26] =	ssyncadd.s32 $0xFFFFC000  }
0x77: {  	_ =	swait.ge [sflag:s28], $0x8000  }
0x78: {  	[sflag:s28] =	ssyncset.done $0x0  }
0x79: {  	[sflag:s28] =	ssyncadd.s32 $0xFFFF8000  }
0x7a: {  	[hbm4b:s31+s1] =	stream.linear.scatter [tilespmem:s11], [sflag:$0x3], $0x4000, $0x38;
	[tilespmem:$0xC100] =	vst v63  }
0x7b: {  	_ =	swait.ge [sflag:s10], $0x4000  }
0x7c: {  	p0 =	sne.s32 s5, $0x1;
	[sflag:s10] =	ssyncset.done $0x0  }
.Ltmp0:
0x7d: {  	[sflag:s10] =	ssyncadd.s32 $0xFFFFC000;
	(pc) =	sbr.rel @p0 .LBB2_2-.Ltmp0, $4  }
0x7e: {  	[hbm4b:s6+s1] =	stream.linear.scatter [tilespmem:s12], [sflag:$0x3], $0x8000, $0x38;
	[tilespmem:$0xC100] =	vst v63  }
0x7f: {  	_ =	swait.ge [sflag:s10], $0x8000  }
0x80: {  	s30 =	sadd.s32 $0x1000, s30;
	s5 =	sadd.s32 $0xFFFFFFFF, s5;
	[sflag:s10] =	ssyncset.done $0x0  }
0x81: {  	s31 =	sadd.s32 $0x10000, s31;
	s6 =	sadd.s32 $0x20000, s6;
	[sflag:s10] =	ssyncadd.s32 $0xFFFF8000  }
0x82: {  	s29 =	sadd.s32 $0x1, s29;
	s2 =	rddreg [dreg:$0x8]  }
0x83: {  	p0 =	sne.s32 s29, s2  }
.Ltmp1:
0x84: {  	_ = 	snop;
	(pc) =	sbr.rel @p0 .LBB2_1-.Ltmp1, $1  }
0x85: {  	_ =	sdelay $0x3  }
0x86: {  	_ =	sfence.sel $0x180000  }
0x87: {  	[bflag:$0x0] =	sbarrier.arrive $0xFFFF  }
0x88: {  	_ =	strace $0x90000050  }
0x89: {  	s0 =	stileid.u32;
	[bflag:$0x2] =	sbarrier.arrive $0xFFFF  }
0x8a: {  	p0 =	sne.s32 s0, $0x0;
	s0 =	rddreg [dreg:$0x2]  }
0x8b: {  	s0 =	sadd.s32 @!p0 $0x100000, s0  }
0x8c: {  	[sflag:s0] =	ssyncadd.tile.s32 @!p0 $0x1;
	_ =	shalt  }
.Lfunc_end2:
_tile_overlayer_lowered:
.L_overlay_start_2:
0x8d: {  	(tag) =	ssettag $0x2  }
0x8e: {  	s0 =	rddreg [dreg:$0x0];
	s2 =	stileid.u32  }
0x8f: {  	s1 =	rddreg [dreg:$0x1];
	p0 =	sne.s32 s2, $0x0  }
0x90: {  	s3 =	rddreg [dreg:$0x2];
	[bflag:$0x3] =	sbarrier.arrive $0xFFFF;
	s2 =	simm.s32 @!p0 $0x1C03  }
0x91: {  	[timem:s3], [sflag:s2] =	dma.local @!p0 [hbm:s0], s1  }
0x92: {  	s0 =	simm.s32 @!p0 $0x3  }
0x93: {  	_ =	swait.ge @!p0 [sflag:s0], s1  }
0x94: {  	s1 =	ssub.s32 @!p0 $0x0, s1;
	[sflag:s0] =	ssyncset.done @!p0 $0x0  }
0x95: {  	[sflag:s0] =	ssyncadd.s32 @!p0 s1  }
0x96: {  	[bflag:$0x3] =	sbarrier.arrive $0xFFFF  }
0x97: {  	_ =	shalt  }

// kernel: kernel.41.cloned.1.call-start
scs
__scs_entry_jumppad:
0x0: {  	(pc) =	sbr.rel $0x88, $3  }
0x1: {  	(tag) =	ssettag $0x0;
	lr =	simm.s32 $0x1  }
0x2: {  	[smem:$0x3F8B] =	sst lr;
	_ =	strace $0xD0000000  }
0x3: {  	_ = 	snop  }
0x4: {  	_ = 	snop  }
0x5: {  	_ = 	snop  }
0x6: {  	_ = 	snop  }
0x7: {  	_ = 	snop  }
__scs_overlays_trampoline_lowered:
0x8: {  	[smem:$0x3F9A] =	sst s0  }
0x9: {  	[smem:$0x3F9B] =	sst s1  }
0xa: {  	[smem:$0x3F9C] =	sst s2  }
0xb: {  	[smem:$0x3F9D] =	sst s3  }
0xc: {  	[smem:$0x3F9E] =	sst s4  }
0xd: {  	[smem:$0x3F9F] =	sst s5  }
0xe: {  	[smem:$0x3FA0] =	sst s6  }
0xf: {  	[smem:$0x3FA1] =	sst s7  }
0x10: {  	[smem:$0x3FA2] =	sst s8  }
0x11: {  	[smem:$0x3FA3] =	sst s9;
	s0 =	simm.s32 @!p0 $0x0  }
0x12: {  	s1 =	sld [smem:$0x3F89];
	s0 =	simm.s32 @p0 $0x1  }
0x13: {  	[smem:$0x3FA4] =	sst s0;
	s0 =	simm.s32 @!p1 $0x0  }
0x14: {  	s2 =	sld [smem:$0x3F88];
	s0 =	simm.s32 @p1 $0x1  }
0x15: {  	[smem:$0x3FA5] =	sst s0;
	s0 =	simm.s32 @!p2 $0x0  }
0x16: {  	s3 =	sld [smem:$0x3FDB];
	s0 =	simm.s32 @p2 $0x1  }
0x17: {  	s4 =	simm.s32 $0x1BF5;
	[smem:$0x3FA7] =	sst s0  }
0x18: {  	s0 =	sld [smem:$0x3F8A];
	_ =	swait.ge [sflag:s4], $0x0  }
0x19: {  	s7 =	sld [smem:$0x3F8B]  }
0x1a: {  	s8 =	sadd.s32 $0xFFFFE003, lr  }
0x1b: {  	s9 =	sadd.s32 $0xFFFFFEF7, lr;
	s5 =	simm.s32 $0xFFFFFFFF;
	p2 =	slt.u32 s8, $0xFFFFF086  }
0x1c: {  	p1 =	slt.u32 s9, $0xF7A;
	s5 =	simm.s32 @!p2 $0x0  }
0x1d: {  	s5 =	simm.s32 @p1 $0x1;
	p0 =	seq.s32 s7, s2  }
0x1e: {  	s7 =	smul.u32 @!p0 $0xF7A, s2;
	p2 =	seq.s32 @!p0 s5, $0x0  }
0x1f: {  	s9 =	smul.u32 $0xF7A, s1;
	s8 =	simm.s32 @!p0 $0x1BF5;
	p2 =	por !p2, p0  }
0x20: {  	[sflag:s8] =	ssyncset.s32 @!p0 $0xFFFFF086;
	s6 =	sadd.s32 @!p0 s3, s7;
	s7 =	simm.s32 @!p0 $0x108  }
0x21: {  	s3 =	sadd.s32 s3, s9;
	s6 =	sadd.s32 @!p0 $0x88, s6;
	s7 =	simm.s32 @p2 $0x1082  }
0x22: {  	[simem:s7], [sflag:s8] =	dma.local @!p0 [hbm:s6], $0xF7A  }
0x23: {  	s9 =	sor.u32 $0xD0000000, s2;
	s6 =	simm.s32 $0x108;
	_ =	swait.ge @!p0 [sflag:s8], $0x0  }
0x24: {  	s3 =	sadd.s32 $0x88, s3;
	s6 =	simm.s32 @!p1 $0x1082;
	[sflag:s4] =	ssyncset.s32 $0xFFFFF086  }
0x25: {  	[simem:s6], [sflag:s4] =	dma.local [hbm:s3], $0xF7A  }
0x26: {  	[smem:$0x3F8B] =	sst s1;
	(tag) =	ssettag s2;
	_ =	strace s9  }
0x27: {  	s1 =	sld [smem:$0x3F9B]  }
0x28: {  	s2 =	sld [smem:$0x3F9C]  }
0x29: {  	s4 =	sld [smem:$0x3F9E]  }
0x2a: {  	p0 =	seq.s32 s5, $0x0;
	s5 =	sld [smem:$0x3F9F]  }
0x2b: {  	s6 =	sld [smem:$0x3FA0]  }
0x2c: {  	s7 =	sld [smem:$0x3FA1]  }
0x2d: {  	s3 =	simm.s32 $0x108;
	s8 =	sld [smem:$0x3FA2]  }
0x2e: {  	s3 =	simm.s32 @!p0 $0x1082;
	s9 =	sld [smem:$0x3FA3]  }
0x2f: {  	lr =	sadd.s32 s0, s3;
	s0 =	sld [smem:$0x3F9A]  }
0x30: {  	s3 =	sld [smem:$0x3F9D]  }
0x31: {  	[smem:$0x3FA6] =	sst s10  }
0x32: {  	s10 =	sld [smem:$0x3FA4];
	_ =	sdelay $0x3  }
0x33: {  	p0 =	seq.s32 s10, $0x1;
	s10 =	sld [smem:$0x3FA6];
	_ =	sdelay $0x3  }
0x34: {  	[smem:$0x3FA6] =	sst s10  }
0x35: {  	s10 =	sld [smem:$0x3FA5];
	_ =	sdelay $0x3  }
0x36: {  	p1 =	seq.s32 s10, $0x1;
	s10 =	sld [smem:$0x3FA6];
	_ =	sdelay $0x3  }
0x37: {  	[smem:$0x3FA6] =	sst s10  }
0x38: {  	s10 =	sld [smem:$0x3FA7]  }
0x39: {  	_ = 	snop;
	(pc) =	sbr.ind lr, $3  }
0x3a: {  	_ = 	snop  }
0x3b: {  	_ = 	snop  }
0x3c: {  	p2 =	seq.s32 s10, $0x1;
	s10 =	sld [smem:$0x3FA6]  }
0x3d: {  	_ =	shalt  }
0x3e: {  	_ =	shalt  }
0x3f: {  	_ =	shalt  }
0x40: {  	_ =	shalt  }
0x41: {  	_ =	shalt  }
0x42: {  	_ =	shalt  }
0x43: {  	_ =	shalt  }
0x44: {  	_ =	shalt  }
0x45: {  	_ =	shalt  }
0x46: {  	_ =	shalt  }
0x47: {  	_ =	shalt  }
0x48: {  	_ =	shalt  }
0x49: {  	_ =	shalt  }
0x4a: {  	_ =	shalt  }
0x4b: {  	_ =	shalt  }
0x4c: {  	_ =	shalt  }
0x4d: {  	_ =	shalt  }
0x4e: {  	_ =	shalt  }
0x4f: {  	_ =	shalt  }
0x50: {  	_ =	shalt  }
0x51: {  	_ =	shalt  }
0x52: {  	_ =	shalt  }
0x53: {  	_ =	shalt  }
0x54: {  	_ =	shalt  }
0x55: {  	_ =	shalt  }
0x56: {  	_ =	shalt  }
0x57: {  	_ =	shalt  }
0x58: {  	_ =	shalt  }
0x59: {  	_ =	shalt  }
0x5a: {  	_ =	shalt  }
0x5b: {  	_ =	shalt  }
0x5c: {  	_ =	shalt  }
0x5d: {  	_ =	shalt  }
0x5e: {  	_ =	shalt  }
0x5f: {  	_ =	shalt  }
0x60: {  	_ =	shalt  }
0x61: {  	_ =	shalt  }
0x62: {  	_ =	shalt  }
0x63: {  	_ =	shalt  }
0x64: {  	_ =	shalt  }
0x65: {  	_ =	shalt  }
0x66: {  	_ =	shalt  }
0x67: {  	_ =	shalt  }
0x68: {  	_ =	shalt  }
0x69: {  	_ =	shalt  }
0x6a: {  	_ =	shalt  }
0x6b: {  	_ =	shalt  }
0x6c: {  	_ =	shalt  }
0x6d: {  	_ =	shalt  }
0x6e: {  	_ =	shalt  }
0x6f: {  	_ =	shalt  }
0x70: {  	_ =	shalt  }
0x71: {  	_ =	shalt  }
0x72: {  	_ =	shalt  }
0x73: {  	_ =	shalt  }
0x74: {  	_ =	shalt  }
0x75: {  	_ =	shalt  }
0x76: {  	_ =	shalt  }
0x77: {  	_ =	shalt  }
0x78: {  	_ =	shalt  }
0x79: {  	_ =	shalt  }
0x7a: {  	_ =	shalt  }
0x7b: {  	_ =	shalt  }
0x7c: {  	_ =	shalt  }
0x7d: {  	_ =	shalt  }
0x7e: {  	_ =	shalt  }
0x7f: {  	_ =	shalt  }
0x80: {  	_ =	shalt  }
0x81: {  	_ =	shalt  }
0x82: {  	_ =	shalt  }
0x83: {  	_ =	shalt  }
0x84: {  	_ =	shalt  }
0x85: {  	_ =	shalt  }
0x86: {  	_ =	shalt  }
0x87: {  	_ =	shalt  }
.Lfunc_end0:
.L_simem_size_0:
called_computation.4_lowered:
.L_overlay_start_0:
0x88: {  	s2 =	sld [smem:$0x3FD9]  }
0x89: {  	s3 =	sld [smem:$0x3FFE];
	_ =	sdelay $0x1  }
0x8a: {  	s1 =	srdreg.scid  }
0x8b: {  	s0 =	sand.u32 $0x1, s1  }
0x8c: {  	s17 =	sshll.u32 s0, $0xA;
	s2 =	sadd.s32 s3, s2  }
0x8d: {  	s2 =	sadd.s32 s2, s17  }
0x8e: {  	[smem:$0x3FB2] =	sst s2  }
0x8f: {  	_ = 	snop  }
0x90: {  	(tm) =	ssettm $0x1  }
0x91: {  	s18 =	sld [smem:$0x3FFB];
	_ =	sdelay $0x3  }
0x92: {  	_ =	strace s18  }
0x93: {  	s2 =	sld [smem:$0x3FFC];
	_ =	sdelay $0x3  }
0x94: {  	_ =	strace s2  }
0x95: {  	s2 =	sld [smem:$0x3FFD];
	_ =	sdelay $0x3  }
0x96: {  	_ =	strace s2  }
0x97: {  	_ =	strace $0x8FFFFFFF  }
0x98: {  	s19 =	sld [smem:$0x3FDB];
	_ =	sdelay $0x1  }
0x99: {  	s20 =	simm.s32 $_scs_section_size  }
0x9a: {  	s4 =	simm.s32 $_size__tile_overlayer_lowered;
	s5 =	simm.s32 $_tile_overlayer_lowered  }
0x9b: {  	s6 =	simm.s32 $0x1BFF;
	s21 =	sshll.u32 s5, $0x1;
	s3 =	sadd.s32 s20, s19  }
0x9c: {  	s22 =	simm.s32 $0x0;
	s4 =	sshll.u32 s4, $0x1;
	s5 =	sadd.s32 s21, s3  }
0x9d: {  	[timem:s22], [sflag:s6] =	dma.local [hbm:s5], s4  }
0x9e: {  	_ =	swait.ge [sflag:s6], s4  }
0x9f: {  	s4 =	ssub.s32 $0x0, s4;
	[sflag:s6] =	ssyncset.done $0x0  }
0xa0: {  	[sflag:s6] =	ssyncadd.s32 s4;
	_ =	sdelay $0x1  }
0xa1: {  	s23 =	simm.s32 $0x1B8B  }
0xa2: {  	_ =	swait.ge [sflag:s23], $0x1  }
0xa3: {  	[sflag:s23] =	ssyncset.done $0x0  }
0xa4: {  	[sflag:s23] =	ssyncadd.s32 $0xFFFFFFFF  }
0xa5: {  	s4 =	sld [smem:$0x0]  }
0xa6: {  	s5 =	sand.u32 $0xFFFFFFFE, s1  }
0xa7: {  	p0 =	sne.s32 s1, s5  }
0xa8: {  	s5 =	sshll.u32 @p0 s5, $0xE  }
0xa9: {  	s5 =	sadd.s32 @p0 $0x11B8D, s5;
	s6 =	sshll.u32 @p0 s4, $0x11  }
0xaa: {  	s5 =	sor.u32 @p0 s6, s5  }
0xab: {  	[sflag:s5] =	ssyncadd.remote.s32 @p0 $0x1;
	_ =	sdelay $0x1  }
0xac: {  	s5 =	simm.s32 @p0 $0x1B8D  }
0xad: {  	_ =	swait.eq @p0 [sflag:s5], $0x1  }
0xae: {  	[sflag:s5] =	ssyncadd.s32 @p0 $0xFFFFFFFF  }
0xaf: {  	s6 =	sshll.u32 @!p0 s1, $0xE  }
0xb0: {  	s6 =	sor.u32 @!p0 $0x4000, s6;
	s5 =	simm.s32 @!p0 $0x1B8D  }
0xb1: {  	s4 =	sshll.u32 @!p0 s4, $0x11;
	s6 =	sadd.s32 @!p0 $0x11B8D, s6;
	_ =	swait.eq @!p0 [sflag:s5], $0x1  }
0xb2: {  	s4 =	sor.u32 @!p0 s4, s6;
	[sflag:s5] =	ssyncadd.s32 @!p0 $0xFFFFFFFF  }
0xb3: {  	s25 =	simm.s32 $0x1B8E;
	s24 =	sld [smem:$0x3FFE];
	[sflag:s4] =	ssyncadd.remote.s32 @!p0 $0x1  }
0xb4: {  	s26 =	simm.s32 $execute0_lowered;
	[smem:$0x3FD2] =	sst s25  }
0xb5: {  	s5 =	sshll.u32 s26, $0x1;
	_ =	strace $0x80000055;
	[dreg:$0x1] =	wrdreg $0xFFFFFFFF  }
0xb6: {  	s28 =	simm.s32 $_size_execute0_lowered;
	s3 =	sadd.s32 s3, s5;
	[dreg:$0x0] =	wrdreg $0x0  }
0xb7: {  	s5 =	sshll.u32 s28, $0x1;
	[dreg:$0x2] =	wrdreg s3  }
0xb8: {  	[dreg:$0x3] =	wrdreg s5  }
0xb9: {  	[dreg:$0x4] =	wrdreg $0xC0  }
0xba: {  	_ =	task [dreg:s22], $0x5FFFF  }
0xbb: {  	[dreg:$0x1] =	wrdreg $0xFFFFFFFF  }
0xbc: {  	[dreg:$0x0] =	wrdreg $0x60  }
0xbd: {  	[dreg:$0x2] =	wrdreg s24  }
0xbe: {  	[dreg:$0x3] =	wrdreg $0x40800  }
0xbf: {  	[dreg:$0x4] =	wrdreg $0x9  }
0xc0: {  	_ =	task.clear_ibuf [dreg:s22], $0x5FFFF;
	_ =	strace $0x90000055  }
0xc1: {  	s29 =	simm.s32 $0x9;
	_ =	strace $0x80000057  }
0xc2: {  	_ =	swait.ge [sflag:s29], $0x1  }
0xc3: {  	[sflag:s29] =	ssyncadd.s32 $0xFFFFFFFF  }
0xc4: {  	_ =	strace $0x90000057  }
0xc5: {  	_ =	sfence  }
0xc6: {  	s30 =	sld [smem:$0x0];
	_ =	sdelay $0x2  }
0xc7: {  	s31 =	sshll.u32 s1, $0xD;
	s1 =	sshrl.u32 s1, $0x2  }
0xc8: {  	s4 =	sand.u32 $0x4000, s31;
	s1 =	sadd.s32 s1, s30  }
0xc9: {  	s0 =	sor.u32 s4, s0;
	s1 =	sshll.u32 s1, $0x11  }
0xca: {  	s0 =	sor.u32 s1, s0  }
0xcb: {  	s0 =	sadd.s32 $0x8F2B, s0  }
0xcc: {  	[sflag:s0] =	ssyncadd.remote.s32 $0x1  }
0xcd: {  	_ =	sfence.sel $0xFFFF  }
0xce: {  	[dreg:$0x0] =	wrdreg $0xFFFFFFFF;
	(pc) =	sbr.abs _section_cstart, $3  }
0xcf: {  	[dreg:$0x1] =	wrdreg $0xFFFFFFFF  }
0xd0: {  	_ =	task.clear_ibuf [dreg:s22], $0x2FFFF;
	_ =	strace $0x9FFFFFFF  }
0xd1: {  	(tm) =	ssettm $0x7FFFFFFF  }
tec
execute0_lowered:
.L_overlay_start_1:
0x0: {  	(tag) =	ssettag $0x1  }
0x1: {  	s6 =	rddreg [dreg:$0x0]  }
0x2: {  	s2 =	rddreg [dreg:$0x1]  }
0x3: {  	s0 =	rddreg [dreg:$0x2]  }
0x4: {  	s3 =	simm.s32 $0x0;
	s1 =	stileid.u32;
	s4 =	srdreg.scid  }
0x5: {  	s14 =	simm.s32 $0x4000;
	s15 =	simm.s32 $0x80;
	s16 =	simm.s32 $0x0  }
0x6: {  	[smem:$0x7FF] =	sst s3;
	s11 =	sand.u32 $0x1, s4;
	s5 =	smul.u32 $0x2800, s1  }
0x7: {  	s25 =	sshll.u32 s1, $0xC;
	s4 =	sadd.s32 $0x17C00, s6;
	s12 =	smul.u32 $0x50000, s1  }
0x8: {  	s26 =	sshll.u32 s1, $0x1;
	s29 =	sshll.u32 s1, $0x6;
	s31 =	sshll.u32 s1, $0x8  }
0x9: {  	_ =	strace $0x80000056;
	s7 =	smul.u32 $0x28000, s11;
	s8 =	ssub.s32 $0x2, s11  }
0xa: {  	s10 =	sadd.s32 s25, s6;
	s30 =	sshll.u32 s11, $0xB;
	s9 =	sshrl.u32 s8, $0x1  }
0xb: {  	s28 =	sshrl.u32 s12, $0x2;
	s10 =	sadd.s32 s30, s10;
	s7 =	sadd.s32 s5, s7  }
0xc: {  	s5 =	sadd.s32 $0x23C00, s6;
	s8 =	ssub.s32 s8, s9;
	s13 =	sadd.s32 s28, s2  }
0xd: {  	s9 =	sor.u32 s26, s11;
	s10 =	sadd.s32 $0x27A9000, s10;
	s11 =	sshll.u32 s11, $0x7  }
0xe: {  	s7 =	sadd.s32 s7, s6;
	s6 =	sor.u32 $0x1C01, s29;
	s9 =	ssub.s32 $0x9E3, s9  }
0xf: {  	s8 =	smax.u32 s8, $0x1;
	s11 =	sor.u32 s11, s31;
	s12 =	sshrl.u32 s13, $0x3  }
0x10: {  	s13 =	simm.s32 $0x1;
	s7 =	sadd.s32 $0xAAFE00, s7;
	s9 =	sshrl.u32 s9, $0x5  }
.LBB2_1:
0x11: {  	[spmem:s12], [sflag:s6] =	dma.local [hbm:s5], $0x2800  }
0x12: {  	p1 =	sne.s32 s9, $0x1  }
.Ltmp0:
0x13: {  	_ =	swait.ge [sflag:s13], $0x2800;
	(pc) =	sbr.rel @!p1 .LBB2_2-.Ltmp0, $4  }
0x14: {  	[sflag:s13] =	ssyncset.done $0x0  }
0x15: {  	[sflag:s13] =	ssyncadd.s32 $0xFFFFD800  }
0x16: {  	[bflag:$0x0] =	sbarrier.arrive $0xFFFF  }
0x17: {  	s17 =	sadd.s32 $0xFFFFFFFF, s9;
	s20 =	sshrl.u32 s11, $0x3;
	p0 =	por $0x0, $0x0  }
0x18: {  	s18 =	sadd.s32 s4, s20  }
0x19: {  	[tilespmem:s14], [sflag:$0x1] =	stream.linear.gather [hbm4b:s18+s3], $0x80, $0x38;
	[tilespmem:$0x18080] =	vst v63  }
0x1a: {  	_ =	swait.ge [sflag:s13], $0x80  }
0x1b: {  	[sflag:s13] =	ssyncset.done $0x0  }
0x1c: {  	[sflag:s13] =	ssyncadd.s32 $0xFFFFFF80  }
0x1d: {  	[tilespmem:s3], [sflag:$0x1] =	stream.linear.gather [hbm4b:s10+s3], $0x4000, $0x38;
	[tilespmem:$0x18080] =	vst v63  }
0x1e: {  	p1 =	sne.s32 s17, $0x1;
	_ =	swait.ge [sflag:s13], $0x4000  }
.Ltmp1:
0x1f: {  	[sflag:s13] =	ssyncset.done $0x0;
	(pc) =	sbr.rel @!p1 .LBB2_4-.Ltmp1, $4  }
0x20: {  	s19 =	sadd.s32 $0x1000, s11;
	[sflag:s13] =	ssyncadd.s32 $0xFFFFC000  }
0x21: {  	[spmem:s2] =	stream.indirect.scatter.add.f32 [tilespmem:s3], [sflag:$0x1], $0x80, s14, s15, $0xb8;
	[tilespmem:$0x18080] =	vst v63  }
0x22: {  	p0 =	por $0x1, $0x1;
	s18 =	sadd.s32 $0xFFFFFFFF, s17;
	_ =	swait.ge [sflag:s13], $0x4000  }
0x23: {  	s20 =	sshrl.u32 s19, $0x3;
	s17 =	smov.u32 s10;
	[sflag:s13] =	ssyncset.done $0x0  }
.LBB2_5:
0x24: {  	s20 =	sadd.s32 s4, s20;
	[sflag:s13] =	ssyncadd.s32 $0xFFFFC000;
	s17 =	sadd.s32 $0x10000, s17  }
0x25: {  	[tilespmem:s14], [sflag:$0x1] =	stream.linear.gather [hbm4b:s20+s3], $0x80, $0x38;
	[tilespmem:$0x18080] =	vst v63  }
0x26: {  	p1 =	sne.s32 s18, $0x1;
	s18 =	sadd.s32 $0xFFFFFFFF, s18;
	_ =	swait.ge [sflag:s13], $0x80  }
0x27: {  	[sflag:s13] =	ssyncset.done $0x0  }
0x28: {  	[sflag:s13] =	ssyncadd.s32 $0xFFFFFF80  }
0x29: {  	[tilespmem:s3], [sflag:$0x1] =	stream.linear.gather [hbm4b:s17+s3], $0x4000, $0x38;
	[tilespmem:$0x18080] =	vst v63  }
0x2a: {  	_ =	swait.ge [sflag:s13], $0x4000  }
.Ltmp2:
0x2b: {  	[sflag:s13] =	ssyncset.done $0x0;
	(pc) =	sbr.rel @p1 .LBB2_5-.Ltmp2, $4  }
0x2c: {  	[sflag:s13] =	ssyncadd.s32 $0xFFFFC000  }
0x2d: {  	[spmem:s2] =	stream.indirect.scatter.add.f32 [tilespmem:s3], [sflag:$0x1], $0x80, s14, s15, $0xb8;
	[tilespmem:$0x18080] =	vst v63  }
0x2e: {  	s19 =	sadd.s32 $0x1000, s19;
	_ =	swait.ge [sflag:s13], $0x4000  }
0x2f: {  	s20 =	sshrl.u32 s19, $0x3;
	[sflag:s13] =	ssyncset.done $0x0  }
.LBB2_6:
0x30: {  	s18 =	sadd.s32 s4, s20;
	[sflag:s13] =	ssyncadd.s32 @p0 $0xFFFFC000  }
0x31: {  	[tilespmem:s14], [sflag:$0x1] =	stream.linear.gather [hbm4b:s18+s3], $0x80, $0x38;
	[tilespmem:$0x18080] =	vst v63  }
0x32: {  	_ =	swait.ge [sflag:s13], $0x80  }
0x33: {  	s17 =	sadd.s32 @p0 $0x10000, s17;
	s18 =	smov.u32 s10;
	[sflag:s13] =	ssyncset.done $0x0  }
0x34: {  	s18 =	smov.u32 @p0 s17;
	[sflag:s13] =	ssyncadd.s32 $0xFFFFFF80  }
0x35: {  	[tilespmem:s3], [sflag:$0x1] =	stream.linear.gather [hbm4b:s18+s3], $0x4000, $0x38;
	[tilespmem:$0x18080] =	vst v63  }
0x36: {  	_ =	swait.ge [sflag:s13], $0x4000  }
0x37: {  	[sflag:s13] =	ssyncset.done $0x0  }
0x38: {  	[sflag:s13] =	ssyncadd.s32 $0xFFFFC000  }
0x39: {  	[spmem:s2] =	stream.indirect.scatter.add.f32 [tilespmem:s3], [sflag:$0x1], $0x80, s14, s15, $0xb8;
	[tilespmem:$0x18080] =	vst v63  }
0x3a: {  	_ =	swait.ge [sflag:s13], $0x4000  }
0x3b: {  	[sflag:s13] =	ssyncset.done $0x0  }
0x3c: {  	s16 =	sadd.s32 $0x1, s16;
	[sflag:s13] =	ssyncadd.s32 $0xFFFFC000  }
0x3d: {  	p0 =	sne.s32 s16, s8;
	[bflag:$0x0] =	sbarrier.arrive $0xFFFF  }
0x3e: {  	[hbm:s7], [sflag:s6] =	dma.local [spmem:s12], $0x2800  }
.Ltmp3:
0x3f: {  	_ = 	snop;
	(pc) =	sbr.rel @p0 .LBB2_1-.Ltmp3, $4  }
.Ltmp4:
0x40: {  	_ = 	snop;
	(pc) =	sbr.rel @!p0 .LBB2_7-.Ltmp4, $4  }
0x41: {  	_ =	swait.ge [sflag:s13], $0x2800  }
0x42: {  	[sflag:s13] =	ssyncset.done $0x0  }
0x43: {  	[sflag:s13] =	ssyncadd.s32 $0xFFFFD800  }
0x44: {  	_ = 	snop  }
.LBB2_2:
.Ltmp5:
0x45: {  	(pc) =	sbr.rel .LBB2_6-.Ltmp5, $2  }
0x46: {  	_ =	sdelay $0x2  }
0x47: {  	s17 =	smov.u32 s10  }
.LBB2_4:
.Ltmp6:
0x48: {  	(pc) =	sbr.rel .LBB2_6-.Ltmp6, $2  }
0x49: {  	_ =	sdelay $0x2  }
0x4a: {  	s17 =	smov.u32 s10  }
.LBB2_7:
0x4b: {  	_ =	sfence.sel $0x180000  }
0x4c: {  	[bflag:$0x0] =	sbarrier.arrive $0xFFFF  }
0x4d: {  	p0 =	sne.s32 s1, $0x0;
	_ =	strace $0x90000056  }
0x4e: {  	s0 =	sadd.s32 @!p0 $0x100000, s0;
	[bflag:$0x2] =	sbarrier.arrive $0xFFFF  }
0x4f: {  	[sflag:s0] =	ssyncadd.tile.s32 @!p0 $0x1;
	_ =	shalt  }
.Lfunc_end2:
_tile_overlayer_lowered:
.L_overlay_start_2:
0x50: {  	(tag) =	ssettag $0x2  }
0x51: {  	s0 =	rddreg [dreg:$0x0];
	s2 =	stileid.u32  }
0x52: {  	s1 =	rddreg [dreg:$0x1];
	p0 =	sne.s32 s2, $0x0  }
0x53: {  	s3 =	rddreg [dreg:$0x2];
	[bflag:$0x3] =	sbarrier.arrive $0xFFFF;
	s2 =	simm.s32 @!p0 $0x1C01  }
0x54: {  	[timem:s3], [sflag:s2] =	dma.local @!p0 [hbm:s0], s1  }
0x55: {  	s0 =	simm.s32 @!p0 $0x1  }
0x56: {  	_ =	swait.ge @!p0 [sflag:s0], s1  }
0x57: {  	s1 =	ssub.s32 @!p0 $0x0, s1;
	[sflag:s0] =	ssyncset.done @!p0 $0x0  }
0x58: {  	[sflag:s0] =	ssyncadd.s32 @!p0 s1  }
0x59: {  	[bflag:$0x3] =	sbarrier.arrive $0xFFFF  }
0x5a: {  	_ =	shalt  }

// kernel: kernel.44.cloned.1.call-start
scs
__scs_entry_jumppad:
0x0: {  	(pc) =	sbr.rel $0x88, $3  }
0x1: {  	(tag) =	ssettag $0x0;
	lr =	simm.s32 $0x1  }
0x2: {  	[smem:$0x3F8B] =	sst lr;
	_ =	strace $0xD0000000  }
0x3: {  	_ = 	snop  }
0x4: {  	_ = 	snop  }
0x5: {  	_ = 	snop  }
0x6: {  	_ = 	snop  }
0x7: {  	_ = 	snop  }
__scs_overlays_trampoline_lowered:
0x8: {  	[smem:$0x3F9A] =	sst s0  }
0x9: {  	[smem:$0x3F9B] =	sst s1  }
0xa: {  	[smem:$0x3F9C] =	sst s2  }
0xb: {  	[smem:$0x3F9D] =	sst s3  }
0xc: {  	[smem:$0x3F9E] =	sst s4  }
0xd: {  	[smem:$0x3F9F] =	sst s5  }
0xe: {  	[smem:$0x3FA0] =	sst s6  }
0xf: {  	[smem:$0x3FA1] =	sst s7  }
0x10: {  	[smem:$0x3FA2] =	sst s8  }
0x11: {  	[smem:$0x3FA3] =	sst s9;
	s0 =	simm.s32 @!p0 $0x0  }
0x12: {  	s1 =	sld [smem:$0x3F89];
	s0 =	simm.s32 @p0 $0x1  }
0x13: {  	[smem:$0x3FA4] =	sst s0;
	s0 =	simm.s32 @!p1 $0x0  }
0x14: {  	s2 =	sld [smem:$0x3F88];
	s0 =	simm.s32 @p1 $0x1  }
0x15: {  	[smem:$0x3FA5] =	sst s0;
	s0 =	simm.s32 @!p2 $0x0  }
0x16: {  	s3 =	sld [smem:$0x3FDB];
	s0 =	simm.s32 @p2 $0x1  }
0x17: {  	s4 =	simm.s32 $0x1BF5;
	[smem:$0x3FA7] =	sst s0  }
0x18: {  	s0 =	sld [smem:$0x3F8A];
	_ =	swait.ge [sflag:s4], $0x0  }
0x19: {  	s7 =	sld [smem:$0x3F8B]  }
0x1a: {  	s8 =	sadd.s32 $0xFFFFE003, lr  }
0x1b: {  	s9 =	sadd.s32 $0xFFFFFEF7, lr;
	s5 =	simm.s32 $0xFFFFFFFF;
	p2 =	slt.u32 s8, $0xFFFFF086  }
0x1c: {  	p1 =	slt.u32 s9, $0xF7A;
	s5 =	simm.s32 @!p2 $0x0  }
0x1d: {  	s5 =	simm.s32 @p1 $0x1;
	p0 =	seq.s32 s7, s2  }
0x1e: {  	s7 =	smul.u32 @!p0 $0xF7A, s2;
	p2 =	seq.s32 @!p0 s5, $0x0  }
0x1f: {  	s9 =	smul.u32 $0xF7A, s1;
	s8 =	simm.s32 @!p0 $0x1BF5;
	p2 =	por !p2, p0  }
0x20: {  	[sflag:s8] =	ssyncset.s32 @!p0 $0xFFFFF086;
	s6 =	sadd.s32 @!p0 s3, s7;
	s7 =	simm.s32 @!p0 $0x108  }
0x21: {  	s3 =	sadd.s32 s3, s9;
	s6 =	sadd.s32 @!p0 $0x88, s6;
	s7 =	simm.s32 @p2 $0x1082  }
0x22: {  	[simem:s7], [sflag:s8] =	dma.local @!p0 [hbm:s6], $0xF7A  }
0x23: {  	s9 =	sor.u32 $0xD0000000, s2;
	s6 =	simm.s32 $0x108;
	_ =	swait.ge @!p0 [sflag:s8], $0x0  }
0x24: {  	s3 =	sadd.s32 $0x88, s3;
	s6 =	simm.s32 @!p1 $0x1082;
	[sflag:s4] =	ssyncset.s32 $0xFFFFF086  }
0x25: {  	[simem:s6], [sflag:s4] =	dma.local [hbm:s3], $0xF7A  }
0x26: {  	[smem:$0x3F8B] =	sst s1;
	(tag) =	ssettag s2;
	_ =	strace s9  }
0x27: {  	s1 =	sld [smem:$0x3F9B]  }
0x28: {  	s2 =	sld [smem:$0x3F9C]  }
0x29: {  	s4 =	sld [smem:$0x3F9E]  }
0x2a: {  	p0 =	seq.s32 s5, $0x0;
	s5 =	sld [smem:$0x3F9F]  }
0x2b: {  	s6 =	sld [smem:$0x3FA0]  }
0x2c: {  	s7 =	sld [smem:$0x3FA1]  }
0x2d: {  	s3 =	simm.s32 $0x108;
	s8 =	sld [smem:$0x3FA2]  }
0x2e: {  	s3 =	simm.s32 @!p0 $0x1082;
	s9 =	sld [smem:$0x3FA3]  }
0x2f: {  	lr =	sadd.s32 s0, s3;
	s0 =	sld [smem:$0x3F9A]  }
0x30: {  	s3 =	sld [smem:$0x3F9D]  }
0x31: {  	[smem:$0x3FA6] =	sst s10  }
0x32: {  	s10 =	sld [smem:$0x3FA4];
	_ =	sdelay $0x3  }
0x33: {  	p0 =	seq.s32 s10, $0x1;
	s10 =	sld [smem:$0x3FA6];
	_ =	sdelay $0x3  }
0x34: {  	[smem:$0x3FA6] =	sst s10  }
0x35: {  	s10 =	sld [smem:$0x3FA5];
	_ =	sdelay $0x3  }
0x36: {  	p1 =	seq.s32 s10, $0x1;
	s10 =	sld [smem:$0x3FA6];
	_ =	sdelay $0x3  }
0x37: {  	[smem:$0x3FA6] =	sst s10  }
0x38: {  	s10 =	sld [smem:$0x3FA7]  }
0x39: {  	_ = 	snop;
	(pc) =	sbr.ind lr, $3  }
0x3a: {  	_ = 	snop  }
0x3b: {  	_ = 	snop  }
0x3c: {  	p2 =	seq.s32 s10, $0x1;
	s10 =	sld [smem:$0x3FA6]  }
0x3d: {  	_ =	shalt  }
0x3e: {  	_ =	shalt  }
0x3f: {  	_ =	shalt  }
0x40: {  	_ =	shalt  }
0x41: {  	_ =	shalt  }
0x42: {  	_ =	shalt  }
0x43: {  	_ =	shalt  }
0x44: {  	_ =	shalt  }
0x45: {  	_ =	shalt  }
0x46: {  	_ =	shalt  }
0x47: {  	_ =	shalt  }
0x48: {  	_ =	shalt  }
0x49: {  	_ =	shalt  }
0x4a: {  	_ =	shalt  }
0x4b: {  	_ =	shalt  }
0x4c: {  	_ =	shalt  }
0x4d: {  	_ =	shalt  }
0x4e: {  	_ =	shalt  }
0x4f: {  	_ =	shalt  }
0x50: {  	_ =	shalt  }
0x51: {  	_ =	shalt  }
0x52: {  	_ =	shalt  }
0x53: {  	_ =	shalt  }
0x54: {  	_ =	shalt  }
0x55: {  	_ =	shalt  }
0x56: {  	_ =	shalt  }
0x57: {  	_ =	shalt  }
0x58: {  	_ =	shalt  }
0x59: {  	_ =	shalt  }
0x5a: {  	_ =	shalt  }
0x5b: {  	_ =	shalt  }
0x5c: {  	_ =	shalt  }
0x5d: {  	_ =	shalt  }
0x5e: {  	_ =	shalt  }
0x5f: {  	_ =	shalt  }
0x60: {  	_ =	shalt  }
0x61: {  	_ =	shalt  }
0x62: {  	_ =	shalt  }
0x63: {  	_ =	shalt  }
0x64: {  	_ =	shalt  }
0x65: {  	_ =	shalt  }
0x66: {  	_ =	shalt  }
0x67: {  	_ =	shalt  }
0x68: {  	_ =	shalt  }
0x69: {  	_ =	shalt  }
0x6a: {  	_ =	shalt  }
0x6b: {  	_ =	shalt  }
0x6c: {  	_ =	shalt  }
0x6d: {  	_ =	shalt  }
0x6e: {  	_ =	shalt  }
0x6f: {  	_ =	shalt  }
0x70: {  	_ =	shalt  }
0x71: {  	_ =	shalt  }
0x72: {  	_ =	shalt  }
0x73: {  	_ =	shalt  }
0x74: {  	_ =	shalt  }
0x75: {  	_ =	shalt  }
0x76: {  	_ =	shalt  }
0x77: {  	_ =	shalt  }
0x78: {  	_ =	shalt  }
0x79: {  	_ =	shalt  }
0x7a: {  	_ =	shalt  }
0x7b: {  	_ =	shalt  }
0x7c: {  	_ =	shalt  }
0x7d: {  	_ =	shalt  }
0x7e: {  	_ =	shalt  }
0x7f: {  	_ =	shalt  }
0x80: {  	_ =	shalt  }
0x81: {  	_ =	shalt  }
0x82: {  	_ =	shalt  }
0x83: {  	_ =	shalt  }
0x84: {  	_ =	shalt  }
0x85: {  	_ =	shalt  }
0x86: {  	_ =	shalt  }
0x87: {  	_ =	shalt  }
.Lfunc_end0:
.L_simem_size_0:
called_computation.5_lowered:
.L_overlay_start_0:
0x88: {  	s2 =	sld [smem:$0x3FD9]  }
0x89: {  	s3 =	sld [smem:$0x3FFE];
	_ =	sdelay $0x1  }
0x8a: {  	s1 =	srdreg.scid  }
0x8b: {  	s0 =	sand.u32 $0x1, s1  }
0x8c: {  	s16 =	sshll.u32 s0, $0xA;
	s2 =	sadd.s32 s3, s2  }
0x8d: {  	s2 =	sadd.s32 s2, s16  }
0x8e: {  	[smem:$0x3FB2] =	sst s2  }
0x8f: {  	_ = 	snop  }
0x90: {  	(tm) =	ssettm $0x1  }
0x91: {  	s17 =	sld [smem:$0x3FFB];
	_ =	sdelay $0x3  }
0x92: {  	_ =	strace s17  }
0x93: {  	s2 =	sld [smem:$0x3FFC];
	_ =	sdelay $0x3  }
0x94: {  	_ =	strace s2  }
0x95: {  	s2 =	sld [smem:$0x3FFD];
	_ =	sdelay $0x3  }
0x96: {  	_ =	strace s2  }
0x97: {  	_ =	strace $0x8FFFFFFF  }
0x98: {  	s18 =	sld [smem:$0x3FDB];
	_ =	sdelay $0x1  }
0x99: {  	s19 =	simm.s32 $_scs_section_size  }
0x9a: {  	s4 =	simm.s32 $_size__tile_overlayer_lowered;
	s5 =	simm.s32 $_tile_overlayer_lowered  }
0x9b: {  	s22 =	simm.s32 $0x1BFF;
	s21 =	sshll.u32 s5, $0x1;
	s2 =	sadd.s32 s19, s18  }
0x9c: {  	s6 =	simm.s32 $0x0;
	s20 =	sshll.u32 s4, $0x1;
	s4 =	sadd.s32 s21, s2  }
0x9d: {  	[timem:s6], [sflag:s22] =	dma.local [hbm:s4], s20  }
0x9e: {  	_ =	swait.ge [sflag:s22], s20  }
0x9f: {  	s3 =	ssub.s32 $0x0, s20;
	[sflag:s22] =	ssyncset.done $0x0  }
0xa0: {  	[sflag:s22] =	ssyncadd.s32 s3;
	_ =	sdelay $0x1  }
0xa1: {  	s23 =	simm.s32 $0x1B8B  }
0xa2: {  	_ =	swait.ge [sflag:s23], $0x1  }
0xa3: {  	[sflag:s23] =	ssyncset.done $0x0  }
0xa4: {  	s25 =	simm.s32 $0x1B8E;
	s24 =	sld [smem:$0x3FFE];
	[sflag:s23] =	ssyncadd.s32 $0xFFFFFFFF  }
0xa5: {  	s26 =	simm.s32 $execute0_lowered;
	[smem:$0x3FD2] =	sst s25  }
0xa6: {  	s4 =	sshll.u32 s26, $0x1;
	_ =	strace $0x80000052;
	[dreg:$0x1] =	wrdreg $0xFFFFFFFF  }
0xa7: {  	s28 =	simm.s32 $_size_execute0_lowered;
	s2 =	sadd.s32 s2, s4;
	[dreg:$0x0] =	wrdreg $0x0  }
0xa8: {  	s4 =	sshll.u32 s28, $0x1;
	[dreg:$0x2] =	wrdreg s2  }
0xa9: {  	[dreg:$0x3] =	wrdreg s4  }
0xaa: {  	[dreg:$0x4] =	wrdreg $0xC0  }
0xab: {  	_ =	task [dreg:s6], $0x5FFFF  }
0xac: {  	[dreg:$0x1] =	wrdreg $0xFFFFFFFF  }
0xad: {  	[dreg:$0x0] =	wrdreg $0x60  }
0xae: {  	[dreg:$0x2] =	wrdreg s24  }
0xaf: {  	[dreg:$0x3] =	wrdreg $0x40800  }
0xb0: {  	[dreg:$0x4] =	wrdreg $0xA  }
0xb1: {  	_ =	task.clear_ibuf [dreg:s6], $0x5FFFF;
	_ =	strace $0x90000052  }
0xb2: {  	s29 =	simm.s32 $0xA;
	_ =	strace $0x80000054  }
0xb3: {  	_ =	swait.ge [sflag:s29], $0x1  }
0xb4: {  	[sflag:s29] =	ssyncadd.s32 $0xFFFFFFFF  }
0xb5: {  	_ =	strace $0x90000054  }
0xb6: {  	_ =	sfence  }
0xb7: {  	s30 =	sld [smem:$0x0];
	_ =	sdelay $0x2  }
0xb8: {  	s31 =	sshll.u32 s1, $0xD;
	s1 =	sshrl.u32 s1, $0x2  }
0xb9: {  	s3 =	sand.u32 $0x4000, s31;
	s1 =	sadd.s32 s1, s30  }
0xba: {  	s0 =	sor.u32 s3, s0;
	s1 =	sshll.u32 s1, $0x11  }
0xbb: {  	s0 =	sor.u32 s1, s0  }
0xbc: {  	s0 =	sadd.s32 $0x8F2B, s0  }
0xbd: {  	[sflag:s0] =	ssyncadd.remote.s32 $0x1  }
0xbe: {  	_ =	sfence.sel $0xFFFF  }
0xbf: {  	[dreg:$0x0] =	wrdreg $0xFFFFFFFF;
	(pc) =	sbr.abs _section_cstart, $3  }
0xc0: {  	[dreg:$0x1] =	wrdreg $0xFFFFFFFF  }
0xc1: {  	_ =	task.clear_ibuf [dreg:s6], $0x2FFFF;
	_ =	strace $0x9FFFFFFF  }
0xc2: {  	(tm) =	ssettm $0x7FFFFFFF  }
0xc3: {  	_ =	shalt  }
tec
execute0_lowered:
.L_overlay_start_1:
0x0: {  	(tag) =	ssettag $0x1  }
0x1: {  	s6 =	rddreg [dreg:$0x0]  }
0x2: {  	s2 =	rddreg [dreg:$0x1]  }
0x3: {  	s0 =	rddreg [dreg:$0x2]  }
0x4: {  	s3 =	simm.s32 $0x0;
	s1 =	stileid.u32;
	s4 =	srdreg.scid  }
0x5: {  	s14 =	simm.s32 $0x4000;
	s15 =	simm.s32 $0x80;
	s16 =	simm.s32 $0x0  }
0x6: {  	[smem:$0x7FF] =	sst s3;
	s11 =	sand.u32 $0x1, s4;
	s5 =	smul.u32 $0x2800, s1  }
0x7: {  	s25 =	sshll.u32 s1, $0xC;
	s4 =	sadd.s32 $0x17C00, s6;
	s12 =	smul.u32 $0x50000, s1  }
0x8: {  	s26 =	sshll.u32 s1, $0x1;
	s29 =	sshll.u32 s1, $0x6;
	s31 =	sshll.u32 s1, $0x8  }
0x9: {  	_ =	strace $0x80000053;
	s7 =	smul.u32 $0x28000, s11;
	s8 =	ssub.s32 $0x2, s11  }
0xa: {  	s10 =	sadd.s32 s25, s6;
	s30 =	sshll.u32 s11, $0xB;
	s9 =	sshrl.u32 s8, $0x1  }
0xb: {  	s28 =	sshrl.u32 s12, $0x2;
	s10 =	sadd.s32 s30, s10;
	s7 =	sadd.s32 s5, s7  }
0xc: {  	s5 =	sadd.s32 $0x23C00, s6;
	s8 =	ssub.s32 s8, s9;
	s13 =	sadd.s32 s28, s2  }
0xd: {  	s9 =	sor.u32 s26, s11;
	s10 =	sadd.s32 $0x57DE00, s10;
	s11 =	sshll.u32 s11, $0x7  }
0xe: {  	s7 =	sadd.s32 s7, s6;
	s6 =	sor.u32 $0x1C01, s29;
	s9 =	ssub.s32 $0x9E3, s9  }
0xf: {  	s8 =	smax.u32 s8, $0x1;
	s11 =	sor.u32 s11, s31;
	s12 =	sshrl.u32 s13, $0x3  }
0x10: {  	s13 =	simm.s32 $0x1;
	s7 =	sadd.s32 $0xA5FE00, s7;
	s9 =	sshrl.u32 s9, $0x5  }
.LBB2_1:
0x11: {  	[spmem:s12], [sflag:s6] =	dma.local [hbm:s5], $0x2800  }
0x12: {  	p1 =	sne.s32 s9, $0x1  }
.Ltmp0:
0x13: {  	_ =	swait.ge [sflag:s13], $0x2800;
	(pc) =	sbr.rel @!p1 .LBB2_2-.Ltmp0, $4  }
0x14: {  	[sflag:s13] =	ssyncset.done $0x0  }
0x15: {  	[sflag:s13] =	ssyncadd.s32 $0xFFFFD800  }
0x16: {  	[bflag:$0x0] =	sbarrier.arrive $0xFFFF  }
0x17: {  	s17 =	sadd.s32 $0xFFFFFFFF, s9;
	s20 =	sshrl.u32 s11, $0x3;
	p0 =	por $0x0, $0x0  }
0x18: {  	s18 =	sadd.s32 s4, s20  }
0x19: {  	[tilespmem:s14], [sflag:$0x1] =	stream.linear.gather [hbm4b:s18+s3], $0x80, $0x38;
	[tilespmem:$0x18080] =	vst v63  }
0x1a: {  	_ =	swait.ge [sflag:s13], $0x80  }
0x1b: {  	[sflag:s13] =	ssyncset.done $0x0  }
0x1c: {  	[sflag:s13] =	ssyncadd.s32 $0xFFFFFF80  }
0x1d: {  	[tilespmem:s3], [sflag:$0x1] =	stream.linear.gather [hbm4b:s10+s3], $0x4000, $0x38;
	[tilespmem:$0x18080] =	vst v63  }
0x1e: {  	p1 =	sne.s32 s17, $0x1;
	_ =	swait.ge [sflag:s13], $0x4000  }
.Ltmp1:
0x1f: {  	[sflag:s13] =	ssyncset.done $0x0;
	(pc) =	sbr.rel @!p1 .LBB2_4-.Ltmp1, $4  }
0x20: {  	s19 =	sadd.s32 $0x1000, s11;
	[sflag:s13] =	ssyncadd.s32 $0xFFFFC000  }
0x21: {  	[spmem:s2] =	stream.indirect.scatter.add.f32 [tilespmem:s3], [sflag:$0x1], $0x80, s14, s15, $0xb8;
	[tilespmem:$0x18080] =	vst v63  }
0x22: {  	p0 =	por $0x1, $0x1;
	s18 =	sadd.s32 $0xFFFFFFFF, s17;
	_ =	swait.ge [sflag:s13], $0x4000  }
0x23: {  	s20 =	sshrl.u32 s19, $0x3;
	s17 =	smov.u32 s10;
	[sflag:s13] =	ssyncset.done $0x0  }
.LBB2_5:
0x24: {  	s20 =	sadd.s32 s4, s20;
	[sflag:s13] =	ssyncadd.s32 $0xFFFFC000;
	s17 =	sadd.s32 $0x10000, s17  }
0x25: {  	[tilespmem:s14], [sflag:$0x1] =	stream.linear.gather [hbm4b:s20+s3], $0x80, $0x38;
	[tilespmem:$0x18080] =	vst v63  }
0x26: {  	p1 =	sne.s32 s18, $0x1;
	s18 =	sadd.s32 $0xFFFFFFFF, s18;
	_ =	swait.ge [sflag:s13], $0x80  }
0x27: {  	[sflag:s13] =	ssyncset.done $0x0  }
0x28: {  	[sflag:s13] =	ssyncadd.s32 $0xFFFFFF80  }
0x29: {  	[tilespmem:s3], [sflag:$0x1] =	stream.linear.gather [hbm4b:s17+s3], $0x4000, $0x38;
	[tilespmem:$0x18080] =	vst v63  }
0x2a: {  	_ =	swait.ge [sflag:s13], $0x4000  }
.Ltmp2:
0x2b: {  	[sflag:s13] =	ssyncset.done $0x0;
	(pc) =	sbr.rel @p1 .LBB2_5-.Ltmp2, $4  }
0x2c: {  	[sflag:s13] =	ssyncadd.s32 $0xFFFFC000  }
0x2d: {  	[spmem:s2] =	stream.indirect.scatter.add.f32 [tilespmem:s3], [sflag:$0x1], $0x80, s14, s15, $0xb8;
	[tilespmem:$0x18080] =	vst v63  }
0x2e: {  	s19 =	sadd.s32 $0x1000, s19;
	_ =	swait.ge [sflag:s13], $0x4000  }
0x2f: {  	s20 =	sshrl.u32 s19, $0x3;
	[sflag:s13] =	ssyncset.done $0x0  }
.LBB2_6:
0x30: {  	s18 =	sadd.s32 s4, s20;
	[sflag:s13] =	ssyncadd.s32 @p0 $0xFFFFC000  }
0x31: {  	[tilespmem:s14], [sflag:$0x1] =	stream.linear.gather [hbm4b:s18+s3], $0x80, $0x38;
	[tilespmem:$0x18080] =	vst v63  }
0x32: {  	_ =	swait.ge [sflag:s13], $0x80  }
0x33: {  	s17 =	sadd.s32 @p0 $0x10000, s17;
	s18 =	smov.u32 s10;
	[sflag:s13] =	ssyncset.done $0x0  }
0x34: {  	s18 =	smov.u32 @p0 s17;
	[sflag:s13] =	ssyncadd.s32 $0xFFFFFF80  }
0x35: {  	[tilespmem:s3], [sflag:$0x1] =	stream.linear.gather [hbm4b:s18+s3], $0x4000, $0x38;
	[tilespmem:$0x18080] =	vst v63  }
0x36: {  	_ =	swait.ge [sflag:s13], $0x4000  }
0x37: {  	[sflag:s13] =	ssyncset.done $0x0  }
0x38: {  	[sflag:s13] =	ssyncadd.s32 $0xFFFFC000  }
0x39: {  	[spmem:s2] =	stream.indirect.scatter.add.f32 [tilespmem:s3], [sflag:$0x1], $0x80, s14, s15, $0xb8;
	[tilespmem:$0x18080] =	vst v63  }
0x3a: {  	_ =	swait.ge [sflag:s13], $0x4000  }
0x3b: {  	[sflag:s13] =	ssyncset.done $0x0  }
0x3c: {  	s16 =	sadd.s32 $0x1, s16;
	[sflag:s13] =	ssyncadd.s32 $0xFFFFC000  }
0x3d: {  	p0 =	sne.s32 s16, s8;
	[bflag:$0x0] =	sbarrier.arrive $0xFFFF  }
0x3e: {  	[hbm:s7], [sflag:s6] =	dma.local [spmem:s12], $0x2800  }
.Ltmp3:
0x3f: {  	_ = 	snop;
	(pc) =	sbr.rel @p0 .LBB2_1-.Ltmp3, $4  }
.Ltmp4:
0x40: {  	_ = 	snop;
	(pc) =	sbr.rel @!p0 .LBB2_7-.Ltmp4, $4  }
0x41: {  	_ =	swait.ge [sflag:s13], $0x2800  }
0x42: {  	[sflag:s13] =	ssyncset.done $0x0  }
0x43: {  	[sflag:s13] =	ssyncadd.s32 $0xFFFFD800  }
0x44: {  	_ = 	snop  }
.LBB2_2:
.Ltmp5:
0x45: {  	(pc) =	sbr.rel .LBB2_6-.Ltmp5, $2  }
0x46: {  	_ =	sdelay $0x2  }
0x47: {  	s17 =	smov.u32 s10  }
.LBB2_4:
.Ltmp6:
0x48: {  	(pc) =	sbr.rel .LBB2_6-.Ltmp6, $2  }
0x49: {  	_ =	sdelay $0x2  }
0x4a: {  	s17 =	smov.u32 s10  }
.LBB2_7:
0x4b: {  	_ =	sfence.sel $0x180000  }
0x4c: {  	[bflag:$0x0] =	sbarrier.arrive $0xFFFF  }
0x4d: {  	p0 =	sne.s32 s1, $0x0;
	_ =	strace $0x90000053  }
0x4e: {  	s0 =	sadd.s32 @!p0 $0x100000, s0;
	[bflag:$0x2] =	sbarrier.arrive $0xFFFF  }
0x4f: {  	[sflag:s0] =	ssyncadd.tile.s32 @!p0 $0x1;
	_ =	shalt  }
.Lfunc_end2:
_tile_overlayer_lowered:
.L_overlay_start_2:
0x50: {  	(tag) =	ssettag $0x2  }
0x51: {  	s0 =	rddreg [dreg:$0x0];
	s2 =	stileid.u32  }
0x52: {  	s1 =	rddreg [dreg:$0x1];
	p0 =	sne.s32 s2, $0x0  }
0x53: {  	s3 =	rddreg [dreg:$0x2];
	[bflag:$0x3] =	sbarrier.arrive $0xFFFF;
	s2 =	simm.s32 @!p0 $0x1C01  }
0x54: {  	[timem:s3], [sflag:s2] =	dma.local @!p0 [hbm:s0], s1  }
0x55: {  	s0 =	simm.s32 @!p0 $0x1  }
0x56: {  	_ =	swait.ge @!p0 [sflag:s0], s1  }
0x57: {  	s1 =	ssub.s32 @!p0 $0x0, s1;
	[sflag:s0] =	ssyncset.done @!p0 $0x0  }
0x58: {  	[sflag:s0] =	ssyncadd.s32 @!p0 s1  }
0x59: {  	[bflag:$0x3] =	sbarrier.arrive $0xFFFF  }
0x5a: {  	_ =	shalt  }

// kernel: kernel.47.cloned.1.call-start
scs
__scs_entry_jumppad:
0x0: {  	(pc) =	sbr.rel $0x88, $3  }
0x1: {  	(tag) =	ssettag $0x0;
	lr =	simm.s32 $0x1  }
0x2: {  	[smem:$0x3F8B] =	sst lr;
	_ =	strace $0xD0000000  }
0x3: {  	_ = 	snop  }
0x4: {  	_ = 	snop  }
0x5: {  	_ = 	snop  }
0x6: {  	_ = 	snop  }
0x7: {  	_ = 	snop  }
__scs_overlays_trampoline_lowered:
0x8: {  	[smem:$0x3F9A] =	sst s0  }
0x9: {  	[smem:$0x3F9B] =	sst s1  }
0xa: {  	[smem:$0x3F9C] =	sst s2  }
0xb: {  	[smem:$0x3F9D] =	sst s3  }
0xc: {  	[smem:$0x3F9E] =	sst s4  }
0xd: {  	[smem:$0x3F9F] =	sst s5  }
0xe: {  	[smem:$0x3FA0] =	sst s6  }
0xf: {  	[smem:$0x3FA1] =	sst s7  }
0x10: {  	[smem:$0x3FA2] =	sst s8  }
0x11: {  	[smem:$0x3FA3] =	sst s9;
	s0 =	simm.s32 @!p0 $0x0  }
0x12: {  	s1 =	sld [smem:$0x3F89];
	s0 =	simm.s32 @p0 $0x1  }
0x13: {  	[smem:$0x3FA4] =	sst s0;
	s0 =	simm.s32 @!p1 $0x0  }
0x14: {  	s2 =	sld [smem:$0x3F88];
	s0 =	simm.s32 @p1 $0x1  }
0x15: {  	[smem:$0x3FA5] =	sst s0;
	s0 =	simm.s32 @!p2 $0x0  }
0x16: {  	s3 =	sld [smem:$0x3FDB];
	s0 =	simm.s32 @p2 $0x1  }
0x17: {  	s4 =	simm.s32 $0x1BF5;
	[smem:$0x3FA7] =	sst s0  }
0x18: {  	s0 =	sld [smem:$0x3F8A];
	_ =	swait.ge [sflag:s4], $0x0  }
0x19: {  	s7 =	sld [smem:$0x3F8B]  }
0x1a: {  	s8 =	sadd.s32 $0xFFFFE003, lr  }
0x1b: {  	s9 =	sadd.s32 $0xFFFFFEF7, lr;
	s5 =	simm.s32 $0xFFFFFFFF;
	p2 =	slt.u32 s8, $0xFFFFF086  }
0x1c: {  	p1 =	slt.u32 s9, $0xF7A;
	s5 =	simm.s32 @!p2 $0x0  }
0x1d: {  	s5 =	simm.s32 @p1 $0x1;
	p0 =	seq.s32 s7, s2  }
0x1e: {  	s7 =	smul.u32 @!p0 $0xF7A, s2;
	p2 =	seq.s32 @!p0 s5, $0x0  }
0x1f: {  	s9 =	smul.u32 $0xF7A, s1;
	s8 =	simm.s32 @!p0 $0x1BF5;
	p2 =	por !p2, p0  }
0x20: {  	[sflag:s8] =	ssyncset.s32 @!p0 $0xFFFFF086;
	s6 =	sadd.s32 @!p0 s3, s7;
	s7 =	simm.s32 @!p0 $0x108  }
0x21: {  	s3 =	sadd.s32 s3, s9;
	s6 =	sadd.s32 @!p0 $0x88, s6;
	s7 =	simm.s32 @p2 $0x1082  }
0x22: {  	[simem:s7], [sflag:s8] =	dma.local @!p0 [hbm:s6], $0xF7A  }
0x23: {  	s9 =	sor.u32 $0xD0000000, s2;
	s6 =	simm.s32 $0x108;
	_ =	swait.ge @!p0 [sflag:s8], $0x0  }
0x24: {  	s3 =	sadd.s32 $0x88, s3;
	s6 =	simm.s32 @!p1 $0x1082;
	[sflag:s4] =	ssyncset.s32 $0xFFFFF086  }
0x25: {  	[simem:s6], [sflag:s4] =	dma.local [hbm:s3], $0xF7A  }
0x26: {  	[smem:$0x3F8B] =	sst s1;
	(tag) =	ssettag s2;
	_ =	strace s9  }
0x27: {  	s1 =	sld [smem:$0x3F9B]  }
0x28: {  	s2 =	sld [smem:$0x3F9C]  }
0x29: {  	s4 =	sld [smem:$0x3F9E]  }
0x2a: {  	p0 =	seq.s32 s5, $0x0;
	s5 =	sld [smem:$0x3F9F]  }
0x2b: {  	s6 =	sld [smem:$0x3FA0]  }
0x2c: {  	s7 =	sld [smem:$0x3FA1]  }
0x2d: {  	s3 =	simm.s32 $0x108;
	s8 =	sld [smem:$0x3FA2]  }
0x2e: {  	s3 =	simm.s32 @!p0 $0x1082;
	s9 =	sld [smem:$0x3FA3]  }
0x2f: {  	lr =	sadd.s32 s0, s3;
	s0 =	sld [smem:$0x3F9A]  }
0x30: {  	s3 =	sld [smem:$0x3F9D]  }
0x31: {  	[smem:$0x3FA6] =	sst s10  }
0x32: {  	s10 =	sld [smem:$0x3FA4];
	_ =	sdelay $0x3  }
0x33: {  	p0 =	seq.s32 s10, $0x1;
	s10 =	sld [smem:$0x3FA6];
	_ =	sdelay $0x3  }
0x34: {  	[smem:$0x3FA6] =	sst s10  }
0x35: {  	s10 =	sld [smem:$0x3FA5];
	_ =	sdelay $0x3  }
0x36: {  	p1 =	seq.s32 s10, $0x1;
	s10 =	sld [smem:$0x3FA6];
	_ =	sdelay $0x3  }
0x37: {  	[smem:$0x3FA6] =	sst s10  }
0x38: {  	s10 =	sld [smem:$0x3FA7]  }
0x39: {  	_ = 	snop;
	(pc) =	sbr.ind lr, $3  }
0x3a: {  	_ = 	snop  }
0x3b: {  	_ = 	snop  }
0x3c: {  	p2 =	seq.s32 s10, $0x1;
	s10 =	sld [smem:$0x3FA6]  }
0x3d: {  	_ =	shalt  }
0x3e: {  	_ =	shalt  }
0x3f: {  	_ =	shalt  }
0x40: {  	_ =	shalt  }
0x41: {  	_ =	shalt  }
0x42: {  	_ =	shalt  }
0x43: {  	_ =	shalt  }
0x44: {  	_ =	shalt  }
0x45: {  	_ =	shalt  }
0x46: {  	_ =	shalt  }
0x47: {  	_ =	shalt  }
0x48: {  	_ =	shalt  }
0x49: {  	_ =	shalt  }
0x4a: {  	_ =	shalt  }
0x4b: {  	_ =	shalt  }
0x4c: {  	_ =	shalt  }
0x4d: {  	_ =	shalt  }
0x4e: {  	_ =	shalt  }
0x4f: {  	_ =	shalt  }
0x50: {  	_ =	shalt  }
0x51: {  	_ =	shalt  }
0x52: {  	_ =	shalt  }
0x53: {  	_ =	shalt  }
0x54: {  	_ =	shalt  }
0x55: {  	_ =	shalt  }
0x56: {  	_ =	shalt  }
0x57: {  	_ =	shalt  }
0x58: {  	_ =	shalt  }
0x59: {  	_ =	shalt  }
0x5a: {  	_ =	shalt  }
0x5b: {  	_ =	shalt  }
0x5c: {  	_ =	shalt  }
0x5d: {  	_ =	shalt  }
0x5e: {  	_ =	shalt  }
0x5f: {  	_ =	shalt  }
0x60: {  	_ =	shalt  }
0x61: {  	_ =	shalt  }
0x62: {  	_ =	shalt  }
0x63: {  	_ =	shalt  }
0x64: {  	_ =	shalt  }
0x65: {  	_ =	shalt  }
0x66: {  	_ =	shalt  }
0x67: {  	_ =	shalt  }
0x68: {  	_ =	shalt  }
0x69: {  	_ =	shalt  }
0x6a: {  	_ =	shalt  }
0x6b: {  	_ =	shalt  }
0x6c: {  	_ =	shalt  }
0x6d: {  	_ =	shalt  }
0x6e: {  	_ =	shalt  }
0x6f: {  	_ =	shalt  }
0x70: {  	_ =	shalt  }
0x71: {  	_ =	shalt  }
0x72: {  	_ =	shalt  }
0x73: {  	_ =	shalt  }
0x74: {  	_ =	shalt  }
0x75: {  	_ =	shalt  }
0x76: {  	_ =	shalt  }
0x77: {  	_ =	shalt  }
0x78: {  	_ =	shalt  }
0x79: {  	_ =	shalt  }
0x7a: {  	_ =	shalt  }
0x7b: {  	_ =	shalt  }
0x7c: {  	_ =	shalt  }
0x7d: {  	_ =	shalt  }
0x7e: {  	_ =	shalt  }
0x7f: {  	_ =	shalt  }
0x80: {  	_ =	shalt  }
0x81: {  	_ =	shalt  }
0x82: {  	_ =	shalt  }
0x83: {  	_ =	shalt  }
0x84: {  	_ =	shalt  }
0x85: {  	_ =	shalt  }
0x86: {  	_ =	shalt  }
0x87: {  	_ =	shalt  }
.Lfunc_end0:
.L_simem_size_0:
called_computation.6_lowered:
.L_overlay_start_0:
0x88: {  	s2 =	sld [smem:$0x3FD9]  }
0x89: {  	s3 =	sld [smem:$0x3FFE];
	_ =	sdelay $0x1  }
0x8a: {  	s1 =	srdreg.scid  }
0x8b: {  	s0 =	sand.u32 $0x1, s1  }
0x8c: {  	s14 =	sshll.u32 s0, $0xA;
	s2 =	sadd.s32 s3, s2  }
0x8d: {  	s2 =	sadd.s32 s2, s14  }
0x8e: {  	[smem:$0x3FB2] =	sst s2  }
0x8f: {  	_ = 	snop  }
0x90: {  	s2 =	sld [smem:$0x3FD0];
	_ =	sdelay $0x2  }
0x91: {  	s15 =	simm.s32 $0xB;
	s4 =	simm.s32 $0x10  }
0x92: {  	[smem:s4], [sflag:s15] =	dma.local [hbm:s2], $0x1  }
0x93: {  	_ =	swait.eq [sflag:s15], $0x1  }
0x94: {  	[sflag:s15] =	ssyncset.done $0x0  }
0x95: {  	[sflag:s15] =	ssyncadd.s32 $0xFFFFFFFF  }
0x96: {  	s16 =	sld [smem:$0x10];
	(tm) =	ssettm $0x1  }
0x97: {  	s17 =	sld [smem:$0x3FFB];
	_ =	sdelay $0x3  }
0x98: {  	_ =	strace s17  }
0x99: {  	s3 =	sld [smem:$0x3FFC];
	_ =	sdelay $0x3  }
0x9a: {  	_ =	strace s3  }
0x9b: {  	s3 =	sld [smem:$0x3FFD];
	_ =	sdelay $0x3  }
0x9c: {  	_ =	strace s3  }
0x9d: {  	_ =	strace $0x8FFFFFFF  }
0x9e: {  	s18 =	sld [smem:$0x3FDB];
	_ =	sdelay $0x1  }
0x9f: {  	s19 =	simm.s32 $_scs_section_size  }
0xa0: {  	s5 =	simm.s32 $_size__tile_overlayer_lowered;
	s6 =	simm.s32 $_tile_overlayer_lowered  }
0xa1: {  	s22 =	simm.s32 $0x1BFF;
	s21 =	sshll.u32 s6, $0x1;
	s3 =	sadd.s32 s19, s18  }
0xa2: {  	s7 =	simm.s32 $0x0;
	s20 =	sshll.u32 s5, $0x1;
	s5 =	sadd.s32 s21, s3  }
0xa3: {  	[timem:s7], [sflag:s22] =	dma.local [hbm:s5], s20  }
0xa4: {  	_ =	swait.ge [sflag:s22], s20  }
0xa5: {  	s4 =	ssub.s32 $0x0, s20;
	[sflag:s22] =	ssyncset.done $0x0  }
0xa6: {  	[sflag:s22] =	ssyncadd.s32 s4;
	_ =	sdelay $0x1  }
0xa7: {  	s23 =	simm.s32 $0x1B8B  }
0xa8: {  	_ =	swait.ge [sflag:s23], $0x1  }
0xa9: {  	[sflag:s23] =	ssyncset.done $0x0  }
0xaa: {  	s25 =	simm.s32 $0x1B8E;
	s24 =	sld [smem:$0x3FFE];
	[sflag:s23] =	ssyncadd.s32 $0xFFFFFFFF  }
0xab: {  	s26 =	simm.s32 $execute0_lowered;
	[smem:$0x3FD2] =	sst s25  }
0xac: {  	s5 =	sshll.u32 s26, $0x1;
	_ =	strace $0x80000058;
	[dreg:$0x1] =	wrdreg $0xFFFFFFFF  }
0xad: {  	s28 =	simm.s32 $_size_execute0_lowered;
	s3 =	sadd.s32 s3, s5;
	[dreg:$0x0] =	wrdreg $0x0  }
0xae: {  	s5 =	sshll.u32 s28, $0x1;
	[dreg:$0x2] =	wrdreg s3  }
0xaf: {  	[dreg:$0x3] =	wrdreg s5  }
0xb0: {  	[dreg:$0x4] =	wrdreg $0xC0  }
0xb1: {  	_ =	task [dreg:s7], $0x5FFFF  }
0xb2: {  	[dreg:$0x1] =	wrdreg $0xFFFFFFFF  }
0xb3: {  	[dreg:$0x0] =	wrdreg $0x60  }
0xb4: {  	[dreg:$0x2] =	wrdreg s16  }
0xb5: {  	[dreg:$0x3] =	wrdreg s24  }
0xb6: {  	[dreg:$0x4] =	wrdreg $0x9  }
0xb7: {  	_ =	task.clear_ibuf [dreg:s7], $0x5FFFF;
	_ =	strace $0x90000058  }
0xb8: {  	s29 =	simm.s32 $0x9;
	_ =	strace $0x8000005A  }
0xb9: {  	_ =	swait.ge [sflag:s29], $0x1  }
0xba: {  	[sflag:s29] =	ssyncadd.s32 $0xFFFFFFFF  }
0xbb: {  	_ =	strace $0x9000005A  }
0xbc: {  	_ =	sfence  }
0xbd: {  	s30 =	sld [smem:$0x0];
	_ =	sdelay $0x2  }
0xbe: {  	s31 =	sshll.u32 s1, $0xD;
	s1 =	sshrl.u32 s1, $0x2  }
0xbf: {  	s3 =	sand.u32 $0x4000, s31;
	s1 =	sadd.s32 s1, s30  }
0xc0: {  	s0 =	sor.u32 s3, s0;
	s1 =	sshll.u32 s1, $0x11  }
0xc1: {  	s0 =	sor.u32 s1, s0  }
0xc2: {  	s0 =	sadd.s32 $0x8F2B, s0  }
0xc3: {  	[sflag:s0] =	ssyncadd.remote.s32 $0x1  }
0xc4: {  	_ =	sfence.sel $0xFFFF  }
0xc5: {  	[dreg:$0x0] =	wrdreg $0xFFFFFFFF;
	(pc) =	sbr.abs _section_cstart, $3  }
0xc6: {  	[dreg:$0x1] =	wrdreg $0xFFFFFFFF  }
0xc7: {  	_ =	task.clear_ibuf [dreg:s7], $0x2FFFF;
	_ =	strace $0x9FFFFFFF  }
0xc8: {  	(tm) =	ssettm $0x7FFFFFFF  }
0xc9: {  	_ =	shalt  }
tec
execute0_lowered:
.L_overlay_start_1:
0x0: {  	(tag) =	ssettag $0x1  }
0x1: {  	s0 =	rddreg [dreg:$0x0]  }
0x2: {  	s19 =	rddreg [dreg:$0x1];
	s1 =	simm.s32 $0x0;
	s9 =	stileid.u32  }
0x3: {  	s20 =	srdreg.scid;
	s10 =	simm.s32 $0x3;
	s30 =	simm.s32 $0x4900  }
0x4: {  	s11 =	simm.s32 $0x100;
	s31 =	simm.s32 $0x5100;
	s12 =	simm.s32 $0x4100  }
0x5: {  	s13 =	simm.s32 $0x5900;
	s14 =	simm.s32 $0x6100;
	s15 =	simm.s32 $0x6900  }
0x6: {  	s16 =	simm.s32 $0x7100;
	s17 =	simm.s32 $0x7900;
	s18 =	simm.s32 $0x8100  }
0x7: {  	s28 =	simm.s32 $0x2;
	s29 =	simm.s32 $0x0;
	[dreg:$0x3] =	wrdreg s0  }
0x8: {  	[smem:$0x7FF] =	sst s1;
	s2 =	sadd.s32 $0xDE00, s19;
	s3 =	sadd.s32 $0x26400, s19  }
0x9: {  	s4 =	sadd.s32 $0x17C00, s19;
	s5 =	sshll.u32 s9, $0xC;
	s6 =	sand.u32 $0x1, s20  }
0xa: {  	s21 =	sshll.u32 s9, $0xD;
	s8 =	sshll.u32 s9, $0x1;
	s26 =	sshll.u32 s9, $0x8  }
0xb: {  	s9 =	simm.s32 $0x80;
	_ =	strace $0x80000059;
	[dreg:$0x4] =	wrdreg s2  }
0xc: {  	s20 =	simm.s32 $0x9100;
	[dreg:$0x5] =	wrdreg s4;
	s5 =	sadd.s32 s5, s19  }
0xd: {  	s2 =	ssub.s32 $0x2, s6;
	s0 =	sadd.s32 s21, s19;
	s22 =	sor.u32 s8, s6  }
0xe: {  	s24 =	sshll.u32 s6, $0xC;
	s25 =	sshll.u32 s6, $0xB;
	[dreg:$0x6] =	wrdreg s30  }
0xf: {  	s6 =	sshll.u32 s6, $0x7;
	[dreg:$0x7] =	wrdreg s31;
	s19 =	simm.s32 $0x8900  }
0x10: {  	s21 =	simm.s32 $0x9900;
	s7 =	sshrl.u32 s2, $0x1;
	s23 =	ssub.s32 $0x9E3, s22  }
0x11: {  	s0 =	sadd.s32 s24, s0;
	s5 =	sadd.s32 s25, s5;
	s8 =	sor.u32 s6, s26  }
0x12: {  	s22 =	simm.s32 $0xA100;
	s24 =	simm.s32 $0xB100;
	s2 =	ssub.s32 s2, s7  }
0x13: {  	v2 =	vlaneseq.u32;
	s25 =	simm.s32 $0xB900;
	s26 =	simm.s32 $0x1;
	s2 =	smax.u32 s2, $0x1  }
0x14: {  	vm0 =	vmmov $0xffff;
	v1 =	vshrl.u32 v2, $0x3;
	s0 =	sadd.s32 $0x1DE5000, s0;
	[dreg:$0x8] =	wrdreg s2;
	s2 =	sshrl.u32 s23, $0x5  }
0x15: {  	v0 =	vand.u32 $0x7, v2;
	v2 =	vor.u32 $0x8, v2;
	v1 =	vmul.u32 $0x8, v1;
	s7 =	sadd.s32 $0x9B800, s5;
	s23 =	simm.s32 $0xA900;
	[dreg:$0x9] =	wrdreg s2  }
.LBB2_1:
0x16: {  	s30 =	smov.u32 s8  }
0x17: {  	s31 =	smov.u32 s7;
	s6 =	smov.u32 s0;
	s5 =	rddreg [dreg:$0x9]  }
.LBB2_2:
0x18: {  	s4 =	rddreg [dreg:$0x5];
	s2 =	sshrl.u32 s30, $0x3  }
0x19: {  	s4 =	sadd.s32 s4, s2  }
0x1a: {  	[tilespmem:s9], [sflag:$0x3] =	stream.linear.gather [hbm4b:s4+s1], $0x80, $0x38;
	[tilespmem:$0xC100] =	vst v63  }
0x1b: {  	_ =	swait.ge [sflag:s10], $0x80  }
0x1c: {  	s4 =	rddreg [dreg:$0x4];
	[sflag:s10] =	ssyncset.done $0x0  }
0x1d: {  	s2 =	sadd.s32 s4, s2;
	[sflag:s10] =	ssyncadd.s32 $0xFFFFFF80  }
0x1e: {  	[tilespmem:s1], [sflag:$0x3] =	stream.linear.gather [hbm4b:s2+s1], $0x80, $0x38;
	[tilespmem:$0xC100] =	vst v63  }
0x1f: {  	_ =	swait.ge [sflag:s10], $0x80  }
0x20: {  	[sflag:s10] =	ssyncset.done $0x0  }
0x21: {  	s4 =	rddreg [dreg:$0x3];
	[sflag:s10] =	ssyncadd.s32 $0xFFFFFF80  }
0x22: {  	[tilespmem:s11], [sflag:$0x1] =	stream.indirect.gather [hbm4b:s4+s9], $0x80, s9, s9, $0xb8;
	[tilespmem:$0xC100] =	vst v63  }
0x23: {  	v3 =	vld [tilespmem:$0x0];
	_ =	sdelay $0x4  }
0x24: {  	v4 =	vshll.u32 v3, $0x1  }
0x25: {  	v3 =	vand.u32 $0x7, v3;
	v4 =	vand.u32 $0xFFFFFFF0, v4  }
0x26: {  	v3 =	vor.u32 v3, v4  }
0x27: {  	v4 =	vperm.xlane v3, v0;
	_ =	sdelay $0x1  }
0x28: {  	v3 =	vperm.xlane v3, v2;
	v4 =	vadd.s32 v1, v4;
	_ =	sdelay $0x1  }
0x29: {  	v3 =	vadd.s32 v1, v3;
	_ =	sdelay $0x2  }
0x2a: {  	[tilespmem:s12], [sflag:$0x2] =	stream.indirect_vreg.gather [hbm4b:s3+s1], $0x80, v4, vm0, $0xb8;
	[tilespmem:$0xC100] =	vst v63  }
0x2b: {  	s4 =	rddreg [dreg:$0x6]  }
0x2c: {  	[tilespmem:s4], [sflag:$0x2] =	stream.indirect_vreg.gather [hbm4b:s3+s1], $0x80, v3, vm0, $0xb8;
	[tilespmem:$0xC100] =	vst v63  }
0x2d: {  	v3 =	vld [tilespmem:$0x10];
	_ =	sdelay $0x4  }
0x2e: {  	v57 =	vshll.u32 v3, $0x1  }
0x2f: {  	v3 =	vand.u32 $0x7, v3;
	v4 =	vand.u32 $0xFFFFFFF0, v57  }
0x30: {  	v3 =	vor.u32 v3, v4  }
0x31: {  	v4 =	vperm.xlane v3, v0;
	_ =	sdelay $0x1  }
0x32: {  	v3 =	vperm.xlane v3, v2;
	v4 =	vadd.s32 v1, v4;
	_ =	sdelay $0x1  }
0x33: {  	v3 =	vadd.s32 v1, v3;
	_ =	sdelay $0x1  }
0x34: {  	s4 =	rddreg [dreg:$0x7]  }
0x35: {  	[tilespmem:s4], [sflag:$0x2] =	stream.indirect_vreg.gather [hbm4b:s3+s1], $0x80, v4, vm0, $0xb8;
	[tilespmem:$0xC100] =	vst v63  }
0x36: {  	_ = 	snop  }
0x37: {  	[tilespmem:s13], [sflag:$0x2] =	stream.indirect_vreg.gather [hbm4b:s3+s1], $0x80, v3, vm0, $0xb8;
	[tilespmem:$0xC100] =	vst v63  }
0x38: {  	v3 =	vld [tilespmem:$0x20];
	_ =	sdelay $0x4  }
0x39: {  	v58 =	vshll.u32 v3, $0x1  }
0x3a: {  	v3 =	vand.u32 $0x7, v3;
	v4 =	vand.u32 $0xFFFFFFF0, v58  }
0x3b: {  	v3 =	vor.u32 v3, v4  }
0x3c: {  	v4 =	vperm.xlane v3, v0;
	_ =	sdelay $0x1  }
0x3d: {  	v3 =	vperm.xlane v3, v2;
	v4 =	vadd.s32 v1, v4;
	_ =	sdelay $0x1  }
0x3e: {  	v3 =	vadd.s32 v1, v3;
	_ =	sdelay $0x2  }
0x3f: {  	[tilespmem:s14], [sflag:$0x2] =	stream.indirect_vreg.gather [hbm4b:s3+s1], $0x80, v4, vm0, $0xb8;
	[tilespmem:$0xC100] =	vst v63  }
0x40: {  	_ = 	snop  }
0x41: {  	[tilespmem:s15], [sflag:$0x2] =	stream.indirect_vreg.gather [hbm4b:s3+s1], $0x80, v3, vm0, $0xb8;
	[tilespmem:$0xC100] =	vst v63  }
0x42: {  	v3 =	vld [tilespmem:$0x30];
	_ =	sdelay $0x4  }
0x43: {  	v59 =	vshll.u32 v3, $0x1  }
0x44: {  	v3 =	vand.u32 $0x7, v3;
	v4 =	vand.u32 $0xFFFFFFF0, v59  }
0x45: {  	v3 =	vor.u32 v3, v4  }
0x46: {  	v4 =	vperm.xlane v3, v0;
	_ =	sdelay $0x1  }
0x47: {  	v3 =	vperm.xlane v3, v2;
	v4 =	vadd.s32 v1, v4;
	_ =	sdelay $0x1  }
0x48: {  	v3 =	vadd.s32 v1, v3;
	_ =	sdelay $0x2  }
0x49: {  	[tilespmem:s16], [sflag:$0x2] =	stream.indirect_vreg.gather [hbm4b:s3+s1], $0x80, v4, vm0, $0xb8;
	[tilespmem:$0xC100] =	vst v63  }
0x4a: {  	_ = 	snop  }
0x4b: {  	[tilespmem:s17], [sflag:$0x2] =	stream.indirect_vreg.gather [hbm4b:s3+s1], $0x80, v3, vm0, $0xb8;
	[tilespmem:$0xC100] =	vst v63  }
0x4c: {  	v3 =	vld [tilespmem:$0x40];
	_ =	sdelay $0x4  }
0x4d: {  	v60 =	vshll.u32 v3, $0x1  }
0x4e: {  	v3 =	vand.u32 $0x7, v3;
	v4 =	vand.u32 $0xFFFFFFF0, v60  }
0x4f: {  	v3 =	vor.u32 v3, v4  }
0x50: {  	v4 =	vperm.xlane v3, v0;
	_ =	sdelay $0x1  }
0x51: {  	v3 =	vperm.xlane v3, v2;
	v4 =	vadd.s32 v1, v4;
	_ =	sdelay $0x1  }
0x52: {  	v3 =	vadd.s32 v1, v3;
	_ =	sdelay $0x2  }
0x53: {  	[tilespmem:s18], [sflag:$0x2] =	stream.indirect_vreg.gather [hbm4b:s3+s1], $0x80, v4, vm0, $0xb8;
	[tilespmem:$0xC100] =	vst v63  }
0x54: {  	_ = 	snop  }
0x55: {  	[tilespmem:s19], [sflag:$0x2] =	stream.indirect_vreg.gather [hbm4b:s3+s1], $0x80, v3, vm0, $0xb8;
	[tilespmem:$0xC100] =	vst v63  }
0x56: {  	v3 =	vld [tilespmem:$0x50];
	_ =	sdelay $0x4  }
0x57: {  	v61 =	vshll.u32 v3, $0x1  }
0x58: {  	v3 =	vand.u32 $0x7, v3;
	v4 =	vand.u32 $0xFFFFFFF0, v61  }
0x59: {  	v3 =	vor.u32 v3, v4  }
0x5a: {  	v4 =	vperm.xlane v3, v0;
	_ =	sdelay $0x1  }
0x5b: {  	v3 =	vperm.xlane v3, v2;
	v4 =	vadd.s32 v1, v4;
	_ =	sdelay $0x1  }
0x5c: {  	v3 =	vadd.s32 v1, v3;
	_ =	sdelay $0x2  }
0x5d: {  	[tilespmem:s20], [sflag:$0x2] =	stream.indirect_vreg.gather [hbm4b:s3+s1], $0x80, v4, vm0, $0xb8;
	[tilespmem:$0xC100] =	vst v63  }
0x5e: {  	_ = 	snop  }
0x5f: {  	[tilespmem:s21], [sflag:$0x2] =	stream.indirect_vreg.gather [hbm4b:s3+s1], $0x80, v3, vm0, $0xb8;
	[tilespmem:$0xC100] =	vst v63  }
0x60: {  	v3 =	vld [tilespmem:$0x60];
	_ =	sdelay $0x4  }
0x61: {  	v62 =	vshll.u32 v3, $0x1  }
0x62: {  	v3 =	vand.u32 $0x7, v3;
	v4 =	vand.u32 $0xFFFFFFF0, v62  }
0x63: {  	v3 =	vor.u32 v3, v4  }
0x64: {  	v4 =	vperm.xlane v3, v0;
	_ =	sdelay $0x1  }
0x65: {  	v3 =	vperm.xlane v3, v2;
	v4 =	vadd.s32 v1, v4;
	_ =	sdelay $0x1  }
0x66: {  	v3 =	vadd.s32 v1, v3;
	_ =	sdelay $0x2  }
0x67: {  	[tilespmem:s22], [sflag:$0x2] =	stream.indirect_vreg.gather [hbm4b:s3+s1], $0x80, v4, vm0, $0xb8;
	[tilespmem:$0xC100] =	vst v63  }
0x68: {  	_ = 	snop  }
0x69: {  	[tilespmem:s23], [sflag:$0x2] =	stream.indirect_vreg.gather [hbm4b:s3+s1], $0x80, v3, vm0, $0xb8;
	[tilespmem:$0xC100] =	vst v63  }
0x6a: {  	v3 =	vld [tilespmem:$0x70];
	_ =	sdelay $0x4  }
0x6b: {  	v63 =	vshll.u32 v3, $0x1  }
0x6c: {  	v3 =	vand.u32 $0x7, v3;
	v4 =	vand.u32 $0xFFFFFFF0, v63  }
0x6d: {  	v3 =	vor.u32 v3, v4  }
0x6e: {  	v4 =	vperm.xlane v3, v0;
	_ =	sdelay $0x1  }
0x6f: {  	v3 =	vperm.xlane v3, v2;
	v4 =	vadd.s32 v1, v4;
	_ =	sdelay $0x1  }
0x70: {  	v3 =	vadd.s32 v1, v3;
	_ =	sdelay $0x2  }
0x71: {  	[tilespmem:s24], [sflag:$0x2] =	stream.indirect_vreg.gather [hbm4b:s3+s1], $0x80, v4, vm0, $0xb8;
	[tilespmem:$0xC100] =	vst v63  }
0x72: {  	_ = 	snop  }
0x73: {  	[tilespmem:s25], [sflag:$0x2] =	stream.indirect_vreg.gather [hbm4b:s3+s1], $0x80, v3, vm0, $0xb8;
	[tilespmem:$0xC100] =	vst v63  }
0x74: {  	_ =	swait.ge [sflag:s26], $0x4000  }
0x75: {  	[sflag:s26] =	ssyncset.done $0x0  }
0x76: {  	[sflag:s26] =	ssyncadd.s32 $0xFFFFC000  }
0x77: {  	_ =	swait.ge [sflag:s28], $0x8000  }
0x78: {  	[sflag:s28] =	ssyncset.done $0x0  }
0x79: {  	[sflag:s28] =	ssyncadd.s32 $0xFFFF8000  }
0x7a: {  	[hbm4b:s31+s1] =	stream.linear.scatter [tilespmem:s11], [sflag:$0x3], $0x4000, $0x38;
	[tilespmem:$0xC100] =	vst v63  }
0x7b: {  	_ =	swait.ge [sflag:s10], $0x4000  }
0x7c: {  	p0 =	sne.s32 s5, $0x1;
	[sflag:s10] =	ssyncset.done $0x0  }
.Ltmp0:
0x7d: {  	[sflag:s10] =	ssyncadd.s32 $0xFFFFC000;
	(pc) =	sbr.rel @p0 .LBB2_2-.Ltmp0, $4  }
0x7e: {  	[hbm4b:s6+s1] =	stream.linear.scatter [tilespmem:s12], [sflag:$0x3], $0x8000, $0x38;
	[tilespmem:$0xC100] =	vst v63  }
0x7f: {  	_ =	swait.ge [sflag:s10], $0x8000  }
0x80: {  	s30 =	sadd.s32 $0x1000, s30;
	s5 =	sadd.s32 $0xFFFFFFFF, s5;
	[sflag:s10] =	ssyncset.done $0x0  }
0x81: {  	s31 =	sadd.s32 $0x10000, s31;
	s6 =	sadd.s32 $0x20000, s6;
	[sflag:s10] =	ssyncadd.s32 $0xFFFF8000  }
0x82: {  	s29 =	sadd.s32 $0x1, s29;
	s2 =	rddreg [dreg:$0x8]  }
0x83: {  	p0 =	sne.s32 s29, s2  }
.Ltmp1:
0x84: {  	_ = 	snop;
	(pc) =	sbr.rel @p0 .LBB2_1-.Ltmp1, $1  }
0x85: {  	_ =	sdelay $0x3  }
0x86: {  	_ =	sfence.sel $0x180000  }
0x87: {  	[bflag:$0x0] =	sbarrier.arrive $0xFFFF  }
0x88: {  	_ =	strace $0x90000059  }
0x89: {  	s0 =	stileid.u32;
	[bflag:$0x2] =	sbarrier.arrive $0xFFFF  }
0x8a: {  	p0 =	sne.s32 s0, $0x0;
	s0 =	rddreg [dreg:$0x2]  }
0x8b: {  	s0 =	sadd.s32 @!p0 $0x100000, s0  }
0x8c: {  	[sflag:s0] =	ssyncadd.tile.s32 @!p0 $0x1;
	_ =	shalt  }
.Lfunc_end2:
_tile_overlayer_lowered:
.L_overlay_start_2:
0x8d: {  	(tag) =	ssettag $0x2  }
0x8e: {  	s0 =	rddreg [dreg:$0x0];
	s2 =	stileid.u32  }
0x8f: {  	s1 =	rddreg [dreg:$0x1];
	p0 =	sne.s32 s2, $0x0  }
0x90: {  	s3 =	rddreg [dreg:$0x2];
	[bflag:$0x3] =	sbarrier.arrive $0xFFFF;
	s2 =	simm.s32 @!p0 $0x1C03  }
0x91: {  	[timem:s3], [sflag:s2] =	dma.local @!p0 [hbm:s0], s1  }
0x92: {  	s0 =	simm.s32 @!p0 $0x3  }
0x93: {  	_ =	swait.ge @!p0 [sflag:s0], s1  }
0x94: {  	s1 =	ssub.s32 @!p0 $0x0, s1;
	[sflag:s0] =	ssyncset.done @!p0 $0x0  }
0x95: {  	[sflag:s0] =	ssyncadd.s32 @!p0 s1  }
0x96: {  	[bflag:$0x3] =	sbarrier.arrive $0xFFFF  }
0x97: {  	_ =	shalt  }

// kernel: kernel.50.cloned.1.call-start
scs
__scs_entry_jumppad:
0x0: {  	(pc) =	sbr.rel $0x88, $3  }
0x1: {  	(tag) =	ssettag $0x0;
	lr =	simm.s32 $0x1  }
0x2: {  	[smem:$0x3F8B] =	sst lr;
	_ =	strace $0xD0000000  }
0x3: {  	_ = 	snop  }
0x4: {  	_ = 	snop  }
0x5: {  	_ = 	snop  }
0x6: {  	_ = 	snop  }
0x7: {  	_ = 	snop  }
__scs_overlays_trampoline_lowered:
0x8: {  	[smem:$0x3F9A] =	sst s0  }
0x9: {  	[smem:$0x3F9B] =	sst s1  }
0xa: {  	[smem:$0x3F9C] =	sst s2  }
0xb: {  	[smem:$0x3F9D] =	sst s3  }
0xc: {  	[smem:$0x3F9E] =	sst s4  }
0xd: {  	[smem:$0x3F9F] =	sst s5  }
0xe: {  	[smem:$0x3FA0] =	sst s6  }
0xf: {  	[smem:$0x3FA1] =	sst s7  }
0x10: {  	[smem:$0x3FA2] =	sst s8  }
0x11: {  	[smem:$0x3FA3] =	sst s9;
	s0 =	simm.s32 @!p0 $0x0  }
0x12: {  	s1 =	sld [smem:$0x3F89];
	s0 =	simm.s32 @p0 $0x1  }
0x13: {  	[smem:$0x3FA4] =	sst s0;
	s0 =	simm.s32 @!p1 $0x0  }
0x14: {  	s2 =	sld [smem:$0x3F88];
	s0 =	simm.s32 @p1 $0x1  }
0x15: {  	[smem:$0x3FA5] =	sst s0;
	s0 =	simm.s32 @!p2 $0x0  }
0x16: {  	s3 =	sld [smem:$0x3FDB];
	s0 =	simm.s32 @p2 $0x1  }
0x17: {  	s4 =	simm.s32 $0x1BF5;
	[smem:$0x3FA7] =	sst s0  }
0x18: {  	s0 =	sld [smem:$0x3F8A];
	_ =	swait.ge [sflag:s4], $0x0  }
0x19: {  	s7 =	sld [smem:$0x3F8B]  }
0x1a: {  	s8 =	sadd.s32 $0xFFFFE003, lr  }
0x1b: {  	s9 =	sadd.s32 $0xFFFFFEF7, lr;
	s5 =	simm.s32 $0xFFFFFFFF;
	p2 =	slt.u32 s8, $0xFFFFF086  }
0x1c: {  	p1 =	slt.u32 s9, $0xF7A;
	s5 =	simm.s32 @!p2 $0x0  }
0x1d: {  	s5 =	simm.s32 @p1 $0x1;
	p0 =	seq.s32 s7, s2  }
0x1e: {  	s7 =	smul.u32 @!p0 $0xF7A, s2;
	p2 =	seq.s32 @!p0 s5, $0x0  }
0x1f: {  	s9 =	smul.u32 $0xF7A, s1;
	s8 =	simm.s32 @!p0 $0x1BF5;
	p2 =	por !p2, p0  }
0x20: {  	[sflag:s8] =	ssyncset.s32 @!p0 $0xFFFFF086;
	s6 =	sadd.s32 @!p0 s3, s7;
	s7 =	simm.s32 @!p0 $0x108  }
0x21: {  	s3 =	sadd.s32 s3, s9;
	s6 =	sadd.s32 @!p0 $0x88, s6;
	s7 =	simm.s32 @p2 $0x1082  }
0x22: {  	[simem:s7], [sflag:s8] =	dma.local @!p0 [hbm:s6], $0xF7A  }
0x23: {  	s9 =	sor.u32 $0xD0000000, s2;
	s6 =	simm.s32 $0x108;
	_ =	swait.ge @!p0 [sflag:s8], $0x0  }
0x24: {  	s3 =	sadd.s32 $0x88, s3;
	s6 =	simm.s32 @!p1 $0x1082;
	[sflag:s4] =	ssyncset.s32 $0xFFFFF086  }
0x25: {  	[simem:s6], [sflag:s4] =	dma.local [hbm:s3], $0xF7A  }
0x26: {  	[smem:$0x3F8B] =	sst s1;
	(tag) =	ssettag s2;
	_ =	strace s9  }
0x27: {  	s1 =	sld [smem:$0x3F9B]  }
0x28: {  	s2 =	sld [smem:$0x3F9C]  }
0x29: {  	s4 =	sld [smem:$0x3F9E]  }
0x2a: {  	p0 =	seq.s32 s5, $0x0;
	s5 =	sld [smem:$0x3F9F]  }
0x2b: {  	s6 =	sld [smem:$0x3FA0]  }
0x2c: {  	s7 =	sld [smem:$0x3FA1]  }
0x2d: {  	s3 =	simm.s32 $0x108;
	s8 =	sld [smem:$0x3FA2]  }
0x2e: {  	s3 =	simm.s32 @!p0 $0x1082;
	s9 =	sld [smem:$0x3FA3]  }
0x2f: {  	lr =	sadd.s32 s0, s3;
	s0 =	sld [smem:$0x3F9A]  }
0x30: {  	s3 =	sld [smem:$0x3F9D]  }
0x31: {  	[smem:$0x3FA6] =	sst s10  }
0x32: {  	s10 =	sld [smem:$0x3FA4];
	_ =	sdelay $0x3  }
0x33: {  	p0 =	seq.s32 s10, $0x1;
	s10 =	sld [smem:$0x3FA6];
	_ =	sdelay $0x3  }
0x34: {  	[smem:$0x3FA6] =	sst s10  }
0x35: {  	s10 =	sld [smem:$0x3FA5];
	_ =	sdelay $0x3  }
0x36: {  	p1 =	seq.s32 s10, $0x1;
	s10 =	sld [smem:$0x3FA6];
	_ =	sdelay $0x3  }
0x37: {  	[smem:$0x3FA6] =	sst s10  }
0x38: {  	s10 =	sld [smem:$0x3FA7]  }
0x39: {  	_ = 	snop;
	(pc) =	sbr.ind lr, $3  }
0x3a: {  	_ = 	snop  }
0x3b: {  	_ = 	snop  }
0x3c: {  	p2 =	seq.s32 s10, $0x1;
	s10 =	sld [smem:$0x3FA6]  }
0x3d: {  	_ =	shalt  }
0x3e: {  	_ =	shalt  }
0x3f: {  	_ =	shalt  }
0x40: {  	_ =	shalt  }
0x41: {  	_ =	shalt  }
0x42: {  	_ =	shalt  }
0x43: {  	_ =	shalt  }
0x44: {  	_ =	shalt  }
0x45: {  	_ =	shalt  }
0x46: {  	_ =	shalt  }
0x47: {  	_ =	shalt  }
0x48: {  	_ =	shalt  }
0x49: {  	_ =	shalt  }
0x4a: {  	_ =	shalt  }
0x4b: {  	_ =	shalt  }
0x4c: {  	_ =	shalt  }
0x4d: {  	_ =	shalt  }
0x4e: {  	_ =	shalt  }
0x4f: {  	_ =	shalt  }
0x50: {  	_ =	shalt  }
0x51: {  	_ =	shalt  }
0x52: {  	_ =	shalt  }
0x53: {  	_ =	shalt  }
0x54: {  	_ =	shalt  }
0x55: {  	_ =	shalt  }
0x56: {  	_ =	shalt  }
0x57: {  	_ =	shalt  }
0x58: {  	_ =	shalt  }
0x59: {  	_ =	shalt  }
0x5a: {  	_ =	shalt  }
0x5b: {  	_ =	shalt  }
0x5c: {  	_ =	shalt  }
0x5d: {  	_ =	shalt  }
0x5e: {  	_ =	shalt  }
0x5f: {  	_ =	shalt  }
0x60: {  	_ =	shalt  }
0x61: {  	_ =	shalt  }
0x62: {  	_ =	shalt  }
0x63: {  	_ =	shalt  }
0x64: {  	_ =	shalt  }
0x65: {  	_ =	shalt  }
0x66: {  	_ =	shalt  }
0x67: {  	_ =	shalt  }
0x68: {  	_ =	shalt  }
0x69: {  	_ =	shalt  }
0x6a: {  	_ =	shalt  }
0x6b: {  	_ =	shalt  }
0x6c: {  	_ =	shalt  }
0x6d: {  	_ =	shalt  }
0x6e: {  	_ =	shalt  }
0x6f: {  	_ =	shalt  }
0x70: {  	_ =	shalt  }
0x71: {  	_ =	shalt  }
0x72: {  	_ =	shalt  }
0x73: {  	_ =	shalt  }
0x74: {  	_ =	shalt  }
0x75: {  	_ =	shalt  }
0x76: {  	_ =	shalt  }
0x77: {  	_ =	shalt  }
0x78: {  	_ =	shalt  }
0x79: {  	_ =	shalt  }
0x7a: {  	_ =	shalt  }
0x7b: {  	_ =	shalt  }
0x7c: {  	_ =	shalt  }
0x7d: {  	_ =	shalt  }
0x7e: {  	_ =	shalt  }
0x7f: {  	_ =	shalt  }
0x80: {  	_ =	shalt  }
0x81: {  	_ =	shalt  }
0x82: {  	_ =	shalt  }
0x83: {  	_ =	shalt  }
0x84: {  	_ =	shalt  }
0x85: {  	_ =	shalt  }
0x86: {  	_ =	shalt  }
0x87: {  	_ =	shalt  }
.Lfunc_end0:
.L_simem_size_0:
called_computation.7_lowered:
.L_overlay_start_0:
0x88: {  	s2 =	sld [smem:$0x3FD9]  }
0x89: {  	s3 =	sld [smem:$0x3FFE];
	_ =	sdelay $0x1  }
0x8a: {  	s1 =	srdreg.scid  }
0x8b: {  	s0 =	sand.u32 $0x1, s1  }
0x8c: {  	s17 =	sshll.u32 s0, $0xA;
	s2 =	sadd.s32 s3, s2  }
0x8d: {  	s2 =	sadd.s32 s2, s17  }
0x8e: {  	[smem:$0x3FB2] =	sst s2  }
0x8f: {  	_ = 	snop  }
0x90: {  	(tm) =	ssettm $0x1  }
0x91: {  	s18 =	sld [smem:$0x3FFB];
	_ =	sdelay $0x3  }
0x92: {  	_ =	strace s18  }
0x93: {  	s2 =	sld [smem:$0x3FFC];
	_ =	sdelay $0x3  }
0x94: {  	_ =	strace s2  }
0x95: {  	s2 =	sld [smem:$0x3FFD];
	_ =	sdelay $0x3  }
0x96: {  	_ =	strace s2  }
0x97: {  	_ =	strace $0x8FFFFFFF  }
0x98: {  	s19 =	sld [smem:$0x3FDB];
	_ =	sdelay $0x1  }
0x99: {  	s20 =	simm.s32 $_scs_section_size  }
0x9a: {  	s4 =	simm.s32 $_size__tile_overlayer_lowered;
	s5 =	simm.s32 $_tile_overlayer_lowered  }
0x9b: {  	s6 =	simm.s32 $0x1BFF;
	s21 =	sshll.u32 s5, $0x1;
	s3 =	sadd.s32 s20, s19  }
0x9c: {  	s22 =	simm.s32 $0x0;
	s4 =	sshll.u32 s4, $0x1;
	s5 =	sadd.s32 s21, s3  }
0x9d: {  	[timem:s22], [sflag:s6] =	dma.local [hbm:s5], s4  }
0x9e: {  	_ =	swait.ge [sflag:s6], s4  }
0x9f: {  	s4 =	ssub.s32 $0x0, s4;
	[sflag:s6] =	ssyncset.done $0x0  }
0xa0: {  	[sflag:s6] =	ssyncadd.s32 s4;
	_ =	sdelay $0x1  }
0xa1: {  	s23 =	simm.s32 $0x1B8B  }
0xa2: {  	_ =	swait.ge [sflag:s23], $0x1  }
0xa3: {  	[sflag:s23] =	ssyncset.done $0x0  }
0xa4: {  	[sflag:s23] =	ssyncadd.s32 $0xFFFFFFFF  }
0xa5: {  	s4 =	sld [smem:$0x0]  }
0xa6: {  	s5 =	sand.u32 $0xFFFFFFFE, s1  }
0xa7: {  	p0 =	sne.s32 s1, s5  }
0xa8: {  	s5 =	sshll.u32 @p0 s5, $0xE  }
0xa9: {  	s5 =	sadd.s32 @p0 $0x11B8D, s5;
	s6 =	sshll.u32 @p0 s4, $0x11  }
0xaa: {  	s5 =	sor.u32 @p0 s6, s5  }
0xab: {  	[sflag:s5] =	ssyncadd.remote.s32 @p0 $0x1;
	_ =	sdelay $0x1  }
0xac: {  	s5 =	simm.s32 @p0 $0x1B8D  }
0xad: {  	_ =	swait.eq @p0 [sflag:s5], $0x1  }
0xae: {  	[sflag:s5] =	ssyncadd.s32 @p0 $0xFFFFFFFF  }
0xaf: {  	s6 =	sshll.u32 @!p0 s1, $0xE  }
0xb0: {  	s6 =	sor.u32 @!p0 $0x4000, s6;
	s5 =	simm.s32 @!p0 $0x1B8D  }
0xb1: {  	s4 =	sshll.u32 @!p0 s4, $0x11;
	s6 =	sadd.s32 @!p0 $0x11B8D, s6;
	_ =	swait.eq @!p0 [sflag:s5], $0x1  }
0xb2: {  	s4 =	sor.u32 @!p0 s4, s6;
	[sflag:s5] =	ssyncadd.s32 @!p0 $0xFFFFFFFF  }
0xb3: {  	s25 =	simm.s32 $0x1B8E;
	s24 =	sld [smem:$0x3FFE];
	[sflag:s4] =	ssyncadd.remote.s32 @!p0 $0x1  }
0xb4: {  	s26 =	simm.s32 $execute0_lowered;
	[smem:$0x3FD2] =	sst s25  }
0xb5: {  	s5 =	sshll.u32 s26, $0x1;
	_ =	strace $0x8000005E;
	[dreg:$0x1] =	wrdreg $0xFFFFFFFF  }
0xb6: {  	s28 =	simm.s32 $_size_execute0_lowered;
	s3 =	sadd.s32 s3, s5;
	[dreg:$0x0] =	wrdreg $0x0  }
0xb7: {  	s5 =	sshll.u32 s28, $0x1;
	[dreg:$0x2] =	wrdreg s3  }
0xb8: {  	[dreg:$0x3] =	wrdreg s5  }
0xb9: {  	[dreg:$0x4] =	wrdreg $0xC0  }
0xba: {  	_ =	task [dreg:s22], $0x5FFFF  }
0xbb: {  	[dreg:$0x1] =	wrdreg $0xFFFFFFFF  }
0xbc: {  	[dreg:$0x0] =	wrdreg $0x60  }
0xbd: {  	[dreg:$0x2] =	wrdreg s24  }
0xbe: {  	[dreg:$0x3] =	wrdreg $0x40800  }
0xbf: {  	[dreg:$0x4] =	wrdreg $0x9  }
0xc0: {  	_ =	task.clear_ibuf [dreg:s22], $0x5FFFF;
	_ =	strace $0x9000005E  }
0xc1: {  	s29 =	simm.s32 $0x9;
	_ =	strace $0x80000060  }
0xc2: {  	_ =	swait.ge [sflag:s29], $0x1  }
0xc3: {  	[sflag:s29] =	ssyncadd.s32 $0xFFFFFFFF  }
0xc4: {  	_ =	strace $0x90000060  }
0xc5: {  	_ =	sfence  }
0xc6: {  	s30 =	sld [smem:$0x0];
	_ =	sdelay $0x2  }
0xc7: {  	s31 =	sshll.u32 s1, $0xD;
	s1 =	sshrl.u32 s1, $0x2  }
0xc8: {  	s4 =	sand.u32 $0x4000, s31;
	s1 =	sadd.s32 s1, s30  }
0xc9: {  	s0 =	sor.u32 s4, s0;
	s1 =	sshll.u32 s1, $0x11  }
0xca: {  	s0 =	sor.u32 s1, s0  }
0xcb: {  	s0 =	sadd.s32 $0x8F2B, s0  }
0xcc: {  	[sflag:s0] =	ssyncadd.remote.s32 $0x1  }
0xcd: {  	_ =	sfence.sel $0xFFFF  }
0xce: {  	[dreg:$0x0] =	wrdreg $0xFFFFFFFF;
	(pc) =	sbr.abs _section_cstart, $3  }
0xcf: {  	[dreg:$0x1] =	wrdreg $0xFFFFFFFF  }
0xd0: {  	_ =	task.clear_ibuf [dreg:s22], $0x2FFFF;
	_ =	strace $0x9FFFFFFF  }
0xd1: {  	(tm) =	ssettm $0x7FFFFFFF  }
tec
execute0_lowered:
.L_overlay_start_1:
0x0: {  	(tag) =	ssettag $0x1  }
0x1: {  	s6 =	rddreg [dreg:$0x0]  }
0x2: {  	s2 =	rddreg [dreg:$0x1]  }
0x3: {  	s0 =	rddreg [dreg:$0x2]  }
0x4: {  	s3 =	simm.s32 $0x0;
	s1 =	stileid.u32;
	s4 =	srdreg.scid  }
0x5: {  	s14 =	simm.s32 $0x4000;
	s15 =	simm.s32 $0x80;
	s16 =	simm.s32 $0x0  }
0x6: {  	[smem:$0x7FF] =	sst s3;
	s11 =	sand.u32 $0x1, s4;
	s5 =	smul.u32 $0x2800, s1  }
0x7: {  	s25 =	sshll.u32 s1, $0xC;
	s4 =	sadd.s32 $0x17C00, s6;
	s12 =	smul.u32 $0x50000, s1  }
0x8: {  	s26 =	sshll.u32 s1, $0x1;
	s29 =	sshll.u32 s1, $0x6;
	s31 =	sshll.u32 s1, $0x8  }
0x9: {  	_ =	strace $0x8000005F;
	s7 =	smul.u32 $0x28000, s11;
	s8 =	ssub.s32 $0x2, s11  }
0xa: {  	s10 =	sadd.s32 s25, s6;
	s30 =	sshll.u32 s11, $0xB;
	s9 =	sshrl.u32 s8, $0x1  }
0xb: {  	s28 =	sshrl.u32 s12, $0x2;
	s10 =	sadd.s32 s30, s10;
	s7 =	sadd.s32 s5, s7  }
0xc: {  	s5 =	sadd.s32 $0x23C00, s6;
	s8 =	ssub.s32 s8, s9;
	s13 =	sadd.s32 s28, s2  }
0xd: {  	s9 =	sor.u32 s26, s11;
	s10 =	sadd.s32 $0x27A9000, s10;
	s11 =	sshll.u32 s11, $0x7  }
0xe: {  	s7 =	sadd.s32 s7, s6;
	s6 =	sor.u32 $0x1C01, s29;
	s9 =	ssub.s32 $0x9E3, s9  }
0xf: {  	s8 =	smax.u32 s8, $0x1;
	s11 =	sor.u32 s11, s31;
	s12 =	sshrl.u32 s13, $0x3  }
0x10: {  	s13 =	simm.s32 $0x1;
	s7 =	sadd.s32 $0xEB800, s7;
	s9 =	sshrl.u32 s9, $0x5  }
.LBB2_1:
0x11: {  	[spmem:s12], [sflag:s6] =	dma.local [hbm:s5], $0x2800  }
0x12: {  	p1 =	sne.s32 s9, $0x1  }
.Ltmp0:
0x13: {  	_ =	swait.ge [sflag:s13], $0x2800;
	(pc) =	sbr.rel @!p1 .LBB2_2-.Ltmp0, $4  }
0x14: {  	[sflag:s13] =	ssyncset.done $0x0  }
0x15: {  	[sflag:s13] =	ssyncadd.s32 $0xFFFFD800  }
0x16: {  	[bflag:$0x0] =	sbarrier.arrive $0xFFFF  }
0x17: {  	s17 =	sadd.s32 $0xFFFFFFFF, s9;
	s20 =	sshrl.u32 s11, $0x3;
	p0 =	por $0x0, $0x0  }
0x18: {  	s18 =	sadd.s32 s4, s20  }
0x19: {  	[tilespmem:s14], [sflag:$0x1] =	stream.linear.gather [hbm4b:s18+s3], $0x80, $0x38;
	[tilespmem:$0x18080] =	vst v63  }
0x1a: {  	_ =	swait.ge [sflag:s13], $0x80  }
0x1b: {  	[sflag:s13] =	ssyncset.done $0x0  }
0x1c: {  	[sflag:s13] =	ssyncadd.s32 $0xFFFFFF80  }
0x1d: {  	[tilespmem:s3], [sflag:$0x1] =	stream.linear.gather [hbm4b:s10+s3], $0x4000, $0x38;
	[tilespmem:$0x18080] =	vst v63  }
0x1e: {  	p1 =	sne.s32 s17, $0x1;
	_ =	swait.ge [sflag:s13], $0x4000  }
.Ltmp1:
0x1f: {  	[sflag:s13] =	ssyncset.done $0x0;
	(pc) =	sbr.rel @!p1 .LBB2_4-.Ltmp1, $4  }
0x20: {  	s19 =	sadd.s32 $0x1000, s11;
	[sflag:s13] =	ssyncadd.s32 $0xFFFFC000  }
0x21: {  	[spmem:s2] =	stream.indirect.scatter.add.f32 [tilespmem:s3], [sflag:$0x1], $0x80, s14, s15, $0xb8;
	[tilespmem:$0x18080] =	vst v63  }
0x22: {  	p0 =	por $0x1, $0x1;
	s18 =	sadd.s32 $0xFFFFFFFF, s17;
	_ =	swait.ge [sflag:s13], $0x4000  }
0x23: {  	s20 =	sshrl.u32 s19, $0x3;
	s17 =	smov.u32 s10;
	[sflag:s13] =	ssyncset.done $0x0  }
.LBB2_5:
0x24: {  	s20 =	sadd.s32 s4, s20;
	[sflag:s13] =	ssyncadd.s32 $0xFFFFC000;
	s17 =	sadd.s32 $0x10000, s17  }
0x25: {  	[tilespmem:s14], [sflag:$0x1] =	stream.linear.gather [hbm4b:s20+s3], $0x80, $0x38;
	[tilespmem:$0x18080] =	vst v63  }
0x26: {  	p1 =	sne.s32 s18, $0x1;
	s18 =	sadd.s32 $0xFFFFFFFF, s18;
	_ =	swait.ge [sflag:s13], $0x80  }
0x27: {  	[sflag:s13] =	ssyncset.done $0x0  }
0x28: {  	[sflag:s13] =	ssyncadd.s32 $0xFFFFFF80  }
0x29: {  	[tilespmem:s3], [sflag:$0x1] =	stream.linear.gather [hbm4b:s17+s3], $0x4000, $0x38;
	[tilespmem:$0x18080] =	vst v63  }
0x2a: {  	_ =	swait.ge [sflag:s13], $0x4000  }
.Ltmp2:
0x2b: {  	[sflag:s13] =	ssyncset.done $0x0;
	(pc) =	sbr.rel @p1 .LBB2_5-.Ltmp2, $4  }
0x2c: {  	[sflag:s13] =	ssyncadd.s32 $0xFFFFC000  }
0x2d: {  	[spmem:s2] =	stream.indirect.scatter.add.f32 [tilespmem:s3], [sflag:$0x1], $0x80, s14, s15, $0xb8;
	[tilespmem:$0x18080] =	vst v63  }
0x2e: {  	s19 =	sadd.s32 $0x1000, s19;
	_ =	swait.ge [sflag:s13], $0x4000  }
0x2f: {  	s20 =	sshrl.u32 s19, $0x3;
	[sflag:s13] =	ssyncset.done $0x0  }
.LBB2_6:
0x30: {  	s18 =	sadd.s32 s4, s20;
	[sflag:s13] =	ssyncadd.s32 @p0 $0xFFFFC000  }
0x31: {  	[tilespmem:s14], [sflag:$0x1] =	stream.linear.gather [hbm4b:s18+s3], $0x80, $0x38;
	[tilespmem:$0x18080] =	vst v63  }
0x32: {  	_ =	swait.ge [sflag:s13], $0x80  }
0x33: {  	s17 =	sadd.s32 @p0 $0x10000, s17;
	s18 =	smov.u32 s10;
	[sflag:s13] =	ssyncset.done $0x0  }
0x34: {  	s18 =	smov.u32 @p0 s17;
	[sflag:s13] =	ssyncadd.s32 $0xFFFFFF80  }
0x35: {  	[tilespmem:s3], [sflag:$0x1] =	stream.linear.gather [hbm4b:s18+s3], $0x4000, $0x38;
	[tilespmem:$0x18080] =	vst v63  }
0x36: {  	_ =	swait.ge [sflag:s13], $0x4000  }
0x37: {  	[sflag:s13] =	ssyncset.done $0x0  }
0x38: {  	[sflag:s13] =	ssyncadd.s32 $0xFFFFC000  }
0x39: {  	[spmem:s2] =	stream.indirect.scatter.add.f32 [tilespmem:s3], [sflag:$0x1], $0x80, s14, s15, $0xb8;
	[tilespmem:$0x18080] =	vst v63  }
0x3a: {  	_ =	swait.ge [sflag:s13], $0x4000  }
0x3b: {  	[sflag:s13] =	ssyncset.done $0x0  }
0x3c: {  	s16 =	sadd.s32 $0x1, s16;
	[sflag:s13] =	ssyncadd.s32 $0xFFFFC000  }
0x3d: {  	p0 =	sne.s32 s16, s8;
	[bflag:$0x0] =	sbarrier.arrive $0xFFFF  }
0x3e: {  	[hbm:s7], [sflag:s6] =	dma.local [spmem:s12], $0x2800  }
.Ltmp3:
0x3f: {  	_ = 	snop;
	(pc) =	sbr.rel @p0 .LBB2_1-.Ltmp3, $4  }
.Ltmp4:
0x40: {  	_ = 	snop;
	(pc) =	sbr.rel @!p0 .LBB2_7-.Ltmp4, $4  }
0x41: {  	_ =	swait.ge [sflag:s13], $0x2800  }
0x42: {  	[sflag:s13] =	ssyncset.done $0x0  }
0x43: {  	[sflag:s13] =	ssyncadd.s32 $0xFFFFD800  }
0x44: {  	_ = 	snop  }
.LBB2_2:
.Ltmp5:
0x45: {  	(pc) =	sbr.rel .LBB2_6-.Ltmp5, $2  }
0x46: {  	_ =	sdelay $0x2  }
0x47: {  	s17 =	smov.u32 s10  }
.LBB2_4:
.Ltmp6:
0x48: {  	(pc) =	sbr.rel .LBB2_6-.Ltmp6, $2  }
0x49: {  	_ =	sdelay $0x2  }
0x4a: {  	s17 =	smov.u32 s10  }
.LBB2_7:
0x4b: {  	_ =	sfence.sel $0x180000  }
0x4c: {  	[bflag:$0x0] =	sbarrier.arrive $0xFFFF  }
0x4d: {  	p0 =	sne.s32 s1, $0x0;
	_ =	strace $0x9000005F  }
0x4e: {  	s0 =	sadd.s32 @!p0 $0x100000, s0;
	[bflag:$0x2] =	sbarrier.arrive $0xFFFF  }
0x4f: {  	[sflag:s0] =	ssyncadd.tile.s32 @!p0 $0x1;
	_ =	shalt  }
.Lfunc_end2:
_tile_overlayer_lowered:
.L_overlay_start_2:
0x50: {  	(tag) =	ssettag $0x2  }
0x51: {  	s0 =	rddreg [dreg:$0x0];
	s2 =	stileid.u32  }
0x52: {  	s1 =	rddreg [dreg:$0x1];
	p0 =	sne.s32 s2, $0x0  }
0x53: {  	s3 =	rddreg [dreg:$0x2];
	[bflag:$0x3] =	sbarrier.arrive $0xFFFF;
	s2 =	simm.s32 @!p0 $0x1C01  }
0x54: {  	[timem:s3], [sflag:s2] =	dma.local @!p0 [hbm:s0], s1  }
0x55: {  	s0 =	simm.s32 @!p0 $0x1  }
0x56: {  	_ =	swait.ge @!p0 [sflag:s0], s1  }
0x57: {  	s1 =	ssub.s32 @!p0 $0x0, s1;
	[sflag:s0] =	ssyncset.done @!p0 $0x0  }
0x58: {  	[sflag:s0] =	ssyncadd.s32 @!p0 s1  }
0x59: {  	[bflag:$0x3] =	sbarrier.arrive $0xFFFF  }
0x5a: {  	_ =	shalt  }

// kernel: kernel.53.cloned.1.call-start
scs
__scs_entry_jumppad:
0x0: {  	(pc) =	sbr.rel $0x88, $3  }
0x1: {  	(tag) =	ssettag $0x0;
	lr =	simm.s32 $0x1  }
0x2: {  	[smem:$0x3F8B] =	sst lr;
	_ =	strace $0xD0000000  }
0x3: {  	_ = 	snop  }
0x4: {  	_ = 	snop  }
0x5: {  	_ = 	snop  }
0x6: {  	_ = 	snop  }
0x7: {  	_ = 	snop  }
__scs_overlays_trampoline_lowered:
0x8: {  	[smem:$0x3F9A] =	sst s0  }
0x9: {  	[smem:$0x3F9B] =	sst s1  }
0xa: {  	[smem:$0x3F9C] =	sst s2  }
0xb: {  	[smem:$0x3F9D] =	sst s3  }
0xc: {  	[smem:$0x3F9E] =	sst s4  }
0xd: {  	[smem:$0x3F9F] =	sst s5  }
0xe: {  	[smem:$0x3FA0] =	sst s6  }
0xf: {  	[smem:$0x3FA1] =	sst s7  }
0x10: {  	[smem:$0x3FA2] =	sst s8  }
0x11: {  	[smem:$0x3FA3] =	sst s9;
	s0 =	simm.s32 @!p0 $0x0  }
0x12: {  	s1 =	sld [smem:$0x3F89];
	s0 =	simm.s32 @p0 $0x1  }
0x13: {  	[smem:$0x3FA4] =	sst s0;
	s0 =	simm.s32 @!p1 $0x0  }
0x14: {  	s2 =	sld [smem:$0x3F88];
	s0 =	simm.s32 @p1 $0x1  }
0x15: {  	[smem:$0x3FA5] =	sst s0;
	s0 =	simm.s32 @!p2 $0x0  }
0x16: {  	s3 =	sld [smem:$0x3FDB];
	s0 =	simm.s32 @p2 $0x1  }
0x17: {  	s4 =	simm.s32 $0x1BF5;
	[smem:$0x3FA7] =	sst s0  }
0x18: {  	s0 =	sld [smem:$0x3F8A];
	_ =	swait.ge [sflag:s4], $0x0  }
0x19: {  	s7 =	sld [smem:$0x3F8B]  }
0x1a: {  	s8 =	sadd.s32 $0xFFFFE003, lr  }
0x1b: {  	s9 =	sadd.s32 $0xFFFFFEF7, lr;
	s5 =	simm.s32 $0xFFFFFFFF;
	p2 =	slt.u32 s8, $0xFFFFF086  }
0x1c: {  	p1 =	slt.u32 s9, $0xF7A;
	s5 =	simm.s32 @!p2 $0x0  }
0x1d: {  	s5 =	simm.s32 @p1 $0x1;
	p0 =	seq.s32 s7, s2  }
0x1e: {  	s7 =	smul.u32 @!p0 $0xF7A, s2;
	p2 =	seq.s32 @!p0 s5, $0x0  }
0x1f: {  	s9 =	smul.u32 $0xF7A, s1;
	s8 =	simm.s32 @!p0 $0x1BF5;
	p2 =	por !p2, p0  }
0x20: {  	[sflag:s8] =	ssyncset.s32 @!p0 $0xFFFFF086;
	s6 =	sadd.s32 @!p0 s3, s7;
	s7 =	simm.s32 @!p0 $0x108  }
0x21: {  	s3 =	sadd.s32 s3, s9;
	s6 =	sadd.s32 @!p0 $0x88, s6;
	s7 =	simm.s32 @p2 $0x1082  }
0x22: {  	[simem:s7], [sflag:s8] =	dma.local @!p0 [hbm:s6], $0xF7A  }
0x23: {  	s9 =	sor.u32 $0xD0000000, s2;
	s6 =	simm.s32 $0x108;
	_ =	swait.ge @!p0 [sflag:s8], $0x0  }
0x24: {  	s3 =	sadd.s32 $0x88, s3;
	s6 =	simm.s32 @!p1 $0x1082;
	[sflag:s4] =	ssyncset.s32 $0xFFFFF086  }
0x25: {  	[simem:s6], [sflag:s4] =	dma.local [hbm:s3], $0xF7A  }
0x26: {  	[smem:$0x3F8B] =	sst s1;
	(tag) =	ssettag s2;
	_ =	strace s9  }
0x27: {  	s1 =	sld [smem:$0x3F9B]  }
0x28: {  	s2 =	sld [smem:$0x3F9C]  }
0x29: {  	s4 =	sld [smem:$0x3F9E]  }
0x2a: {  	p0 =	seq.s32 s5, $0x0;
	s5 =	sld [smem:$0x3F9F]  }
0x2b: {  	s6 =	sld [smem:$0x3FA0]  }
0x2c: {  	s7 =	sld [smem:$0x3FA1]  }
0x2d: {  	s3 =	simm.s32 $0x108;
	s8 =	sld [smem:$0x3FA2]  }
0x2e: {  	s3 =	simm.s32 @!p0 $0x1082;
	s9 =	sld [smem:$0x3FA3]  }
0x2f: {  	lr =	sadd.s32 s0, s3;
	s0 =	sld [smem:$0x3F9A]  }
0x30: {  	s3 =	sld [smem:$0x3F9D]  }
0x31: {  	[smem:$0x3FA6] =	sst s10  }
0x32: {  	s10 =	sld [smem:$0x3FA4];
	_ =	sdelay $0x3  }
0x33: {  	p0 =	seq.s32 s10, $0x1;
	s10 =	sld [smem:$0x3FA6];
	_ =	sdelay $0x3  }
0x34: {  	[smem:$0x3FA6] =	sst s10  }
0x35: {  	s10 =	sld [smem:$0x3FA5];
	_ =	sdelay $0x3  }
0x36: {  	p1 =	seq.s32 s10, $0x1;
	s10 =	sld [smem:$0x3FA6];
	_ =	sdelay $0x3  }
0x37: {  	[smem:$0x3FA6] =	sst s10  }
0x38: {  	s10 =	sld [smem:$0x3FA7]  }
0x39: {  	_ = 	snop;
	(pc) =	sbr.ind lr, $3  }
0x3a: {  	_ = 	snop  }
0x3b: {  	_ = 	snop  }
0x3c: {  	p2 =	seq.s32 s10, $0x1;
	s10 =	sld [smem:$0x3FA6]  }
0x3d: {  	_ =	shalt  }
0x3e: {  	_ =	shalt  }
0x3f: {  	_ =	shalt  }
0x40: {  	_ =	shalt  }
0x41: {  	_ =	shalt  }
0x42: {  	_ =	shalt  }
0x43: {  	_ =	shalt  }
0x44: {  	_ =	shalt  }
0x45: {  	_ =	shalt  }
0x46: {  	_ =	shalt  }
0x47: {  	_ =	shalt  }
0x48: {  	_ =	shalt  }
0x49: {  	_ =	shalt  }
0x4a: {  	_ =	shalt  }
0x4b: {  	_ =	shalt  }
0x4c: {  	_ =	shalt  }
0x4d: {  	_ =	shalt  }
0x4e: {  	_ =	shalt  }
0x4f: {  	_ =	shalt  }
0x50: {  	_ =	shalt  }
0x51: {  	_ =	shalt  }
0x52: {  	_ =	shalt  }
0x53: {  	_ =	shalt  }
0x54: {  	_ =	shalt  }
0x55: {  	_ =	shalt  }
0x56: {  	_ =	shalt  }
0x57: {  	_ =	shalt  }
0x58: {  	_ =	shalt  }
0x59: {  	_ =	shalt  }
0x5a: {  	_ =	shalt  }
0x5b: {  	_ =	shalt  }
0x5c: {  	_ =	shalt  }
0x5d: {  	_ =	shalt  }
0x5e: {  	_ =	shalt  }
0x5f: {  	_ =	shalt  }
0x60: {  	_ =	shalt  }
0x61: {  	_ =	shalt  }
0x62: {  	_ =	shalt  }
0x63: {  	_ =	shalt  }
0x64: {  	_ =	shalt  }
0x65: {  	_ =	shalt  }
0x66: {  	_ =	shalt  }
0x67: {  	_ =	shalt  }
0x68: {  	_ =	shalt  }
0x69: {  	_ =	shalt  }
0x6a: {  	_ =	shalt  }
0x6b: {  	_ =	shalt  }
0x6c: {  	_ =	shalt  }
0x6d: {  	_ =	shalt  }
0x6e: {  	_ =	shalt  }
0x6f: {  	_ =	shalt  }
0x70: {  	_ =	shalt  }
0x71: {  	_ =	shalt  }
0x72: {  	_ =	shalt  }
0x73: {  	_ =	shalt  }
0x74: {  	_ =	shalt  }
0x75: {  	_ =	shalt  }
0x76: {  	_ =	shalt  }
0x77: {  	_ =	shalt  }
0x78: {  	_ =	shalt  }
0x79: {  	_ =	shalt  }
0x7a: {  	_ =	shalt  }
0x7b: {  	_ =	shalt  }
0x7c: {  	_ =	shalt  }
0x7d: {  	_ =	shalt  }
0x7e: {  	_ =	shalt  }
0x7f: {  	_ =	shalt  }
0x80: {  	_ =	shalt  }
0x81: {  	_ =	shalt  }
0x82: {  	_ =	shalt  }
0x83: {  	_ =	shalt  }
0x84: {  	_ =	shalt  }
0x85: {  	_ =	shalt  }
0x86: {  	_ =	shalt  }
0x87: {  	_ =	shalt  }
.Lfunc_end0:
.L_simem_size_0:
called_computation.8_lowered:
.L_overlay_start_0:
0x88: {  	s2 =	sld [smem:$0x3FD9]  }
0x89: {  	s3 =	sld [smem:$0x3FFE];
	_ =	sdelay $0x1  }
0x8a: {  	s1 =	srdreg.scid  }
0x8b: {  	s0 =	sand.u32 $0x1, s1  }
0x8c: {  	s16 =	sshll.u32 s0, $0xA;
	s2 =	sadd.s32 s3, s2  }
0x8d: {  	s2 =	sadd.s32 s2, s16  }
0x8e: {  	[smem:$0x3FB2] =	sst s2  }
0x8f: {  	_ = 	snop  }
0x90: {  	(tm) =	ssettm $0x1  }
0x91: {  	s17 =	sld [smem:$0x3FFB];
	_ =	sdelay $0x3  }
0x92: {  	_ =	strace s17  }
0x93: {  	s2 =	sld [smem:$0x3FFC];
	_ =	sdelay $0x3  }
0x94: {  	_ =	strace s2  }
0x95: {  	s2 =	sld [smem:$0x3FFD];
	_ =	sdelay $0x3  }
0x96: {  	_ =	strace s2  }
0x97: {  	_ =	strace $0x8FFFFFFF  }
0x98: {  	s18 =	sld [smem:$0x3FDB];
	_ =	sdelay $0x1  }
0x99: {  	s19 =	simm.s32 $_scs_section_size  }
0x9a: {  	s4 =	simm.s32 $_size__tile_overlayer_lowered;
	s5 =	simm.s32 $_tile_overlayer_lowered  }
0x9b: {  	s22 =	simm.s32 $0x1BFF;
	s21 =	sshll.u32 s5, $0x1;
	s2 =	sadd.s32 s19, s18  }
0x9c: {  	s6 =	simm.s32 $0x0;
	s20 =	sshll.u32 s4, $0x1;
	s4 =	sadd.s32 s21, s2  }
0x9d: {  	[timem:s6], [sflag:s22] =	dma.local [hbm:s4], s20  }
0x9e: {  	_ =	swait.ge [sflag:s22], s20  }
0x9f: {  	s3 =	ssub.s32 $0x0, s20;
	[sflag:s22] =	ssyncset.done $0x0  }
0xa0: {  	[sflag:s22] =	ssyncadd.s32 s3;
	_ =	sdelay $0x1  }
0xa1: {  	s23 =	simm.s32 $0x1B8B  }
0xa2: {  	_ =	swait.ge [sflag:s23], $0x1  }
0xa3: {  	[sflag:s23] =	ssyncset.done $0x0  }
0xa4: {  	s25 =	simm.s32 $0x1B8E;
	s24 =	sld [smem:$0x3FFE];
	[sflag:s23] =	ssyncadd.s32 $0xFFFFFFFF  }
0xa5: {  	s26 =	simm.s32 $execute0_lowered;
	[smem:$0x3FD2] =	sst s25  }
0xa6: {  	s4 =	sshll.u32 s26, $0x1;
	_ =	strace $0x8000005B;
	[dreg:$0x1] =	wrdreg $0xFFFFFFFF  }
0xa7: {  	s28 =	simm.s32 $_size_execute0_lowered;
	s2 =	sadd.s32 s2, s4;
	[dreg:$0x0] =	wrdreg $0x0  }
0xa8: {  	s4 =	sshll.u32 s28, $0x1;
	[dreg:$0x2] =	wrdreg s2  }
0xa9: {  	[dreg:$0x3] =	wrdreg s4  }
0xaa: {  	[dreg:$0x4] =	wrdreg $0xC0  }
0xab: {  	_ =	task [dreg:s6], $0x5FFFF  }
0xac: {  	[dreg:$0x1] =	wrdreg $0xFFFFFFFF  }
0xad: {  	[dreg:$0x0] =	wrdreg $0x60  }
0xae: {  	[dreg:$0x2] =	wrdreg s24  }
0xaf: {  	[dreg:$0x3] =	wrdreg $0x40800  }
0xb0: {  	[dreg:$0x4] =	wrdreg $0xA  }
0xb1: {  	_ =	task.clear_ibuf [dreg:s6], $0x5FFFF;
	_ =	strace $0x9000005B  }
0xb2: {  	s29 =	simm.s32 $0xA;
	_ =	strace $0x8000005D  }
0xb3: {  	_ =	swait.ge [sflag:s29], $0x1  }
0xb4: {  	[sflag:s29] =	ssyncadd.s32 $0xFFFFFFFF  }
0xb5: {  	_ =	strace $0x9000005D  }
0xb6: {  	_ =	sfence  }
0xb7: {  	s30 =	sld [smem:$0x0];
	_ =	sdelay $0x2  }
0xb8: {  	s31 =	sshll.u32 s1, $0xD;
	s1 =	sshrl.u32 s1, $0x2  }
0xb9: {  	s3 =	sand.u32 $0x4000, s31;
	s1 =	sadd.s32 s1, s30  }
0xba: {  	s0 =	sor.u32 s3, s0;
	s1 =	sshll.u32 s1, $0x11  }
0xbb: {  	s0 =	sor.u32 s1, s0  }
0xbc: {  	s0 =	sadd.s32 $0x8F2B, s0  }
0xbd: {  	[sflag:s0] =	ssyncadd.remote.s32 $0x1  }
0xbe: {  	_ =	sfence.sel $0xFFFF  }
0xbf: {  	[dreg:$0x0] =	wrdreg $0xFFFFFFFF;
	(pc) =	sbr.abs _section_cstart, $3  }
0xc0: {  	[dreg:$0x1] =	wrdreg $0xFFFFFFFF  }
0xc1: {  	_ =	task.clear_ibuf [dreg:s6], $0x2FFFF;
	_ =	strace $0x9FFFFFFF  }
0xc2: {  	(tm) =	ssettm $0x7FFFFFFF  }
0xc3: {  	_ =	shalt  }
tec
execute0_lowered:
.L_overlay_start_1:
0x0: {  	(tag) =	ssettag $0x1  }
0x1: {  	s6 =	rddreg [dreg:$0x0]  }
0x2: {  	s2 =	rddreg [dreg:$0x1]  }
0x3: {  	s0 =	rddreg [dreg:$0x2]  }
0x4: {  	s3 =	simm.s32 $0x0;
	s1 =	stileid.u32;
	s4 =	srdreg.scid  }
0x5: {  	s14 =	simm.s32 $0x4000;
	s15 =	simm.s32 $0x80;
	s16 =	simm.s32 $0x0  }
0x6: {  	[smem:$0x7FF] =	sst s3;
	s11 =	sand.u32 $0x1, s4;
	s5 =	smul.u32 $0x2800, s1  }
0x7: {  	s25 =	sshll.u32 s1, $0xC;
	s4 =	sadd.s32 $0x17C00, s6;
	s12 =	smul.u32 $0x50000, s1  }
0x8: {  	s26 =	sshll.u32 s1, $0x1;
	s29 =	sshll.u32 s1, $0x6;
	s31 =	sshll.u32 s1, $0x8  }
0x9: {  	_ =	strace $0x8000005C;
	s7 =	smul.u32 $0x28000, s11;
	s8 =	ssub.s32 $0x2, s11  }
0xa: {  	s10 =	sadd.s32 s25, s6;
	s30 =	sshll.u32 s11, $0xB;
	s9 =	sshrl.u32 s8, $0x1  }
0xb: {  	s28 =	sshrl.u32 s12, $0x2;
	s10 =	sadd.s32 s30, s10;
	s7 =	sadd.s32 s5, s7  }
0xc: {  	s5 =	sadd.s32 $0x23C00, s6;
	s8 =	ssub.s32 s8, s9;
	s13 =	sadd.s32 s28, s2  }
0xd: {  	s9 =	sor.u32 s26, s11;
	s10 =	sadd.s32 $0x57D800, s10;
	s11 =	sshll.u32 s11, $0x7  }
0xe: {  	s7 =	sadd.s32 s7, s6;
	s6 =	sor.u32 $0x1C01, s29;
	s9 =	ssub.s32 $0x9E3, s9  }
0xf: {  	s8 =	smax.u32 s8, $0x1;
	s11 =	sor.u32 s11, s31;
	s12 =	sshrl.u32 s13, $0x3  }
0x10: {  	s13 =	simm.s32 $0x1;
	s7 =	sadd.s32 $0x9B800, s7;
	s9 =	sshrl.u32 s9, $0x5  }
.LBB2_1:
0x11: {  	[spmem:s12], [sflag:s6] =	dma.local [hbm:s5], $0x2800  }
0x12: {  	p1 =	sne.s32 s9, $0x1  }
.Ltmp0:
0x13: {  	_ =	swait.ge [sflag:s13], $0x2800;
	(pc) =	sbr.rel @!p1 .LBB2_2-.Ltmp0, $4  }
0x14: {  	[sflag:s13] =	ssyncset.done $0x0  }
0x15: {  	[sflag:s13] =	ssyncadd.s32 $0xFFFFD800  }
0x16: {  	[bflag:$0x0] =	sbarrier.arrive $0xFFFF  }
0x17: {  	s17 =	sadd.s32 $0xFFFFFFFF, s9;
	s20 =	sshrl.u32 s11, $0x3;
	p0 =	por $0x0, $0x0  }
0x18: {  	s18 =	sadd.s32 s4, s20  }
0x19: {  	[tilespmem:s14], [sflag:$0x1] =	stream.linear.gather [hbm4b:s18+s3], $0x80, $0x38;
	[tilespmem:$0x18080] =	vst v63  }
0x1a: {  	_ =	swait.ge [sflag:s13], $0x80  }
0x1b: {  	[sflag:s13] =	ssyncset.done $0x0  }
0x1c: {  	[sflag:s13] =	ssyncadd.s32 $0xFFFFFF80  }
0x1d: {  	[tilespmem:s3], [sflag:$0x1] =	stream.linear.gather [hbm4b:s10+s3], $0x4000, $0x38;
	[tilespmem:$0x18080] =	vst v63  }
0x1e: {  	p1 =	sne.s32 s17, $0x1;
	_ =	swait.ge [sflag:s13], $0x4000  }
.Ltmp1:
0x1f: {  	[sflag:s13] =	ssyncset.done $0x0;
	(pc) =	sbr.rel @!p1 .LBB2_4-.Ltmp1, $4  }
0x20: {  	s19 =	sadd.s32 $0x1000, s11;
	[sflag:s13] =	ssyncadd.s32 $0xFFFFC000  }
0x21: {  	[spmem:s2] =	stream.indirect.scatter.add.f32 [tilespmem:s3], [sflag:$0x1], $0x80, s14, s15, $0xb8;
	[tilespmem:$0x18080] =	vst v63  }
0x22: {  	p0 =	por $0x1, $0x1;
	s18 =	sadd.s32 $0xFFFFFFFF, s17;
	_ =	swait.ge [sflag:s13], $0x4000  }
0x23: {  	s20 =	sshrl.u32 s19, $0x3;
	s17 =	smov.u32 s10;
	[sflag:s13] =	ssyncset.done $0x0  }
.LBB2_5:
0x24: {  	s20 =	sadd.s32 s4, s20;
	[sflag:s13] =	ssyncadd.s32 $0xFFFFC000;
	s17 =	sadd.s32 $0x10000, s17  }
0x25: {  	[tilespmem:s14], [sflag:$0x1] =	stream.linear.gather [hbm4b:s20+s3], $0x80, $0x38;
	[tilespmem:$0x18080] =	vst v63  }
0x26: {  	p1 =	sne.s32 s18, $0x1;
	s18 =	sadd.s32 $0xFFFFFFFF, s18;
	_ =	swait.ge [sflag:s13], $0x80  }
0x27: {  	[sflag:s13] =	ssyncset.done $0x0  }
0x28: {  	[sflag:s13] =	ssyncadd.s32 $0xFFFFFF80  }
0x29: {  	[tilespmem:s3], [sflag:$0x1] =	stream.linear.gather [hbm4b:s17+s3], $0x4000, $0x38;
	[tilespmem:$0x18080] =	vst v63  }
0x2a: {  	_ =	swait.ge [sflag:s13], $0x4000  }
.Ltmp2:
0x2b: {  	[sflag:s13] =	ssyncset.done $0x0;
	(pc) =	sbr.rel @p1 .LBB2_5-.Ltmp2, $4  }
0x2c: {  	[sflag:s13] =	ssyncadd.s32 $0xFFFFC000  }
0x2d: {  	[spmem:s2] =	stream.indirect.scatter.add.f32 [tilespmem:s3], [sflag:$0x1], $0x80, s14, s15, $0xb8;
	[tilespmem:$0x18080] =	vst v63  }
0x2e: {  	s19 =	sadd.s32 $0x1000, s19;
	_ =	swait.ge [sflag:s13], $0x4000  }
0x2f: {  	s20 =	sshrl.u32 s19, $0x3;
	[sflag:s13] =	ssyncset.done $0x0  }
.LBB2_6:
0x30: {  	s18 =	sadd.s32 s4, s20;
	[sflag:s13] =	ssyncadd.s32 @p0 $0xFFFFC000  }
0x31: {  	[tilespmem:s14], [sflag:$0x1] =	stream.linear.gather [hbm4b:s18+s3], $0x80, $0x38;
	[tilespmem:$0x18080] =	vst v63  }
0x32: {  	_ =	swait.ge [sflag:s13], $0x80  }
0x33: {  	s17 =	sadd.s32 @p0 $0x10000, s17;
	s18 =	smov.u32 s10;
	[sflag:s13] =	ssyncset.done $0x0  }
0x34: {  	s18 =	smov.u32 @p0 s17;
	[sflag:s13] =	ssyncadd.s32 $0xFFFFFF80  }
0x35: {  	[tilespmem:s3], [sflag:$0x1] =	stream.linear.gather [hbm4b:s18+s3], $0x4000, $0x38;
	[tilespmem:$0x18080] =	vst v63  }
0x36: {  	_ =	swait.ge [sflag:s13], $0x4000  }
0x37: {  	[sflag:s13] =	ssyncset.done $0x0  }
0x38: {  	[sflag:s13] =	ssyncadd.s32 $0xFFFFC000  }
0x39: {  	[spmem:s2] =	stream.indirect.scatter.add.f32 [tilespmem:s3], [sflag:$0x1], $0x80, s14, s15, $0xb8;
	[tilespmem:$0x18080] =	vst v63  }
0x3a: {  	_ =	swait.ge [sflag:s13], $0x4000  }
0x3b: {  	[sflag:s13] =	ssyncset.done $0x0  }
0x3c: {  	s16 =	sadd.s32 $0x1, s16;
	[sflag:s13] =	ssyncadd.s32 $0xFFFFC000  }
0x3d: {  	p0 =	sne.s32 s16, s8;
	[bflag:$0x0] =	sbarrier.arrive $0xFFFF  }
0x3e: {  	[hbm:s7], [sflag:s6] =	dma.local [spmem:s12], $0x2800  }
.Ltmp3:
0x3f: {  	_ = 	snop;
	(pc) =	sbr.rel @p0 .LBB2_1-.Ltmp3, $4  }
.Ltmp4:
0x40: {  	_ = 	snop;
	(pc) =	sbr.rel @!p0 .LBB2_7-.Ltmp4, $4  }
0x41: {  	_ =	swait.ge [sflag:s13], $0x2800  }
0x42: {  	[sflag:s13] =	ssyncset.done $0x0  }
0x43: {  	[sflag:s13] =	ssyncadd.s32 $0xFFFFD800  }
0x44: {  	_ = 	snop  }
.LBB2_2:
.Ltmp5:
0x45: {  	(pc) =	sbr.rel .LBB2_6-.Ltmp5, $2  }
0x46: {  	_ =	sdelay $0x2  }
0x47: {  	s17 =	smov.u32 s10  }
.LBB2_4:
.Ltmp6:
0x48: {  	(pc) =	sbr.rel .LBB2_6-.Ltmp6, $2  }
0x49: {  	_ =	sdelay $0x2  }
0x4a: {  	s17 =	smov.u32 s10  }
.LBB2_7:
0x4b: {  	_ =	sfence.sel $0x180000  }
0x4c: {  	[bflag:$0x0] =	sbarrier.arrive $0xFFFF  }
0x4d: {  	p0 =	sne.s32 s1, $0x0;
	_ =	strace $0x9000005C  }
0x4e: {  	s0 =	sadd.s32 @!p0 $0x100000, s0;
	[bflag:$0x2] =	sbarrier.arrive $0xFFFF  }
0x4f: {  	[sflag:s0] =	ssyncadd.tile.s32 @!p0 $0x1;
	_ =	shalt  }
.Lfunc_end2:
_tile_overlayer_lowered:
.L_overlay_start_2:
0x50: {  	(tag) =	ssettag $0x2  }
0x51: {  	s0 =	rddreg [dreg:$0x0];
	s2 =	stileid.u32  }
0x52: {  	s1 =	rddreg [dreg:$0x1];
	p0 =	sne.s32 s2, $0x0  }
0x53: {  	s3 =	rddreg [dreg:$0x2];
	[bflag:$0x3] =	sbarrier.arrive $0xFFFF;
	s2 =	simm.s32 @!p0 $0x1C01  }
0x54: {  	[timem:s3], [sflag:s2] =	dma.local @!p0 [hbm:s0], s1  }
0x55: {  	s0 =	simm.s32 @!p0 $0x1  }
0x56: {  	_ =	swait.ge @!p0 [sflag:s0], s1  }
0x57: {  	s1 =	ssub.s32 @!p0 $0x0, s1;
	[sflag:s0] =	ssyncset.done @!p0 $0x0  }
0x58: {  	[sflag:s0] =	ssyncadd.s32 @!p0 s1  }
0x59: {  	[bflag:$0x3] =	sbarrier.arrive $0xFFFF  }
0x5a: {  	_ =	shalt  }

</sc_bundles>
